<compile_context>
chip_gen: v7x
topology: tpu7x:2x2x1
jax: 0.10.2.dev20260603
libtpu: 0.0.44.dev20260713+nightly
codegen_flags: <defaults>
</compile_context>

<pallas_src>
import functools

import jax
import jax.numpy as jnp
from jax import lax
from jax.experimental import pallas as pl
from jax.experimental.pallas import tpu as pltpu
from jax.experimental.pallas import tpu_sc as plsc

NROWS = 10000
NACC = 10112
NPAD = 10240
NC = 2
NS = 16


def _sc_mesh():
    return plsc.VectorSubcoreMesh(
        core_axis_name="c", subcore_axis_name="s", num_cores=NC, num_subcores=NS
    )


def _dot_ref(a, b):
    ah = a.astype(jnp.bfloat16)
    al = (a - ah.astype(jnp.float32)).astype(jnp.bfloat16)
    bh = b.astype(jnp.bfloat16)
    bl = (b - bh.astype(jnp.float32)).astype(jnp.bfloat16)
    kw = dict(preferred_element_type=jnp.float32)
    return ((jnp.dot(ah, bl, **kw) + jnp.dot(al, bh, **kw))
            + jnp.dot(ah, bh, **kw))


def _fill(ref, length, value):
    def body(i, _):
        ref[pl.ds(i * 16, 16)] = jnp.full((16,), value, jnp.float32)
        return 0
    lax.fori_loop(0, length // 16, body, 0)


def _sc_deg(dst):
    E = dst.shape[0]
    ept = E // NS
    K = 336
    nw = ept // K
    rows = NPAD // NS

    @functools.partial(
        pl.kernel,
        out_type=jax.ShapeDtypeStruct((NPAD,), jnp.float32),
        mesh=_sc_mesh(),
        scratch_types=[
            pltpu.VMEM((K,), jnp.int32),
            pltpu.VMEM((K,), jnp.float32),
            pltpu.VMEM((rows,), jnp.float32),
            pltpu.VMEM_SHARED((NPAD,), jnp.float32),
        ],
    )
    def deg_kernel(dst_hbm, deg_hbm, idx_v, ones_v, row_v, acc_sh):
        cid = lax.axis_index("c")
        sid = lax.axis_index("s")
        _fill(ones_v, K, 1.0)
        _fill(row_v, rows, 1.0)

        @pl.when(cid == 0)
        def _():
            pltpu.sync_copy(row_v, acc_sh.at[pl.ds(sid * rows, rows)])
        plsc.subcore_barrier()

        @pl.when(cid == 0)
        def _():
            base = sid * ept
            def win(i, _):
                pltpu.sync_copy(dst_hbm.at[pl.ds(base + i * K, K)], idx_v)
                pltpu.sync_copy(ones_v, acc_sh.at[idx_v], add=True)
                return 0
            lax.fori_loop(0, nw, win, 0)
        plsc.subcore_barrier()

        @pl.when(cid == 0)
        def _():
            pltpu.sync_copy(acc_sh.at[pl.ds(sid * rows, rows)],
                            deg_hbm.at[pl.ds(sid * rows, rows)])

    return deg_kernel(dst)


def _sc_agg(n, hws, src3, dst_flat):
    NS_, nw, K = src3.shape
    ept = nw * K
    nacc = NACC
    rows = nacc // NS

    @functools.partial(
        pl.kernel,
        out_type=jax.ShapeDtypeStruct((4, nacc, 128), jnp.float32),
        mesh=_sc_mesh(),
        scratch_types=[
            pltpu.VMEM((nw, K), jnp.int32),
            pltpu.VMEM((K,), jnp.int32),
            pltpu.VMEM((K,), jnp.int32),
            pltpu.VMEM((K, 128), jnp.float32),
            pltpu.VMEM((K, 128), jnp.float32),
            pltpu.VMEM_SHARED((nacc, 128), jnp.float32),
            pltpu.SemaphoreType.DMA,
            pltpu.SemaphoreType.DMA,
            pltpu.SemaphoreType.DMA,
            pltpu.SemaphoreType.DMA,
            pltpu.SemaphoreType.DMA,
            pltpu.SemaphoreType.DMA,
        ],
        compiler_params=pltpu.CompilerParams(needs_layout_passes=False),
    )
    def agg_kernel(hws_hbm, src_hbm, dstf_hbm, agg_hbm, si_v, di0, di1,
                   rows0, rows1, acc_sh, g0, g1, s0, s1, d0, d1):
        cid = lax.axis_index("c")
        sid = lax.axis_index("s")
        di_b = (di0, di1)
        rows_b = (rows0, rows1)
        gsem = (g0, g1)
        ssem = (s0, s1)
        dsem = (d0, d1)
        base = sid * ept
        pltpu.sync_copy(src_hbm.at[sid], si_v)
        for phase in range(2):
            chunk = cid * 2 + phase
            pltpu.sync_copy(hws_hbm.at[chunk, pl.ds(sid * rows, rows)],
                            acc_sh.at[pl.ds(sid * rows, rows)])
            plsc.subcore_barrier()

            def start_window(i, b):
                pltpu.async_copy(dstf_hbm.at[pl.ds(base + i * K, K)],
                                 di_b[b], dsem[b])
                pltpu.async_copy(hws_hbm.at[chunk].at[si_v.at[i]],
                                 rows_b[b], gsem[b])

            def wait_window(i, b):
                pltpu.make_async_copy(dstf_hbm.at[pl.ds(base + i * K, K)],
                                      di_b[b], dsem[b]).wait()
                pltpu.make_async_copy(hws_hbm.at[chunk].at[si_v.at[i]],
                                      rows_b[b], gsem[b]).wait()

            def start_scatter(i, b):
                pltpu.async_copy(rows_b[b], acc_sh.at[di_b[b]],
                                 ssem[b], add=True)

            def wait_scatter(b):
                pltpu.make_async_copy(rows_b[b], acc_sh.at[di_b[b]],
                                      ssem[b]).wait()

            start_window(0, 0)

            def win2(i2, carry):
                for half in range(2):
                    i = i2 * 2 + half
                    b = half
                    nb = 1 - half

                    @pl.when(i + 1 < nw)
                    def _():
                        @pl.when(i >= 1)
                        def _():
                            wait_scatter(nb)
                        start_window(i + 1, nb)
                    wait_window(i, b)
                    start_scatter(i, b)
                return carry
            lax.fori_loop(0, nw // 2, win2, 0)
            wait_scatter(0)
            wait_scatter(1)
            plsc.subcore_barrier()
            pltpu.sync_copy(acc_sh.at[pl.ds(sid * rows, rows)],
                            agg_hbm.at[chunk, pl.ds(sid * rows, rows)])
            plsc.subcore_barrier()

    return agg_kernel(hws, src3, dst_flat)


def _sc_head(emb, g, sidx, didx, bsum16):
    elp = sidx.shape[0]
    K = 48
    rounds = elp // (K * NC * NS)

    @functools.partial(
        pl.kernel,
        out_type=jax.ShapeDtypeStruct((elp,), jnp.float32),
        mesh=_sc_mesh(),
        scratch_types=[
            pltpu.VMEM((K,), jnp.int32),
            pltpu.VMEM((K,), jnp.int32),
            pltpu.VMEM((K,), jnp.int32),
            pltpu.VMEM((K,), jnp.int32),
            pltpu.VMEM((K, 512), jnp.float32),
            pltpu.VMEM((K, 512), jnp.float32),
            pltpu.VMEM((K, 512), jnp.float32),
            pltpu.VMEM((K, 512), jnp.float32),
            pltpu.VMEM((K,), jnp.float32),
            pltpu.VMEM((256,), jnp.float32),
            pltpu.VMEM((16,), jnp.float32),
            pltpu.SemaphoreType.DMA,
            pltpu.SemaphoreType.DMA,
            pltpu.SemaphoreType.DMA,
            pltpu.SemaphoreType.DMA,
        ],
        compiler_params=pltpu.CompilerParams(needs_layout_passes=False),
    )
    def head_kernel(emb_hbm, g_hbm, sidx_hbm, didx_hbm, bsum_hbm, out_hbm,
                    si0, si1, di0, di1, a0, a1, b0, b1,
                    sc_v, t_v, bs_v, sa0, sa1, sb0, sb1):
        cid = lax.axis_index("c")
        sid = lax.axis_index("s")
        wid = sid * NC + cid
        si_b = (si0, si1)
        di_b = (di0, di1)
        a_b = (a0, a1)
        b_b = (b0, b1)
        sema = (sa0, sa1)
        semb = (sb0, sb1)
        pltpu.sync_copy(bsum_hbm.at[0], bs_v)
        lanes = lax.iota(jnp.int32, 16)

        def start_gather(j, p):
            off = (wid + j * (NC * NS)) * K
            pltpu.sync_copy(sidx_hbm.at[pl.ds(off, K)], si_b[p])
            pltpu.sync_copy(didx_hbm.at[pl.ds(off, K)], di_b[p])
            pltpu.async_copy(emb_hbm.at[si_b[p]], a_b[p], sema[p])
            pltpu.async_copy(g_hbm.at[di_b[p]], b_b[p], semb[p])

        def wait_gather(p):
            pltpu.make_async_copy(emb_hbm.at[si_b[p]], a_b[p], sema[p]).wait()
            pltpu.make_async_copy(g_hbm.at[di_b[p]], b_b[p], semb[p]).wait()

        def compute(j, p):
            a_v = a_b[p]
            b_v = b_b[p]
            off = (wid + j * (NC * NS)) * K

            def pair(pi, _):
                row = jnp.full((16,), pi, jnp.int32)
                acc = jnp.zeros((16,), jnp.float32)
                for c in range(32):
                    col = lanes + c * 16
                    av = plsc.load_gather(a_v, [row, col])
                    bv = plsc.load_gather(b_v, [row, col])
                    acc = acc + av * bv
                t_v[pl.ds((pi % 16) * 16, 16)] = acc

                @pl.when(pi % 16 == 15)
                def _():
                    s = bs_v[...]
                    for c in range(16):
                        s = s + plsc.load_gather(t_v, [lanes * 16 + c])
                    sc_v[pl.ds((pi // 16) * 16, 16)] = s
                return 0
            lax.fori_loop(0, K, pair, 0)
            pltpu.sync_copy(sc_v, out_hbm.at[pl.ds(off, K)])

        start_gather(0, 0)

        def round2(j2, carry):
            for half in range(2):
                j = j2 * 2 + half
                p = half
                np_ = 1 - half

                @pl.when(j + 1 < rounds)
                def _():
                    start_gather(j + 1, np_)
                wait_gather(p)
                compute(j, p)
            return carry
        lax.fori_loop(0, rounds // 2, round2, 0)

    return head_kernel(emb, g, sidx, didx, bsum16)


def _tc_layer0(xp, w0, deg2d):
    R = 512
    grid = NPAD // R
    d_in = xp.shape[1]
    h = w0.shape[1]

    def body(x_ref, w_ref, deg_ref, out_ref, dv_ref):
        dv = lax.rsqrt(deg_ref[...])
        dv_ref[...] = dv
        hw = _dot_ref(x_ref[...], w_ref[...])
        rid = (jax.lax.broadcasted_iota(jnp.int32, (R, 1), 0)
               + pl.program_id(0) * R)
        hws = jnp.where(rid < NROWS, hw * dv, 0.0)
        for c in range(4):
            out_ref[c] = hws[:, c * 128:(c + 1) * 128]

    return pl.pallas_call(
        body,
        grid=(grid,),
        in_specs=[
            pl.BlockSpec((R, d_in), lambda i: (i, 0)),
            pl.BlockSpec((d_in, h), lambda i: (0, 0)),
            pl.BlockSpec((R, 1), lambda i: (i, 0)),
        ],
        out_specs=[
            pl.BlockSpec((4, R, 128), lambda i: (0, i, 0)),
            pl.BlockSpec((R, 1), lambda i: (i, 0)),
        ],
        out_shape=[
            jax.ShapeDtypeStruct((4, NPAD, 128), jnp.float32),
            jax.ShapeDtypeStruct((NPAD, 1), jnp.float32),
        ],
    )(xp, w0, deg2d)


def _tc_layer(n, agg, dinv2d, b2d, w):
    R = 512
    grid = NPAD // R
    h = w.shape[1]

    def body(a_ref, dv_ref, b_ref, w_ref, emb_ref, out_ref):
        a = jnp.concatenate([a_ref[c] for c in range(4)], axis=1)
        hact = jnp.maximum(a * dv_ref[...] + b_ref[...], 0.0)
        emb_ref[...] = hact
        hw = _dot_ref(hact, w_ref[...])
        rid = (jax.lax.broadcasted_iota(jnp.int32, (R, 1), 0)
               + pl.program_id(0) * R)
        hws = jnp.where(rid < NROWS, hw * dv_ref[...], 0.0)
        for c in range(4):
            out_ref[c] = hws[:, c * 128:(c + 1) * 128]

    return pl.pallas_call(
        body,
        grid=(grid,),
        in_specs=[
            pl.BlockSpec((4, R, 128), lambda i: (0, i, 0)),
            pl.BlockSpec((R, 1), lambda i: (i, 0)),
            pl.BlockSpec((1, h), lambda i: (0, 0)),
            pl.BlockSpec((h, h), lambda i: (0, 0)),
        ],
        out_specs=[
            pl.BlockSpec((R, h), lambda i: (i, 0)),
            pl.BlockSpec((4, R, 128), lambda i: (0, i, 0)),
        ],
        out_shape=[
            jax.ShapeDtypeStruct((n, h), jnp.float32),
            jax.ShapeDtypeStruct((4, NPAD, 128), jnp.float32),
        ],
    )(agg, dinv2d, b2d, w)


def _tc_final(n, agg, dinv2d, b2d, wpt, bp2d):
    R = 512
    grid = NPAD // R
    h = agg.shape[2] * 4

    def body(a_ref, dv_ref, b_ref, wp_ref, bp_ref, emb_ref, g_ref, bs_ref):
        a = jnp.concatenate([a_ref[c] for c in range(4)], axis=1)
        hact = jnp.maximum(a * dv_ref[...] + b_ref[...], 0.0)
        emb_ref[...] = hact
        wsum = jnp.sum(wp_ref[...], axis=0)[None, :]
        g_ref[...] = hact * wsum

        @pl.when(pl.program_id(0) == 0)
        def _():
            bs_ref[...] = jnp.full((1, 16), jnp.sum(bp_ref[...]), jnp.float32)

    return pl.pallas_call(
        body,
        grid=(grid,),
        in_specs=[
            pl.BlockSpec((4, R, 128), lambda i: (0, i, 0)),
            pl.BlockSpec((R, 1), lambda i: (i, 0)),
            pl.BlockSpec((1, h), lambda i: (0, 0)),
            pl.BlockSpec((2, h), lambda i: (0, 0)),
            pl.BlockSpec((1, 2), lambda i: (0, 0)),
        ],
        out_specs=[
            pl.BlockSpec((R, h), lambda i: (i, 0)),
            pl.BlockSpec((R, h), lambda i: (i, 0)),
            pl.BlockSpec((1, 16), lambda i: (0, 0)),
        ],
        out_shape=[
            jax.ShapeDtypeStruct((n, h), jnp.float32),
            jax.ShapeDtypeStruct((n, h), jnp.float32),
            jax.ShapeDtypeStruct((1, 16), jnp.float32),
        ],
    )(agg, dinv2d, b2d, wpt, bp2d)


def kernel(x, edge_index, edge_label_index, W0, b0, W1, b1, W2, b2, Wp, bp):
    n = x.shape[0]
    e = edge_index.shape[1]
    kagg, nwagg = 112, 90
    epad = NS * kagg * nwagg
    npd = epad - e
    pad_zero_rows = n + jnp.arange(npd, dtype=jnp.int32) % (NPAD - n)
    src = jnp.concatenate([edge_index[0], pad_zero_rows])
    dst_agg = jnp.concatenate(
        [edge_index[1], jnp.arange(npd, dtype=jnp.int32) % n])
    dst_deg = jnp.concatenate([edge_index[1], pad_zero_rows])
    src3 = src.reshape(NS, nwagg, kagg)
    el = edge_label_index.shape[1]
    wpr = 48 * NC * NS
    elp = ((el + 2 * wpr - 1) // (2 * wpr)) * (2 * wpr)
    pad_pair = jnp.arange(elp - el, dtype=jnp.int32) % n
    sidx = jnp.concatenate([edge_label_index[0], pad_pair])
    didx = jnp.concatenate([edge_label_index[1], pad_pair])

    xp = jnp.pad(x, ((0, NPAD - n), (0, 0)))
    deg = _sc_deg(dst_deg)

    hws0, dinv2d = _tc_layer0(xp, W0, deg.reshape(NPAD, 1))
    agg0 = _sc_agg(n, hws0, src3, dst_agg)
    emb0, hws1 = _tc_layer(n, agg0, dinv2d, b0.reshape(1, -1), W1)
    agg1 = _sc_agg(n, hws1, src3, dst_agg)
    emb1, hws2 = _tc_layer(n, agg1, dinv2d, b1.reshape(1, -1), W2)
    agg2 = _sc_agg(n, hws2, src3, dst_agg)
    emb2, g, bsum16 = _tc_final(n, agg2, dinv2d, b2.reshape(1, -1), Wp.T,
                                bp.reshape(1, 2))
    score = _sc_head(emb2, g, sidx, didx, bsum16)[:el]
    return (score, emb0, emb1, emb2)

# --- scband reference (transcript-rebuilt; emitter-appended) ---
"""Pipeline reference for scband-t3-gnn-73349451481483 (READ-ONLY COPY).

The authoritative reference and input builder live on the scoring server;
editing this copy changes nothing except your own understanding.
"""

import jax, jax.numpy as jnp
import numpy as np

N = 10000
E = 160000
EL = 100000
D_IN = 256
H = 512

def _glorot(k, shape):
    lim = float(np.sqrt(6.0 / (shape[0] + shape[1])))
    return jax.random.uniform(k, shape, jnp.float32, -lim, lim)

def setup_inputs(seed: int = 0):
    key = jax.random.key(seed)
    ks = jax.random.split(key, 8)
    return {
        "x": jax.random.normal(ks[0], (N, D_IN), jnp.float32),
        "edge_index": jax.random.randint(ks[1], (2, E), 0, N, jnp.int32),
        "edge_label_index": jax.random.randint(ks[2], (2, EL), 0, N, jnp.int32),
        "W0": _glorot(ks[3], (D_IN, H)), "b0": jnp.zeros((H,), jnp.float32),
        "W1": _glorot(ks[4], (H, H)), "b1": jnp.zeros((H,), jnp.float32),
        "W2": _glorot(ks[5], (H, H)), "b2": jnp.zeros((H,), jnp.float32),
        "Wp": _glorot(ks[6], (H, 2)), "bp": jnp.zeros((2,), jnp.float32),
    }

def _gcn_norm(edge_index, num_nodes):
    loop = jnp.arange(num_nodes, dtype=edge_index.dtype)
    src = jnp.concatenate([edge_index[0], loop])
    dst = jnp.concatenate([edge_index[1], loop])
    deg = jnp.zeros((num_nodes,), jnp.float32).at[dst].add(1.0)
    dinv = jnp.where(deg > 0, 1.0 / jnp.sqrt(deg), 0.0)
    norm = dinv[src] * dinv[dst]
    return src, dst, norm

def reference(x, edge_index, edge_label_index, W0, b0, W1, b1, W2, b2, Wp, bp):
    src, dst, norm = _gcn_norm(edge_index, N)
    h = x
    embs = []
    for (W, b) in ((W0, b0), (W1, b1), (W2, b2)):
        hw = h @ W                                   # dense transform (GCNConv lin)
        msg = jnp.take(hw, src, axis=0) * norm[:, None]  # gather + normalize
        h = jnp.zeros((N, hw.shape[1]), hw.dtype).at[dst].add(msg) + b  # scatter-add aggregate
        h = jax.nn.relu(h)
        # dropout p=0.0 -> identity (isnap=0 path: no temporal update applied)
        embs.append(h)
    h_src = jnp.take(h, edge_label_index[0], axis=0)
    h_dst = jnp.take(h, edge_label_index[1], axis=0)
    h_had = h_src * h_dst
    out = h_had @ Wp + bp
    score = jnp.sum(out, axis=-1)
    return (score, embs[0], embs[1], embs[2])

if __name__ == "__main__":
    import jax
    _d = setup_inputs()
    print(jax.jit(kernel)(*tuple(_d.values())))

</pallas_src>

<mosaic_0001>
#map = affine_map<(d0, d1) -> (0)>
module attributes {stable_mosaic.version = 14 : i64} {
  func.func @deg_kernel(%arg0: i32, %arg1: i32, %arg2: memref<161280xi32, #tpu.memory_space<hbm>>, %arg3: memref<10240xf32, #tpu.memory_space<hbm>>, %arg4: memref<336xi32, #tpu.memory_space<vmem>>, %arg5: memref<336xf32, #tpu.memory_space<vmem>>, %arg6: memref<640xf32, #tpu.memory_space<vmem>>, %arg7: memref<10240xf32, #tpu.memory_space<vmem_shared>>) attributes {dimension_semantics = [#tpu.dimension_semantics<core_parallel>, #tpu.dimension_semantics<subcore_parallel>], iteration_bounds = array<i64: 2, 16>, scalar_prefetch = 0 : i64, scratch_operands = 4 : i64, tpu.core_type = #tpu.core_type<sc_vector_subcore>, window_params = [{transform_indices = #map}, {transform_indices = #map}]} {
    %scan3A = arith.constant 0 : i32
    %scan3A_0 = arith.constant 0 : i32
    %scan3A_1 = arith.constant 21 : i32
    %scan3A_2 = arith.addi %scan3A_0, %scan3A_1 : i32
    %scan3A_3 = arith.constant 1 : i32
    %scan3A_4 = scf.for %scan3A_26 = %scan3A_0 to %scan3A_2 step %scan3A_3 iter_args(%scan3A_27 = %scan3A) -> (i32)  : i32 {
      %broadcast_in_dim3A = arith.constant 1.000000e+00 : f32
      %broadcast_in_dim3A_28 = vector.broadcast %broadcast_in_dim3A : f32 to vector<16xf32>
      %mul3A = arith.constant 16 : i32
      %mul3A_29 = arith.muli %scan3A_26, %mul3A : i32
      %swap3A = arith.index_cast %mul3A_29 : i32 to index
      %swap3A_30 = tpu.vector_load %arg5[%swap3A] {strides = array<i32>} : memref<336xf32, #tpu.memory_space<vmem>>, vector<16xf32>,
      %swap3A_31 = vector.shape_cast %swap3A_30 : vector<16xf32> to vector<16xf32>
      %swap3A_32 = vector.shape_cast %broadcast_in_dim3A_28 : vector<16xf32> to vector<16xf32>
      tpu.vector_store %arg5[%swap3A], %swap3A_32 {strides = array<i32>} : memref<336xf32, #tpu.memory_space<vmem>>, vector<16xf32>,
      %scan3A_33 = arith.constant 0 : i32
      scf.yield %scan3A_33 : i32
    }
    %scan3A_5 = arith.constant 21 : i32
    %scan3A_6 = arith.constant 0 : i32
    %scan3A_7 = arith.constant 0 : i32
    %scan3A_8 = arith.constant 40 : i32
    %scan3A_9 = arith.addi %scan3A_7, %scan3A_8 : i32
    %scan3A_10 = arith.constant 1 : i32
    %scan3A_11 = scf.for %scan3A_26 = %scan3A_7 to %scan3A_9 step %scan3A_10 iter_args(%scan3A_27 = %scan3A_6) -> (i32)  : i32 {
      %broadcast_in_dim3A = arith.constant 1.000000e+00 : f32
      %broadcast_in_dim3A_28 = vector.broadcast %broadcast_in_dim3A : f32 to vector<16xf32>
      %mul3A = arith.constant 16 : i32
      %mul3A_29 = arith.muli %scan3A_26, %mul3A : i32
      %swap3A = arith.index_cast %mul3A_29 : i32 to index
      %swap3A_30 = tpu.vector_load %arg6[%swap3A] {strides = array<i32>} : memref<640xf32, #tpu.memory_space<vmem>>, vector<16xf32>,
      %swap3A_31 = vector.shape_cast %swap3A_30 : vector<16xf32> to vector<16xf32>
      %swap3A_32 = vector.shape_cast %broadcast_in_dim3A_28 : vector<16xf32> to vector<16xf32>
      tpu.vector_store %arg6[%swap3A], %swap3A_32 {strides = array<i32>} : memref<640xf32, #tpu.memory_space<vmem>>, vector<16xf32>,
      %scan3A_33 = arith.constant 0 : i32
      scf.yield %scan3A_33 : i32
    }
    %scan3A_12 = arith.constant 40 : i32
    %eq3A = arith.constant 0 : i32
    %eq3A_13 = arith.cmpi eq, %arg0, %eq3A : i32
    %convert_element_type3A = arith.extui %eq3A_13 : i1 to i32
    %cond3A = arith.constant 0 : i32
    %cond3A_14 = arith.cmpi ne, %convert_element_type3A, %cond3A : i32
    scf.if %cond3A_14 {
      %mul3A = arith.constant 640 : i32
      %mul3A_26 = arith.muli %arg1, %mul3A : i32
      "tpu.region"() ({
        %run_scoped3A = tpu.sem_alloc : memref<!tpu.dma_semaphore, #tpu.memory_space<semaphore_mem>>
        %dma_start3A = tpu.memref_slice %arg7[%mul3A_26] : memref<10240xf32, #tpu.memory_space<vmem_shared>> -> memref<640xf32, #tpu.memory_space<vmem_shared>>
        %dma_start3A_27 = tpu.memref_slice %arg7[%mul3A_26] : memref<10240xf32, #tpu.memory_space<vmem_shared>> -> memref<640xf32, #tpu.memory_space<vmem_shared>>
        tpu.enqueue_dma source(%arg6 : memref<640xf32, #tpu.memory_space<vmem>>) target(%dma_start3A_27 : memref<640xf32, #tpu.memory_space<vmem_shared>>) target_semaphore(%run_scoped3A : memref<!tpu.dma_semaphore, #tpu.memory_space<semaphore_mem>>)
        %dma_wait3A = tpu.memref_slice %arg7[%mul3A_26] : memref<10240xf32, #tpu.memory_space<vmem_shared>> -> memref<640xf32, #tpu.memory_space<vmem_shared>>
        %dma_wait3A_28 = tpu.memref_slice %arg7[%mul3A_26] : memref<10240xf32, #tpu.memory_space<vmem_shared>> -> memref<640xf32, #tpu.memory_space<vmem_shared>>
        tpu.wait_dma2 semaphore(%run_scoped3A : memref<!tpu.dma_semaphore, #tpu.memory_space<semaphore_mem>>) src(%arg6 : memref<640xf32, #tpu.memory_space<vmem>>) dst(%dma_wait3A_28 : memref<640xf32, #tpu.memory_space<vmem_shared>>)
        tpu.yield
      }) : () -> ()
    } else {
    }
    %barrier3A = arith.constant 0 : index
    tpu.barrier barrier_id(%barrier3A)
    %eq3A_15 = arith.constant 0 : i32
    %eq3A_16 = arith.cmpi eq, %arg0, %eq3A_15 : i32
    %convert_element_type3A_17 = arith.extui %eq3A_16 : i1 to i32
    %cond3A_18 = arith.constant 0 : i32
    %cond3A_19 = arith.cmpi ne, %convert_element_type3A_17, %cond3A_18 : i32
    scf.if %cond3A_19 {
      %mul3A = arith.constant 10080 : i32
      %mul3A_26 = arith.muli %arg1, %mul3A : i32
      %scan3A_27 = arith.constant 0 : i32
      %scan3A_28 = arith.constant 0 : i32
      %scan3A_29 = arith.constant 30 : i32
      %scan3A_30 = arith.addi %scan3A_28, %scan3A_29 : i32
      %scan3A_31 = arith.constant 1 : i32
      %scan3A_32 = scf.for %scan3A_34 = %scan3A_28 to %scan3A_30 step %scan3A_31 iter_args(%scan3A_35 = %scan3A_27) -> (i32)  : i32 {
        %mul3A_36 = arith.constant 336 : i32
        %mul3A_37 = arith.muli %scan3A_34, %mul3A_36 : i32
        %add3A = arith.addi %mul3A_26, %mul3A_37 : i32
        "tpu.region"() ({
          %run_scoped3A = tpu.sem_alloc : memref<!tpu.dma_semaphore, #tpu.memory_space<semaphore_mem>>
          %dma_start3A = tpu.memref_slice %arg2[%add3A] : memref<161280xi32, #tpu.memory_space<hbm>> -> memref<336xi32, #tpu.memory_space<hbm>>
          %dma_start3A_39 = tpu.memref_slice %arg2[%add3A] : memref<161280xi32, #tpu.memory_space<hbm>> -> memref<336xi32, #tpu.memory_space<hbm>>
          tpu.enqueue_dma source(%dma_start3A_39 : memref<336xi32, #tpu.memory_space<hbm>>) target(%arg4 : memref<336xi32, #tpu.memory_space<vmem>>) target_semaphore(%run_scoped3A : memref<!tpu.dma_semaphore, #tpu.memory_space<semaphore_mem>>)
          %dma_wait3A = tpu.memref_slice %arg2[%add3A] : memref<161280xi32, #tpu.memory_space<hbm>> -> memref<336xi32, #tpu.memory_space<hbm>>
          %dma_wait3A_40 = tpu.memref_slice %arg2[%add3A] : memref<161280xi32, #tpu.memory_space<hbm>> -> memref<336xi32, #tpu.memory_space<hbm>>
          tpu.wait_dma2 semaphore(%run_scoped3A : memref<!tpu.dma_semaphore, #tpu.memory_space<semaphore_mem>>) src(%dma_wait3A_40 : memref<336xi32, #tpu.memory_space<hbm>>) dst(%arg4 : memref<336xi32, #tpu.memory_space<vmem>>)
          tpu.yield
        }) : () -> ()
        "tpu.region"() ({
          %run_scoped3A = tpu.sem_alloc : memref<!tpu.dma_semaphore, #tpu.memory_space<semaphore_mem>>
          %dma_start3A = arith.constant 0 : i32
          %dma_start3A_39 = tpu.memref_slice %arg7[%dma_start3A] : memref<10240xf32, #tpu.memory_space<vmem_shared>> -> memref<10240xf32, #tpu.memory_space<vmem_shared>>
          tpu.enqueue_indirect_dma source(%arg5 : memref<336xf32, #tpu.memory_space<vmem>>) target(%dma_start3A_39 : memref<10240xf32, #tpu.memory_space<vmem_shared>>) offsets(%arg4 : memref<336xi32, #tpu.memory_space<vmem>>) semaphore(%run_scoped3A : memref<!tpu.dma_semaphore, #tpu.memory_space<semaphore_mem>>) {add = true}
          %dma_wait3A = arith.constant 0 : i32
          %dma_wait3A_40 = tpu.memref_slice %arg7[%dma_wait3A] : memref<10240xf32, #tpu.memory_space<vmem_shared>> -> memref<10240xf32, #tpu.memory_space<vmem_shared>>
          tpu.wait_indirect_dma semaphore(%run_scoped3A : memref<!tpu.dma_semaphore, #tpu.memory_space<semaphore_mem>>) src(%arg5 : memref<336xf32, #tpu.memory_space<vmem>>) dst(%dma_wait3A_40 : memref<10240xf32, #tpu.memory_space<vmem_shared>>)
          tpu.yield
        }) : () -> ()
        %scan3A_38 = arith.constant 0 : i32
        scf.yield %scan3A_38 : i32
      }
      %scan3A_33 = arith.constant 30 : i32
    } else {
    }
    %barrier3A_20 = arith.constant 0 : index
    tpu.barrier barrier_id(%barrier3A_20)
    %eq3A_21 = arith.constant 0 : i32
    %eq3A_22 = arith.cmpi eq, %arg0, %eq3A_21 : i32
    %convert_element_type3A_23 = arith.extui %eq3A_22 : i1 to i32
    %cond3A_24 = arith.constant 0 : i32
    %cond3A_25 = arith.cmpi ne, %convert_element_type3A_23, %cond3A_24 : i32
    scf.if %cond3A_25 {
      %mul3A = arith.constant 640 : i32
      %mul3A_26 = arith.muli %arg1, %mul3A : i32
      %mul3A_27 = arith.constant 640 : i32
      %mul3A_28 = arith.muli %arg1, %mul3A_27 : i32
      "tpu.region"() ({
        %run_scoped3A = tpu.sem_alloc : memref<!tpu.dma_semaphore, #tpu.memory_space<semaphore_mem>>
        %dma_start3A = tpu.memref_slice %arg3[%mul3A_28] : memref<10240xf32, #tpu.memory_space<hbm>> -> memref<640xf32, #tpu.memory_space<hbm>>
        %dma_start3A_29 = tpu.memref_slice %arg7[%mul3A_26] : memref<10240xf32, #tpu.memory_space<vmem_shared>> -> memref<640xf32, #tpu.memory_space<vmem_shared>>
        tpu.enqueue_dma source(%dma_start3A_29 : memref<640xf32, #tpu.memory_space<vmem_shared>>) target(%dma_start3A : memref<640xf32, #tpu.memory_space<hbm>>) target_semaphore(%run_scoped3A : memref<!tpu.dma_semaphore, #tpu.memory_space<semaphore_mem>>)
        %dma_wait3A = tpu.memref_slice %arg3[%mul3A_28] : memref<10240xf32, #tpu.memory_space<hbm>> -> memref<640xf32, #tpu.memory_space<hbm>>
        %dma_wait3A_30 = tpu.memref_slice %arg7[%mul3A_26] : memref<10240xf32, #tpu.memory_space<vmem_shared>> -> memref<640xf32, #tpu.memory_space<vmem_shared>>
        tpu.wait_dma2 semaphore(%run_scoped3A : memref<!tpu.dma_semaphore, #tpu.memory_space<semaphore_mem>>) src(%dma_wait3A_30 : memref<640xf32, #tpu.memory_space<vmem_shared>>) dst(%dma_wait3A : memref<640xf32, #tpu.memory_space<hbm>>)
        tpu.yield
      }) : () -> ()
    } else {
    }
    return
  }
}

#map = affine_map<(d0, d1) -> (0, 0, 0)>
#map1 = affine_map<(d0, d1) -> (0)>
module attributes {stable_mosaic.version = 14 : i64} {
  func.func @agg_kernel(%arg0: i32, %arg1: i32, %arg2: memref<4x10240x128xf32, #tpu.memory_space<hbm>>, %arg3: memref<16x90x112xi32, #tpu.memory_space<hbm>>, %arg4: memref<161280xi32, #tpu.memory_space<hbm>>, %arg5: memref<4x10112x128xf32, #tpu.memory_space<hbm>>, %arg6: memref<90x112xi32, #tpu.memory_space<vmem>>, %arg7: memref<112xi32, #tpu.memory_space<vmem>>, %arg8: memref<112xi32, #tpu.memory_space<vmem>>, %arg9: memref<112x128xf32, #tpu.memory_space<vmem>>, %arg10: memref<112x128xf32, #tpu.memory_space<vmem>>, %arg11: memref<10112x128xf32, #tpu.memory_space<vmem_shared>>, %arg12: memref<!tpu.dma_semaphore, #tpu.memory_space<semaphore_mem>>, %arg13: memref<!tpu.dma_semaphore, #tpu.memory_space<semaphore_mem>>, %arg14: memref<!tpu.dma_semaphore, #tpu.memory_space<semaphore_mem>>, %arg15: memref<!tpu.dma_semaphore, #tpu.memory_space<semaphore_mem>>, %arg16: memref<!tpu.dma_semaphore, #tpu.memory_space<semaphore_mem>>, %arg17: memref<!tpu.dma_semaphore, #tpu.memory_space<semaphore_mem>>) attributes {dimension_semantics = [#tpu.dimension_semantics<core_parallel>, #tpu.dimension_semantics<subcore_parallel>], iteration_bounds = array<i64: 2, 16>, scalar_prefetch = 0 : i64, scratch_operands = 12 : i64, tpu.core_type = #tpu.core_type<sc_vector_subcore>, window_params = [{transform_indices = #map}, {transform_indices = #map}, {transform_indices = #map1}, {transform_indices = #map}]} {
    %mul3A = arith.constant 10080 : i32
    %mul3A_0 = arith.muli %arg1, %mul3A : i32
    "tpu.region"() ({
      %run_scoped3A = tpu.sem_alloc : memref<!tpu.dma_semaphore, #tpu.memory_space<semaphore_mem>>
      %dma_start3A_80 = arith.constant 0 : i32
      %dma_start3A_81 = arith.constant 0 : i32
      %dma_start3A_82 = tpu.memref_slice %arg3[%arg1, %dma_start3A_80, %dma_start3A_81] : memref<16x90x112xi32, #tpu.memory_space<hbm>> -> memref<1x90x112xi32, #tpu.memory_space<hbm>>
      %dma_start3A_83 = tpu.memref_squeeze %dma_start3A_82 : memref<1x90x112xi32, #tpu.memory_space<hbm>> -> memref<90x112xi32, #tpu.memory_space<hbm>>
      %dma_start3A_84 = arith.constant 0 : i32
      %dma_start3A_85 = arith.constant 0 : i32
      %dma_start3A_86 = tpu.memref_slice %arg3[%arg1, %dma_start3A_84, %dma_start3A_85] : memref<16x90x112xi32, #tpu.memory_space<hbm>> -> memref<1x90x112xi32, #tpu.memory_space<hbm>>
      %dma_start3A_87 = tpu.memref_squeeze %dma_start3A_86 : memref<1x90x112xi32, #tpu.memory_space<hbm>> -> memref<90x112xi32, #tpu.memory_space<hbm>>
      tpu.enqueue_dma source(%dma_start3A_87 : memref<90x112xi32, #tpu.memory_space<hbm>>) target(%arg6 : memref<90x112xi32, #tpu.memory_space<vmem>>) target_semaphore(%run_scoped3A : memref<!tpu.dma_semaphore, #tpu.memory_space<semaphore_mem>>)
      %dma_wait3A_88 = arith.constant 0 : i32
      %dma_wait3A_89 = arith.constant 0 : i32
      %dma_wait3A_90 = tpu.memref_slice %arg3[%arg1, %dma_wait3A_88, %dma_wait3A_89] : memref<16x90x112xi32, #tpu.memory_space<hbm>> -> memref<1x90x112xi32, #tpu.memory_space<hbm>>
      %dma_wait3A_91 = tpu.memref_squeeze %dma_wait3A_90 : memref<1x90x112xi32, #tpu.memory_space<hbm>> -> memref<90x112xi32, #tpu.memory_space<hbm>>
      %dma_wait3A_92 = arith.constant 0 : i32
      %dma_wait3A_93 = arith.constant 0 : i32
      %dma_wait3A_94 = tpu.memref_slice %arg3[%arg1, %dma_wait3A_92, %dma_wait3A_93] : memref<16x90x112xi32, #tpu.memory_space<hbm>> -> memref<1x90x112xi32, #tpu.memory_space<hbm>>
      %dma_wait3A_95 = tpu.memref_squeeze %dma_wait3A_94 : memref<1x90x112xi32, #tpu.memory_space<hbm>> -> memref<90x112xi32, #tpu.memory_space<hbm>>
      tpu.wait_dma2 semaphore(%run_scoped3A : memref<!tpu.dma_semaphore, #tpu.memory_space<semaphore_mem>>) src(%dma_wait3A_95 : memref<90x112xi32, #tpu.memory_space<hbm>>) dst(%arg6 : memref<90x112xi32, #tpu.memory_space<vmem>>)
      tpu.yield
    }) : () -> ()
    %mul3A_1 = arith.constant 2 : i32
    %mul3A_2 = arith.muli %arg0, %mul3A_1 : i32
    %add3A = arith.constant 0 : i32
    %add3A_3 = arith.addi %mul3A_2, %add3A : i32
    %mul3A_4 = arith.constant 632 : i32
    %mul3A_5 = arith.muli %arg1, %mul3A_4 : i32
    %mul3A_6 = arith.constant 632 : i32
    %mul3A_7 = arith.muli %arg1, %mul3A_6 : i32
    "tpu.region"() ({
      %run_scoped3A = tpu.sem_alloc : memref<!tpu.dma_semaphore, #tpu.memory_space<semaphore_mem>>
      %dma_start3A_80 = arith.constant 0 : i32
      %dma_start3A_81 = tpu.memref_slice %arg11[%mul3A_7, %dma_start3A_80] : memref<10112x128xf32, #tpu.memory_space<vmem_shared>> -> memref<632x128xf32, #tpu.memory_space<vmem_shared>>
      %dma_start3A_82 = arith.constant 0 : i32
      %dma_start3A_83 = tpu.memref_slice %arg2[%add3A_3, %mul3A_5, %dma_start3A_82] : memref<4x10240x128xf32, #tpu.memory_space<hbm>> -> memref<1x632x128xf32, #tpu.memory_space<hbm>>
      %dma_start3A_84 = tpu.memref_squeeze %dma_start3A_83 : memref<1x632x128xf32, #tpu.memory_space<hbm>> -> memref<632x128xf32, #tpu.memory_space<hbm>>
      tpu.enqueue_dma source(%dma_start3A_84 : memref<632x128xf32, #tpu.memory_space<hbm>>) target(%dma_start3A_81 : memref<632x128xf32, #tpu.memory_space<vmem_shared>>) target_semaphore(%run_scoped3A : memref<!tpu.dma_semaphore, #tpu.memory_space<semaphore_mem>>)
      %dma_wait3A_85 = arith.constant 0 : i32
      %dma_wait3A_86 = tpu.memref_slice %arg11[%mul3A_7, %dma_wait3A_85] : memref<10112x128xf32, #tpu.memory_space<vmem_shared>> -> memref<632x128xf32, #tpu.memory_space<vmem_shared>>
      %dma_wait3A_87 = arith.constant 0 : i32
      %dma_wait3A_88 = tpu.memref_slice %arg2[%add3A_3, %mul3A_5, %dma_wait3A_87] : memref<4x10240x128xf32, #tpu.memory_space<hbm>> -> memref<1x632x128xf32, #tpu.memory_space<hbm>>
      %dma_wait3A_89 = tpu.memref_squeeze %dma_wait3A_88 : memref<1x632x128xf32, #tpu.memory_space<hbm>> -> memref<632x128xf32, #tpu.memory_space<hbm>>
      tpu.wait_dma2 semaphore(%run_scoped3A : memref<!tpu.dma_semaphore, #tpu.memory_space<semaphore_mem>>) src(%dma_wait3A_89 : memref<632x128xf32, #tpu.memory_space<hbm>>) dst(%dma_wait3A_86 : memref<632x128xf32, #tpu.memory_space<vmem_shared>>)
      tpu.yield
    }) : () -> ()
    %barrier3A = arith.constant 0 : index
    tpu.barrier barrier_id(%barrier3A)
    %add3A_8 = arith.constant 0 : i32
    %add3A_9 = arith.addi %mul3A_0, %add3A_8 : i32
    %dma_start3A = tpu.memref_slice %arg4[%add3A_9] : memref<161280xi32, #tpu.memory_space<hbm>> -> memref<112xi32, #tpu.memory_space<hbm>>
    %dma_start3A_10 = tpu.memref_slice %arg4[%add3A_9] : memref<161280xi32, #tpu.memory_space<hbm>> -> memref<112xi32, #tpu.memory_space<hbm>>
    tpu.enqueue_dma source(%dma_start3A_10 : memref<112xi32, #tpu.memory_space<hbm>>) target(%arg7 : memref<112xi32, #tpu.memory_space<vmem>>) target_semaphore(%arg16 : memref<!tpu.dma_semaphore, #tpu.memory_space<semaphore_mem>>)
    %dma_start3A_11 = arith.constant 0 : i32
    %dma_start3A_12 = arith.constant 0 : i32
    %dma_start3A_13 = tpu.memref_slice %arg6[%dma_start3A_11, %dma_start3A_12] : memref<90x112xi32, #tpu.memory_space<vmem>> -> memref<1x112xi32, #tpu.memory_space<vmem>>
    %dma_start3A_14 = tpu.memref_squeeze %dma_start3A_13 : memref<1x112xi32, #tpu.memory_space<vmem>> -> memref<112xi32, #tpu.memory_space<vmem>>
    %dma_start3A_15 = arith.constant 0 : i32
    %dma_start3A_16 = arith.constant 0 : i32
    %dma_start3A_17 = tpu.memref_slice %arg2[%add3A_3, %dma_start3A_15, %dma_start3A_16] : memref<4x10240x128xf32, #tpu.memory_space<hbm>> -> memref<1x10240x128xf32, #tpu.memory_space<hbm>>
    %dma_start3A_18 = tpu.memref_squeeze %dma_start3A_17 : memref<1x10240x128xf32, #tpu.memory_space<hbm>> -> memref<10240x128xf32, #tpu.memory_space<hbm>>
    %dma_start3A_19 = arith.constant 0 : i32
    %dma_start3A_20 = arith.constant 0 : i32
    %dma_start3A_21 = tpu.memref_slice %dma_start3A_18[%dma_start3A_19, %dma_start3A_20] : memref<10240x128xf32, #tpu.memory_space<hbm>> -> memref<10240x128xf32, #tpu.memory_space<hbm>>
    tpu.enqueue_indirect_dma source(%dma_start3A_21 : memref<10240x128xf32, #tpu.memory_space<hbm>>) target(%arg9 : memref<112x128xf32, #tpu.memory_space<vmem>>) offsets(%dma_start3A_14 : memref<112xi32, #tpu.memory_space<vmem>>) semaphore(%arg12 : memref<!tpu.dma_semaphore, #tpu.memory_space<semaphore_mem>>)
    %scan3A = arith.constant 0 : i32
    %scan3A_22 = arith.constant 0 : i32
    %scan3A_23 = arith.constant 45 : i32
    %scan3A_24 = arith.addi %scan3A_22, %scan3A_23 : i32
    %scan3A_25 = arith.constant 1 : i32
    scf.for %scan3A_80 = %scan3A_22 to %scan3A_24 step %scan3A_25  : i32 {
      %mul3A_81 = arith.constant 2 : i32
      %mul3A_82 = arith.muli %scan3A_80, %mul3A_81 : i32
      %add3A_83 = arith.constant 0 : i32
      %add3A_84 = arith.addi %mul3A_82, %add3A_83 : i32
      %add3A_85 = arith.constant 1 : i32
      %add3A_86 = arith.addi %add3A_84, %add3A_85 : i32
      %lt3A = arith.constant 90 : i32
      %lt3A_87 = arith.cmpi slt, %add3A_86, %lt3A : i32
      %convert_element_type3A = arith.extui %lt3A_87 : i1 to i32
      %cond3A = arith.constant 0 : i32
      %cond3A_88 = arith.cmpi ne, %convert_element_type3A, %cond3A : i32
      scf.if %cond3A_88 {
        %ge3A = arith.constant 1 : i32
        %ge3A_136 = arith.cmpi sge, %add3A_84, %ge3A : i32
        %convert_element_type3A_137 = arith.extui %ge3A_136 : i1 to i32
        %cond3A_138 = arith.constant 0 : i32
        %cond3A_139 = arith.cmpi ne, %convert_element_type3A_137, %cond3A_138 : i32
        scf.if %cond3A_139 {
          %dma_wait3A_157 = arith.constant 0 : i32
          %dma_wait3A_158 = arith.constant 0 : i32
          %dma_wait3A_159 = tpu.memref_slice %arg11[%dma_wait3A_157, %dma_wait3A_158] : memref<10112x128xf32, #tpu.memory_space<vmem_shared>> -> memref<10112x128xf32, #tpu.memory_space<vmem_shared>>
          tpu.wait_indirect_dma semaphore(%arg15 : memref<!tpu.dma_semaphore, #tpu.memory_space<semaphore_mem>>) src(%arg10 : memref<112x128xf32, #tpu.memory_space<vmem>>) dst(%dma_wait3A_159 : memref<10112x128xf32, #tpu.memory_space<vmem_shared>>)
        } else {
        }
        %add3A_140 = arith.constant 1 : i32
        %add3A_141 = arith.addi %add3A_84, %add3A_140 : i32
        %mul3A_142 = arith.constant 112 : i32
        %mul3A_143 = arith.muli %add3A_141, %mul3A_142 : i32
        %add3A_144 = arith.addi %mul3A_0, %mul3A_143 : i32
        %dma_start3A_145 = tpu.memref_slice %arg4[%add3A_144] : memref<161280xi32, #tpu.memory_space<hbm>> -> memref<112xi32, #tpu.memory_space<hbm>>
        %dma_start3A_146 = tpu.memref_slice %arg4[%add3A_144] : memref<161280xi32, #tpu.memory_space<hbm>> -> memref<112xi32, #tpu.memory_space<hbm>>
        tpu.enqueue_dma source(%dma_start3A_146 : memref<112xi32, #tpu.memory_space<hbm>>) target(%arg8 : memref<112xi32, #tpu.memory_space<vmem>>) target_semaphore(%arg17 : memref<!tpu.dma_semaphore, #tpu.memory_space<semaphore_mem>>)
        %dma_start3A_147 = arith.constant 0 : i32
        %dma_start3A_148 = tpu.memref_slice %arg6[%add3A_141, %dma_start3A_147] : memref<90x112xi32, #tpu.memory_space<vmem>> -> memref<1x112xi32, #tpu.memory_space<vmem>>
        %dma_start3A_149 = tpu.memref_squeeze %dma_start3A_148 : memref<1x112xi32, #tpu.memory_space<vmem>> -> memref<112xi32, #tpu.memory_space<vmem>>
        %dma_start3A_150 = arith.constant 0 : i32
        %dma_start3A_151 = arith.constant 0 : i32
        %dma_start3A_152 = tpu.memref_slice %arg2[%add3A_3, %dma_start3A_150, %dma_start3A_151] : memref<4x10240x128xf32, #tpu.memory_space<hbm>> -> memref<1x10240x128xf32, #tpu.memory_space<hbm>>
        %dma_start3A_153 = tpu.memref_squeeze %dma_start3A_152 : memref<1x10240x128xf32, #tpu.memory_space<hbm>> -> memref<10240x128xf32, #tpu.memory_space<hbm>>
        %dma_start3A_154 = arith.constant 0 : i32
        %dma_start3A_155 = arith.constant 0 : i32
        %dma_start3A_156 = tpu.memref_slice %dma_start3A_153[%dma_start3A_154, %dma_start3A_155] : memref<10240x128xf32, #tpu.memory_space<hbm>> -> memref<10240x128xf32, #tpu.memory_space<hbm>>
        tpu.enqueue_indirect_dma source(%dma_start3A_156 : memref<10240x128xf32, #tpu.memory_space<hbm>>) target(%arg10 : memref<112x128xf32, #tpu.memory_space<vmem>>) offsets(%dma_start3A_149 : memref<112xi32, #tpu.memory_space<vmem>>) semaphore(%arg13 : memref<!tpu.dma_semaphore, #tpu.memory_space<semaphore_mem>>)
      } else {
      }
      %mul3A_89 = arith.constant 112 : i32
      %mul3A_90 = arith.muli %add3A_84, %mul3A_89 : i32
      %add3A_91 = arith.addi %mul3A_0, %mul3A_90 : i32
      %dma_wait3A_92 = tpu.memref_slice %arg4[%add3A_91] : memref<161280xi32, #tpu.memory_space<hbm>> -> memref<112xi32, #tpu.memory_space<hbm>>
      %dma_wait3A_93 = tpu.memref_slice %arg4[%add3A_91] : memref<161280xi32, #tpu.memory_space<hbm>> -> memref<112xi32, #tpu.memory_space<hbm>>
      tpu.wait_dma2 semaphore(%arg16 : memref<!tpu.dma_semaphore, #tpu.memory_space<semaphore_mem>>) src(%dma_wait3A_93 : memref<112xi32, #tpu.memory_space<hbm>>) dst(%arg7 : memref<112xi32, #tpu.memory_space<vmem>>)
      %dma_wait3A_94 = arith.constant 0 : i32
      %dma_wait3A_95 = tpu.memref_slice %arg6[%add3A_84, %dma_wait3A_94] : memref<90x112xi32, #tpu.memory_space<vmem>> -> memref<1x112xi32, #tpu.memory_space<vmem>>
      %dma_wait3A_96 = tpu.memref_squeeze %dma_wait3A_95 : memref<1x112xi32, #tpu.memory_space<vmem>> -> memref<112xi32, #tpu.memory_space<vmem>>
      %dma_wait3A_97 = arith.constant 0 : i32
      %dma_wait3A_98 = arith.constant 0 : i32
      %dma_wait3A_99 = tpu.memref_slice %arg2[%add3A_3, %dma_wait3A_97, %dma_wait3A_98] : memref<4x10240x128xf32, #tpu.memory_space<hbm>> -> memref<1x10240x128xf32, #tpu.memory_space<hbm>>
      %dma_wait3A_100 = tpu.memref_squeeze %dma_wait3A_99 : memref<1x10240x128xf32, #tpu.memory_space<hbm>> -> memref<10240x128xf32, #tpu.memory_space<hbm>>
      %dma_wait3A_101 = arith.constant 0 : i32
      %dma_wait3A_102 = arith.constant 0 : i32
      %dma_wait3A_103 = tpu.memref_slice %dma_wait3A_100[%dma_wait3A_101, %dma_wait3A_102] : memref<10240x128xf32, #tpu.memory_space<hbm>> -> memref<10240x128xf32, #tpu.memory_space<hbm>>
      tpu.wait_indirect_dma semaphore(%arg12 : memref<!tpu.dma_semaphore, #tpu.memory_space<semaphore_mem>>) src(%dma_wait3A_103 : memref<10240x128xf32, #tpu.memory_space<hbm>>) dst(%arg9 : memref<112x128xf32, #tpu.memory_space<vmem>>)
      %dma_start3A_104 = arith.constant 0 : i32
      %dma_start3A_105 = arith.constant 0 : i32
      %dma_start3A_106 = tpu.memref_slice %arg11[%dma_start3A_104, %dma_start3A_105] : memref<10112x128xf32, #tpu.memory_space<vmem_shared>> -> memref<10112x128xf32, #tpu.memory_space<vmem_shared>>
      tpu.enqueue_indirect_dma source(%arg9 : memref<112x128xf32, #tpu.memory_space<vmem>>) target(%dma_start3A_106 : memref<10112x128xf32, #tpu.memory_space<vmem_shared>>) offsets(%arg7 : memref<112xi32, #tpu.memory_space<vmem>>) semaphore(%arg14 : memref<!tpu.dma_semaphore, #tpu.memory_space<semaphore_mem>>) {add = true}
      %mul3A_107 = arith.constant 2 : i32
      %mul3A_108 = arith.muli %scan3A_80, %mul3A_107 : i32
      %add3A_109 = arith.constant 1 : i32
      %add3A_110 = arith.addi %mul3A_108, %add3A_109 : i32
      %add3A_111 = arith.constant 1 : i32
      %add3A_112 = arith.addi %add3A_110, %add3A_111 : i32
      %lt3A_113 = arith.constant 90 : i32
      %lt3A_114 = arith.cmpi slt, %add3A_112, %lt3A_113 : i32
      %convert_element_type3A_115 = arith.extui %lt3A_114 : i1 to i32
      %cond3A_116 = arith.constant 0 : i32
      %cond3A_117 = arith.cmpi ne, %convert_element_type3A_115, %cond3A_116 : i32
      scf.if %cond3A_117 {
        %ge3A = arith.constant 1 : i32
        %ge3A_136 = arith.cmpi sge, %add3A_110, %ge3A : i32
        %convert_element_type3A_137 = arith.extui %ge3A_136 : i1 to i32
        %cond3A_138 = arith.constant 0 : i32
        %cond3A_139 = arith.cmpi ne, %convert_element_type3A_137, %cond3A_138 : i32
        scf.if %cond3A_139 {
          %dma_wait3A_157 = arith.constant 0 : i32
          %dma_wait3A_158 = arith.constant 0 : i32
          %dma_wait3A_159 = tpu.memref_slice %arg11[%dma_wait3A_157, %dma_wait3A_158] : memref<10112x128xf32, #tpu.memory_space<vmem_shared>> -> memref<10112x128xf32, #tpu.memory_space<vmem_shared>>
          tpu.wait_indirect_dma semaphore(%arg14 : memref<!tpu.dma_semaphore, #tpu.memory_space<semaphore_mem>>) src(%arg9 : memref<112x128xf32, #tpu.memory_space<vmem>>) dst(%dma_wait3A_159 : memref<10112x128xf32, #tpu.memory_space<vmem_shared>>)
        } else {
        }
        %add3A_140 = arith.constant 1 : i32
        %add3A_141 = arith.addi %add3A_110, %add3A_140 : i32
        %mul3A_142 = arith.constant 112 : i32
        %mul3A_143 = arith.muli %add3A_141, %mul3A_142 : i32
        %add3A_144 = arith.addi %mul3A_0, %mul3A_143 : i32
        %dma_start3A_145 = tpu.memref_slice %arg4[%add3A_144] : memref<161280xi32, #tpu.memory_space<hbm>> -> memref<112xi32, #tpu.memory_space<hbm>>
        %dma_start3A_146 = tpu.memref_slice %arg4[%add3A_144] : memref<161280xi32, #tpu.memory_space<hbm>> -> memref<112xi32, #tpu.memory_space<hbm>>
        tpu.enqueue_dma source(%dma_start3A_146 : memref<112xi32, #tpu.memory_space<hbm>>) target(%arg7 : memref<112xi32, #tpu.memory_space<vmem>>) target_semaphore(%arg16 : memref<!tpu.dma_semaphore, #tpu.memory_space<semaphore_mem>>)
        %dma_start3A_147 = arith.constant 0 : i32
        %dma_start3A_148 = tpu.memref_slice %arg6[%add3A_141, %dma_start3A_147] : memref<90x112xi32, #tpu.memory_space<vmem>> -> memref<1x112xi32, #tpu.memory_space<vmem>>
        %dma_start3A_149 = tpu.memref_squeeze %dma_start3A_148 : memref<1x112xi32, #tpu.memory_space<vmem>> -> memref<112xi32, #tpu.memory_space<vmem>>
        %dma_start3A_150 = arith.constant 0 : i32
        %dma_start3A_151 = arith.constant 0 : i32
        %dma_start3A_152 = tpu.memref_slice %arg2[%add3A_3, %dma_start3A_150, %dma_start3A_151] : memref<4x10240x128xf32, #tpu.memory_space<hbm>> -> memref<1x10240x128xf32, #tpu.memory_space<hbm>>
        %dma_start3A_153 = tpu.memref_squeeze %dma_start3A_152 : memref<1x10240x128xf32, #tpu.memory_space<hbm>> -> memref<10240x128xf32, #tpu.memory_space<hbm>>
        %dma_start3A_154 = arith.constant 0 : i32
        %dma_start3A_155 = arith.constant 0 : i32
        %dma_start3A_156 = tpu.memref_slice %dma_start3A_153[%dma_start3A_154, %dma_start3A_155] : memref<10240x128xf32, #tpu.memory_space<hbm>> -> memref<10240x128xf32, #tpu.memory_space<hbm>>
        tpu.enqueue_indirect_dma source(%dma_start3A_156 : memref<10240x128xf32, #tpu.memory_space<hbm>>) target(%arg9 : memref<112x128xf32, #tpu.memory_space<vmem>>) offsets(%dma_start3A_149 : memref<112xi32, #tpu.memory_space<vmem>>) semaphore(%arg12 : memref<!tpu.dma_semaphore, #tpu.memory_space<semaphore_mem>>)
      } else {
      }
      %mul3A_118 = arith.constant 112 : i32
      %mul3A_119 = arith.muli %add3A_110, %mul3A_118 : i32
      %add3A_120 = arith.addi %mul3A_0, %mul3A_119 : i32
      %dma_wait3A_121 = tpu.memref_slice %arg4[%add3A_120] : memref<161280xi32, #tpu.memory_space<hbm>> -> memref<112xi32, #tpu.memory_space<hbm>>
      %dma_wait3A_122 = tpu.memref_slice %arg4[%add3A_120] : memref<161280xi32, #tpu.memory_space<hbm>> -> memref<112xi32, #tpu.memory_space<hbm>>
      tpu.wait_dma2 semaphore(%arg17 : memref<!tpu.dma_semaphore, #tpu.memory_space<semaphore_mem>>) src(%dma_wait3A_122 : memref<112xi32, #tpu.memory_space<hbm>>) dst(%arg8 : memref<112xi32, #tpu.memory_space<vmem>>)
      %dma_wait3A_123 = arith.constant 0 : i32
      %dma_wait3A_124 = tpu.memref_slice %arg6[%add3A_110, %dma_wait3A_123] : memref<90x112xi32, #tpu.memory_space<vmem>> -> memref<1x112xi32, #tpu.memory_space<vmem>>
      %dma_wait3A_125 = tpu.memref_squeeze %dma_wait3A_124 : memref<1x112xi32, #tpu.memory_space<vmem>> -> memref<112xi32, #tpu.memory_space<vmem>>
      %dma_wait3A_126 = arith.constant 0 : i32
      %dma_wait3A_127 = arith.constant 0 : i32
      %dma_wait3A_128 = tpu.memref_slice %arg2[%add3A_3, %dma_wait3A_126, %dma_wait3A_127] : memref<4x10240x128xf32, #tpu.memory_space<hbm>> -> memref<1x10240x128xf32, #tpu.memory_space<hbm>>
      %dma_wait3A_129 = tpu.memref_squeeze %dma_wait3A_128 : memref<1x10240x128xf32, #tpu.memory_space<hbm>> -> memref<10240x128xf32, #tpu.memory_space<hbm>>
      %dma_wait3A_130 = arith.constant 0 : i32
      %dma_wait3A_131 = arith.constant 0 : i32
      %dma_wait3A_132 = tpu.memref_slice %dma_wait3A_129[%dma_wait3A_130, %dma_wait3A_131] : memref<10240x128xf32, #tpu.memory_space<hbm>> -> memref<10240x128xf32, #tpu.memory_space<hbm>>
      tpu.wait_indirect_dma semaphore(%arg13 : memref<!tpu.dma_semaphore, #tpu.memory_space<semaphore_mem>>) src(%dma_wait3A_132 : memref<10240x128xf32, #tpu.memory_space<hbm>>) dst(%arg10 : memref<112x128xf32, #tpu.memory_space<vmem>>)
      %dma_start3A_133 = arith.constant 0 : i32
      %dma_start3A_134 = arith.constant 0 : i32
      %dma_start3A_135 = tpu.memref_slice %arg11[%dma_start3A_133, %dma_start3A_134] : memref<10112x128xf32, #tpu.memory_space<vmem_shared>> -> memref<10112x128xf32, #tpu.memory_space<vmem_shared>>
      tpu.enqueue_indirect_dma source(%arg10 : memref<112x128xf32, #tpu.memory_space<vmem>>) target(%dma_start3A_135 : memref<10112x128xf32, #tpu.memory_space<vmem_shared>>) offsets(%arg8 : memref<112xi32, #tpu.memory_space<vmem>>) semaphore(%arg15 : memref<!tpu.dma_semaphore, #tpu.memory_space<semaphore_mem>>) {add = true}
    }
    %scan3A_26 = arith.constant 45 : i32
    %dma_wait3A = arith.constant 0 : i32
    %dma_wait3A_27 = arith.constant 0 : i32
    %dma_wait3A_28 = tpu.memref_slice %arg11[%dma_wait3A, %dma_wait3A_27] : memref<10112x128xf32, #tpu.memory_space<vmem_shared>> -> memref<10112x128xf32, #tpu.memory_space<vmem_shared>>
    tpu.wait_indirect_dma semaphore(%arg14 : memref<!tpu.dma_semaphore, #tpu.memory_space<semaphore_mem>>) src(%arg9 : memref<112x128xf32, #tpu.memory_space<vmem>>) dst(%dma_wait3A_28 : memref<10112x128xf32, #tpu.memory_space<vmem_shared>>)
    %dma_wait3A_29 = arith.constant 0 : i32
    %dma_wait3A_30 = arith.constant 0 : i32
    %dma_wait3A_31 = tpu.memref_slice %arg11[%dma_wait3A_29, %dma_wait3A_30] : memref<10112x128xf32, #tpu.memory_space<vmem_shared>> -> memref<10112x128xf32, #tpu.memory_space<vmem_shared>>
    tpu.wait_indirect_dma semaphore(%arg15 : memref<!tpu.dma_semaphore, #tpu.memory_space<semaphore_mem>>) src(%arg10 : memref<112x128xf32, #tpu.memory_space<vmem>>) dst(%dma_wait3A_31 : memref<10112x128xf32, #tpu.memory_space<vmem_shared>>)
    %barrier3A_32 = arith.constant 0 : index
    tpu.barrier barrier_id(%barrier3A_32)
    %mul3A_33 = arith.constant 632 : i32
    %mul3A_34 = arith.muli %arg1, %mul3A_33 : i32
    %mul3A_35 = arith.constant 632 : i32
    %mul3A_36 = arith.muli %arg1, %mul3A_35 : i32
    "tpu.region"() ({
      %run_scoped3A = tpu.sem_alloc : memref<!tpu.dma_semaphore, #tpu.memory_space<semaphore_mem>>
      %dma_start3A_80 = arith.constant 0 : i32
      %dma_start3A_81 = tpu.memref_slice %arg5[%add3A_3, %mul3A_36, %dma_start3A_80] : memref<4x10112x128xf32, #tpu.memory_space<hbm>> -> memref<1x632x128xf32, #tpu.memory_space<hbm>>
      %dma_start3A_82 = tpu.memref_squeeze %dma_start3A_81 : memref<1x632x128xf32, #tpu.memory_space<hbm>> -> memref<632x128xf32, #tpu.memory_space<hbm>>
      %dma_start3A_83 = arith.constant 0 : i32
      %dma_start3A_84 = tpu.memref_slice %arg11[%mul3A_34, %dma_start3A_83] : memref<10112x128xf32, #tpu.memory_space<vmem_shared>> -> memref<632x128xf32, #tpu.memory_space<vmem_shared>>
      tpu.enqueue_dma source(%dma_start3A_84 : memref<632x128xf32, #tpu.memory_space<vmem_shared>>) target(%dma_start3A_82 : memref<632x128xf32, #tpu.memory_space<hbm>>) target_semaphore(%run_scoped3A : memref<!tpu.dma_semaphore, #tpu.memory_space<semaphore_mem>>)
      %dma_wait3A_85 = arith.constant 0 : i32
      %dma_wait3A_86 = tpu.memref_slice %arg5[%add3A_3, %mul3A_36, %dma_wait3A_85] : memref<4x10112x128xf32, #tpu.memory_space<hbm>> -> memref<1x632x128xf32, #tpu.memory_space<hbm>>
      %dma_wait3A_87 = tpu.memref_squeeze %dma_wait3A_86 : memref<1x632x128xf32, #tpu.memory_space<hbm>> -> memref<632x128xf32, #tpu.memory_space<hbm>>
      %dma_wait3A_88 = arith.constant 0 : i32
      %dma_wait3A_89 = tpu.memref_slice %arg11[%mul3A_34, %dma_wait3A_88] : memref<10112x128xf32, #tpu.memory_space<vmem_shared>> -> memref<632x128xf32, #tpu.memory_space<vmem_shared>>
      tpu.wait_dma2 semaphore(%run_scoped3A : memref<!tpu.dma_semaphore, #tpu.memory_space<semaphore_mem>>) src(%dma_wait3A_89 : memref<632x128xf32, #tpu.memory_space<vmem_shared>>) dst(%dma_wait3A_87 : memref<632x128xf32, #tpu.memory_space<hbm>>)
      tpu.yield
    }) : () -> ()
    %barrier3A_37 = arith.constant 0 : index
    tpu.barrier barrier_id(%barrier3A_37)
    %mul3A_38 = arith.constant 2 : i32
    %mul3A_39 = arith.muli %arg0, %mul3A_38 : i32
    %add3A_40 = arith.constant 1 : i32
    %add3A_41 = arith.addi %mul3A_39, %add3A_40 : i32
    %mul3A_42 = arith.constant 632 : i32
    %mul3A_43 = arith.muli %arg1, %mul3A_42 : i32
    %mul3A_44 = arith.constant 632 : i32
    %mul3A_45 = arith.muli %arg1, %mul3A_44 : i32
    "tpu.region"() ({
      %run_scoped3A = tpu.sem_alloc : memref<!tpu.dma_semaphore, #tpu.memory_space<semaphore_mem>>
      %dma_start3A_80 = arith.constant 0 : i32
      %dma_start3A_81 = tpu.memref_slice %arg11[%mul3A_45, %dma_start3A_80] : memref<10112x128xf32, #tpu.memory_space<vmem_shared>> -> memref<632x128xf32, #tpu.memory_space<vmem_shared>>
      %dma_start3A_82 = arith.constant 0 : i32
      %dma_start3A_83 = tpu.memref_slice %arg2[%add3A_41, %mul3A_43, %dma_start3A_82] : memref<4x10240x128xf32, #tpu.memory_space<hbm>> -> memref<1x632x128xf32, #tpu.memory_space<hbm>>
      %dma_start3A_84 = tpu.memref_squeeze %dma_start3A_83 : memref<1x632x128xf32, #tpu.memory_space<hbm>> -> memref<632x128xf32, #tpu.memory_space<hbm>>
      tpu.enqueue_dma source(%dma_start3A_84 : memref<632x128xf32, #tpu.memory_space<hbm>>) target(%dma_start3A_81 : memref<632x128xf32, #tpu.memory_space<vmem_shared>>) target_semaphore(%run_scoped3A : memref<!tpu.dma_semaphore, #tpu.memory_space<semaphore_mem>>)
      %dma_wait3A_85 = arith.constant 0 : i32
      %dma_wait3A_86 = tpu.memref_slice %arg11[%mul3A_45, %dma_wait3A_85] : memref<10112x128xf32, #tpu.memory_space<vmem_shared>> -> memref<632x128xf32, #tpu.memory_space<vmem_shared>>
      %dma_wait3A_87 = arith.constant 0 : i32
      %dma_wait3A_88 = tpu.memref_slice %arg2[%add3A_41, %mul3A_43, %dma_wait3A_87] : memref<4x10240x128xf32, #tpu.memory_space<hbm>> -> memref<1x632x128xf32, #tpu.memory_space<hbm>>
      %dma_wait3A_89 = tpu.memref_squeeze %dma_wait3A_88 : memref<1x632x128xf32, #tpu.memory_space<hbm>> -> memref<632x128xf32, #tpu.memory_space<hbm>>
      tpu.wait_dma2 semaphore(%run_scoped3A : memref<!tpu.dma_semaphore, #tpu.memory_space<semaphore_mem>>) src(%dma_wait3A_89 : memref<632x128xf32, #tpu.memory_space<hbm>>) dst(%dma_wait3A_86 : memref<632x128xf32, #tpu.memory_space<vmem_shared>>)
      tpu.yield
    }) : () -> ()
    %barrier3A_46 = arith.constant 0 : index
    tpu.barrier barrier_id(%barrier3A_46)
    %add3A_47 = arith.constant 0 : i32
    %add3A_48 = arith.addi %mul3A_0, %add3A_47 : i32
    %dma_start3A_49 = tpu.memref_slice %arg4[%add3A_48] : memref<161280xi32, #tpu.memory_space<hbm>> -> memref<112xi32, #tpu.memory_space<hbm>>
    %dma_start3A_50 = tpu.memref_slice %arg4[%add3A_48] : memref<161280xi32, #tpu.memory_space<hbm>> -> memref<112xi32, #tpu.memory_space<hbm>>
    tpu.enqueue_dma source(%dma_start3A_50 : memref<112xi32, #tpu.memory_space<hbm>>) target(%arg7 : memref<112xi32, #tpu.memory_space<vmem>>) target_semaphore(%arg16 : memref<!tpu.dma_semaphore, #tpu.memory_space<semaphore_mem>>)
    %dma_start3A_51 = arith.constant 0 : i32
    %dma_start3A_52 = arith.constant 0 : i32
    %dma_start3A_53 = tpu.memref_slice %arg6[%dma_start3A_51, %dma_start3A_52] : memref<90x112xi32, #tpu.memory_space<vmem>> -> memref<1x112xi32, #tpu.memory_space<vmem>>
    %dma_start3A_54 = tpu.memref_squeeze %dma_start3A_53 : memref<1x112xi32, #tpu.memory_space<vmem>> -> memref<112xi32, #tpu.memory_space<vmem>>
    %dma_start3A_55 = arith.constant 0 : i32
    %dma_start3A_56 = arith.constant 0 : i32
    %dma_start3A_57 = tpu.memref_slice %arg2[%add3A_41, %dma_start3A_55, %dma_start3A_56] : memref<4x10240x128xf32, #tpu.memory_space<hbm>> -> memref<1x10240x128xf32, #tpu.memory_space<hbm>>
    %dma_start3A_58 = tpu.memref_squeeze %dma_start3A_57 : memref<1x10240x128xf32, #tpu.memory_space<hbm>> -> memref<10240x128xf32, #tpu.memory_space<hbm>>
    %dma_start3A_59 = arith.constant 0 : i32
    %dma_start3A_60 = arith.constant 0 : i32
    %dma_start3A_61 = tpu.memref_slice %dma_start3A_58[%dma_start3A_59, %dma_start3A_60] : memref<10240x128xf32, #tpu.memory_space<hbm>> -> memref<10240x128xf32, #tpu.memory_space<hbm>>
    tpu.enqueue_indirect_dma source(%dma_start3A_61 : memref<10240x128xf32, #tpu.memory_space<hbm>>) target(%arg9 : memref<112x128xf32, #tpu.memory_space<vmem>>) offsets(%dma_start3A_54 : memref<112xi32, #tpu.memory_space<vmem>>) semaphore(%arg12 : memref<!tpu.dma_semaphore, #tpu.memory_space<semaphore_mem>>)
    %scan3A_62 = arith.constant 0 : i32
    %scan3A_63 = arith.constant 0 : i32
    %scan3A_64 = arith.constant 45 : i32
    %scan3A_65 = arith.addi %scan3A_63, %scan3A_64 : i32
    %scan3A_66 = arith.constant 1 : i32
    scf.for %scan3A_80 = %scan3A_63 to %scan3A_65 step %scan3A_66  : i32 {
      %mul3A_81 = arith.constant 2 : i32
      %mul3A_82 = arith.muli %scan3A_80, %mul3A_81 : i32
      %add3A_83 = arith.constant 0 : i32
      %add3A_84 = arith.addi %mul3A_82, %add3A_83 : i32
      %add3A_85 = arith.constant 1 : i32
      %add3A_86 = arith.addi %add3A_84, %add3A_85 : i32
      %lt3A = arith.constant 90 : i32
      %lt3A_87 = arith.cmpi slt, %add3A_86, %lt3A : i32
      %convert_element_type3A = arith.extui %lt3A_87 : i1 to i32
      %cond3A = arith.constant 0 : i32
      %cond3A_88 = arith.cmpi ne, %convert_element_type3A, %cond3A : i32
      scf.if %cond3A_88 {
        %ge3A = arith.constant 1 : i32
        %ge3A_136 = arith.cmpi sge, %add3A_84, %ge3A : i32
        %convert_element_type3A_137 = arith.extui %ge3A_136 : i1 to i32
        %cond3A_138 = arith.constant 0 : i32
        %cond3A_139 = arith.cmpi ne, %convert_element_type3A_137, %cond3A_138 : i32
        scf.if %cond3A_139 {
          %dma_wait3A_157 = arith.constant 0 : i32
          %dma_wait3A_158 = arith.constant 0 : i32
          %dma_wait3A_159 = tpu.memref_slice %arg11[%dma_wait3A_157, %dma_wait3A_158] : memref<10112x128xf32, #tpu.memory_space<vmem_shared>> -> memref<10112x128xf32, #tpu.memory_space<vmem_shared>>
          tpu.wait_indirect_dma semaphore(%arg15 : memref<!tpu.dma_semaphore, #tpu.memory_space<semaphore_mem>>) src(%arg10 : memref<112x128xf32, #tpu.memory_space<vmem>>) dst(%dma_wait3A_159 : memref<10112x128xf32, #tpu.memory_space<vmem_shared>>)
        } else {
        }
        %add3A_140 = arith.constant 1 : i32
        %add3A_141 = arith.addi %add3A_84, %add3A_140 : i32
        %mul3A_142 = arith.constant 112 : i32
        %mul3A_143 = arith.muli %add3A_141, %mul3A_142 : i32
        %add3A_144 = arith.addi %mul3A_0, %mul3A_143 : i32
        %dma_start3A_145 = tpu.memref_slice %arg4[%add3A_144] : memref<161280xi32, #tpu.memory_space<hbm>> -> memref<112xi32, #tpu.memory_space<hbm>>
        %dma_start3A_146 = tpu.memref_slice %arg4[%add3A_144] : memref<161280xi32, #tpu.memory_space<hbm>> -> memref<112xi32, #tpu.memory_space<hbm>>
        tpu.enqueue_dma source(%dma_start3A_146 : memref<112xi32, #tpu.memory_space<hbm>>) target(%arg8 : memref<112xi32, #tpu.memory_space<vmem>>) target_semaphore(%arg17 : memref<!tpu.dma_semaphore, #tpu.memory_space<semaphore_mem>>)
        %dma_start3A_147 = arith.constant 0 : i32
        %dma_start3A_148 = tpu.memref_slice %arg6[%add3A_141, %dma_start3A_147] : memref<90x112xi32, #tpu.memory_space<vmem>> -> memref<1x112xi32, #tpu.memory_space<vmem>>
        %dma_start3A_149 = tpu.memref_squeeze %dma_start3A_148 : memref<1x112xi32, #tpu.memory_space<vmem>> -> memref<112xi32, #tpu.memory_space<vmem>>
        %dma_start3A_150 = arith.constant 0 : i32
        %dma_start3A_151 = arith.constant 0 : i32
        %dma_start3A_152 = tpu.memref_slice %arg2[%add3A_41, %dma_start3A_150, %dma_start3A_151] : memref<4x10240x128xf32, #tpu.memory_space<hbm>> -> memref<1x10240x128xf32, #tpu.memory_space<hbm>>
        %dma_start3A_153 = tpu.memref_squeeze %dma_start3A_152 : memref<1x10240x128xf32, #tpu.memory_space<hbm>> -> memref<10240x128xf32, #tpu.memory_space<hbm>>
        %dma_start3A_154 = arith.constant 0 : i32
        %dma_start3A_155 = arith.constant 0 : i32
        %dma_start3A_156 = tpu.memref_slice %dma_start3A_153[%dma_start3A_154, %dma_start3A_155] : memref<10240x128xf32, #tpu.memory_space<hbm>> -> memref<10240x128xf32, #tpu.memory_space<hbm>>
        tpu.enqueue_indirect_dma source(%dma_start3A_156 : memref<10240x128xf32, #tpu.memory_space<hbm>>) target(%arg10 : memref<112x128xf32, #tpu.memory_space<vmem>>) offsets(%dma_start3A_149 : memref<112xi32, #tpu.memory_space<vmem>>) semaphore(%arg13 : memref<!tpu.dma_semaphore, #tpu.memory_space<semaphore_mem>>)
      } else {
      }
      %mul3A_89 = arith.constant 112 : i32
      %mul3A_90 = arith.muli %add3A_84, %mul3A_89 : i32
      %add3A_91 = arith.addi %mul3A_0, %mul3A_90 : i32
      %dma_wait3A_92 = tpu.memref_slice %arg4[%add3A_91] : memref<161280xi32, #tpu.memory_space<hbm>> -> memref<112xi32, #tpu.memory_space<hbm>>
      %dma_wait3A_93 = tpu.memref_slice %arg4[%add3A_91] : memref<161280xi32, #tpu.memory_space<hbm>> -> memref<112xi32, #tpu.memory_space<hbm>>
      tpu.wait_dma2 semaphore(%arg16 : memref<!tpu.dma_semaphore, #tpu.memory_space<semaphore_mem>>) src(%dma_wait3A_93 : memref<112xi32, #tpu.memory_space<hbm>>) dst(%arg7 : memref<112xi32, #tpu.memory_space<vmem>>)
      %dma_wait3A_94 = arith.constant 0 : i32
      %dma_wait3A_95 = tpu.memref_slice %arg6[%add3A_84, %dma_wait3A_94] : memref<90x112xi32, #tpu.memory_space<vmem>> -> memref<1x112xi32, #tpu.memory_space<vmem>>
      %dma_wait3A_96 = tpu.memref_squeeze %dma_wait3A_95 : memref<1x112xi32, #tpu.memory_space<vmem>> -> memref<112xi32, #tpu.memory_space<vmem>>
      %dma_wait3A_97 = arith.constant 0 : i32
      %dma_wait3A_98 = arith.constant 0 : i32
      %dma_wait3A_99 = tpu.memref_slice %arg2[%add3A_41, %dma_wait3A_97, %dma_wait3A_98] : memref<4x10240x128xf32, #tpu.memory_space<hbm>> -> memref<1x10240x128xf32, #tpu.memory_space<hbm>>
      %dma_wait3A_100 = tpu.memref_squeeze %dma_wait3A_99 : memref<1x10240x128xf32, #tpu.memory_space<hbm>> -> memref<10240x128xf32, #tpu.memory_space<hbm>>
      %dma_wait3A_101 = arith.constant 0 : i32
      %dma_wait3A_102 = arith.constant 0 : i32
      %dma_wait3A_103 = tpu.memref_slice %dma_wait3A_100[%dma_wait3A_101, %dma_wait3A_102] : memref<10240x128xf32, #tpu.memory_space<hbm>> -> memref<10240x128xf32, #tpu.memory_space<hbm>>
      tpu.wait_indirect_dma semaphore(%arg12 : memref<!tpu.dma_semaphore, #tpu.memory_space<semaphore_mem>>) src(%dma_wait3A_103 : memref<10240x128xf32, #tpu.memory_space<hbm>>) dst(%arg9 : memref<112x128xf32, #tpu.memory_space<vmem>>)
      %dma_start3A_104 = arith.constant 0 : i32
      %dma_start3A_105 = arith.constant 0 : i32
      %dma_start3A_106 = tpu.memref_slice %arg11[%dma_start3A_104, %dma_start3A_105] : memref<10112x128xf32, #tpu.memory_space<vmem_shared>> -> memref<10112x128xf32, #tpu.memory_space<vmem_shared>>
      tpu.enqueue_indirect_dma source(%arg9 : memref<112x128xf32, #tpu.memory_space<vmem>>) target(%dma_start3A_106 : memref<10112x128xf32, #tpu.memory_space<vmem_shared>>) offsets(%arg7 : memref<112xi32, #tpu.memory_space<vmem>>) semaphore(%arg14 : memref<!tpu.dma_semaphore, #tpu.memory_space<semaphore_mem>>) {add = true}
      %mul3A_107 = arith.constant 2 : i32
      %mul3A_108 = arith.muli %scan3A_80, %mul3A_107 : i32
      %add3A_109 = arith.constant 1 : i32
      %add3A_110 = arith.addi %mul3A_108, %add3A_109 : i32
      %add3A_111 = arith.constant 1 : i32
      %add3A_112 = arith.addi %add3A_110, %add3A_111 : i32
      %lt3A_113 = arith.constant 90 : i32
      %lt3A_114 = arith.cmpi slt, %add3A_112, %lt3A_113 : i32
      %convert_element_type3A_115 = arith.extui %lt3A_114 : i1 to i32
      %cond3A_116 = arith.constant 0 : i32
      %cond3A_117 = arith.cmpi ne, %convert_element_type3A_115, %cond3A_116 : i32
      scf.if %cond3A_117 {
        %ge3A = arith.constant 1 : i32
        %ge3A_136 = arith.cmpi sge, %add3A_110, %ge3A : i32
        %convert_element_type3A_137 = arith.extui %ge3A_136 : i1 to i32
        %cond3A_138 = arith.constant 0 : i32
        %cond3A_139 = arith.cmpi ne, %convert_element_type3A_137, %cond3A_138 : i32
        scf.if %cond3A_139 {
          %dma_wait3A_157 = arith.constant 0 : i32
          %dma_wait3A_158 = arith.constant 0 : i32
          %dma_wait3A_159 = tpu.memref_slice %arg11[%dma_wait3A_157, %dma_wait3A_158] : memref<10112x128xf32, #tpu.memory_space<vmem_shared>> -> memref<10112x128xf32, #tpu.memory_space<vmem_shared>>
          tpu.wait_indirect_dma semaphore(%arg14 : memref<!tpu.dma_semaphore, #tpu.memory_space<semaphore_mem>>) src(%arg9 : memref<112x128xf32, #tpu.memory_space<vmem>>) dst(%dma_wait3A_159 : memref<10112x128xf32, #tpu.memory_space<vmem_shared>>)
        } else {
        }
        %add3A_140 = arith.constant 1 : i32
        %add3A_141 = arith.addi %add3A_110, %add3A_140 : i32
        %mul3A_142 = arith.constant 112 : i32
        %mul3A_143 = arith.muli %add3A_141, %mul3A_142 : i32
        %add3A_144 = arith.addi %mul3A_0, %mul3A_143 : i32
        %dma_start3A_145 = tpu.memref_slice %arg4[%add3A_144] : memref<161280xi32, #tpu.memory_space<hbm>> -> memref<112xi32, #tpu.memory_space<hbm>>
        %dma_start3A_146 = tpu.memref_slice %arg4[%add3A_144] : memref<161280xi32, #tpu.memory_space<hbm>> -> memref<112xi32, #tpu.memory_space<hbm>>
        tpu.enqueue_dma source(%dma_start3A_146 : memref<112xi32, #tpu.memory_space<hbm>>) target(%arg7 : memref<112xi32, #tpu.memory_space<vmem>>) target_semaphore(%arg16 : memref<!tpu.dma_semaphore, #tpu.memory_space<semaphore_mem>>)
        %dma_start3A_147 = arith.constant 0 : i32
        %dma_start3A_148 = tpu.memref_slice %arg6[%add3A_141, %dma_start3A_147] : memref<90x112xi32, #tpu.memory_space<vmem>> -> memref<1x112xi32, #tpu.memory_space<vmem>>
        %dma_start3A_149 = tpu.memref_squeeze %dma_start3A_148 : memref<1x112xi32, #tpu.memory_space<vmem>> -> memref<112xi32, #tpu.memory_space<vmem>>
        %dma_start3A_150 = arith.constant 0 : i32
        %dma_start3A_151 = arith.constant 0 : i32
        %dma_start3A_152 = tpu.memref_slice %arg2[%add3A_41, %dma_start3A_150, %dma_start3A_151] : memref<4x10240x128xf32, #tpu.memory_space<hbm>> -> memref<1x10240x128xf32, #tpu.memory_space<hbm>>
        %dma_start3A_153 = tpu.memref_squeeze %dma_start3A_152 : memref<1x10240x128xf32, #tpu.memory_space<hbm>> -> memref<10240x128xf32, #tpu.memory_space<hbm>>
        %dma_start3A_154 = arith.constant 0 : i32
        %dma_start3A_155 = arith.constant 0 : i32
        %dma_start3A_156 = tpu.memref_slice %dma_start3A_153[%dma_start3A_154, %dma_start3A_155] : memref<10240x128xf32, #tpu.memory_space<hbm>> -> memref<10240x128xf32, #tpu.memory_space<hbm>>
        tpu.enqueue_indirect_dma source(%dma_start3A_156 : memref<10240x128xf32, #tpu.memory_space<hbm>>) target(%arg9 : memref<112x128xf32, #tpu.memory_space<vmem>>) offsets(%dma_start3A_149 : memref<112xi32, #tpu.memory_space<vmem>>) semaphore(%arg12 : memref<!tpu.dma_semaphore, #tpu.memory_space<semaphore_mem>>)
      } else {
      }
      %mul3A_118 = arith.constant 112 : i32
      %mul3A_119 = arith.muli %add3A_110, %mul3A_118 : i32
      %add3A_120 = arith.addi %mul3A_0, %mul3A_119 : i32
      %dma_wait3A_121 = tpu.memref_slice %arg4[%add3A_120] : memref<161280xi32, #tpu.memory_space<hbm>> -> memref<112xi32, #tpu.memory_space<hbm>>
      %dma_wait3A_122 = tpu.memref_slice %arg4[%add3A_120] : memref<161280xi32, #tpu.memory_space<hbm>> -> memref<112xi32, #tpu.memory_space<hbm>>
      tpu.wait_dma2 semaphore(%arg17 : memref<!tpu.dma_semaphore, #tpu.memory_space<semaphore_mem>>) src(%dma_wait3A_122 : memref<112xi32, #tpu.memory_space<hbm>>) dst(%arg8 : memref<112xi32, #tpu.memory_space<vmem>>)
      %dma_wait3A_123 = arith.constant 0 : i32
      %dma_wait3A_124 = tpu.memref_slice %arg6[%add3A_110, %dma_wait3A_123] : memref<90x112xi32, #tpu.memory_space<vmem>> -> memref<1x112xi32, #tpu.memory_space<vmem>>
      %dma_wait3A_125 = tpu.memref_squeeze %dma_wait3A_124 : memref<1x112xi32, #tpu.memory_space<vmem>> -> memref<112xi32, #tpu.memory_space<vmem>>
      %dma_wait3A_126 = arith.constant 0 : i32
      %dma_wait3A_127 = arith.constant 0 : i32
      %dma_wait3A_128 = tpu.memref_slice %arg2[%add3A_41, %dma_wait3A_126, %dma_wait3A_127] : memref<4x10240x128xf32, #tpu.memory_space<hbm>> -> memref<1x10240x128xf32, #tpu.memory_space<hbm>>
      %dma_wait3A_129 = tpu.memref_squeeze %dma_wait3A_128 : memref<1x10240x128xf32, #tpu.memory_space<hbm>> -> memref<10240x128xf32, #tpu.memory_space<hbm>>
      %dma_wait3A_130 = arith.constant 0 : i32
      %dma_wait3A_131 = arith.constant 0 : i32
      %dma_wait3A_132 = tpu.memref_slice %dma_wait3A_129[%dma_wait3A_130, %dma_wait3A_131] : memref<10240x128xf32, #tpu.memory_space<hbm>> -> memref<10240x128xf32, #tpu.memory_space<hbm>>
      tpu.wait_indirect_dma semaphore(%arg13 : memref<!tpu.dma_semaphore, #tpu.memory_space<semaphore_mem>>) src(%dma_wait3A_132 : memref<10240x128xf32, #tpu.memory_space<hbm>>) dst(%arg10 : memref<112x128xf32, #tpu.memory_space<vmem>>)
      %dma_start3A_133 = arith.constant 0 : i32
      %dma_start3A_134 = arith.constant 0 : i32
      %dma_start3A_135 = tpu.memref_slice %arg11[%dma_start3A_133, %dma_start3A_134] : memref<10112x128xf32, #tpu.memory_space<vmem_shared>> -> memref<10112x128xf32, #tpu.memory_space<vmem_shared>>
      tpu.enqueue_indirect_dma source(%arg10 : memref<112x128xf32, #tpu.memory_space<vmem>>) target(%dma_start3A_135 : memref<10112x128xf32, #tpu.memory_space<vmem_shared>>) offsets(%arg8 : memref<112xi32, #tpu.memory_space<vmem>>) semaphore(%arg15 : memref<!tpu.dma_semaphore, #tpu.memory_space<semaphore_mem>>) {add = true}
    }
    %scan3A_67 = arith.constant 45 : i32
    %dma_wait3A_68 = arith.constant 0 : i32
    %dma_wait3A_69 = arith.constant 0 : i32
    %dma_wait3A_70 = tpu.memref_slice %arg11[%dma_wait3A_68, %dma_wait3A_69] : memref<10112x128xf32, #tpu.memory_space<vmem_shared>> -> memref<10112x128xf32, #tpu.memory_space<vmem_shared>>
    tpu.wait_indirect_dma semaphore(%arg14 : memref<!tpu.dma_semaphore, #tpu.memory_space<semaphore_mem>>) src(%arg9 : memref<112x128xf32, #tpu.memory_space<vmem>>) dst(%dma_wait3A_70 : memref<10112x128xf32, #tpu.memory_space<vmem_shared>>)
    %dma_wait3A_71 = arith.constant 0 : i32
    %dma_wait3A_72 = arith.constant 0 : i32
    %dma_wait3A_73 = tpu.memref_slice %arg11[%dma_wait3A_71, %dma_wait3A_72] : memref<10112x128xf32, #tpu.memory_space<vmem_shared>> -> memref<10112x128xf32, #tpu.memory_space<vmem_shared>>
    tpu.wait_indirect_dma semaphore(%arg15 : memref<!tpu.dma_semaphore, #tpu.memory_space<semaphore_mem>>) src(%arg10 : memref<112x128xf32, #tpu.memory_space<vmem>>) dst(%dma_wait3A_73 : memref<10112x128xf32, #tpu.memory_space<vmem_shared>>)
    %barrier3A_74 = arith.constant 0 : index
    tpu.barrier barrier_id(%barrier3A_74)
    %mul3A_75 = arith.constant 632 : i32
    %mul3A_76 = arith.muli %arg1, %mul3A_75 : i32
    %mul3A_77 = arith.constant 632 : i32
    %mul3A_78 = arith.muli %arg1, %mul3A_77 : i32
    "tpu.region"() ({
      %run_scoped3A = tpu.sem_alloc : memref<!tpu.dma_semaphore, #tpu.memory_space<semaphore_mem>>
      %dma_start3A_80 = arith.constant 0 : i32
      %dma_start3A_81 = tpu.memref_slice %arg5[%add3A_41, %mul3A_78, %dma_start3A_80] : memref<4x10112x128xf32, #tpu.memory_space<hbm>> -> memref<1x632x128xf32, #tpu.memory_space<hbm>>
      %dma_start3A_82 = tpu.memref_squeeze %dma_start3A_81 : memref<1x632x128xf32, #tpu.memory_space<hbm>> -> memref<632x128xf32, #tpu.memory_space<hbm>>
      %dma_start3A_83 = arith.constant 0 : i32
      %dma_start3A_84 = tpu.memref_slice %arg11[%mul3A_76, %dma_start3A_83] : memref<10112x128xf32, #tpu.memory_space<vmem_shared>> -> memref<632x128xf32, #tpu.memory_space<vmem_shared>>
      tpu.enqueue_dma source(%dma_start3A_84 : memref<632x128xf32, #tpu.memory_space<vmem_shared>>) target(%dma_start3A_82 : memref<632x128xf32, #tpu.memory_space<hbm>>) target_semaphore(%run_scoped3A : memref<!tpu.dma_semaphore, #tpu.memory_space<semaphore_mem>>)
      %dma_wait3A_85 = arith.constant 0 : i32
      %dma_wait3A_86 = tpu.memref_slice %arg5[%add3A_41, %mul3A_78, %dma_wait3A_85] : memref<4x10112x128xf32, #tpu.memory_space<hbm>> -> memref<1x632x128xf32, #tpu.memory_space<hbm>>
      %dma_wait3A_87 = tpu.memref_squeeze %dma_wait3A_86 : memref<1x632x128xf32, #tpu.memory_space<hbm>> -> memref<632x128xf32, #tpu.memory_space<hbm>>
      %dma_wait3A_88 = arith.constant 0 : i32
      %dma_wait3A_89 = tpu.memref_slice %arg11[%mul3A_76, %dma_wait3A_88] : memref<10112x128xf32, #tpu.memory_space<vmem_shared>> -> memref<632x128xf32, #tpu.memory_space<vmem_shared>>
      tpu.wait_dma2 semaphore(%run_scoped3A : memref<!tpu.dma_semaphore, #tpu.memory_space<semaphore_mem>>) src(%dma_wait3A_89 : memref<632x128xf32, #tpu.memory_space<vmem_shared>>) dst(%dma_wait3A_87 : memref<632x128xf32, #tpu.memory_space<hbm>>)
      tpu.yield
    }) : () -> ()
    %barrier3A_79 = arith.constant 0 : index
    tpu.barrier barrier_id(%barrier3A_79)
    return
  }
}

#map = affine_map<(d0, d1) -> (0, 0, 0)>
#map1 = affine_map<(d0, d1) -> (0)>
module attributes {stable_mosaic.version = 14 : i64} {
  func.func @agg_kernel(%arg0: i32, %arg1: i32, %arg2: memref<4x10240x128xf32, #tpu.memory_space<hbm>>, %arg3: memref<16x90x112xi32, #tpu.memory_space<hbm>>, %arg4: memref<161280xi32, #tpu.memory_space<hbm>>, %arg5: memref<4x10112x128xf32, #tpu.memory_space<hbm>>, %arg6: memref<90x112xi32, #tpu.memory_space<vmem>>, %arg7: memref<112xi32, #tpu.memory_space<vmem>>, %arg8: memref<112xi32, #tpu.memory_space<vmem>>, %arg9: memref<112x128xf32, #tpu.memory_space<vmem>>, %arg10: memref<112x128xf32, #tpu.memory_space<vmem>>, %arg11: memref<10112x128xf32, #tpu.memory_space<vmem_shared>>, %arg12: memref<!tpu.dma_semaphore, #tpu.memory_space<semaphore_mem>>, %arg13: memref<!tpu.dma_semaphore, #tpu.memory_space<semaphore_mem>>, %arg14: memref<!tpu.dma_semaphore, #tpu.memory_space<semaphore_mem>>, %arg15: memref<!tpu.dma_semaphore, #tpu.memory_space<semaphore_mem>>, %arg16: memref<!tpu.dma_semaphore, #tpu.memory_space<semaphore_mem>>, %arg17: memref<!tpu.dma_semaphore, #tpu.memory_space<semaphore_mem>>) attributes {dimension_semantics = [#tpu.dimension_semantics<core_parallel>, #tpu.dimension_semantics<subcore_parallel>], iteration_bounds = array<i64: 2, 16>, scalar_prefetch = 0 : i64, scratch_operands = 12 : i64, tpu.core_type = #tpu.core_type<sc_vector_subcore>, window_params = [{transform_indices = #map}, {transform_indices = #map}, {transform_indices = #map1}, {transform_indices = #map}]} {
    %mul3A = arith.constant 10080 : i32
    %mul3A_0 = arith.muli %arg1, %mul3A : i32
    "tpu.region"() ({
      %run_scoped3A = tpu.sem_alloc : memref<!tpu.dma_semaphore, #tpu.memory_space<semaphore_mem>>
      %dma_start3A_80 = arith.constant 0 : i32
      %dma_start3A_81 = arith.constant 0 : i32
      %dma_start3A_82 = tpu.memref_slice %arg3[%arg1, %dma_start3A_80, %dma_start3A_81] : memref<16x90x112xi32, #tpu.memory_space<hbm>> -> memref<1x90x112xi32, #tpu.memory_space<hbm>>
      %dma_start3A_83 = tpu.memref_squeeze %dma_start3A_82 : memref<1x90x112xi32, #tpu.memory_space<hbm>> -> memref<90x112xi32, #tpu.memory_space<hbm>>
      %dma_start3A_84 = arith.constant 0 : i32
      %dma_start3A_85 = arith.constant 0 : i32
      %dma_start3A_86 = tpu.memref_slice %arg3[%arg1, %dma_start3A_84, %dma_start3A_85] : memref<16x90x112xi32, #tpu.memory_space<hbm>> -> memref<1x90x112xi32, #tpu.memory_space<hbm>>
      %dma_start3A_87 = tpu.memref_squeeze %dma_start3A_86 : memref<1x90x112xi32, #tpu.memory_space<hbm>> -> memref<90x112xi32, #tpu.memory_space<hbm>>
      tpu.enqueue_dma source(%dma_start3A_87 : memref<90x112xi32, #tpu.memory_space<hbm>>) target(%arg6 : memref<90x112xi32, #tpu.memory_space<vmem>>) target_semaphore(%run_scoped3A : memref<!tpu.dma_semaphore, #tpu.memory_space<semaphore_mem>>)
      %dma_wait3A_88 = arith.constant 0 : i32
      %dma_wait3A_89 = arith.constant 0 : i32
      %dma_wait3A_90 = tpu.memref_slice %arg3[%arg1, %dma_wait3A_88, %dma_wait3A_89] : memref<16x90x112xi32, #tpu.memory_space<hbm>> -> memref<1x90x112xi32, #tpu.memory_space<hbm>>
      %dma_wait3A_91 = tpu.memref_squeeze %dma_wait3A_90 : memref<1x90x112xi32, #tpu.memory_space<hbm>> -> memref<90x112xi32, #tpu.memory_space<hbm>>
      %dma_wait3A_92 = arith.constant 0 : i32
      %dma_wait3A_93 = arith.constant 0 : i32
      %dma_wait3A_94 = tpu.memref_slice %arg3[%arg1, %dma_wait3A_92, %dma_wait3A_93] : memref<16x90x112xi32, #tpu.memory_space<hbm>> -> memref<1x90x112xi32, #tpu.memory_space<hbm>>
      %dma_wait3A_95 = tpu.memref_squeeze %dma_wait3A_94 : memref<1x90x112xi32, #tpu.memory_space<hbm>> -> memref<90x112xi32, #tpu.memory_space<hbm>>
      tpu.wait_dma2 semaphore(%run_scoped3A : memref<!tpu.dma_semaphore, #tpu.memory_space<semaphore_mem>>) src(%dma_wait3A_95 : memref<90x112xi32, #tpu.memory_space<hbm>>) dst(%arg6 : memref<90x112xi32, #tpu.memory_space<vmem>>)
      tpu.yield
    }) : () -> ()
    %mul3A_1 = arith.constant 2 : i32
    %mul3A_2 = arith.muli %arg0, %mul3A_1 : i32
    %add3A = arith.constant 0 : i32
    %add3A_3 = arith.addi %mul3A_2, %add3A : i32
    %mul3A_4 = arith.constant 632 : i32
    %mul3A_5 = arith.muli %arg1, %mul3A_4 : i32
    %mul3A_6 = arith.constant 632 : i32
    %mul3A_7 = arith.muli %arg1, %mul3A_6 : i32
    "tpu.region"() ({
      %run_scoped3A = tpu.sem_alloc : memref<!tpu.dma_semaphore, #tpu.memory_space<semaphore_mem>>
      %dma_start3A_80 = arith.constant 0 : i32
      %dma_start3A_81 = tpu.memref_slice %arg11[%mul3A_7, %dma_start3A_80] : memref<10112x128xf32, #tpu.memory_space<vmem_shared>> -> memref<632x128xf32, #tpu.memory_space<vmem_shared>>
      %dma_start3A_82 = arith.constant 0 : i32
      %dma_start3A_83 = tpu.memref_slice %arg2[%add3A_3, %mul3A_5, %dma_start3A_82] : memref<4x10240x128xf32, #tpu.memory_space<hbm>> -> memref<1x632x128xf32, #tpu.memory_space<hbm>>
      %dma_start3A_84 = tpu.memref_squeeze %dma_start3A_83 : memref<1x632x128xf32, #tpu.memory_space<hbm>> -> memref<632x128xf32, #tpu.memory_space<hbm>>
      tpu.enqueue_dma source(%dma_start3A_84 : memref<632x128xf32, #tpu.memory_space<hbm>>) target(%dma_start3A_81 : memref<632x128xf32, #tpu.memory_space<vmem_shared>>) target_semaphore(%run_scoped3A : memref<!tpu.dma_semaphore, #tpu.memory_space<semaphore_mem>>)
      %dma_wait3A_85 = arith.constant 0 : i32
      %dma_wait3A_86 = tpu.memref_slice %arg11[%mul3A_7, %dma_wait3A_85] : memref<10112x128xf32, #tpu.memory_space<vmem_shared>> -> memref<632x128xf32, #tpu.memory_space<vmem_shared>>
      %dma_wait3A_87 = arith.constant 0 : i32
      %dma_wait3A_88 = tpu.memref_slice %arg2[%add3A_3, %mul3A_5, %dma_wait3A_87] : memref<4x10240x128xf32, #tpu.memory_space<hbm>> -> memref<1x632x128xf32, #tpu.memory_space<hbm>>
      %dma_wait3A_89 = tpu.memref_squeeze %dma_wait3A_88 : memref<1x632x128xf32, #tpu.memory_space<hbm>> -> memref<632x128xf32, #tpu.memory_space<hbm>>
      tpu.wait_dma2 semaphore(%run_scoped3A : memref<!tpu.dma_semaphore, #tpu.memory_space<semaphore_mem>>) src(%dma_wait3A_89 : memref<632x128xf32, #tpu.memory_space<hbm>>) dst(%dma_wait3A_86 : memref<632x128xf32, #tpu.memory_space<vmem_shared>>)
      tpu.yield
    }) : () -> ()
    %barrier3A = arith.constant 0 : index
    tpu.barrier barrier_id(%barrier3A)
    %add3A_8 = arith.constant 0 : i32
    %add3A_9 = arith.addi %mul3A_0, %add3A_8 : i32
    %dma_start3A = tpu.memref_slice %arg4[%add3A_9] : memref<161280xi32, #tpu.memory_space<hbm>> -> memref<112xi32, #tpu.memory_space<hbm>>
    %dma_start3A_10 = tpu.memref_slice %arg4[%add3A_9] : memref<161280xi32, #tpu.memory_space<hbm>> -> memref<112xi32, #tpu.memory_space<hbm>>
    tpu.enqueue_dma source(%dma_start3A_10 : memref<112xi32, #tpu.memory_space<hbm>>) target(%arg7 : memref<112xi32, #tpu.memory_space<vmem>>) target_semaphore(%arg16 : memref<!tpu.dma_semaphore, #tpu.memory_space<semaphore_mem>>)
    %dma_start3A_11 = arith.constant 0 : i32
    %dma_start3A_12 = arith.constant 0 : i32
    %dma_start3A_13 = tpu.memref_slice %arg6[%dma_start3A_11, %dma_start3A_12] : memref<90x112xi32, #tpu.memory_space<vmem>> -> memref<1x112xi32, #tpu.memory_space<vmem>>
    %dma_start3A_14 = tpu.memref_squeeze %dma_start3A_13 : memref<1x112xi32, #tpu.memory_space<vmem>> -> memref<112xi32, #tpu.memory_space<vmem>>
    %dma_start3A_15 = arith.constant 0 : i32
    %dma_start3A_16 = arith.constant 0 : i32
    %dma_start3A_17 = tpu.memref_slice %arg2[%add3A_3, %dma_start3A_15, %dma_start3A_16] : memref<4x10240x128xf32, #tpu.memory_space<hbm>> -> memref<1x10240x128xf32, #tpu.memory_space<hbm>>
    %dma_start3A_18 = tpu.memref_squeeze %dma_start3A_17 : memref<1x10240x128xf32, #tpu.memory_space<hbm>> -> memref<10240x128xf32, #tpu.memory_space<hbm>>
    %dma_start3A_19 = arith.constant 0 : i32
    %dma_start3A_20 = arith.constant 0 : i32
    %dma_start3A_21 = tpu.memref_slice %dma_start3A_18[%dma_start3A_19, %dma_start3A_20] : memref<10240x128xf32, #tpu.memory_space<hbm>> -> memref<10240x128xf32, #tpu.memory_space<hbm>>
    tpu.enqueue_indirect_dma source(%dma_start3A_21 : memref<10240x128xf32, #tpu.memory_space<hbm>>) target(%arg9 : memref<112x128xf32, #tpu.memory_space<vmem>>) offsets(%dma_start3A_14 : memref<112xi32, #tpu.memory_space<vmem>>) semaphore(%arg12 : memref<!tpu.dma_semaphore, #tpu.memory_space<semaphore_mem>>)
    %scan3A = arith.constant 0 : i32
    %scan3A_22 = arith.constant 0 : i32
    %scan3A_23 = arith.constant 45 : i32
    %scan3A_24 = arith.addi %scan3A_22, %scan3A_23 : i32
    %scan3A_25 = arith.constant 1 : i32
    scf.for %scan3A_80 = %scan3A_22 to %scan3A_24 step %scan3A_25  : i32 {
      %mul3A_81 = arith.constant 2 : i32
      %mul3A_82 = arith.muli %scan3A_80, %mul3A_81 : i32
      %add3A_83 = arith.constant 0 : i32
      %add3A_84 = arith.addi %mul3A_82, %add3A_83 : i32
      %add3A_85 = arith.constant 1 : i32
      %add3A_86 = arith.addi %add3A_84, %add3A_85 : i32
      %lt3A = arith.constant 90 : i32
      %lt3A_87 = arith.cmpi slt, %add3A_86, %lt3A : i32
      %convert_element_type3A = arith.extui %lt3A_87 : i1 to i32
      %cond3A = arith.constant 0 : i32
      %cond3A_88 = arith.cmpi ne, %convert_element_type3A, %cond3A : i32
      scf.if %cond3A_88 {
        %ge3A = arith.constant 1 : i32
        %ge3A_136 = arith.cmpi sge, %add3A_84, %ge3A : i32
        %convert_element_type3A_137 = arith.extui %ge3A_136 : i1 to i32
        %cond3A_138 = arith.constant 0 : i32
        %cond3A_139 = arith.cmpi ne, %convert_element_type3A_137, %cond3A_138 : i32
        scf.if %cond3A_139 {
          %dma_wait3A_157 = arith.constant 0 : i32
          %dma_wait3A_158 = arith.constant 0 : i32
          %dma_wait3A_159 = tpu.memref_slice %arg11[%dma_wait3A_157, %dma_wait3A_158] : memref<10112x128xf32, #tpu.memory_space<vmem_shared>> -> memref<10112x128xf32, #tpu.memory_space<vmem_shared>>
          tpu.wait_indirect_dma semaphore(%arg15 : memref<!tpu.dma_semaphore, #tpu.memory_space<semaphore_mem>>) src(%arg10 : memref<112x128xf32, #tpu.memory_space<vmem>>) dst(%dma_wait3A_159 : memref<10112x128xf32, #tpu.memory_space<vmem_shared>>)
        } else {
        }
        %add3A_140 = arith.constant 1 : i32
        %add3A_141 = arith.addi %add3A_84, %add3A_140 : i32
        %mul3A_142 = arith.constant 112 : i32
        %mul3A_143 = arith.muli %add3A_141, %mul3A_142 : i32
        %add3A_144 = arith.addi %mul3A_0, %mul3A_143 : i32
        %dma_start3A_145 = tpu.memref_slice %arg4[%add3A_144] : memref<161280xi32, #tpu.memory_space<hbm>> -> memref<112xi32, #tpu.memory_space<hbm>>
        %dma_start3A_146 = tpu.memref_slice %arg4[%add3A_144] : memref<161280xi32, #tpu.memory_space<hbm>> -> memref<112xi32, #tpu.memory_space<hbm>>
        tpu.enqueue_dma source(%dma_start3A_146 : memref<112xi32, #tpu.memory_space<hbm>>) target(%arg8 : memref<112xi32, #tpu.memory_space<vmem>>) target_semaphore(%arg17 : memref<!tpu.dma_semaphore, #tpu.memory_space<semaphore_mem>>)
        %dma_start3A_147 = arith.constant 0 : i32
        %dma_start3A_148 = tpu.memref_slice %arg6[%add3A_141, %dma_start3A_147] : memref<90x112xi32, #tpu.memory_space<vmem>> -> memref<1x112xi32, #tpu.memory_space<vmem>>
        %dma_start3A_149 = tpu.memref_squeeze %dma_start3A_148 : memref<1x112xi32, #tpu.memory_space<vmem>> -> memref<112xi32, #tpu.memory_space<vmem>>
        %dma_start3A_150 = arith.constant 0 : i32
        %dma_start3A_151 = arith.constant 0 : i32
        %dma_start3A_152 = tpu.memref_slice %arg2[%add3A_3, %dma_start3A_150, %dma_start3A_151] : memref<4x10240x128xf32, #tpu.memory_space<hbm>> -> memref<1x10240x128xf32, #tpu.memory_space<hbm>>
        %dma_start3A_153 = tpu.memref_squeeze %dma_start3A_152 : memref<1x10240x128xf32, #tpu.memory_space<hbm>> -> memref<10240x128xf32, #tpu.memory_space<hbm>>
        %dma_start3A_154 = arith.constant 0 : i32
        %dma_start3A_155 = arith.constant 0 : i32
        %dma_start3A_156 = tpu.memref_slice %dma_start3A_153[%dma_start3A_154, %dma_start3A_155] : memref<10240x128xf32, #tpu.memory_space<hbm>> -> memref<10240x128xf32, #tpu.memory_space<hbm>>
        tpu.enqueue_indirect_dma source(%dma_start3A_156 : memref<10240x128xf32, #tpu.memory_space<hbm>>) target(%arg10 : memref<112x128xf32, #tpu.memory_space<vmem>>) offsets(%dma_start3A_149 : memref<112xi32, #tpu.memory_space<vmem>>) semaphore(%arg13 : memref<!tpu.dma_semaphore, #tpu.memory_space<semaphore_mem>>)
      } else {
      }
      %mul3A_89 = arith.constant 112 : i32
      %mul3A_90 = arith.muli %add3A_84, %mul3A_89 : i32
      %add3A_91 = arith.addi %mul3A_0, %mul3A_90 : i32
      %dma_wait3A_92 = tpu.memref_slice %arg4[%add3A_91] : memref<161280xi32, #tpu.memory_space<hbm>> -> memref<112xi32, #tpu.memory_space<hbm>>
      %dma_wait3A_93 = tpu.memref_slice %arg4[%add3A_91] : memref<161280xi32, #tpu.memory_space<hbm>> -> memref<112xi32, #tpu.memory_space<hbm>>
      tpu.wait_dma2 semaphore(%arg16 : memref<!tpu.dma_semaphore, #tpu.memory_space<semaphore_mem>>) src(%dma_wait3A_93 : memref<112xi32, #tpu.memory_space<hbm>>) dst(%arg7 : memref<112xi32, #tpu.memory_space<vmem>>)
      %dma_wait3A_94 = arith.constant 0 : i32
      %dma_wait3A_95 = tpu.memref_slice %arg6[%add3A_84, %dma_wait3A_94] : memref<90x112xi32, #tpu.memory_space<vmem>> -> memref<1x112xi32, #tpu.memory_space<vmem>>
      %dma_wait3A_96 = tpu.memref_squeeze %dma_wait3A_95 : memref<1x112xi32, #tpu.memory_space<vmem>> -> memref<112xi32, #tpu.memory_space<vmem>>
      %dma_wait3A_97 = arith.constant 0 : i32
      %dma_wait3A_98 = arith.constant 0 : i32
      %dma_wait3A_99 = tpu.memref_slice %arg2[%add3A_3, %dma_wait3A_97, %dma_wait3A_98] : memref<4x10240x128xf32, #tpu.memory_space<hbm>> -> memref<1x10240x128xf32, #tpu.memory_space<hbm>>
      %dma_wait3A_100 = tpu.memref_squeeze %dma_wait3A_99 : memref<1x10240x128xf32, #tpu.memory_space<hbm>> -> memref<10240x128xf32, #tpu.memory_space<hbm>>
      %dma_wait3A_101 = arith.constant 0 : i32
      %dma_wait3A_102 = arith.constant 0 : i32
      %dma_wait3A_103 = tpu.memref_slice %dma_wait3A_100[%dma_wait3A_101, %dma_wait3A_102] : memref<10240x128xf32, #tpu.memory_space<hbm>> -> memref<10240x128xf32, #tpu.memory_space<hbm>>
      tpu.wait_indirect_dma semaphore(%arg12 : memref<!tpu.dma_semaphore, #tpu.memory_space<semaphore_mem>>) src(%dma_wait3A_103 : memref<10240x128xf32, #tpu.memory_space<hbm>>) dst(%arg9 : memref<112x128xf32, #tpu.memory_space<vmem>>)
      %dma_start3A_104 = arith.constant 0 : i32
      %dma_start3A_105 = arith.constant 0 : i32
      %dma_start3A_106 = tpu.memref_slice %arg11[%dma_start3A_104, %dma_start3A_105] : memref<10112x128xf32, #tpu.memory_space<vmem_shared>> -> memref<10112x128xf32, #tpu.memory_space<vmem_shared>>
      tpu.enqueue_indirect_dma source(%arg9 : memref<112x128xf32, #tpu.memory_space<vmem>>) target(%dma_start3A_106 : memref<10112x128xf32, #tpu.memory_space<vmem_shared>>) offsets(%arg7 : memref<112xi32, #tpu.memory_space<vmem>>) semaphore(%arg14 : memref<!tpu.dma_semaphore, #tpu.memory_space<semaphore_mem>>) {add = true}
      %mul3A_107 = arith.constant 2 : i32
      %mul3A_108 = arith.muli %scan3A_80, %mul3A_107 : i32
      %add3A_109 = arith.constant 1 : i32
      %add3A_110 = arith.addi %mul3A_108, %add3A_109 : i32
      %add3A_111 = arith.constant 1 : i32
      %add3A_112 = arith.addi %add3A_110, %add3A_111 : i32
      %lt3A_113 = arith.constant 90 : i32
      %lt3A_114 = arith.cmpi slt, %add3A_112, %lt3A_113 : i32
      %convert_element_type3A_115 = arith.extui %lt3A_114 : i1 to i32
      %cond3A_116 = arith.constant 0 : i32
      %cond3A_117 = arith.cmpi ne, %convert_element_type3A_115, %cond3A_116 : i32
      scf.if %cond3A_117 {
        %ge3A = arith.constant 1 : i32
        %ge3A_136 = arith.cmpi sge, %add3A_110, %ge3A : i32
        %convert_element_type3A_137 = arith.extui %ge3A_136 : i1 to i32
        %cond3A_138 = arith.constant 0 : i32
        %cond3A_139 = arith.cmpi ne, %convert_element_type3A_137, %cond3A_138 : i32
        scf.if %cond3A_139 {
          %dma_wait3A_157 = arith.constant 0 : i32
          %dma_wait3A_158 = arith.constant 0 : i32
          %dma_wait3A_159 = tpu.memref_slice %arg11[%dma_wait3A_157, %dma_wait3A_158] : memref<10112x128xf32, #tpu.memory_space<vmem_shared>> -> memref<10112x128xf32, #tpu.memory_space<vmem_shared>>
          tpu.wait_indirect_dma semaphore(%arg14 : memref<!tpu.dma_semaphore, #tpu.memory_space<semaphore_mem>>) src(%arg9 : memref<112x128xf32, #tpu.memory_space<vmem>>) dst(%dma_wait3A_159 : memref<10112x128xf32, #tpu.memory_space<vmem_shared>>)
        } else {
        }
        %add3A_140 = arith.constant 1 : i32
        %add3A_141 = arith.addi %add3A_110, %add3A_140 : i32
        %mul3A_142 = arith.constant 112 : i32
        %mul3A_143 = arith.muli %add3A_141, %mul3A_142 : i32
        %add3A_144 = arith.addi %mul3A_0, %mul3A_143 : i32
        %dma_start3A_145 = tpu.memref_slice %arg4[%add3A_144] : memref<161280xi32, #tpu.memory_space<hbm>> -> memref<112xi32, #tpu.memory_space<hbm>>
        %dma_start3A_146 = tpu.memref_slice %arg4[%add3A_144] : memref<161280xi32, #tpu.memory_space<hbm>> -> memref<112xi32, #tpu.memory_space<hbm>>
        tpu.enqueue_dma source(%dma_start3A_146 : memref<112xi32, #tpu.memory_space<hbm>>) target(%arg7 : memref<112xi32, #tpu.memory_space<vmem>>) target_semaphore(%arg16 : memref<!tpu.dma_semaphore, #tpu.memory_space<semaphore_mem>>)
        %dma_start3A_147 = arith.constant 0 : i32
        %dma_start3A_148 = tpu.memref_slice %arg6[%add3A_141, %dma_start3A_147] : memref<90x112xi32, #tpu.memory_space<vmem>> -> memref<1x112xi32, #tpu.memory_space<vmem>>
        %dma_start3A_149 = tpu.memref_squeeze %dma_start3A_148 : memref<1x112xi32, #tpu.memory_space<vmem>> -> memref<112xi32, #tpu.memory_space<vmem>>
        %dma_start3A_150 = arith.constant 0 : i32
        %dma_start3A_151 = arith.constant 0 : i32
        %dma_start3A_152 = tpu.memref_slice %arg2[%add3A_3, %dma_start3A_150, %dma_start3A_151] : memref<4x10240x128xf32, #tpu.memory_space<hbm>> -> memref<1x10240x128xf32, #tpu.memory_space<hbm>>
        %dma_start3A_153 = tpu.memref_squeeze %dma_start3A_152 : memref<1x10240x128xf32, #tpu.memory_space<hbm>> -> memref<10240x128xf32, #tpu.memory_space<hbm>>
        %dma_start3A_154 = arith.constant 0 : i32
        %dma_start3A_155 = arith.constant 0 : i32
        %dma_start3A_156 = tpu.memref_slice %dma_start3A_153[%dma_start3A_154, %dma_start3A_155] : memref<10240x128xf32, #tpu.memory_space<hbm>> -> memref<10240x128xf32, #tpu.memory_space<hbm>>
        tpu.enqueue_indirect_dma source(%dma_start3A_156 : memref<10240x128xf32, #tpu.memory_space<hbm>>) target(%arg9 : memref<112x128xf32, #tpu.memory_space<vmem>>) offsets(%dma_start3A_149 : memref<112xi32, #tpu.memory_space<vmem>>) semaphore(%arg12 : memref<!tpu.dma_semaphore, #tpu.memory_space<semaphore_mem>>)
      } else {
      }
      %mul3A_118 = arith.constant 112 : i32
      %mul3A_119 = arith.muli %add3A_110, %mul3A_118 : i32
      %add3A_120 = arith.addi %mul3A_0, %mul3A_119 : i32
      %dma_wait3A_121 = tpu.memref_slice %arg4[%add3A_120] : memref<161280xi32, #tpu.memory_space<hbm>> -> memref<112xi32, #tpu.memory_space<hbm>>
      %dma_wait3A_122 = tpu.memref_slice %arg4[%add3A_120] : memref<161280xi32, #tpu.memory_space<hbm>> -> memref<112xi32, #tpu.memory_space<hbm>>
      tpu.wait_dma2 semaphore(%arg17 : memref<!tpu.dma_semaphore, #tpu.memory_space<semaphore_mem>>) src(%dma_wait3A_122 : memref<112xi32, #tpu.memory_space<hbm>>) dst(%arg8 : memref<112xi32, #tpu.memory_space<vmem>>)
      %dma_wait3A_123 = arith.constant 0 : i32
      %dma_wait3A_124 = tpu.memref_slice %arg6[%add3A_110, %dma_wait3A_123] : memref<90x112xi32, #tpu.memory_space<vmem>> -> memref<1x112xi32, #tpu.memory_space<vmem>>
      %dma_wait3A_125 = tpu.memref_squeeze %dma_wait3A_124 : memref<1x112xi32, #tpu.memory_space<vmem>> -> memref<112xi32, #tpu.memory_space<vmem>>
      %dma_wait3A_126 = arith.constant 0 : i32
      %dma_wait3A_127 = arith.constant 0 : i32
      %dma_wait3A_128 = tpu.memref_slice %arg2[%add3A_3, %dma_wait3A_126, %dma_wait3A_127] : memref<4x10240x128xf32, #tpu.memory_space<hbm>> -> memref<1x10240x128xf32, #tpu.memory_space<hbm>>
      %dma_wait3A_129 = tpu.memref_squeeze %dma_wait3A_128 : memref<1x10240x128xf32, #tpu.memory_space<hbm>> -> memref<10240x128xf32, #tpu.memory_space<hbm>>
      %dma_wait3A_130 = arith.constant 0 : i32
      %dma_wait3A_131 = arith.constant 0 : i32
      %dma_wait3A_132 = tpu.memref_slice %dma_wait3A_129[%dma_wait3A_130, %dma_wait3A_131] : memref<10240x128xf32, #tpu.memory_space<hbm>> -> memref<10240x128xf32, #tpu.memory_space<hbm>>
      tpu.wait_indirect_dma semaphore(%arg13 : memref<!tpu.dma_semaphore, #tpu.memory_space<semaphore_mem>>) src(%dma_wait3A_132 : memref<10240x128xf32, #tpu.memory_space<hbm>>) dst(%arg10 : memref<112x128xf32, #tpu.memory_space<vmem>>)
      %dma_start3A_133 = arith.constant 0 : i32
      %dma_start3A_134 = arith.constant 0 : i32
      %dma_start3A_135 = tpu.memref_slice %arg11[%dma_start3A_133, %dma_start3A_134] : memref<10112x128xf32, #tpu.memory_space<vmem_shared>> -> memref<10112x128xf32, #tpu.memory_space<vmem_shared>>
      tpu.enqueue_indirect_dma source(%arg10 : memref<112x128xf32, #tpu.memory_space<vmem>>) target(%dma_start3A_135 : memref<10112x128xf32, #tpu.memory_space<vmem_shared>>) offsets(%arg8 : memref<112xi32, #tpu.memory_space<vmem>>) semaphore(%arg15 : memref<!tpu.dma_semaphore, #tpu.memory_space<semaphore_mem>>) {add = true}
    }
    %scan3A_26 = arith.constant 45 : i32
    %dma_wait3A = arith.constant 0 : i32
    %dma_wait3A_27 = arith.constant 0 : i32
    %dma_wait3A_28 = tpu.memref_slice %arg11[%dma_wait3A, %dma_wait3A_27] : memref<10112x128xf32, #tpu.memory_space<vmem_shared>> -> memref<10112x128xf32, #tpu.memory_space<vmem_shared>>
    tpu.wait_indirect_dma semaphore(%arg14 : memref<!tpu.dma_semaphore, #tpu.memory_space<semaphore_mem>>) src(%arg9 : memref<112x128xf32, #tpu.memory_space<vmem>>) dst(%dma_wait3A_28 : memref<10112x128xf32, #tpu.memory_space<vmem_shared>>)
    %dma_wait3A_29 = arith.constant 0 : i32
    %dma_wait3A_30 = arith.constant 0 : i32
    %dma_wait3A_31 = tpu.memref_slice %arg11[%dma_wait3A_29, %dma_wait3A_30] : memref<10112x128xf32, #tpu.memory_space<vmem_shared>> -> memref<10112x128xf32, #tpu.memory_space<vmem_shared>>
    tpu.wait_indirect_dma semaphore(%arg15 : memref<!tpu.dma_semaphore, #tpu.memory_space<semaphore_mem>>) src(%arg10 : memref<112x128xf32, #tpu.memory_space<vmem>>) dst(%dma_wait3A_31 : memref<10112x128xf32, #tpu.memory_space<vmem_shared>>)
    %barrier3A_32 = arith.constant 0 : index
    tpu.barrier barrier_id(%barrier3A_32)
    %mul3A_33 = arith.constant 632 : i32
    %mul3A_34 = arith.muli %arg1, %mul3A_33 : i32
    %mul3A_35 = arith.constant 632 : i32
    %mul3A_36 = arith.muli %arg1, %mul3A_35 : i32
    "tpu.region"() ({
      %run_scoped3A = tpu.sem_alloc : memref<!tpu.dma_semaphore, #tpu.memory_space<semaphore_mem>>
      %dma_start3A_80 = arith.constant 0 : i32
      %dma_start3A_81 = tpu.memref_slice %arg5[%add3A_3, %mul3A_36, %dma_start3A_80] : memref<4x10112x128xf32, #tpu.memory_space<hbm>> -> memref<1x632x128xf32, #tpu.memory_space<hbm>>
      %dma_start3A_82 = tpu.memref_squeeze %dma_start3A_81 : memref<1x632x128xf32, #tpu.memory_space<hbm>> -> memref<632x128xf32, #tpu.memory_space<hbm>>
      %dma_start3A_83 = arith.constant 0 : i32
      %dma_start3A_84 = tpu.memref_slice %arg11[%mul3A_34, %dma_start3A_83] : memref<10112x128xf32, #tpu.memory_space<vmem_shared>> -> memref<632x128xf32, #tpu.memory_space<vmem_shared>>
      tpu.enqueue_dma source(%dma_start3A_84 : memref<632x128xf32, #tpu.memory_space<vmem_shared>>) target(%dma_start3A_82 : memref<632x128xf32, #tpu.memory_space<hbm>>) target_semaphore(%run_scoped3A : memref<!tpu.dma_semaphore, #tpu.memory_space<semaphore_mem>>)
      %dma_wait3A_85 = arith.constant 0 : i32
      %dma_wait3A_86 = tpu.memref_slice %arg5[%add3A_3, %mul3A_36, %dma_wait3A_85] : memref<4x10112x128xf32, #tpu.memory_space<hbm>> -> memref<1x632x128xf32, #tpu.memory_space<hbm>>
      %dma_wait3A_87 = tpu.memref_squeeze %dma_wait3A_86 : memref<1x632x128xf32, #tpu.memory_space<hbm>> -> memref<632x128xf32, #tpu.memory_space<hbm>>
      %dma_wait3A_88 = arith.constant 0 : i32
      %dma_wait3A_89 = tpu.memref_slice %arg11[%mul3A_34, %dma_wait3A_88] : memref<10112x128xf32, #tpu.memory_space<vmem_shared>> -> memref<632x128xf32, #tpu.memory_space<vmem_shared>>
      tpu.wait_dma2 semaphore(%run_scoped3A : memref<!tpu.dma_semaphore, #tpu.memory_space<semaphore_mem>>) src(%dma_wait3A_89 : memref<632x128xf32, #tpu.memory_space<vmem_shared>>) dst(%dma_wait3A_87 : memref<632x128xf32, #tpu.memory_space<hbm>>)
      tpu.yield
    }) : () -> ()
    %barrier3A_37 = arith.constant 0 : index
    tpu.barrier barrier_id(%barrier3A_37)
    %mul3A_38 = arith.constant 2 : i32
    %mul3A_39 = arith.muli %arg0, %mul3A_38 : i32
    %add3A_40 = arith.constant 1 : i32
    %add3A_41 = arith.addi %mul3A_39, %add3A_40 : i32
    %mul3A_42 = arith.constant 632 : i32
    %mul3A_43 = arith.muli %arg1, %mul3A_42 : i32
    %mul3A_44 = arith.constant 632 : i32
    %mul3A_45 = arith.muli %arg1, %mul3A_44 : i32
    "tpu.region"() ({
      %run_scoped3A = tpu.sem_alloc : memref<!tpu.dma_semaphore, #tpu.memory_space<semaphore_mem>>
      %dma_start3A_80 = arith.constant 0 : i32
      %dma_start3A_81 = tpu.memref_slice %arg11[%mul3A_45, %dma_start3A_80] : memref<10112x128xf32, #tpu.memory_space<vmem_shared>> -> memref<632x128xf32, #tpu.memory_space<vmem_shared>>
      %dma_start3A_82 = arith.constant 0 : i32
      %dma_start3A_83 = tpu.memref_slice %arg2[%add3A_41, %mul3A_43, %dma_start3A_82] : memref<4x10240x128xf32, #tpu.memory_space<hbm>> -> memref<1x632x128xf32, #tpu.memory_space<hbm>>
      %dma_start3A_84 = tpu.memref_squeeze %dma_start3A_83 : memref<1x632x128xf32, #tpu.memory_space<hbm>> -> memref<632x128xf32, #tpu.memory_space<hbm>>
      tpu.enqueue_dma source(%dma_start3A_84 : memref<632x128xf32, #tpu.memory_space<hbm>>) target(%dma_start3A_81 : memref<632x128xf32, #tpu.memory_space<vmem_shared>>) target_semaphore(%run_scoped3A : memref<!tpu.dma_semaphore, #tpu.memory_space<semaphore_mem>>)
      %dma_wait3A_85 = arith.constant 0 : i32
      %dma_wait3A_86 = tpu.memref_slice %arg11[%mul3A_45, %dma_wait3A_85] : memref<10112x128xf32, #tpu.memory_space<vmem_shared>> -> memref<632x128xf32, #tpu.memory_space<vmem_shared>>
      %dma_wait3A_87 = arith.constant 0 : i32
      %dma_wait3A_88 = tpu.memref_slice %arg2[%add3A_41, %mul3A_43, %dma_wait3A_87] : memref<4x10240x128xf32, #tpu.memory_space<hbm>> -> memref<1x632x128xf32, #tpu.memory_space<hbm>>
      %dma_wait3A_89 = tpu.memref_squeeze %dma_wait3A_88 : memref<1x632x128xf32, #tpu.memory_space<hbm>> -> memref<632x128xf32, #tpu.memory_space<hbm>>
      tpu.wait_dma2 semaphore(%run_scoped3A : memref<!tpu.dma_semaphore, #tpu.memory_space<semaphore_mem>>) src(%dma_wait3A_89 : memref<632x128xf32, #tpu.memory_space<hbm>>) dst(%dma_wait3A_86 : memref<632x128xf32, #tpu.memory_space<vmem_shared>>)
      tpu.yield
    }) : () -> ()
    %barrier3A_46 = arith.constant 0 : index
    tpu.barrier barrier_id(%barrier3A_46)
    %add3A_47 = arith.constant 0 : i32
    %add3A_48 = arith.addi %mul3A_0, %add3A_47 : i32
    %dma_start3A_49 = tpu.memref_slice %arg4[%add3A_48] : memref<161280xi32, #tpu.memory_space<hbm>> -> memref<112xi32, #tpu.memory_space<hbm>>
    %dma_start3A_50 = tpu.memref_slice %arg4[%add3A_48] : memref<161280xi32, #tpu.memory_space<hbm>> -> memref<112xi32, #tpu.memory_space<hbm>>
    tpu.enqueue_dma source(%dma_start3A_50 : memref<112xi32, #tpu.memory_space<hbm>>) target(%arg7 : memref<112xi32, #tpu.memory_space<vmem>>) target_semaphore(%arg16 : memref<!tpu.dma_semaphore, #tpu.memory_space<semaphore_mem>>)
    %dma_start3A_51 = arith.constant 0 : i32
    %dma_start3A_52 = arith.constant 0 : i32
    %dma_start3A_53 = tpu.memref_slice %arg6[%dma_start3A_51, %dma_start3A_52] : memref<90x112xi32, #tpu.memory_space<vmem>> -> memref<1x112xi32, #tpu.memory_space<vmem>>
    %dma_start3A_54 = tpu.memref_squeeze %dma_start3A_53 : memref<1x112xi32, #tpu.memory_space<vmem>> -> memref<112xi32, #tpu.memory_space<vmem>>
    %dma_start3A_55 = arith.constant 0 : i32
    %dma_start3A_56 = arith.constant 0 : i32
    %dma_start3A_57 = tpu.memref_slice %arg2[%add3A_41, %dma_start3A_55, %dma_start3A_56] : memref<4x10240x128xf32, #tpu.memory_space<hbm>> -> memref<1x10240x128xf32, #tpu.memory_space<hbm>>
    %dma_start3A_58 = tpu.memref_squeeze %dma_start3A_57 : memref<1x10240x128xf32, #tpu.memory_space<hbm>> -> memref<10240x128xf32, #tpu.memory_space<hbm>>
    %dma_start3A_59 = arith.constant 0 : i32
    %dma_start3A_60 = arith.constant 0 : i32
    %dma_start3A_61 = tpu.memref_slice %dma_start3A_58[%dma_start3A_59, %dma_start3A_60] : memref<10240x128xf32, #tpu.memory_space<hbm>> -> memref<10240x128xf32, #tpu.memory_space<hbm>>
    tpu.enqueue_indirect_dma source(%dma_start3A_61 : memref<10240x128xf32, #tpu.memory_space<hbm>>) target(%arg9 : memref<112x128xf32, #tpu.memory_space<vmem>>) offsets(%dma_start3A_54 : memref<112xi32, #tpu.memory_space<vmem>>) semaphore(%arg12 : memref<!tpu.dma_semaphore, #tpu.memory_space<semaphore_mem>>)
    %scan3A_62 = arith.constant 0 : i32
    %scan3A_63 = arith.constant 0 : i32
    %scan3A_64 = arith.constant 45 : i32
    %scan3A_65 = arith.addi %scan3A_63, %scan3A_64 : i32
    %scan3A_66 = arith.constant 1 : i32
    scf.for %scan3A_80 = %scan3A_63 to %scan3A_65 step %scan3A_66  : i32 {
      %mul3A_81 = arith.constant 2 : i32
      %mul3A_82 = arith.muli %scan3A_80, %mul3A_81 : i32
      %add3A_83 = arith.constant 0 : i32
      %add3A_84 = arith.addi %mul3A_82, %add3A_83 : i32
      %add3A_85 = arith.constant 1 : i32
      %add3A_86 = arith.addi %add3A_84, %add3A_85 : i32
      %lt3A = arith.constant 90 : i32
      %lt3A_87 = arith.cmpi slt, %add3A_86, %lt3A : i32
      %convert_element_type3A = arith.extui %lt3A_87 : i1 to i32
      %cond3A = arith.constant 0 : i32
      %cond3A_88 = arith.cmpi ne, %convert_element_type3A, %cond3A : i32
      scf.if %cond3A_88 {
        %ge3A = arith.constant 1 : i32
        %ge3A_136 = arith.cmpi sge, %add3A_84, %ge3A : i32
        %convert_element_type3A_137 = arith.extui %ge3A_136 : i1 to i32
        %cond3A_138 = arith.constant 0 : i32
        %cond3A_139 = arith.cmpi ne, %convert_element_type3A_137, %cond3A_138 : i32
        scf.if %cond3A_139 {
          %dma_wait3A_157 = arith.constant 0 : i32
          %dma_wait3A_158 = arith.constant 0 : i32
          %dma_wait3A_159 = tpu.memref_slice %arg11[%dma_wait3A_157, %dma_wait3A_158] : memref<10112x128xf32, #tpu.memory_space<vmem_shared>> -> memref<10112x128xf32, #tpu.memory_space<vmem_shared>>
          tpu.wait_indirect_dma semaphore(%arg15 : memref<!tpu.dma_semaphore, #tpu.memory_space<semaphore_mem>>) src(%arg10 : memref<112x128xf32, #tpu.memory_space<vmem>>) dst(%dma_wait3A_159 : memref<10112x128xf32, #tpu.memory_space<vmem_shared>>)
        } else {
        }
        %add3A_140 = arith.constant 1 : i32
        %add3A_141 = arith.addi %add3A_84, %add3A_140 : i32
        %mul3A_142 = arith.constant 112 : i32
        %mul3A_143 = arith.muli %add3A_141, %mul3A_142 : i32
        %add3A_144 = arith.addi %mul3A_0, %mul3A_143 : i32
        %dma_start3A_145 = tpu.memref_slice %arg4[%add3A_144] : memref<161280xi32, #tpu.memory_space<hbm>> -> memref<112xi32, #tpu.memory_space<hbm>>
        %dma_start3A_146 = tpu.memref_slice %arg4[%add3A_144] : memref<161280xi32, #tpu.memory_space<hbm>> -> memref<112xi32, #tpu.memory_space<hbm>>
        tpu.enqueue_dma source(%dma_start3A_146 : memref<112xi32, #tpu.memory_space<hbm>>) target(%arg8 : memref<112xi32, #tpu.memory_space<vmem>>) target_semaphore(%arg17 : memref<!tpu.dma_semaphore, #tpu.memory_space<semaphore_mem>>)
        %dma_start3A_147 = arith.constant 0 : i32
        %dma_start3A_148 = tpu.memref_slice %arg6[%add3A_141, %dma_start3A_147] : memref<90x112xi32, #tpu.memory_space<vmem>> -> memref<1x112xi32, #tpu.memory_space<vmem>>
        %dma_start3A_149 = tpu.memref_squeeze %dma_start3A_148 : memref<1x112xi32, #tpu.memory_space<vmem>> -> memref<112xi32, #tpu.memory_space<vmem>>
        %dma_start3A_150 = arith.constant 0 : i32
        %dma_start3A_151 = arith.constant 0 : i32
        %dma_start3A_152 = tpu.memref_slice %arg2[%add3A_41, %dma_start3A_150, %dma_start3A_151] : memref<4x10240x128xf32, #tpu.memory_space<hbm>> -> memref<1x10240x128xf32, #tpu.memory_space<hbm>>
        %dma_start3A_153 = tpu.memref_squeeze %dma_start3A_152 : memref<1x10240x128xf32, #tpu.memory_space<hbm>> -> memref<10240x128xf32, #tpu.memory_space<hbm>>
        %dma_start3A_154 = arith.constant 0 : i32
        %dma_start3A_155 = arith.constant 0 : i32
        %dma_start3A_156 = tpu.memref_slice %dma_start3A_153[%dma_start3A_154, %dma_start3A_155] : memref<10240x128xf32, #tpu.memory_space<hbm>> -> memref<10240x128xf32, #tpu.memory_space<hbm>>
        tpu.enqueue_indirect_dma source(%dma_start3A_156 : memref<10240x128xf32, #tpu.memory_space<hbm>>) target(%arg10 : memref<112x128xf32, #tpu.memory_space<vmem>>) offsets(%dma_start3A_149 : memref<112xi32, #tpu.memory_space<vmem>>) semaphore(%arg13 : memref<!tpu.dma_semaphore, #tpu.memory_space<semaphore_mem>>)
      } else {
      }
      %mul3A_89 = arith.constant 112 : i32
      %mul3A_90 = arith.muli %add3A_84, %mul3A_89 : i32
      %add3A_91 = arith.addi %mul3A_0, %mul3A_90 : i32
      %dma_wait3A_92 = tpu.memref_slice %arg4[%add3A_91] : memref<161280xi32, #tpu.memory_space<hbm>> -> memref<112xi32, #tpu.memory_space<hbm>>
      %dma_wait3A_93 = tpu.memref_slice %arg4[%add3A_91] : memref<161280xi32, #tpu.memory_space<hbm>> -> memref<112xi32, #tpu.memory_space<hbm>>
      tpu.wait_dma2 semaphore(%arg16 : memref<!tpu.dma_semaphore, #tpu.memory_space<semaphore_mem>>) src(%dma_wait3A_93 : memref<112xi32, #tpu.memory_space<hbm>>) dst(%arg7 : memref<112xi32, #tpu.memory_space<vmem>>)
      %dma_wait3A_94 = arith.constant 0 : i32
      %dma_wait3A_95 = tpu.memref_slice %arg6[%add3A_84, %dma_wait3A_94] : memref<90x112xi32, #tpu.memory_space<vmem>> -> memref<1x112xi32, #tpu.memory_space<vmem>>
      %dma_wait3A_96 = tpu.memref_squeeze %dma_wait3A_95 : memref<1x112xi32, #tpu.memory_space<vmem>> -> memref<112xi32, #tpu.memory_space<vmem>>
      %dma_wait3A_97 = arith.constant 0 : i32
      %dma_wait3A_98 = arith.constant 0 : i32
      %dma_wait3A_99 = tpu.memref_slice %arg2[%add3A_41, %dma_wait3A_97, %dma_wait3A_98] : memref<4x10240x128xf32, #tpu.memory_space<hbm>> -> memref<1x10240x128xf32, #tpu.memory_space<hbm>>
      %dma_wait3A_100 = tpu.memref_squeeze %dma_wait3A_99 : memref<1x10240x128xf32, #tpu.memory_space<hbm>> -> memref<10240x128xf32, #tpu.memory_space<hbm>>
      %dma_wait3A_101 = arith.constant 0 : i32
      %dma_wait3A_102 = arith.constant 0 : i32
      %dma_wait3A_103 = tpu.memref_slice %dma_wait3A_100[%dma_wait3A_101, %dma_wait3A_102] : memref<10240x128xf32, #tpu.memory_space<hbm>> -> memref<10240x128xf32, #tpu.memory_space<hbm>>
      tpu.wait_indirect_dma semaphore(%arg12 : memref<!tpu.dma_semaphore, #tpu.memory_space<semaphore_mem>>) src(%dma_wait3A_103 : memref<10240x128xf32, #tpu.memory_space<hbm>>) dst(%arg9 : memref<112x128xf32, #tpu.memory_space<vmem>>)
      %dma_start3A_104 = arith.constant 0 : i32
      %dma_start3A_105 = arith.constant 0 : i32
      %dma_start3A_106 = tpu.memref_slice %arg11[%dma_start3A_104, %dma_start3A_105] : memref<10112x128xf32, #tpu.memory_space<vmem_shared>> -> memref<10112x128xf32, #tpu.memory_space<vmem_shared>>
      tpu.enqueue_indirect_dma source(%arg9 : memref<112x128xf32, #tpu.memory_space<vmem>>) target(%dma_start3A_106 : memref<10112x128xf32, #tpu.memory_space<vmem_shared>>) offsets(%arg7 : memref<112xi32, #tpu.memory_space<vmem>>) semaphore(%arg14 : memref<!tpu.dma_semaphore, #tpu.memory_space<semaphore_mem>>) {add = true}
      %mul3A_107 = arith.constant 2 : i32
      %mul3A_108 = arith.muli %scan3A_80, %mul3A_107 : i32
      %add3A_109 = arith.constant 1 : i32
      %add3A_110 = arith.addi %mul3A_108, %add3A_109 : i32
      %add3A_111 = arith.constant 1 : i32
      %add3A_112 = arith.addi %add3A_110, %add3A_111 : i32
      %lt3A_113 = arith.constant 90 : i32
      %lt3A_114 = arith.cmpi slt, %add3A_112, %lt3A_113 : i32
      %convert_element_type3A_115 = arith.extui %lt3A_114 : i1 to i32
      %cond3A_116 = arith.constant 0 : i32
      %cond3A_117 = arith.cmpi ne, %convert_element_type3A_115, %cond3A_116 : i32
      scf.if %cond3A_117 {
        %ge3A = arith.constant 1 : i32
        %ge3A_136 = arith.cmpi sge, %add3A_110, %ge3A : i32
        %convert_element_type3A_137 = arith.extui %ge3A_136 : i1 to i32
        %cond3A_138 = arith.constant 0 : i32
        %cond3A_139 = arith.cmpi ne, %convert_element_type3A_137, %cond3A_138 : i32
        scf.if %cond3A_139 {
          %dma_wait3A_157 = arith.constant 0 : i32
          %dma_wait3A_158 = arith.constant 0 : i32
          %dma_wait3A_159 = tpu.memref_slice %arg11[%dma_wait3A_157, %dma_wait3A_158] : memref<10112x128xf32, #tpu.memory_space<vmem_shared>> -> memref<10112x128xf32, #tpu.memory_space<vmem_shared>>
          tpu.wait_indirect_dma semaphore(%arg14 : memref<!tpu.dma_semaphore, #tpu.memory_space<semaphore_mem>>) src(%arg9 : memref<112x128xf32, #tpu.memory_space<vmem>>) dst(%dma_wait3A_159 : memref<10112x128xf32, #tpu.memory_space<vmem_shared>>)
        } else {
        }
        %add3A_140 = arith.constant 1 : i32
        %add3A_141 = arith.addi %add3A_110, %add3A_140 : i32
        %mul3A_142 = arith.constant 112 : i32
        %mul3A_143 = arith.muli %add3A_141, %mul3A_142 : i32
        %add3A_144 = arith.addi %mul3A_0, %mul3A_143 : i32
        %dma_start3A_145 = tpu.memref_slice %arg4[%add3A_144] : memref<161280xi32, #tpu.memory_space<hbm>> -> memref<112xi32, #tpu.memory_space<hbm>>
        %dma_start3A_146 = tpu.memref_slice %arg4[%add3A_144] : memref<161280xi32, #tpu.memory_space<hbm>> -> memref<112xi32, #tpu.memory_space<hbm>>
        tpu.enqueue_dma source(%dma_start3A_146 : memref<112xi32, #tpu.memory_space<hbm>>) target(%arg7 : memref<112xi32, #tpu.memory_space<vmem>>) target_semaphore(%arg16 : memref<!tpu.dma_semaphore, #tpu.memory_space<semaphore_mem>>)
        %dma_start3A_147 = arith.constant 0 : i32
        %dma_start3A_148 = tpu.memref_slice %arg6[%add3A_141, %dma_start3A_147] : memref<90x112xi32, #tpu.memory_space<vmem>> -> memref<1x112xi32, #tpu.memory_space<vmem>>
        %dma_start3A_149 = tpu.memref_squeeze %dma_start3A_148 : memref<1x112xi32, #tpu.memory_space<vmem>> -> memref<112xi32, #tpu.memory_space<vmem>>
        %dma_start3A_150 = arith.constant 0 : i32
        %dma_start3A_151 = arith.constant 0 : i32
        %dma_start3A_152 = tpu.memref_slice %arg2[%add3A_41, %dma_start3A_150, %dma_start3A_151] : memref<4x10240x128xf32, #tpu.memory_space<hbm>> -> memref<1x10240x128xf32, #tpu.memory_space<hbm>>
        %dma_start3A_153 = tpu.memref_squeeze %dma_start3A_152 : memref<1x10240x128xf32, #tpu.memory_space<hbm>> -> memref<10240x128xf32, #tpu.memory_space<hbm>>
        %dma_start3A_154 = arith.constant 0 : i32
        %dma_start3A_155 = arith.constant 0 : i32
        %dma_start3A_156 = tpu.memref_slice %dma_start3A_153[%dma_start3A_154, %dma_start3A_155] : memref<10240x128xf32, #tpu.memory_space<hbm>> -> memref<10240x128xf32, #tpu.memory_space<hbm>>
        tpu.enqueue_indirect_dma source(%dma_start3A_156 : memref<10240x128xf32, #tpu.memory_space<hbm>>) target(%arg9 : memref<112x128xf32, #tpu.memory_space<vmem>>) offsets(%dma_start3A_149 : memref<112xi32, #tpu.memory_space<vmem>>) semaphore(%arg12 : memref<!tpu.dma_semaphore, #tpu.memory_space<semaphore_mem>>)
      } else {
      }
      %mul3A_118 = arith.constant 112 : i32
      %mul3A_119 = arith.muli %add3A_110, %mul3A_118 : i32
      %add3A_120 = arith.addi %mul3A_0, %mul3A_119 : i32
      %dma_wait3A_121 = tpu.memref_slice %arg4[%add3A_120] : memref<161280xi32, #tpu.memory_space<hbm>> -> memref<112xi32, #tpu.memory_space<hbm>>
      %dma_wait3A_122 = tpu.memref_slice %arg4[%add3A_120] : memref<161280xi32, #tpu.memory_space<hbm>> -> memref<112xi32, #tpu.memory_space<hbm>>
      tpu.wait_dma2 semaphore(%arg17 : memref<!tpu.dma_semaphore, #tpu.memory_space<semaphore_mem>>) src(%dma_wait3A_122 : memref<112xi32, #tpu.memory_space<hbm>>) dst(%arg8 : memref<112xi32, #tpu.memory_space<vmem>>)
      %dma_wait3A_123 = arith.constant 0 : i32
      %dma_wait3A_124 = tpu.memref_slice %arg6[%add3A_110, %dma_wait3A_123] : memref<90x112xi32, #tpu.memory_space<vmem>> -> memref<1x112xi32, #tpu.memory_space<vmem>>
      %dma_wait3A_125 = tpu.memref_squeeze %dma_wait3A_124 : memref<1x112xi32, #tpu.memory_space<vmem>> -> memref<112xi32, #tpu.memory_space<vmem>>
      %dma_wait3A_126 = arith.constant 0 : i32
      %dma_wait3A_127 = arith.constant 0 : i32
      %dma_wait3A_128 = tpu.memref_slice %arg2[%add3A_41, %dma_wait3A_126, %dma_wait3A_127] : memref<4x10240x128xf32, #tpu.memory_space<hbm>> -> memref<1x10240x128xf32, #tpu.memory_space<hbm>>
      %dma_wait3A_129 = tpu.memref_squeeze %dma_wait3A_128 : memref<1x10240x128xf32, #tpu.memory_space<hbm>> -> memref<10240x128xf32, #tpu.memory_space<hbm>>
      %dma_wait3A_130 = arith.constant 0 : i32
      %dma_wait3A_131 = arith.constant 0 : i32
      %dma_wait3A_132 = tpu.memref_slice %dma_wait3A_129[%dma_wait3A_130, %dma_wait3A_131] : memref<10240x128xf32, #tpu.memory_space<hbm>> -> memref<10240x128xf32, #tpu.memory_space<hbm>>
      tpu.wait_indirect_dma semaphore(%arg13 : memref<!tpu.dma_semaphore, #tpu.memory_space<semaphore_mem>>) src(%dma_wait3A_132 : memref<10240x128xf32, #tpu.memory_space<hbm>>) dst(%arg10 : memref<112x128xf32, #tpu.memory_space<vmem>>)
      %dma_start3A_133 = arith.constant 0 : i32
      %dma_start3A_134 = arith.constant 0 : i32
      %dma_start3A_135 = tpu.memref_slice %arg11[%dma_start3A_133, %dma_start3A_134] : memref<10112x128xf32, #tpu.memory_space<vmem_shared>> -> memref<10112x128xf32, #tpu.memory_space<vmem_shared>>
      tpu.enqueue_indirect_dma source(%arg10 : memref<112x128xf32, #tpu.memory_space<vmem>>) target(%dma_start3A_135 : memref<10112x128xf32, #tpu.memory_space<vmem_shared>>) offsets(%arg8 : memref<112xi32, #tpu.memory_space<vmem>>) semaphore(%arg15 : memref<!tpu.dma_semaphore, #tpu.memory_space<semaphore_mem>>) {add = true}
    }
    %scan3A_67 = arith.constant 45 : i32
    %dma_wait3A_68 = arith.constant 0 : i32
    %dma_wait3A_69 = arith.constant 0 : i32
    %dma_wait3A_70 = tpu.memref_slice %arg11[%dma_wait3A_68, %dma_wait3A_69] : memref<10112x128xf32, #tpu.memory_space<vmem_shared>> -> memref<10112x128xf32, #tpu.memory_space<vmem_shared>>
    tpu.wait_indirect_dma semaphore(%arg14 : memref<!tpu.dma_semaphore, #tpu.memory_space<semaphore_mem>>) src(%arg9 : memref<112x128xf32, #tpu.memory_space<vmem>>) dst(%dma_wait3A_70 : memref<10112x128xf32, #tpu.memory_space<vmem_shared>>)
    %dma_wait3A_71 = arith.constant 0 : i32
    %dma_wait3A_72 = arith.constant 0 : i32
    %dma_wait3A_73 = tpu.memref_slice %arg11[%dma_wait3A_71, %dma_wait3A_72] : memref<10112x128xf32, #tpu.memory_space<vmem_shared>> -> memref<10112x128xf32, #tpu.memory_space<vmem_shared>>
    tpu.wait_indirect_dma semaphore(%arg15 : memref<!tpu.dma_semaphore, #tpu.memory_space<semaphore_mem>>) src(%arg10 : memref<112x128xf32, #tpu.memory_space<vmem>>) dst(%dma_wait3A_73 : memref<10112x128xf32, #tpu.memory_space<vmem_shared>>)
    %barrier3A_74 = arith.constant 0 : index
    tpu.barrier barrier_id(%barrier3A_74)
    %mul3A_75 = arith.constant 632 : i32
    %mul3A_76 = arith.muli %arg1, %mul3A_75 : i32
    %mul3A_77 = arith.constant 632 : i32
    %mul3A_78 = arith.muli %arg1, %mul3A_77 : i32
    "tpu.region"() ({
      %run_scoped3A = tpu.sem_alloc : memref<!tpu.dma_semaphore, #tpu.memory_space<semaphore_mem>>
      %dma_start3A_80 = arith.constant 0 : i32
      %dma_start3A_81 = tpu.memref_slice %arg5[%add3A_41, %mul3A_78, %dma_start3A_80] : memref<4x10112x128xf32, #tpu.memory_space<hbm>> -> memref<1x632x128xf32, #tpu.memory_space<hbm>>
      %dma_start3A_82 = tpu.memref_squeeze %dma_start3A_81 : memref<1x632x128xf32, #tpu.memory_space<hbm>> -> memref<632x128xf32, #tpu.memory_space<hbm>>
      %dma_start3A_83 = arith.constant 0 : i32
      %dma_start3A_84 = tpu.memref_slice %arg11[%mul3A_76, %dma_start3A_83] : memref<10112x128xf32, #tpu.memory_space<vmem_shared>> -> memref<632x128xf32, #tpu.memory_space<vmem_shared>>
      tpu.enqueue_dma source(%dma_start3A_84 : memref<632x128xf32, #tpu.memory_space<vmem_shared>>) target(%dma_start3A_82 : memref<632x128xf32, #tpu.memory_space<hbm>>) target_semaphore(%run_scoped3A : memref<!tpu.dma_semaphore, #tpu.memory_space<semaphore_mem>>)
      %dma_wait3A_85 = arith.constant 0 : i32
      %dma_wait3A_86 = tpu.memref_slice %arg5[%add3A_41, %mul3A_78, %dma_wait3A_85] : memref<4x10112x128xf32, #tpu.memory_space<hbm>> -> memref<1x632x128xf32, #tpu.memory_space<hbm>>
      %dma_wait3A_87 = tpu.memref_squeeze %dma_wait3A_86 : memref<1x632x128xf32, #tpu.memory_space<hbm>> -> memref<632x128xf32, #tpu.memory_space<hbm>>
      %dma_wait3A_88 = arith.constant 0 : i32
      %dma_wait3A_89 = tpu.memref_slice %arg11[%mul3A_76, %dma_wait3A_88] : memref<10112x128xf32, #tpu.memory_space<vmem_shared>> -> memref<632x128xf32, #tpu.memory_space<vmem_shared>>
      tpu.wait_dma2 semaphore(%run_scoped3A : memref<!tpu.dma_semaphore, #tpu.memory_space<semaphore_mem>>) src(%dma_wait3A_89 : memref<632x128xf32, #tpu.memory_space<vmem_shared>>) dst(%dma_wait3A_87 : memref<632x128xf32, #tpu.memory_space<hbm>>)
      tpu.yield
    }) : () -> ()
    %barrier3A_79 = arith.constant 0 : index
    tpu.barrier barrier_id(%barrier3A_79)
    return
  }
}

#map = affine_map<(d0, d1) -> (0, 0, 0)>
#map1 = affine_map<(d0, d1) -> (0)>
module attributes {stable_mosaic.version = 14 : i64} {
  func.func @agg_kernel(%arg0: i32, %arg1: i32, %arg2: memref<4x10240x128xf32, #tpu.memory_space<hbm>>, %arg3: memref<16x90x112xi32, #tpu.memory_space<hbm>>, %arg4: memref<161280xi32, #tpu.memory_space<hbm>>, %arg5: memref<4x10112x128xf32, #tpu.memory_space<hbm>>, %arg6: memref<90x112xi32, #tpu.memory_space<vmem>>, %arg7: memref<112xi32, #tpu.memory_space<vmem>>, %arg8: memref<112xi32, #tpu.memory_space<vmem>>, %arg9: memref<112x128xf32, #tpu.memory_space<vmem>>, %arg10: memref<112x128xf32, #tpu.memory_space<vmem>>, %arg11: memref<10112x128xf32, #tpu.memory_space<vmem_shared>>, %arg12: memref<!tpu.dma_semaphore, #tpu.memory_space<semaphore_mem>>, %arg13: memref<!tpu.dma_semaphore, #tpu.memory_space<semaphore_mem>>, %arg14: memref<!tpu.dma_semaphore, #tpu.memory_space<semaphore_mem>>, %arg15: memref<!tpu.dma_semaphore, #tpu.memory_space<semaphore_mem>>, %arg16: memref<!tpu.dma_semaphore, #tpu.memory_space<semaphore_mem>>, %arg17: memref<!tpu.dma_semaphore, #tpu.memory_space<semaphore_mem>>) attributes {dimension_semantics = [#tpu.dimension_semantics<core_parallel>, #tpu.dimension_semantics<subcore_parallel>], iteration_bounds = array<i64: 2, 16>, scalar_prefetch = 0 : i64, scratch_operands = 12 : i64, tpu.core_type = #tpu.core_type<sc_vector_subcore>, window_params = [{transform_indices = #map}, {transform_indices = #map}, {transform_indices = #map1}, {transform_indices = #map}]} {
    %mul3A = arith.constant 10080 : i32
    %mul3A_0 = arith.muli %arg1, %mul3A : i32
    "tpu.region"() ({
      %run_scoped3A = tpu.sem_alloc : memref<!tpu.dma_semaphore, #tpu.memory_space<semaphore_mem>>
      %dma_start3A_80 = arith.constant 0 : i32
      %dma_start3A_81 = arith.constant 0 : i32
      %dma_start3A_82 = tpu.memref_slice %arg3[%arg1, %dma_start3A_80, %dma_start3A_81] : memref<16x90x112xi32, #tpu.memory_space<hbm>> -> memref<1x90x112xi32, #tpu.memory_space<hbm>>
      %dma_start3A_83 = tpu.memref_squeeze %dma_start3A_82 : memref<1x90x112xi32, #tpu.memory_space<hbm>> -> memref<90x112xi32, #tpu.memory_space<hbm>>
      %dma_start3A_84 = arith.constant 0 : i32
      %dma_start3A_85 = arith.constant 0 : i32
      %dma_start3A_86 = tpu.memref_slice %arg3[%arg1, %dma_start3A_84, %dma_start3A_85] : memref<16x90x112xi32, #tpu.memory_space<hbm>> -> memref<1x90x112xi32, #tpu.memory_space<hbm>>
      %dma_start3A_87 = tpu.memref_squeeze %dma_start3A_86 : memref<1x90x112xi32, #tpu.memory_space<hbm>> -> memref<90x112xi32, #tpu.memory_space<hbm>>
      tpu.enqueue_dma source(%dma_start3A_87 : memref<90x112xi32, #tpu.memory_space<hbm>>) target(%arg6 : memref<90x112xi32, #tpu.memory_space<vmem>>) target_semaphore(%run_scoped3A : memref<!tpu.dma_semaphore, #tpu.memory_space<semaphore_mem>>)
      %dma_wait3A_88 = arith.constant 0 : i32
      %dma_wait3A_89 = arith.constant 0 : i32
      %dma_wait3A_90 = tpu.memref_slice %arg3[%arg1, %dma_wait3A_88, %dma_wait3A_89] : memref<16x90x112xi32, #tpu.memory_space<hbm>> -> memref<1x90x112xi32, #tpu.memory_space<hbm>>
      %dma_wait3A_91 = tpu.memref_squeeze %dma_wait3A_90 : memref<1x90x112xi32, #tpu.memory_space<hbm>> -> memref<90x112xi32, #tpu.memory_space<hbm>>
      %dma_wait3A_92 = arith.constant 0 : i32
      %dma_wait3A_93 = arith.constant 0 : i32
      %dma_wait3A_94 = tpu.memref_slice %arg3[%arg1, %dma_wait3A_92, %dma_wait3A_93] : memref<16x90x112xi32, #tpu.memory_space<hbm>> -> memref<1x90x112xi32, #tpu.memory_space<hbm>>
      %dma_wait3A_95 = tpu.memref_squeeze %dma_wait3A_94 : memref<1x90x112xi32, #tpu.memory_space<hbm>> -> memref<90x112xi32, #tpu.memory_space<hbm>>
      tpu.wait_dma2 semaphore(%run_scoped3A : memref<!tpu.dma_semaphore, #tpu.memory_space<semaphore_mem>>) src(%dma_wait3A_95 : memref<90x112xi32, #tpu.memory_space<hbm>>) dst(%arg6 : memref<90x112xi32, #tpu.memory_space<vmem>>)
      tpu.yield
    }) : () -> ()
    %mul3A_1 = arith.constant 2 : i32
    %mul3A_2 = arith.muli %arg0, %mul3A_1 : i32
    %add3A = arith.constant 0 : i32
    %add3A_3 = arith.addi %mul3A_2, %add3A : i32
    %mul3A_4 = arith.constant 632 : i32
    %mul3A_5 = arith.muli %arg1, %mul3A_4 : i32
    %mul3A_6 = arith.constant 632 : i32
    %mul3A_7 = arith.muli %arg1, %mul3A_6 : i32
    "tpu.region"() ({
      %run_scoped3A = tpu.sem_alloc : memref<!tpu.dma_semaphore, #tpu.memory_space<semaphore_mem>>
      %dma_start3A_80 = arith.constant 0 : i32
      %dma_start3A_81 = tpu.memref_slice %arg11[%mul3A_7, %dma_start3A_80] : memref<10112x128xf32, #tpu.memory_space<vmem_shared>> -> memref<632x128xf32, #tpu.memory_space<vmem_shared>>
      %dma_start3A_82 = arith.constant 0 : i32
      %dma_start3A_83 = tpu.memref_slice %arg2[%add3A_3, %mul3A_5, %dma_start3A_82] : memref<4x10240x128xf32, #tpu.memory_space<hbm>> -> memref<1x632x128xf32, #tpu.memory_space<hbm>>
      %dma_start3A_84 = tpu.memref_squeeze %dma_start3A_83 : memref<1x632x128xf32, #tpu.memory_space<hbm>> -> memref<632x128xf32, #tpu.memory_space<hbm>>
      tpu.enqueue_dma source(%dma_start3A_84 : memref<632x128xf32, #tpu.memory_space<hbm>>) target(%dma_start3A_81 : memref<632x128xf32, #tpu.memory_space<vmem_shared>>) target_semaphore(%run_scoped3A : memref<!tpu.dma_semaphore, #tpu.memory_space<semaphore_mem>>)
      %dma_wait3A_85 = arith.constant 0 : i32
      %dma_wait3A_86 = tpu.memref_slice %arg11[%mul3A_7, %dma_wait3A_85] : memref<10112x128xf32, #tpu.memory_space<vmem_shared>> -> memref<632x128xf32, #tpu.memory_space<vmem_shared>>
      %dma_wait3A_87 = arith.constant 0 : i32
      %dma_wait3A_88 = tpu.memref_slice %arg2[%add3A_3, %mul3A_5, %dma_wait3A_87] : memref<4x10240x128xf32, #tpu.memory_space<hbm>> -> memref<1x632x128xf32, #tpu.memory_space<hbm>>
      %dma_wait3A_89 = tpu.memref_squeeze %dma_wait3A_88 : memref<1x632x128xf32, #tpu.memory_space<hbm>> -> memref<632x128xf32, #tpu.memory_space<hbm>>
      tpu.wait_dma2 semaphore(%run_scoped3A : memref<!tpu.dma_semaphore, #tpu.memory_space<semaphore_mem>>) src(%dma_wait3A_89 : memref<632x128xf32, #tpu.memory_space<hbm>>) dst(%dma_wait3A_86 : memref<632x128xf32, #tpu.memory_space<vmem_shared>>)
      tpu.yield
    }) : () -> ()
    %barrier3A = arith.constant 0 : index
    tpu.barrier barrier_id(%barrier3A)
    %add3A_8 = arith.constant 0 : i32
    %add3A_9 = arith.addi %mul3A_0, %add3A_8 : i32
    %dma_start3A = tpu.memref_slice %arg4[%add3A_9] : memref<161280xi32, #tpu.memory_space<hbm>> -> memref<112xi32, #tpu.memory_space<hbm>>
    %dma_start3A_10 = tpu.memref_slice %arg4[%add3A_9] : memref<161280xi32, #tpu.memory_space<hbm>> -> memref<112xi32, #tpu.memory_space<hbm>>
    tpu.enqueue_dma source(%dma_start3A_10 : memref<112xi32, #tpu.memory_space<hbm>>) target(%arg7 : memref<112xi32, #tpu.memory_space<vmem>>) target_semaphore(%arg16 : memref<!tpu.dma_semaphore, #tpu.memory_space<semaphore_mem>>)
    %dma_start3A_11 = arith.constant 0 : i32
    %dma_start3A_12 = arith.constant 0 : i32
    %dma_start3A_13 = tpu.memref_slice %arg6[%dma_start3A_11, %dma_start3A_12] : memref<90x112xi32, #tpu.memory_space<vmem>> -> memref<1x112xi32, #tpu.memory_space<vmem>>
    %dma_start3A_14 = tpu.memref_squeeze %dma_start3A_13 : memref<1x112xi32, #tpu.memory_space<vmem>> -> memref<112xi32, #tpu.memory_space<vmem>>
    %dma_start3A_15 = arith.constant 0 : i32
    %dma_start3A_16 = arith.constant 0 : i32
    %dma_start3A_17 = tpu.memref_slice %arg2[%add3A_3, %dma_start3A_15, %dma_start3A_16] : memref<4x10240x128xf32, #tpu.memory_space<hbm>> -> memref<1x10240x128xf32, #tpu.memory_space<hbm>>
    %dma_start3A_18 = tpu.memref_squeeze %dma_start3A_17 : memref<1x10240x128xf32, #tpu.memory_space<hbm>> -> memref<10240x128xf32, #tpu.memory_space<hbm>>
    %dma_start3A_19 = arith.constant 0 : i32
    %dma_start3A_20 = arith.constant 0 : i32
    %dma_start3A_21 = tpu.memref_slice %dma_start3A_18[%dma_start3A_19, %dma_start3A_20] : memref<10240x128xf32, #tpu.memory_space<hbm>> -> memref<10240x128xf32, #tpu.memory_space<hbm>>
    tpu.enqueue_indirect_dma source(%dma_start3A_21 : memref<10240x128xf32, #tpu.memory_space<hbm>>) target(%arg9 : memref<112x128xf32, #tpu.memory_space<vmem>>) offsets(%dma_start3A_14 : memref<112xi32, #tpu.memory_space<vmem>>) semaphore(%arg12 : memref<!tpu.dma_semaphore, #tpu.memory_space<semaphore_mem>>)
    %scan3A = arith.constant 0 : i32
    %scan3A_22 = arith.constant 0 : i32
    %scan3A_23 = arith.constant 45 : i32
    %scan3A_24 = arith.addi %scan3A_22, %scan3A_23 : i32
    %scan3A_25 = arith.constant 1 : i32
    scf.for %scan3A_80 = %scan3A_22 to %scan3A_24 step %scan3A_25  : i32 {
      %mul3A_81 = arith.constant 2 : i32
      %mul3A_82 = arith.muli %scan3A_80, %mul3A_81 : i32
      %add3A_83 = arith.constant 0 : i32
      %add3A_84 = arith.addi %mul3A_82, %add3A_83 : i32
      %add3A_85 = arith.constant 1 : i32
      %add3A_86 = arith.addi %add3A_84, %add3A_85 : i32
      %lt3A = arith.constant 90 : i32
      %lt3A_87 = arith.cmpi slt, %add3A_86, %lt3A : i32
      %convert_element_type3A = arith.extui %lt3A_87 : i1 to i32
      %cond3A = arith.constant 0 : i32
      %cond3A_88 = arith.cmpi ne, %convert_element_type3A, %cond3A : i32
      scf.if %cond3A_88 {
        %ge3A = arith.constant 1 : i32
        %ge3A_136 = arith.cmpi sge, %add3A_84, %ge3A : i32
        %convert_element_type3A_137 = arith.extui %ge3A_136 : i1 to i32
        %cond3A_138 = arith.constant 0 : i32
        %cond3A_139 = arith.cmpi ne, %convert_element_type3A_137, %cond3A_138 : i32
        scf.if %cond3A_139 {
          %dma_wait3A_157 = arith.constant 0 : i32
          %dma_wait3A_158 = arith.constant 0 : i32
          %dma_wait3A_159 = tpu.memref_slice %arg11[%dma_wait3A_157, %dma_wait3A_158] : memref<10112x128xf32, #tpu.memory_space<vmem_shared>> -> memref<10112x128xf32, #tpu.memory_space<vmem_shared>>
          tpu.wait_indirect_dma semaphore(%arg15 : memref<!tpu.dma_semaphore, #tpu.memory_space<semaphore_mem>>) src(%arg10 : memref<112x128xf32, #tpu.memory_space<vmem>>) dst(%dma_wait3A_159 : memref<10112x128xf32, #tpu.memory_space<vmem_shared>>)
        } else {
        }
        %add3A_140 = arith.constant 1 : i32
        %add3A_141 = arith.addi %add3A_84, %add3A_140 : i32
        %mul3A_142 = arith.constant 112 : i32
        %mul3A_143 = arith.muli %add3A_141, %mul3A_142 : i32
        %add3A_144 = arith.addi %mul3A_0, %mul3A_143 : i32
        %dma_start3A_145 = tpu.memref_slice %arg4[%add3A_144] : memref<161280xi32, #tpu.memory_space<hbm>> -> memref<112xi32, #tpu.memory_space<hbm>>
        %dma_start3A_146 = tpu.memref_slice %arg4[%add3A_144] : memref<161280xi32, #tpu.memory_space<hbm>> -> memref<112xi32, #tpu.memory_space<hbm>>
        tpu.enqueue_dma source(%dma_start3A_146 : memref<112xi32, #tpu.memory_space<hbm>>) target(%arg8 : memref<112xi32, #tpu.memory_space<vmem>>) target_semaphore(%arg17 : memref<!tpu.dma_semaphore, #tpu.memory_space<semaphore_mem>>)
        %dma_start3A_147 = arith.constant 0 : i32
        %dma_start3A_148 = tpu.memref_slice %arg6[%add3A_141, %dma_start3A_147] : memref<90x112xi32, #tpu.memory_space<vmem>> -> memref<1x112xi32, #tpu.memory_space<vmem>>
        %dma_start3A_149 = tpu.memref_squeeze %dma_start3A_148 : memref<1x112xi32, #tpu.memory_space<vmem>> -> memref<112xi32, #tpu.memory_space<vmem>>
        %dma_start3A_150 = arith.constant 0 : i32
        %dma_start3A_151 = arith.constant 0 : i32
        %dma_start3A_152 = tpu.memref_slice %arg2[%add3A_3, %dma_start3A_150, %dma_start3A_151] : memref<4x10240x128xf32, #tpu.memory_space<hbm>> -> memref<1x10240x128xf32, #tpu.memory_space<hbm>>
        %dma_start3A_153 = tpu.memref_squeeze %dma_start3A_152 : memref<1x10240x128xf32, #tpu.memory_space<hbm>> -> memref<10240x128xf32, #tpu.memory_space<hbm>>
        %dma_start3A_154 = arith.constant 0 : i32
        %dma_start3A_155 = arith.constant 0 : i32
        %dma_start3A_156 = tpu.memref_slice %dma_start3A_153[%dma_start3A_154, %dma_start3A_155] : memref<10240x128xf32, #tpu.memory_space<hbm>> -> memref<10240x128xf32, #tpu.memory_space<hbm>>
        tpu.enqueue_indirect_dma source(%dma_start3A_156 : memref<10240x128xf32, #tpu.memory_space<hbm>>) target(%arg10 : memref<112x128xf32, #tpu.memory_space<vmem>>) offsets(%dma_start3A_149 : memref<112xi32, #tpu.memory_space<vmem>>) semaphore(%arg13 : memref<!tpu.dma_semaphore, #tpu.memory_space<semaphore_mem>>)
      } else {
      }
      %mul3A_89 = arith.constant 112 : i32
      %mul3A_90 = arith.muli %add3A_84, %mul3A_89 : i32
      %add3A_91 = arith.addi %mul3A_0, %mul3A_90 : i32
      %dma_wait3A_92 = tpu.memref_slice %arg4[%add3A_91] : memref<161280xi32, #tpu.memory_space<hbm>> -> memref<112xi32, #tpu.memory_space<hbm>>
      %dma_wait3A_93 = tpu.memref_slice %arg4[%add3A_91] : memref<161280xi32, #tpu.memory_space<hbm>> -> memref<112xi32, #tpu.memory_space<hbm>>
      tpu.wait_dma2 semaphore(%arg16 : memref<!tpu.dma_semaphore, #tpu.memory_space<semaphore_mem>>) src(%dma_wait3A_93 : memref<112xi32, #tpu.memory_space<hbm>>) dst(%arg7 : memref<112xi32, #tpu.memory_space<vmem>>)
      %dma_wait3A_94 = arith.constant 0 : i32
      %dma_wait3A_95 = tpu.memref_slice %arg6[%add3A_84, %dma_wait3A_94] : memref<90x112xi32, #tpu.memory_space<vmem>> -> memref<1x112xi32, #tpu.memory_space<vmem>>
      %dma_wait3A_96 = tpu.memref_squeeze %dma_wait3A_95 : memref<1x112xi32, #tpu.memory_space<vmem>> -> memref<112xi32, #tpu.memory_space<vmem>>
      %dma_wait3A_97 = arith.constant 0 : i32
      %dma_wait3A_98 = arith.constant 0 : i32
      %dma_wait3A_99 = tpu.memref_slice %arg2[%add3A_3, %dma_wait3A_97, %dma_wait3A_98] : memref<4x10240x128xf32, #tpu.memory_space<hbm>> -> memref<1x10240x128xf32, #tpu.memory_space<hbm>>
      %dma_wait3A_100 = tpu.memref_squeeze %dma_wait3A_99 : memref<1x10240x128xf32, #tpu.memory_space<hbm>> -> memref<10240x128xf32, #tpu.memory_space<hbm>>
      %dma_wait3A_101 = arith.constant 0 : i32
      %dma_wait3A_102 = arith.constant 0 : i32
      %dma_wait3A_103 = tpu.memref_slice %dma_wait3A_100[%dma_wait3A_101, %dma_wait3A_102] : memref<10240x128xf32, #tpu.memory_space<hbm>> -> memref<10240x128xf32, #tpu.memory_space<hbm>>
      tpu.wait_indirect_dma semaphore(%arg12 : memref<!tpu.dma_semaphore, #tpu.memory_space<semaphore_mem>>) src(%dma_wait3A_103 : memref<10240x128xf32, #tpu.memory_space<hbm>>) dst(%arg9 : memref<112x128xf32, #tpu.memory_space<vmem>>)
      %dma_start3A_104 = arith.constant 0 : i32
      %dma_start3A_105 = arith.constant 0 : i32
      %dma_start3A_106 = tpu.memref_slice %arg11[%dma_start3A_104, %dma_start3A_105] : memref<10112x128xf32, #tpu.memory_space<vmem_shared>> -> memref<10112x128xf32, #tpu.memory_space<vmem_shared>>
      tpu.enqueue_indirect_dma source(%arg9 : memref<112x128xf32, #tpu.memory_space<vmem>>) target(%dma_start3A_106 : memref<10112x128xf32, #tpu.memory_space<vmem_shared>>) offsets(%arg7 : memref<112xi32, #tpu.memory_space<vmem>>) semaphore(%arg14 : memref<!tpu.dma_semaphore, #tpu.memory_space<semaphore_mem>>) {add = true}
      %mul3A_107 = arith.constant 2 : i32
      %mul3A_108 = arith.muli %scan3A_80, %mul3A_107 : i32
      %add3A_109 = arith.constant 1 : i32
      %add3A_110 = arith.addi %mul3A_108, %add3A_109 : i32
      %add3A_111 = arith.constant 1 : i32
      %add3A_112 = arith.addi %add3A_110, %add3A_111 : i32
      %lt3A_113 = arith.constant 90 : i32
      %lt3A_114 = arith.cmpi slt, %add3A_112, %lt3A_113 : i32
      %convert_element_type3A_115 = arith.extui %lt3A_114 : i1 to i32
      %cond3A_116 = arith.constant 0 : i32
      %cond3A_117 = arith.cmpi ne, %convert_element_type3A_115, %cond3A_116 : i32
      scf.if %cond3A_117 {
        %ge3A = arith.constant 1 : i32
        %ge3A_136 = arith.cmpi sge, %add3A_110, %ge3A : i32
        %convert_element_type3A_137 = arith.extui %ge3A_136 : i1 to i32
        %cond3A_138 = arith.constant 0 : i32
        %cond3A_139 = arith.cmpi ne, %convert_element_type3A_137, %cond3A_138 : i32
        scf.if %cond3A_139 {
          %dma_wait3A_157 = arith.constant 0 : i32
          %dma_wait3A_158 = arith.constant 0 : i32
          %dma_wait3A_159 = tpu.memref_slice %arg11[%dma_wait3A_157, %dma_wait3A_158] : memref<10112x128xf32, #tpu.memory_space<vmem_shared>> -> memref<10112x128xf32, #tpu.memory_space<vmem_shared>>
          tpu.wait_indirect_dma semaphore(%arg14 : memref<!tpu.dma_semaphore, #tpu.memory_space<semaphore_mem>>) src(%arg9 : memref<112x128xf32, #tpu.memory_space<vmem>>) dst(%dma_wait3A_159 : memref<10112x128xf32, #tpu.memory_space<vmem_shared>>)
        } else {
        }
        %add3A_140 = arith.constant 1 : i32
        %add3A_141 = arith.addi %add3A_110, %add3A_140 : i32
        %mul3A_142 = arith.constant 112 : i32
        %mul3A_143 = arith.muli %add3A_141, %mul3A_142 : i32
        %add3A_144 = arith.addi %mul3A_0, %mul3A_143 : i32
        %dma_start3A_145 = tpu.memref_slice %arg4[%add3A_144] : memref<161280xi32, #tpu.memory_space<hbm>> -> memref<112xi32, #tpu.memory_space<hbm>>
        %dma_start3A_146 = tpu.memref_slice %arg4[%add3A_144] : memref<161280xi32, #tpu.memory_space<hbm>> -> memref<112xi32, #tpu.memory_space<hbm>>
        tpu.enqueue_dma source(%dma_start3A_146 : memref<112xi32, #tpu.memory_space<hbm>>) target(%arg7 : memref<112xi32, #tpu.memory_space<vmem>>) target_semaphore(%arg16 : memref<!tpu.dma_semaphore, #tpu.memory_space<semaphore_mem>>)
        %dma_start3A_147 = arith.constant 0 : i32
        %dma_start3A_148 = tpu.memref_slice %arg6[%add3A_141, %dma_start3A_147] : memref<90x112xi32, #tpu.memory_space<vmem>> -> memref<1x112xi32, #tpu.memory_space<vmem>>
        %dma_start3A_149 = tpu.memref_squeeze %dma_start3A_148 : memref<1x112xi32, #tpu.memory_space<vmem>> -> memref<112xi32, #tpu.memory_space<vmem>>
        %dma_start3A_150 = arith.constant 0 : i32
        %dma_start3A_151 = arith.constant 0 : i32
        %dma_start3A_152 = tpu.memref_slice %arg2[%add3A_3, %dma_start3A_150, %dma_start3A_151] : memref<4x10240x128xf32, #tpu.memory_space<hbm>> -> memref<1x10240x128xf32, #tpu.memory_space<hbm>>
        %dma_start3A_153 = tpu.memref_squeeze %dma_start3A_152 : memref<1x10240x128xf32, #tpu.memory_space<hbm>> -> memref<10240x128xf32, #tpu.memory_space<hbm>>
        %dma_start3A_154 = arith.constant 0 : i32
        %dma_start3A_155 = arith.constant 0 : i32
        %dma_start3A_156 = tpu.memref_slice %dma_start3A_153[%dma_start3A_154, %dma_start3A_155] : memref<10240x128xf32, #tpu.memory_space<hbm>> -> memref<10240x128xf32, #tpu.memory_space<hbm>>
        tpu.enqueue_indirect_dma source(%dma_start3A_156 : memref<10240x128xf32, #tpu.memory_space<hbm>>) target(%arg9 : memref<112x128xf32, #tpu.memory_space<vmem>>) offsets(%dma_start3A_149 : memref<112xi32, #tpu.memory_space<vmem>>) semaphore(%arg12 : memref<!tpu.dma_semaphore, #tpu.memory_space<semaphore_mem>>)
      } else {
      }
      %mul3A_118 = arith.constant 112 : i32
      %mul3A_119 = arith.muli %add3A_110, %mul3A_118 : i32
      %add3A_120 = arith.addi %mul3A_0, %mul3A_119 : i32
      %dma_wait3A_121 = tpu.memref_slice %arg4[%add3A_120] : memref<161280xi32, #tpu.memory_space<hbm>> -> memref<112xi32, #tpu.memory_space<hbm>>
      %dma_wait3A_122 = tpu.memref_slice %arg4[%add3A_120] : memref<161280xi32, #tpu.memory_space<hbm>> -> memref<112xi32, #tpu.memory_space<hbm>>
      tpu.wait_dma2 semaphore(%arg17 : memref<!tpu.dma_semaphore, #tpu.memory_space<semaphore_mem>>) src(%dma_wait3A_122 : memref<112xi32, #tpu.memory_space<hbm>>) dst(%arg8 : memref<112xi32, #tpu.memory_space<vmem>>)
      %dma_wait3A_123 = arith.constant 0 : i32
      %dma_wait3A_124 = tpu.memref_slice %arg6[%add3A_110, %dma_wait3A_123] : memref<90x112xi32, #tpu.memory_space<vmem>> -> memref<1x112xi32, #tpu.memory_space<vmem>>
      %dma_wait3A_125 = tpu.memref_squeeze %dma_wait3A_124 : memref<1x112xi32, #tpu.memory_space<vmem>> -> memref<112xi32, #tpu.memory_space<vmem>>
      %dma_wait3A_126 = arith.constant 0 : i32
      %dma_wait3A_127 = arith.constant 0 : i32
      %dma_wait3A_128 = tpu.memref_slice %arg2[%add3A_3, %dma_wait3A_126, %dma_wait3A_127] : memref<4x10240x128xf32, #tpu.memory_space<hbm>> -> memref<1x10240x128xf32, #tpu.memory_space<hbm>>
      %dma_wait3A_129 = tpu.memref_squeeze %dma_wait3A_128 : memref<1x10240x128xf32, #tpu.memory_space<hbm>> -> memref<10240x128xf32, #tpu.memory_space<hbm>>
      %dma_wait3A_130 = arith.constant 0 : i32
      %dma_wait3A_131 = arith.constant 0 : i32
      %dma_wait3A_132 = tpu.memref_slice %dma_wait3A_129[%dma_wait3A_130, %dma_wait3A_131] : memref<10240x128xf32, #tpu.memory_space<hbm>> -> memref<10240x128xf32, #tpu.memory_space<hbm>>
      tpu.wait_indirect_dma semaphore(%arg13 : memref<!tpu.dma_semaphore, #tpu.memory_space<semaphore_mem>>) src(%dma_wait3A_132 : memref<10240x128xf32, #tpu.memory_space<hbm>>) dst(%arg10 : memref<112x128xf32, #tpu.memory_space<vmem>>)
      %dma_start3A_133 = arith.constant 0 : i32
      %dma_start3A_134 = arith.constant 0 : i32
      %dma_start3A_135 = tpu.memref_slice %arg11[%dma_start3A_133, %dma_start3A_134] : memref<10112x128xf32, #tpu.memory_space<vmem_shared>> -> memref<10112x128xf32, #tpu.memory_space<vmem_shared>>
      tpu.enqueue_indirect_dma source(%arg10 : memref<112x128xf32, #tpu.memory_space<vmem>>) target(%dma_start3A_135 : memref<10112x128xf32, #tpu.memory_space<vmem_shared>>) offsets(%arg8 : memref<112xi32, #tpu.memory_space<vmem>>) semaphore(%arg15 : memref<!tpu.dma_semaphore, #tpu.memory_space<semaphore_mem>>) {add = true}
    }
    %scan3A_26 = arith.constant 45 : i32
    %dma_wait3A = arith.constant 0 : i32
    %dma_wait3A_27 = arith.constant 0 : i32
    %dma_wait3A_28 = tpu.memref_slice %arg11[%dma_wait3A, %dma_wait3A_27] : memref<10112x128xf32, #tpu.memory_space<vmem_shared>> -> memref<10112x128xf32, #tpu.memory_space<vmem_shared>>
    tpu.wait_indirect_dma semaphore(%arg14 : memref<!tpu.dma_semaphore, #tpu.memory_space<semaphore_mem>>) src(%arg9 : memref<112x128xf32, #tpu.memory_space<vmem>>) dst(%dma_wait3A_28 : memref<10112x128xf32, #tpu.memory_space<vmem_shared>>)
    %dma_wait3A_29 = arith.constant 0 : i32
    %dma_wait3A_30 = arith.constant 0 : i32
    %dma_wait3A_31 = tpu.memref_slice %arg11[%dma_wait3A_29, %dma_wait3A_30] : memref<10112x128xf32, #tpu.memory_space<vmem_shared>> -> memref<10112x128xf32, #tpu.memory_space<vmem_shared>>
    tpu.wait_indirect_dma semaphore(%arg15 : memref<!tpu.dma_semaphore, #tpu.memory_space<semaphore_mem>>) src(%arg10 : memref<112x128xf32, #tpu.memory_space<vmem>>) dst(%dma_wait3A_31 : memref<10112x128xf32, #tpu.memory_space<vmem_shared>>)
    %barrier3A_32 = arith.constant 0 : index
    tpu.barrier barrier_id(%barrier3A_32)
    %mul3A_33 = arith.constant 632 : i32
    %mul3A_34 = arith.muli %arg1, %mul3A_33 : i32
    %mul3A_35 = arith.constant 632 : i32
    %mul3A_36 = arith.muli %arg1, %mul3A_35 : i32
    "tpu.region"() ({
      %run_scoped3A = tpu.sem_alloc : memref<!tpu.dma_semaphore, #tpu.memory_space<semaphore_mem>>
      %dma_start3A_80 = arith.constant 0 : i32
      %dma_start3A_81 = tpu.memref_slice %arg5[%add3A_3, %mul3A_36, %dma_start3A_80] : memref<4x10112x128xf32, #tpu.memory_space<hbm>> -> memref<1x632x128xf32, #tpu.memory_space<hbm>>
      %dma_start3A_82 = tpu.memref_squeeze %dma_start3A_81 : memref<1x632x128xf32, #tpu.memory_space<hbm>> -> memref<632x128xf32, #tpu.memory_space<hbm>>
      %dma_start3A_83 = arith.constant 0 : i32
      %dma_start3A_84 = tpu.memref_slice %arg11[%mul3A_34, %dma_start3A_83] : memref<10112x128xf32, #tpu.memory_space<vmem_shared>> -> memref<632x128xf32, #tpu.memory_space<vmem_shared>>
      tpu.enqueue_dma source(%dma_start3A_84 : memref<632x128xf32, #tpu.memory_space<vmem_shared>>) target(%dma_start3A_82 : memref<632x128xf32, #tpu.memory_space<hbm>>) target_semaphore(%run_scoped3A : memref<!tpu.dma_semaphore, #tpu.memory_space<semaphore_mem>>)
      %dma_wait3A_85 = arith.constant 0 : i32
      %dma_wait3A_86 = tpu.memref_slice %arg5[%add3A_3, %mul3A_36, %dma_wait3A_85] : memref<4x10112x128xf32, #tpu.memory_space<hbm>> -> memref<1x632x128xf32, #tpu.memory_space<hbm>>
      %dma_wait3A_87 = tpu.memref_squeeze %dma_wait3A_86 : memref<1x632x128xf32, #tpu.memory_space<hbm>> -> memref<632x128xf32, #tpu.memory_space<hbm>>
      %dma_wait3A_88 = arith.constant 0 : i32
      %dma_wait3A_89 = tpu.memref_slice %arg11[%mul3A_34, %dma_wait3A_88] : memref<10112x128xf32, #tpu.memory_space<vmem_shared>> -> memref<632x128xf32, #tpu.memory_space<vmem_shared>>
      tpu.wait_dma2 semaphore(%run_scoped3A : memref<!tpu.dma_semaphore, #tpu.memory_space<semaphore_mem>>) src(%dma_wait3A_89 : memref<632x128xf32, #tpu.memory_space<vmem_shared>>) dst(%dma_wait3A_87 : memref<632x128xf32, #tpu.memory_space<hbm>>)
      tpu.yield
    }) : () -> ()
    %barrier3A_37 = arith.constant 0 : index
    tpu.barrier barrier_id(%barrier3A_37)
    %mul3A_38 = arith.constant 2 : i32
    %mul3A_39 = arith.muli %arg0, %mul3A_38 : i32
    %add3A_40 = arith.constant 1 : i32
    %add3A_41 = arith.addi %mul3A_39, %add3A_40 : i32
    %mul3A_42 = arith.constant 632 : i32
    %mul3A_43 = arith.muli %arg1, %mul3A_42 : i32
    %mul3A_44 = arith.constant 632 : i32
    %mul3A_45 = arith.muli %arg1, %mul3A_44 : i32
    "tpu.region"() ({
      %run_scoped3A = tpu.sem_alloc : memref<!tpu.dma_semaphore, #tpu.memory_space<semaphore_mem>>
      %dma_start3A_80 = arith.constant 0 : i32
      %dma_start3A_81 = tpu.memref_slice %arg11[%mul3A_45, %dma_start3A_80] : memref<10112x128xf32, #tpu.memory_space<vmem_shared>> -> memref<632x128xf32, #tpu.memory_space<vmem_shared>>
      %dma_start3A_82 = arith.constant 0 : i32
      %dma_start3A_83 = tpu.memref_slice %arg2[%add3A_41, %mul3A_43, %dma_start3A_82] : memref<4x10240x128xf32, #tpu.memory_space<hbm>> -> memref<1x632x128xf32, #tpu.memory_space<hbm>>
      %dma_start3A_84 = tpu.memref_squeeze %dma_start3A_83 : memref<1x632x128xf32, #tpu.memory_space<hbm>> -> memref<632x128xf32, #tpu.memory_space<hbm>>
      tpu.enqueue_dma source(%dma_start3A_84 : memref<632x128xf32, #tpu.memory_space<hbm>>) target(%dma_start3A_81 : memref<632x128xf32, #tpu.memory_space<vmem_shared>>) target_semaphore(%run_scoped3A : memref<!tpu.dma_semaphore, #tpu.memory_space<semaphore_mem>>)
      %dma_wait3A_85 = arith.constant 0 : i32
      %dma_wait3A_86 = tpu.memref_slice %arg11[%mul3A_45, %dma_wait3A_85] : memref<10112x128xf32, #tpu.memory_space<vmem_shared>> -> memref<632x128xf32, #tpu.memory_space<vmem_shared>>
      %dma_wait3A_87 = arith.constant 0 : i32
      %dma_wait3A_88 = tpu.memref_slice %arg2[%add3A_41, %mul3A_43, %dma_wait3A_87] : memref<4x10240x128xf32, #tpu.memory_space<hbm>> -> memref<1x632x128xf32, #tpu.memory_space<hbm>>
      %dma_wait3A_89 = tpu.memref_squeeze %dma_wait3A_88 : memref<1x632x128xf32, #tpu.memory_space<hbm>> -> memref<632x128xf32, #tpu.memory_space<hbm>>
      tpu.wait_dma2 semaphore(%run_scoped3A : memref<!tpu.dma_semaphore, #tpu.memory_space<semaphore_mem>>) src(%dma_wait3A_89 : memref<632x128xf32, #tpu.memory_space<hbm>>) dst(%dma_wait3A_86 : memref<632x128xf32, #tpu.memory_space<vmem_shared>>)
      tpu.yield
    }) : () -> ()
    %barrier3A_46 = arith.constant 0 : index
    tpu.barrier barrier_id(%barrier3A_46)
    %add3A_47 = arith.constant 0 : i32
    %add3A_48 = arith.addi %mul3A_0, %add3A_47 : i32
    %dma_start3A_49 = tpu.memref_slice %arg4[%add3A_48] : memref<161280xi32, #tpu.memory_space<hbm>> -> memref<112xi32, #tpu.memory_space<hbm>>
    %dma_start3A_50 = tpu.memref_slice %arg4[%add3A_48] : memref<161280xi32, #tpu.memory_space<hbm>> -> memref<112xi32, #tpu.memory_space<hbm>>
    tpu.enqueue_dma source(%dma_start3A_50 : memref<112xi32, #tpu.memory_space<hbm>>) target(%arg7 : memref<112xi32, #tpu.memory_space<vmem>>) target_semaphore(%arg16 : memref<!tpu.dma_semaphore, #tpu.memory_space<semaphore_mem>>)
    %dma_start3A_51 = arith.constant 0 : i32
    %dma_start3A_52 = arith.constant 0 : i32
    %dma_start3A_53 = tpu.memref_slice %arg6[%dma_start3A_51, %dma_start3A_52] : memref<90x112xi32, #tpu.memory_space<vmem>> -> memref<1x112xi32, #tpu.memory_space<vmem>>
    %dma_start3A_54 = tpu.memref_squeeze %dma_start3A_53 : memref<1x112xi32, #tpu.memory_space<vmem>> -> memref<112xi32, #tpu.memory_space<vmem>>
    %dma_start3A_55 = arith.constant 0 : i32
    %dma_start3A_56 = arith.constant 0 : i32
    %dma_start3A_57 = tpu.memref_slice %arg2[%add3A_41, %dma_start3A_55, %dma_start3A_56] : memref<4x10240x128xf32, #tpu.memory_space<hbm>> -> memref<1x10240x128xf32, #tpu.memory_space<hbm>>
    %dma_start3A_58 = tpu.memref_squeeze %dma_start3A_57 : memref<1x10240x128xf32, #tpu.memory_space<hbm>> -> memref<10240x128xf32, #tpu.memory_space<hbm>>
    %dma_start3A_59 = arith.constant 0 : i32
    %dma_start3A_60 = arith.constant 0 : i32
    %dma_start3A_61 = tpu.memref_slice %dma_start3A_58[%dma_start3A_59, %dma_start3A_60] : memref<10240x128xf32, #tpu.memory_space<hbm>> -> memref<10240x128xf32, #tpu.memory_space<hbm>>
    tpu.enqueue_indirect_dma source(%dma_start3A_61 : memref<10240x128xf32, #tpu.memory_space<hbm>>) target(%arg9 : memref<112x128xf32, #tpu.memory_space<vmem>>) offsets(%dma_start3A_54 : memref<112xi32, #tpu.memory_space<vmem>>) semaphore(%arg12 : memref<!tpu.dma_semaphore, #tpu.memory_space<semaphore_mem>>)
    %scan3A_62 = arith.constant 0 : i32
    %scan3A_63 = arith.constant 0 : i32
    %scan3A_64 = arith.constant 45 : i32
    %scan3A_65 = arith.addi %scan3A_63, %scan3A_64 : i32
    %scan3A_66 = arith.constant 1 : i32
    scf.for %scan3A_80 = %scan3A_63 to %scan3A_65 step %scan3A_66  : i32 {
      %mul3A_81 = arith.constant 2 : i32
      %mul3A_82 = arith.muli %scan3A_80, %mul3A_81 : i32
      %add3A_83 = arith.constant 0 : i32
      %add3A_84 = arith.addi %mul3A_82, %add3A_83 : i32
      %add3A_85 = arith.constant 1 : i32
      %add3A_86 = arith.addi %add3A_84, %add3A_85 : i32
      %lt3A = arith.constant 90 : i32
      %lt3A_87 = arith.cmpi slt, %add3A_86, %lt3A : i32
      %convert_element_type3A = arith.extui %lt3A_87 : i1 to i32
      %cond3A = arith.constant 0 : i32
      %cond3A_88 = arith.cmpi ne, %convert_element_type3A, %cond3A : i32
      scf.if %cond3A_88 {
        %ge3A = arith.constant 1 : i32
        %ge3A_136 = arith.cmpi sge, %add3A_84, %ge3A : i32
        %convert_element_type3A_137 = arith.extui %ge3A_136 : i1 to i32
        %cond3A_138 = arith.constant 0 : i32
        %cond3A_139 = arith.cmpi ne, %convert_element_type3A_137, %cond3A_138 : i32
        scf.if %cond3A_139 {
          %dma_wait3A_157 = arith.constant 0 : i32
          %dma_wait3A_158 = arith.constant 0 : i32
          %dma_wait3A_159 = tpu.memref_slice %arg11[%dma_wait3A_157, %dma_wait3A_158] : memref<10112x128xf32, #tpu.memory_space<vmem_shared>> -> memref<10112x128xf32, #tpu.memory_space<vmem_shared>>
          tpu.wait_indirect_dma semaphore(%arg15 : memref<!tpu.dma_semaphore, #tpu.memory_space<semaphore_mem>>) src(%arg10 : memref<112x128xf32, #tpu.memory_space<vmem>>) dst(%dma_wait3A_159 : memref<10112x128xf32, #tpu.memory_space<vmem_shared>>)
        } else {
        }
        %add3A_140 = arith.constant 1 : i32
        %add3A_141 = arith.addi %add3A_84, %add3A_140 : i32
        %mul3A_142 = arith.constant 112 : i32
        %mul3A_143 = arith.muli %add3A_141, %mul3A_142 : i32
        %add3A_144 = arith.addi %mul3A_0, %mul3A_143 : i32
        %dma_start3A_145 = tpu.memref_slice %arg4[%add3A_144] : memref<161280xi32, #tpu.memory_space<hbm>> -> memref<112xi32, #tpu.memory_space<hbm>>
        %dma_start3A_146 = tpu.memref_slice %arg4[%add3A_144] : memref<161280xi32, #tpu.memory_space<hbm>> -> memref<112xi32, #tpu.memory_space<hbm>>
        tpu.enqueue_dma source(%dma_start3A_146 : memref<112xi32, #tpu.memory_space<hbm>>) target(%arg8 : memref<112xi32, #tpu.memory_space<vmem>>) target_semaphore(%arg17 : memref<!tpu.dma_semaphore, #tpu.memory_space<semaphore_mem>>)
        %dma_start3A_147 = arith.constant 0 : i32
        %dma_start3A_148 = tpu.memref_slice %arg6[%add3A_141, %dma_start3A_147] : memref<90x112xi32, #tpu.memory_space<vmem>> -> memref<1x112xi32, #tpu.memory_space<vmem>>
        %dma_start3A_149 = tpu.memref_squeeze %dma_start3A_148 : memref<1x112xi32, #tpu.memory_space<vmem>> -> memref<112xi32, #tpu.memory_space<vmem>>
        %dma_start3A_150 = arith.constant 0 : i32
        %dma_start3A_151 = arith.constant 0 : i32
        %dma_start3A_152 = tpu.memref_slice %arg2[%add3A_41, %dma_start3A_150, %dma_start3A_151] : memref<4x10240x128xf32, #tpu.memory_space<hbm>> -> memref<1x10240x128xf32, #tpu.memory_space<hbm>>
        %dma_start3A_153 = tpu.memref_squeeze %dma_start3A_152 : memref<1x10240x128xf32, #tpu.memory_space<hbm>> -> memref<10240x128xf32, #tpu.memory_space<hbm>>
        %dma_start3A_154 = arith.constant 0 : i32
        %dma_start3A_155 = arith.constant 0 : i32
        %dma_start3A_156 = tpu.memref_slice %dma_start3A_153[%dma_start3A_154, %dma_start3A_155] : memref<10240x128xf32, #tpu.memory_space<hbm>> -> memref<10240x128xf32, #tpu.memory_space<hbm>>
        tpu.enqueue_indirect_dma source(%dma_start3A_156 : memref<10240x128xf32, #tpu.memory_space<hbm>>) target(%arg10 : memref<112x128xf32, #tpu.memory_space<vmem>>) offsets(%dma_start3A_149 : memref<112xi32, #tpu.memory_space<vmem>>) semaphore(%arg13 : memref<!tpu.dma_semaphore, #tpu.memory_space<semaphore_mem>>)
      } else {
      }
      %mul3A_89 = arith.constant 112 : i32
      %mul3A_90 = arith.muli %add3A_84, %mul3A_89 : i32
      %add3A_91 = arith.addi %mul3A_0, %mul3A_90 : i32
      %dma_wait3A_92 = tpu.memref_slice %arg4[%add3A_91] : memref<161280xi32, #tpu.memory_space<hbm>> -> memref<112xi32, #tpu.memory_space<hbm>>
      %dma_wait3A_93 = tpu.memref_slice %arg4[%add3A_91] : memref<161280xi32, #tpu.memory_space<hbm>> -> memref<112xi32, #tpu.memory_space<hbm>>
      tpu.wait_dma2 semaphore(%arg16 : memref<!tpu.dma_semaphore, #tpu.memory_space<semaphore_mem>>) src(%dma_wait3A_93 : memref<112xi32, #tpu.memory_space<hbm>>) dst(%arg7 : memref<112xi32, #tpu.memory_space<vmem>>)
      %dma_wait3A_94 = arith.constant 0 : i32
      %dma_wait3A_95 = tpu.memref_slice %arg6[%add3A_84, %dma_wait3A_94] : memref<90x112xi32, #tpu.memory_space<vmem>> -> memref<1x112xi32, #tpu.memory_space<vmem>>
      %dma_wait3A_96 = tpu.memref_squeeze %dma_wait3A_95 : memref<1x112xi32, #tpu.memory_space<vmem>> -> memref<112xi32, #tpu.memory_space<vmem>>
      %dma_wait3A_97 = arith.constant 0 : i32
      %dma_wait3A_98 = arith.constant 0 : i32
      %dma_wait3A_99 = tpu.memref_slice %arg2[%add3A_41, %dma_wait3A_97, %dma_wait3A_98] : memref<4x10240x128xf32, #tpu.memory_space<hbm>> -> memref<1x10240x128xf32, #tpu.memory_space<hbm>>
      %dma_wait3A_100 = tpu.memref_squeeze %dma_wait3A_99 : memref<1x10240x128xf32, #tpu.memory_space<hbm>> -> memref<10240x128xf32, #tpu.memory_space<hbm>>
      %dma_wait3A_101 = arith.constant 0 : i32
      %dma_wait3A_102 = arith.constant 0 : i32
      %dma_wait3A_103 = tpu.memref_slice %dma_wait3A_100[%dma_wait3A_101, %dma_wait3A_102] : memref<10240x128xf32, #tpu.memory_space<hbm>> -> memref<10240x128xf32, #tpu.memory_space<hbm>>
      tpu.wait_indirect_dma semaphore(%arg12 : memref<!tpu.dma_semaphore, #tpu.memory_space<semaphore_mem>>) src(%dma_wait3A_103 : memref<10240x128xf32, #tpu.memory_space<hbm>>) dst(%arg9 : memref<112x128xf32, #tpu.memory_space<vmem>>)
      %dma_start3A_104 = arith.constant 0 : i32
      %dma_start3A_105 = arith.constant 0 : i32
      %dma_start3A_106 = tpu.memref_slice %arg11[%dma_start3A_104, %dma_start3A_105] : memref<10112x128xf32, #tpu.memory_space<vmem_shared>> -> memref<10112x128xf32, #tpu.memory_space<vmem_shared>>
      tpu.enqueue_indirect_dma source(%arg9 : memref<112x128xf32, #tpu.memory_space<vmem>>) target(%dma_start3A_106 : memref<10112x128xf32, #tpu.memory_space<vmem_shared>>) offsets(%arg7 : memref<112xi32, #tpu.memory_space<vmem>>) semaphore(%arg14 : memref<!tpu.dma_semaphore, #tpu.memory_space<semaphore_mem>>) {add = true}
      %mul3A_107 = arith.constant 2 : i32
      %mul3A_108 = arith.muli %scan3A_80, %mul3A_107 : i32
      %add3A_109 = arith.constant 1 : i32
      %add3A_110 = arith.addi %mul3A_108, %add3A_109 : i32
      %add3A_111 = arith.constant 1 : i32
      %add3A_112 = arith.addi %add3A_110, %add3A_111 : i32
      %lt3A_113 = arith.constant 90 : i32
      %lt3A_114 = arith.cmpi slt, %add3A_112, %lt3A_113 : i32
      %convert_element_type3A_115 = arith.extui %lt3A_114 : i1 to i32
      %cond3A_116 = arith.constant 0 : i32
      %cond3A_117 = arith.cmpi ne, %convert_element_type3A_115, %cond3A_116 : i32
      scf.if %cond3A_117 {
        %ge3A = arith.constant 1 : i32
        %ge3A_136 = arith.cmpi sge, %add3A_110, %ge3A : i32
        %convert_element_type3A_137 = arith.extui %ge3A_136 : i1 to i32
        %cond3A_138 = arith.constant 0 : i32
        %cond3A_139 = arith.cmpi ne, %convert_element_type3A_137, %cond3A_138 : i32
        scf.if %cond3A_139 {
          %dma_wait3A_157 = arith.constant 0 : i32
          %dma_wait3A_158 = arith.constant 0 : i32
          %dma_wait3A_159 = tpu.memref_slice %arg11[%dma_wait3A_157, %dma_wait3A_158] : memref<10112x128xf32, #tpu.memory_space<vmem_shared>> -> memref<10112x128xf32, #tpu.memory_space<vmem_shared>>
          tpu.wait_indirect_dma semaphore(%arg14 : memref<!tpu.dma_semaphore, #tpu.memory_space<semaphore_mem>>) src(%arg9 : memref<112x128xf32, #tpu.memory_space<vmem>>) dst(%dma_wait3A_159 : memref<10112x128xf32, #tpu.memory_space<vmem_shared>>)
        } else {
        }
        %add3A_140 = arith.constant 1 : i32
        %add3A_141 = arith.addi %add3A_110, %add3A_140 : i32
        %mul3A_142 = arith.constant 112 : i32
        %mul3A_143 = arith.muli %add3A_141, %mul3A_142 : i32
        %add3A_144 = arith.addi %mul3A_0, %mul3A_143 : i32
        %dma_start3A_145 = tpu.memref_slice %arg4[%add3A_144] : memref<161280xi32, #tpu.memory_space<hbm>> -> memref<112xi32, #tpu.memory_space<hbm>>
        %dma_start3A_146 = tpu.memref_slice %arg4[%add3A_144] : memref<161280xi32, #tpu.memory_space<hbm>> -> memref<112xi32, #tpu.memory_space<hbm>>
        tpu.enqueue_dma source(%dma_start3A_146 : memref<112xi32, #tpu.memory_space<hbm>>) target(%arg7 : memref<112xi32, #tpu.memory_space<vmem>>) target_semaphore(%arg16 : memref<!tpu.dma_semaphore, #tpu.memory_space<semaphore_mem>>)
        %dma_start3A_147 = arith.constant 0 : i32
        %dma_start3A_148 = tpu.memref_slice %arg6[%add3A_141, %dma_start3A_147] : memref<90x112xi32, #tpu.memory_space<vmem>> -> memref<1x112xi32, #tpu.memory_space<vmem>>
        %dma_start3A_149 = tpu.memref_squeeze %dma_start3A_148 : memref<1x112xi32, #tpu.memory_space<vmem>> -> memref<112xi32, #tpu.memory_space<vmem>>
        %dma_start3A_150 = arith.constant 0 : i32
        %dma_start3A_151 = arith.constant 0 : i32
        %dma_start3A_152 = tpu.memref_slice %arg2[%add3A_41, %dma_start3A_150, %dma_start3A_151] : memref<4x10240x128xf32, #tpu.memory_space<hbm>> -> memref<1x10240x128xf32, #tpu.memory_space<hbm>>
        %dma_start3A_153 = tpu.memref_squeeze %dma_start3A_152 : memref<1x10240x128xf32, #tpu.memory_space<hbm>> -> memref<10240x128xf32, #tpu.memory_space<hbm>>
        %dma_start3A_154 = arith.constant 0 : i32
        %dma_start3A_155 = arith.constant 0 : i32
        %dma_start3A_156 = tpu.memref_slice %dma_start3A_153[%dma_start3A_154, %dma_start3A_155] : memref<10240x128xf32, #tpu.memory_space<hbm>> -> memref<10240x128xf32, #tpu.memory_space<hbm>>
        tpu.enqueue_indirect_dma source(%dma_start3A_156 : memref<10240x128xf32, #tpu.memory_space<hbm>>) target(%arg9 : memref<112x128xf32, #tpu.memory_space<vmem>>) offsets(%dma_start3A_149 : memref<112xi32, #tpu.memory_space<vmem>>) semaphore(%arg12 : memref<!tpu.dma_semaphore, #tpu.memory_space<semaphore_mem>>)
      } else {
      }
      %mul3A_118 = arith.constant 112 : i32
      %mul3A_119 = arith.muli %add3A_110, %mul3A_118 : i32
      %add3A_120 = arith.addi %mul3A_0, %mul3A_119 : i32
      %dma_wait3A_121 = tpu.memref_slice %arg4[%add3A_120] : memref<161280xi32, #tpu.memory_space<hbm>> -> memref<112xi32, #tpu.memory_space<hbm>>
      %dma_wait3A_122 = tpu.memref_slice %arg4[%add3A_120] : memref<161280xi32, #tpu.memory_space<hbm>> -> memref<112xi32, #tpu.memory_space<hbm>>
      tpu.wait_dma2 semaphore(%arg17 : memref<!tpu.dma_semaphore, #tpu.memory_space<semaphore_mem>>) src(%dma_wait3A_122 : memref<112xi32, #tpu.memory_space<hbm>>) dst(%arg8 : memref<112xi32, #tpu.memory_space<vmem>>)
      %dma_wait3A_123 = arith.constant 0 : i32
      %dma_wait3A_124 = tpu.memref_slice %arg6[%add3A_110, %dma_wait3A_123] : memref<90x112xi32, #tpu.memory_space<vmem>> -> memref<1x112xi32, #tpu.memory_space<vmem>>
      %dma_wait3A_125 = tpu.memref_squeeze %dma_wait3A_124 : memref<1x112xi32, #tpu.memory_space<vmem>> -> memref<112xi32, #tpu.memory_space<vmem>>
      %dma_wait3A_126 = arith.constant 0 : i32
      %dma_wait3A_127 = arith.constant 0 : i32
      %dma_wait3A_128 = tpu.memref_slice %arg2[%add3A_41, %dma_wait3A_126, %dma_wait3A_127] : memref<4x10240x128xf32, #tpu.memory_space<hbm>> -> memref<1x10240x128xf32, #tpu.memory_space<hbm>>
      %dma_wait3A_129 = tpu.memref_squeeze %dma_wait3A_128 : memref<1x10240x128xf32, #tpu.memory_space<hbm>> -> memref<10240x128xf32, #tpu.memory_space<hbm>>
      %dma_wait3A_130 = arith.constant 0 : i32
      %dma_wait3A_131 = arith.constant 0 : i32
      %dma_wait3A_132 = tpu.memref_slice %dma_wait3A_129[%dma_wait3A_130, %dma_wait3A_131] : memref<10240x128xf32, #tpu.memory_space<hbm>> -> memref<10240x128xf32, #tpu.memory_space<hbm>>
      tpu.wait_indirect_dma semaphore(%arg13 : memref<!tpu.dma_semaphore, #tpu.memory_space<semaphore_mem>>) src(%dma_wait3A_132 : memref<10240x128xf32, #tpu.memory_space<hbm>>) dst(%arg10 : memref<112x128xf32, #tpu.memory_space<vmem>>)
      %dma_start3A_133 = arith.constant 0 : i32
      %dma_start3A_134 = arith.constant 0 : i32
      %dma_start3A_135 = tpu.memref_slice %arg11[%dma_start3A_133, %dma_start3A_134] : memref<10112x128xf32, #tpu.memory_space<vmem_shared>> -> memref<10112x128xf32, #tpu.memory_space<vmem_shared>>
      tpu.enqueue_indirect_dma source(%arg10 : memref<112x128xf32, #tpu.memory_space<vmem>>) target(%dma_start3A_135 : memref<10112x128xf32, #tpu.memory_space<vmem_shared>>) offsets(%arg8 : memref<112xi32, #tpu.memory_space<vmem>>) semaphore(%arg15 : memref<!tpu.dma_semaphore, #tpu.memory_space<semaphore_mem>>) {add = true}
    }
    %scan3A_67 = arith.constant 45 : i32
    %dma_wait3A_68 = arith.constant 0 : i32
    %dma_wait3A_69 = arith.constant 0 : i32
    %dma_wait3A_70 = tpu.memref_slice %arg11[%dma_wait3A_68, %dma_wait3A_69] : memref<10112x128xf32, #tpu.memory_space<vmem_shared>> -> memref<10112x128xf32, #tpu.memory_space<vmem_shared>>
    tpu.wait_indirect_dma semaphore(%arg14 : memref<!tpu.dma_semaphore, #tpu.memory_space<semaphore_mem>>) src(%arg9 : memref<112x128xf32, #tpu.memory_space<vmem>>) dst(%dma_wait3A_70 : memref<10112x128xf32, #tpu.memory_space<vmem_shared>>)
    %dma_wait3A_71 = arith.constant 0 : i32
    %dma_wait3A_72 = arith.constant 0 : i32
    %dma_wait3A_73 = tpu.memref_slice %arg11[%dma_wait3A_71, %dma_wait3A_72] : memref<10112x128xf32, #tpu.memory_space<vmem_shared>> -> memref<10112x128xf32, #tpu.memory_space<vmem_shared>>
    tpu.wait_indirect_dma semaphore(%arg15 : memref<!tpu.dma_semaphore, #tpu.memory_space<semaphore_mem>>) src(%arg10 : memref<112x128xf32, #tpu.memory_space<vmem>>) dst(%dma_wait3A_73 : memref<10112x128xf32, #tpu.memory_space<vmem_shared>>)
    %barrier3A_74 = arith.constant 0 : index
    tpu.barrier barrier_id(%barrier3A_74)
    %mul3A_75 = arith.constant 632 : i32
    %mul3A_76 = arith.muli %arg1, %mul3A_75 : i32
    %mul3A_77 = arith.constant 632 : i32
    %mul3A_78 = arith.muli %arg1, %mul3A_77 : i32
    "tpu.region"() ({
      %run_scoped3A = tpu.sem_alloc : memref<!tpu.dma_semaphore, #tpu.memory_space<semaphore_mem>>
      %dma_start3A_80 = arith.constant 0 : i32
      %dma_start3A_81 = tpu.memref_slice %arg5[%add3A_41, %mul3A_78, %dma_start3A_80] : memref<4x10112x128xf32, #tpu.memory_space<hbm>> -> memref<1x632x128xf32, #tpu.memory_space<hbm>>
      %dma_start3A_82 = tpu.memref_squeeze %dma_start3A_81 : memref<1x632x128xf32, #tpu.memory_space<hbm>> -> memref<632x128xf32, #tpu.memory_space<hbm>>
      %dma_start3A_83 = arith.constant 0 : i32
      %dma_start3A_84 = tpu.memref_slice %arg11[%mul3A_76, %dma_start3A_83] : memref<10112x128xf32, #tpu.memory_space<vmem_shared>> -> memref<632x128xf32, #tpu.memory_space<vmem_shared>>
      tpu.enqueue_dma source(%dma_start3A_84 : memref<632x128xf32, #tpu.memory_space<vmem_shared>>) target(%dma_start3A_82 : memref<632x128xf32, #tpu.memory_space<hbm>>) target_semaphore(%run_scoped3A : memref<!tpu.dma_semaphore, #tpu.memory_space<semaphore_mem>>)
      %dma_wait3A_85 = arith.constant 0 : i32
      %dma_wait3A_86 = tpu.memref_slice %arg5[%add3A_41, %mul3A_78, %dma_wait3A_85] : memref<4x10112x128xf32, #tpu.memory_space<hbm>> -> memref<1x632x128xf32, #tpu.memory_space<hbm>>
      %dma_wait3A_87 = tpu.memref_squeeze %dma_wait3A_86 : memref<1x632x128xf32, #tpu.memory_space<hbm>> -> memref<632x128xf32, #tpu.memory_space<hbm>>
      %dma_wait3A_88 = arith.constant 0 : i32
      %dma_wait3A_89 = tpu.memref_slice %arg11[%mul3A_76, %dma_wait3A_88] : memref<10112x128xf32, #tpu.memory_space<vmem_shared>> -> memref<632x128xf32, #tpu.memory_space<vmem_shared>>
      tpu.wait_dma2 semaphore(%run_scoped3A : memref<!tpu.dma_semaphore, #tpu.memory_space<semaphore_mem>>) src(%dma_wait3A_89 : memref<632x128xf32, #tpu.memory_space<vmem_shared>>) dst(%dma_wait3A_87 : memref<632x128xf32, #tpu.memory_space<hbm>>)
      tpu.yield
    }) : () -> ()
    %barrier3A_79 = arith.constant 0 : index
    tpu.barrier barrier_id(%barrier3A_79)
    return
  }
}

#map = affine_map<(d0, d1) -> (0, 0)>
#map1 = affine_map<(d0, d1) -> (0)>
module attributes {stable_mosaic.version = 14 : i64} {
  func.func @head_kernel(%arg0: i32, %arg1: i32, %arg2: memref<10000x512xf32, #tpu.memory_space<hbm>>, %arg3: memref<10000x512xf32, #tpu.memory_space<hbm>>, %arg4: memref<101376xi32, #tpu.memory_space<hbm>>, %arg5: memref<101376xi32, #tpu.memory_space<hbm>>, %arg6: memref<1x16xf32, #tpu.memory_space<hbm>>, %arg7: memref<101376xf32, #tpu.memory_space<hbm>>, %arg8: memref<48xi32, #tpu.memory_space<vmem>>, %arg9: memref<48xi32, #tpu.memory_space<vmem>>, %arg10: memref<48xi32, #tpu.memory_space<vmem>>, %arg11: memref<48xi32, #tpu.memory_space<vmem>>, %arg12: memref<48x512xf32, #tpu.memory_space<vmem>>, %arg13: memref<48x512xf32, #tpu.memory_space<vmem>>, %arg14: memref<48x512xf32, #tpu.memory_space<vmem>>, %arg15: memref<48x512xf32, #tpu.memory_space<vmem>>, %arg16: memref<48xf32, #tpu.memory_space<vmem>>, %arg17: memref<256xf32, #tpu.memory_space<vmem>>, %arg18: memref<16xf32, #tpu.memory_space<vmem>>, %arg19: memref<!tpu.dma_semaphore, #tpu.memory_space<semaphore_mem>>, %arg20: memref<!tpu.dma_semaphore, #tpu.memory_space<semaphore_mem>>, %arg21: memref<!tpu.dma_semaphore, #tpu.memory_space<semaphore_mem>>, %arg22: memref<!tpu.dma_semaphore, #tpu.memory_space<semaphore_mem>>) attributes {dimension_semantics = [#tpu.dimension_semantics<core_parallel>, #tpu.dimension_semantics<subcore_parallel>], iteration_bounds = array<i64: 2, 16>, scalar_prefetch = 0 : i64, scratch_operands = 15 : i64, tpu.core_type = #tpu.core_type<sc_vector_subcore>, window_params = [{transform_indices = #map}, {transform_indices = #map}, {transform_indices = #map1}, {transform_indices = #map1}, {transform_indices = #map}, {transform_indices = #map1}]} {
    %mul3A = arith.constant 2 : i32
    %mul3A_0 = arith.muli %arg1, %mul3A : i32
    %add3A = arith.addi %mul3A_0, %arg0 : i32
    %run_scoped3A = arith.constant 0 : i32
    "tpu.region"() ({
      %run_scoped3A_15 = tpu.sem_alloc : memref<!tpu.dma_semaphore, #tpu.memory_space<semaphore_mem>>
      %dma_start3A_16 = arith.constant 0 : i32
      %dma_start3A_17 = tpu.memref_slice %arg6[%run_scoped3A, %dma_start3A_16] : memref<1x16xf32, #tpu.memory_space<hbm>> -> memref<1x16xf32, #tpu.memory_space<hbm>>
      %dma_start3A_18 = tpu.memref_squeeze %dma_start3A_17 : memref<1x16xf32, #tpu.memory_space<hbm>> -> memref<16xf32, #tpu.memory_space<hbm>>
      %dma_start3A_19 = arith.constant 0 : i32
      %dma_start3A_20 = tpu.memref_slice %arg6[%run_scoped3A, %dma_start3A_19] : memref<1x16xf32, #tpu.memory_space<hbm>> -> memref<1x16xf32, #tpu.memory_space<hbm>>
      %dma_start3A_21 = tpu.memref_squeeze %dma_start3A_20 : memref<1x16xf32, #tpu.memory_space<hbm>> -> memref<16xf32, #tpu.memory_space<hbm>>
      tpu.enqueue_dma source(%dma_start3A_21 : memref<16xf32, #tpu.memory_space<hbm>>) target(%arg18 : memref<16xf32, #tpu.memory_space<vmem>>) target_semaphore(%run_scoped3A_15 : memref<!tpu.dma_semaphore, #tpu.memory_space<semaphore_mem>>)
      %dma_wait3A = arith.constant 0 : i32
      %dma_wait3A_22 = tpu.memref_slice %arg6[%run_scoped3A, %dma_wait3A] : memref<1x16xf32, #tpu.memory_space<hbm>> -> memref<1x16xf32, #tpu.memory_space<hbm>>
      %dma_wait3A_23 = tpu.memref_squeeze %dma_wait3A_22 : memref<1x16xf32, #tpu.memory_space<hbm>> -> memref<16xf32, #tpu.memory_space<hbm>>
      %dma_wait3A_24 = arith.constant 0 : i32
      %dma_wait3A_25 = tpu.memref_slice %arg6[%run_scoped3A, %dma_wait3A_24] : memref<1x16xf32, #tpu.memory_space<hbm>> -> memref<1x16xf32, #tpu.memory_space<hbm>>
      %dma_wait3A_26 = tpu.memref_squeeze %dma_wait3A_25 : memref<1x16xf32, #tpu.memory_space<hbm>> -> memref<16xf32, #tpu.memory_space<hbm>>
      tpu.wait_dma2 semaphore(%run_scoped3A_15 : memref<!tpu.dma_semaphore, #tpu.memory_space<semaphore_mem>>) src(%dma_wait3A_26 : memref<16xf32, #tpu.memory_space<hbm>>) dst(%arg18 : memref<16xf32, #tpu.memory_space<vmem>>)
      tpu.yield
    }) : () -> ()
    %iota3A = tpu.iota {dimensions = array<i32: 0>} : vector<16xi32>
    %add3A_1 = arith.constant 0 : i32
    %add3A_2 = arith.addi %add3A, %add3A_1 : i32
    %mul3A_3 = arith.constant 48 : i32
    %mul3A_4 = arith.muli %add3A_2, %mul3A_3 : i32
    "tpu.region"() ({
      %run_scoped3A_15 = tpu.sem_alloc : memref<!tpu.dma_semaphore, #tpu.memory_space<semaphore_mem>>
      %dma_start3A_16 = tpu.memref_slice %arg4[%mul3A_4] : memref<101376xi32, #tpu.memory_space<hbm>> -> memref<48xi32, #tpu.memory_space<hbm>>
      %dma_start3A_17 = tpu.memref_slice %arg4[%mul3A_4] : memref<101376xi32, #tpu.memory_space<hbm>> -> memref<48xi32, #tpu.memory_space<hbm>>
      tpu.enqueue_dma source(%dma_start3A_17 : memref<48xi32, #tpu.memory_space<hbm>>) target(%arg8 : memref<48xi32, #tpu.memory_space<vmem>>) target_semaphore(%run_scoped3A_15 : memref<!tpu.dma_semaphore, #tpu.memory_space<semaphore_mem>>)
      %dma_wait3A = tpu.memref_slice %arg4[%mul3A_4] : memref<101376xi32, #tpu.memory_space<hbm>> -> memref<48xi32, #tpu.memory_space<hbm>>
      %dma_wait3A_18 = tpu.memref_slice %arg4[%mul3A_4] : memref<101376xi32, #tpu.memory_space<hbm>> -> memref<48xi32, #tpu.memory_space<hbm>>
      tpu.wait_dma2 semaphore(%run_scoped3A_15 : memref<!tpu.dma_semaphore, #tpu.memory_space<semaphore_mem>>) src(%dma_wait3A_18 : memref<48xi32, #tpu.memory_space<hbm>>) dst(%arg8 : memref<48xi32, #tpu.memory_space<vmem>>)
      tpu.yield
    }) : () -> ()
    "tpu.region"() ({
      %run_scoped3A_15 = tpu.sem_alloc : memref<!tpu.dma_semaphore, #tpu.memory_space<semaphore_mem>>
      %dma_start3A_16 = tpu.memref_slice %arg5[%mul3A_4] : memref<101376xi32, #tpu.memory_space<hbm>> -> memref<48xi32, #tpu.memory_space<hbm>>
      %dma_start3A_17 = tpu.memref_slice %arg5[%mul3A_4] : memref<101376xi32, #tpu.memory_space<hbm>> -> memref<48xi32, #tpu.memory_space<hbm>>
      tpu.enqueue_dma source(%dma_start3A_17 : memref<48xi32, #tpu.memory_space<hbm>>) target(%arg10 : memref<48xi32, #tpu.memory_space<vmem>>) target_semaphore(%run_scoped3A_15 : memref<!tpu.dma_semaphore, #tpu.memory_space<semaphore_mem>>)
      %dma_wait3A = tpu.memref_slice %arg5[%mul3A_4] : memref<101376xi32, #tpu.memory_space<hbm>> -> memref<48xi32, #tpu.memory_space<hbm>>
      %dma_wait3A_18 = tpu.memref_slice %arg5[%mul3A_4] : memref<101376xi32, #tpu.memory_space<hbm>> -> memref<48xi32, #tpu.memory_space<hbm>>
      tpu.wait_dma2 semaphore(%run_scoped3A_15 : memref<!tpu.dma_semaphore, #tpu.memory_space<semaphore_mem>>) src(%dma_wait3A_18 : memref<48xi32, #tpu.memory_space<hbm>>) dst(%arg10 : memref<48xi32, #tpu.memory_space<vmem>>)
      tpu.yield
    }) : () -> ()
    %dma_start3A = arith.constant 0 : i32
    %dma_start3A_5 = arith.constant 0 : i32
    %dma_start3A_6 = tpu.memref_slice %arg2[%dma_start3A, %dma_start3A_5] : memref<10000x512xf32, #tpu.memory_space<hbm>> -> memref<10000x512xf32, #tpu.memory_space<hbm>>
    tpu.enqueue_indirect_dma source(%dma_start3A_6 : memref<10000x512xf32, #tpu.memory_space<hbm>>) target(%arg12 : memref<48x512xf32, #tpu.memory_space<vmem>>) offsets(%arg8 : memref<48xi32, #tpu.memory_space<vmem>>) semaphore(%arg19 : memref<!tpu.dma_semaphore, #tpu.memory_space<semaphore_mem>>)
    %dma_start3A_7 = arith.constant 0 : i32
    %dma_start3A_8 = arith.constant 0 : i32
    %dma_start3A_9 = tpu.memref_slice %arg3[%dma_start3A_7, %dma_start3A_8] : memref<10000x512xf32, #tpu.memory_space<hbm>> -> memref<10000x512xf32, #tpu.memory_space<hbm>>
    tpu.enqueue_indirect_dma source(%dma_start3A_9 : memref<10000x512xf32, #tpu.memory_space<hbm>>) target(%arg14 : memref<48x512xf32, #tpu.memory_space<vmem>>) offsets(%arg10 : memref<48xi32, #tpu.memory_space<vmem>>) semaphore(%arg21 : memref<!tpu.dma_semaphore, #tpu.memory_space<semaphore_mem>>)
    %scan3A = arith.constant 0 : i32
    %scan3A_10 = arith.constant 0 : i32
    %scan3A_11 = arith.constant 33 : i32
    %scan3A_12 = arith.addi %scan3A_10, %scan3A_11 : i32
    %scan3A_13 = arith.constant 1 : i32
    scf.for %scan3A_15 = %scan3A_10 to %scan3A_12 step %scan3A_13  : i32 {
      %mul3A_16 = arith.constant 2 : i32
      %mul3A_17 = arith.muli %scan3A_15, %mul3A_16 : i32
      %add3A_18 = arith.constant 0 : i32
      %add3A_19 = arith.addi %mul3A_17, %add3A_18 : i32
      %add3A_20 = arith.constant 1 : i32
      %add3A_21 = arith.addi %add3A_19, %add3A_20 : i32
      %lt3A = arith.constant 66 : i32
      %lt3A_22 = arith.cmpi slt, %add3A_21, %lt3A : i32
      %convert_element_type3A = arith.extui %lt3A_22 : i1 to i32
      %cond3A = arith.constant 0 : i32
      %cond3A_23 = arith.cmpi ne, %convert_element_type3A, %cond3A : i32
      scf.if %cond3A_23 {
        %add3A_70 = arith.constant 1 : i32
        %add3A_71 = arith.addi %add3A_19, %add3A_70 : i32
        %mul3A_72 = arith.constant 32 : i32
        %mul3A_73 = arith.muli %add3A_71, %mul3A_72 : i32
        %add3A_74 = arith.addi %add3A, %mul3A_73 : i32
        %mul3A_75 = arith.constant 48 : i32
        %mul3A_76 = arith.muli %add3A_74, %mul3A_75 : i32
        "tpu.region"() ({
          %run_scoped3A_83 = tpu.sem_alloc : memref<!tpu.dma_semaphore, #tpu.memory_space<semaphore_mem>>
          %dma_start3A_84 = tpu.memref_slice %arg4[%mul3A_76] : memref<101376xi32, #tpu.memory_space<hbm>> -> memref<48xi32, #tpu.memory_space<hbm>>
          %dma_start3A_85 = tpu.memref_slice %arg4[%mul3A_76] : memref<101376xi32, #tpu.memory_space<hbm>> -> memref<48xi32, #tpu.memory_space<hbm>>
          tpu.enqueue_dma source(%dma_start3A_85 : memref<48xi32, #tpu.memory_space<hbm>>) target(%arg9 : memref<48xi32, #tpu.memory_space<vmem>>) target_semaphore(%run_scoped3A_83 : memref<!tpu.dma_semaphore, #tpu.memory_space<semaphore_mem>>)
          %dma_wait3A_86 = tpu.memref_slice %arg4[%mul3A_76] : memref<101376xi32, #tpu.memory_space<hbm>> -> memref<48xi32, #tpu.memory_space<hbm>>
          %dma_wait3A_87 = tpu.memref_slice %arg4[%mul3A_76] : memref<101376xi32, #tpu.memory_space<hbm>> -> memref<48xi32, #tpu.memory_space<hbm>>
          tpu.wait_dma2 semaphore(%run_scoped3A_83 : memref<!tpu.dma_semaphore, #tpu.memory_space<semaphore_mem>>) src(%dma_wait3A_87 : memref<48xi32, #tpu.memory_space<hbm>>) dst(%arg9 : memref<48xi32, #tpu.memory_space<vmem>>)
          tpu.yield
        }) : () -> ()
        "tpu.region"() ({
          %run_scoped3A_83 = tpu.sem_alloc : memref<!tpu.dma_semaphore, #tpu.memory_space<semaphore_mem>>
          %dma_start3A_84 = tpu.memref_slice %arg5[%mul3A_76] : memref<101376xi32, #tpu.memory_space<hbm>> -> memref<48xi32, #tpu.memory_space<hbm>>
          %dma_start3A_85 = tpu.memref_slice %arg5[%mul3A_76] : memref<101376xi32, #tpu.memory_space<hbm>> -> memref<48xi32, #tpu.memory_space<hbm>>
          tpu.enqueue_dma source(%dma_start3A_85 : memref<48xi32, #tpu.memory_space<hbm>>) target(%arg11 : memref<48xi32, #tpu.memory_space<vmem>>) target_semaphore(%run_scoped3A_83 : memref<!tpu.dma_semaphore, #tpu.memory_space<semaphore_mem>>)
          %dma_wait3A_86 = tpu.memref_slice %arg5[%mul3A_76] : memref<101376xi32, #tpu.memory_space<hbm>> -> memref<48xi32, #tpu.memory_space<hbm>>
          %dma_wait3A_87 = tpu.memref_slice %arg5[%mul3A_76] : memref<101376xi32, #tpu.memory_space<hbm>> -> memref<48xi32, #tpu.memory_space<hbm>>
          tpu.wait_dma2 semaphore(%run_scoped3A_83 : memref<!tpu.dma_semaphore, #tpu.memory_space<semaphore_mem>>) src(%dma_wait3A_87 : memref<48xi32, #tpu.memory_space<hbm>>) dst(%arg11 : memref<48xi32, #tpu.memory_space<vmem>>)
          tpu.yield
        }) : () -> ()
        %dma_start3A_77 = arith.constant 0 : i32
        %dma_start3A_78 = arith.constant 0 : i32
        %dma_start3A_79 = tpu.memref_slice %arg2[%dma_start3A_77, %dma_start3A_78] : memref<10000x512xf32, #tpu.memory_space<hbm>> -> memref<10000x512xf32, #tpu.memory_space<hbm>>
        tpu.enqueue_indirect_dma source(%dma_start3A_79 : memref<10000x512xf32, #tpu.memory_space<hbm>>) target(%arg13 : memref<48x512xf32, #tpu.memory_space<vmem>>) offsets(%arg9 : memref<48xi32, #tpu.memory_space<vmem>>) semaphore(%arg20 : memref<!tpu.dma_semaphore, #tpu.memory_space<semaphore_mem>>)
        %dma_start3A_80 = arith.constant 0 : i32
        %dma_start3A_81 = arith.constant 0 : i32
        %dma_start3A_82 = tpu.memref_slice %arg3[%dma_start3A_80, %dma_start3A_81] : memref<10000x512xf32, #tpu.memory_space<hbm>> -> memref<10000x512xf32, #tpu.memory_space<hbm>>
        tpu.enqueue_indirect_dma source(%dma_start3A_82 : memref<10000x512xf32, #tpu.memory_space<hbm>>) target(%arg15 : memref<48x512xf32, #tpu.memory_space<vmem>>) offsets(%arg11 : memref<48xi32, #tpu.memory_space<vmem>>) semaphore(%arg22 : memref<!tpu.dma_semaphore, #tpu.memory_space<semaphore_mem>>)
      } else {
      }
      %dma_wait3A = arith.constant 0 : i32
      %dma_wait3A_24 = arith.constant 0 : i32
      %dma_wait3A_25 = tpu.memref_slice %arg2[%dma_wait3A, %dma_wait3A_24] : memref<10000x512xf32, #tpu.memory_space<hbm>> -> memref<10000x512xf32, #tpu.memory_space<hbm>>
      tpu.wait_indirect_dma semaphore(%arg19 : memref<!tpu.dma_semaphore, #tpu.memory_space<semaphore_mem>>) src(%dma_wait3A_25 : memref<10000x512xf32, #tpu.memory_space<hbm>>) dst(%arg12 : memref<48x512xf32, #tpu.memory_space<vmem>>)
      %dma_wait3A_26 = arith.constant 0 : i32
      %dma_wait3A_27 = arith.constant 0 : i32
      %dma_wait3A_28 = tpu.memref_slice %arg3[%dma_wait3A_26, %dma_wait3A_27] : memref<10000x512xf32, #tpu.memory_space<hbm>> -> memref<10000x512xf32, #tpu.memory_space<hbm>>
      tpu.wait_indirect_dma semaphore(%arg21 : memref<!tpu.dma_semaphore, #tpu.memory_space<semaphore_mem>>) src(%dma_wait3A_28 : memref<10000x512xf32, #tpu.memory_space<hbm>>) dst(%arg14 : memref<48x512xf32, #tpu.memory_space<vmem>>)
      %mul3A_29 = arith.constant 32 : i32
      %mul3A_30 = arith.muli %add3A_19, %mul3A_29 : i32
      %add3A_31 = arith.addi %add3A, %mul3A_30 : i32
      %mul3A_32 = arith.constant 48 : i32
      %mul3A_33 = arith.muli %add3A_31, %mul3A_32 : i32
      %scan3A_34 = arith.constant 0 : i32
      %scan3A_35 = arith.constant 0 : i32
      %scan3A_36 = arith.constant 48 : i32
      %scan3A_37 = arith.addi %scan3A_35, %scan3A_36 : i32
      %scan3A_38 = arith.constant 1 : i32
      %scan3A_39 = scf.for %scan3A_70 = %scan3A_35 to %scan3A_37 step %scan3A_38 iter_args(%scan3A_71 = %scan3A_34) -> (i32)  : i32 {
        %broadcast_in_dim3A = vector.broadcast %scan3A_70 : i32 to vector<16xi32>
        %broadcast_in_dim3A_72 = arith.constant 0.000000e+00 : f32
        %broadcast_in_dim3A_73 = vector.broadcast %broadcast_in_dim3A_72 : f32 to vector<16xf32>
        %add3A_74 = arith.constant 0 : i32
        %add3A_75 = vector.broadcast %add3A_74 : i32 to vector<16xi32>
        %add3A_76 = arith.addi %iota3A, %add3A_75 : vector<16xi32>
        %gather3A = tpu.vector_load_idx %arg12[%broadcast_in_dim3A, %add3A_76] : memref<48x512xf32, #tpu.memory_space<vmem>>[vector<16xi32>, vector<16xi32>], vector<16xf32>,
        %gather3A_77 = tpu.vector_load_idx %arg14[%broadcast_in_dim3A, %add3A_76] : memref<48x512xf32, #tpu.memory_space<vmem>>[vector<16xi32>, vector<16xi32>], vector<16xf32>,
        %mul3A_78 = arith.mulf %gather3A, %gather3A_77 : vector<16xf32>
        %add3A_79 = arith.addf %broadcast_in_dim3A_73, %mul3A_78 : vector<16xf32>
        %add3A_80 = arith.constant 16 : i32
        %add3A_81 = vector.broadcast %add3A_80 : i32 to vector<16xi32>
        %add3A_82 = arith.addi %iota3A, %add3A_81 : vector<16xi32>
        %gather3A_83 = tpu.vector_load_idx %arg12[%broadcast_in_dim3A, %add3A_82] : memref<48x512xf32, #tpu.memory_space<vmem>>[vector<16xi32>, vector<16xi32>], vector<16xf32>,
        %gather3A_84 = tpu.vector_load_idx %arg14[%broadcast_in_dim3A, %add3A_82] : memref<48x512xf32, #tpu.memory_space<vmem>>[vector<16xi32>, vector<16xi32>], vector<16xf32>,
        %mul3A_85 = arith.mulf %gather3A_83, %gather3A_84 : vector<16xf32>
        %add3A_86 = arith.addf %add3A_79, %mul3A_85 : vector<16xf32>
        %add3A_87 = arith.constant 32 : i32
        %add3A_88 = vector.broadcast %add3A_87 : i32 to vector<16xi32>
        %add3A_89 = arith.addi %iota3A, %add3A_88 : vector<16xi32>
        %gather3A_90 = tpu.vector_load_idx %arg12[%broadcast_in_dim3A, %add3A_89] : memref<48x512xf32, #tpu.memory_space<vmem>>[vector<16xi32>, vector<16xi32>], vector<16xf32>,
        %gather3A_91 = tpu.vector_load_idx %arg14[%broadcast_in_dim3A, %add3A_89] : memref<48x512xf32, #tpu.memory_space<vmem>>[vector<16xi32>, vector<16xi32>], vector<16xf32>,
        %mul3A_92 = arith.mulf %gather3A_90, %gather3A_91 : vector<16xf32>
        %add3A_93 = arith.addf %add3A_86, %mul3A_92 : vector<16xf32>
        %add3A_94 = arith.constant 48 : i32
        %add3A_95 = vector.broadcast %add3A_94 : i32 to vector<16xi32>
        %add3A_96 = arith.addi %iota3A, %add3A_95 : vector<16xi32>
        %gather3A_97 = tpu.vector_load_idx %arg12[%broadcast_in_dim3A, %add3A_96] : memref<48x512xf32, #tpu.memory_space<vmem>>[vector<16xi32>, vector<16xi32>], vector<16xf32>,
        %gather3A_98 = tpu.vector_load_idx %arg14[%broadcast_in_dim3A, %add3A_96] : memref<48x512xf32, #tpu.memory_space<vmem>>[vector<16xi32>, vector<16xi32>], vector<16xf32>,
        %mul3A_99 = arith.mulf %gather3A_97, %gather3A_98 : vector<16xf32>
        %add3A_100 = arith.addf %add3A_93, %mul3A_99 : vector<16xf32>
        %add3A_101 = arith.constant 64 : i32
        %add3A_102 = vector.broadcast %add3A_101 : i32 to vector<16xi32>
        %add3A_103 = arith.addi %iota3A, %add3A_102 : vector<16xi32>
        %gather3A_104 = tpu.vector_load_idx %arg12[%broadcast_in_dim3A, %add3A_103] : memref<48x512xf32, #tpu.memory_space<vmem>>[vector<16xi32>, vector<16xi32>], vector<16xf32>,
        %gather3A_105 = tpu.vector_load_idx %arg14[%broadcast_in_dim3A, %add3A_103] : memref<48x512xf32, #tpu.memory_space<vmem>>[vector<16xi32>, vector<16xi32>], vector<16xf32>,
        %mul3A_106 = arith.mulf %gather3A_104, %gather3A_105 : vector<16xf32>
        %add3A_107 = arith.addf %add3A_100, %mul3A_106 : vector<16xf32>
        %add3A_108 = arith.constant 80 : i32
        %add3A_109 = vector.broadcast %add3A_108 : i32 to vector<16xi32>
        %add3A_110 = arith.addi %iota3A, %add3A_109 : vector<16xi32>
        %gather3A_111 = tpu.vector_load_idx %arg12[%broadcast_in_dim3A, %add3A_110] : memref<48x512xf32, #tpu.memory_space<vmem>>[vector<16xi32>, vector<16xi32>], vector<16xf32>,
        %gather3A_112 = tpu.vector_load_idx %arg14[%broadcast_in_dim3A, %add3A_110] : memref<48x512xf32, #tpu.memory_space<vmem>>[vector<16xi32>, vector<16xi32>], vector<16xf32>,
        %mul3A_113 = arith.mulf %gather3A_111, %gather3A_112 : vector<16xf32>
        %add3A_114 = arith.addf %add3A_107, %mul3A_113 : vector<16xf32>
        %add3A_115 = arith.constant 96 : i32
        %add3A_116 = vector.broadcast %add3A_115 : i32 to vector<16xi32>
        %add3A_117 = arith.addi %iota3A, %add3A_116 : vector<16xi32>
        %gather3A_118 = tpu.vector_load_idx %arg12[%broadcast_in_dim3A, %add3A_117] : memref<48x512xf32, #tpu.memory_space<vmem>>[vector<16xi32>, vector<16xi32>], vector<16xf32>,
        %gather3A_119 = tpu.vector_load_idx %arg14[%broadcast_in_dim3A, %add3A_117] : memref<48x512xf32, #tpu.memory_space<vmem>>[vector<16xi32>, vector<16xi32>], vector<16xf32>,
        %mul3A_120 = arith.mulf %gather3A_118, %gather3A_119 : vector<16xf32>
        %add3A_121 = arith.addf %add3A_114, %mul3A_120 : vector<16xf32>
        %add3A_122 = arith.constant 112 : i32
        %add3A_123 = vector.broadcast %add3A_122 : i32 to vector<16xi32>
        %add3A_124 = arith.addi %iota3A, %add3A_123 : vector<16xi32>
        %gather3A_125 = tpu.vector_load_idx %arg12[%broadcast_in_dim3A, %add3A_124] : memref<48x512xf32, #tpu.memory_space<vmem>>[vector<16xi32>, vector<16xi32>], vector<16xf32>,
        %gather3A_126 = tpu.vector_load_idx %arg14[%broadcast_in_dim3A, %add3A_124] : memref<48x512xf32, #tpu.memory_space<vmem>>[vector<16xi32>, vector<16xi32>], vector<16xf32>,
        %mul3A_127 = arith.mulf %gather3A_125, %gather3A_126 : vector<16xf32>
        %add3A_128 = arith.addf %add3A_121, %mul3A_127 : vector<16xf32>
        %add3A_129 = arith.constant 128 : i32
        %add3A_130 = vector.broadcast %add3A_129 : i32 to vector<16xi32>
        %add3A_131 = arith.addi %iota3A, %add3A_130 : vector<16xi32>
        %gather3A_132 = tpu.vector_load_idx %arg12[%broadcast_in_dim3A, %add3A_131] : memref<48x512xf32, #tpu.memory_space<vmem>>[vector<16xi32>, vector<16xi32>], vector<16xf32>,
        %gather3A_133 = tpu.vector_load_idx %arg14[%broadcast_in_dim3A, %add3A_131] : memref<48x512xf32, #tpu.memory_space<vmem>>[vector<16xi32>, vector<16xi32>], vector<16xf32>,
        %mul3A_134 = arith.mulf %gather3A_132, %gather3A_133 : vector<16xf32>
        %add3A_135 = arith.addf %add3A_128, %mul3A_134 : vector<16xf32>
        %add3A_136 = arith.constant 144 : i32
        %add3A_137 = vector.broadcast %add3A_136 : i32 to vector<16xi32>
        %add3A_138 = arith.addi %iota3A, %add3A_137 : vector<16xi32>
        %gather3A_139 = tpu.vector_load_idx %arg12[%broadcast_in_dim3A, %add3A_138] : memref<48x512xf32, #tpu.memory_space<vmem>>[vector<16xi32>, vector<16xi32>], vector<16xf32>,
        %gather3A_140 = tpu.vector_load_idx %arg14[%broadcast_in_dim3A, %add3A_138] : memref<48x512xf32, #tpu.memory_space<vmem>>[vector<16xi32>, vector<16xi32>], vector<16xf32>,
        %mul3A_141 = arith.mulf %gather3A_139, %gather3A_140 : vector<16xf32>
        %add3A_142 = arith.addf %add3A_135, %mul3A_141 : vector<16xf32>
        %add3A_143 = arith.constant 160 : i32
        %add3A_144 = vector.broadcast %add3A_143 : i32 to vector<16xi32>
        %add3A_145 = arith.addi %iota3A, %add3A_144 : vector<16xi32>
        %gather3A_146 = tpu.vector_load_idx %arg12[%broadcast_in_dim3A, %add3A_145] : memref<48x512xf32, #tpu.memory_space<vmem>>[vector<16xi32>, vector<16xi32>], vector<16xf32>,
        %gather3A_147 = tpu.vector_load_idx %arg14[%broadcast_in_dim3A, %add3A_145] : memref<48x512xf32, #tpu.memory_space<vmem>>[vector<16xi32>, vector<16xi32>], vector<16xf32>,
        %mul3A_148 = arith.mulf %gather3A_146, %gather3A_147 : vector<16xf32>
        %add3A_149 = arith.addf %add3A_142, %mul3A_148 : vector<16xf32>
        %add3A_150 = arith.constant 176 : i32
        %add3A_151 = vector.broadcast %add3A_150 : i32 to vector<16xi32>
        %add3A_152 = arith.addi %iota3A, %add3A_151 : vector<16xi32>
        %gather3A_153 = tpu.vector_load_idx %arg12[%broadcast_in_dim3A, %add3A_152] : memref<48x512xf32, #tpu.memory_space<vmem>>[vector<16xi32>, vector<16xi32>], vector<16xf32>,
        %gather3A_154 = tpu.vector_load_idx %arg14[%broadcast_in_dim3A, %add3A_152] : memref<48x512xf32, #tpu.memory_space<vmem>>[vector<16xi32>, vector<16xi32>], vector<16xf32>,
        %mul3A_155 = arith.mulf %gather3A_153, %gather3A_154 : vector<16xf32>
        %add3A_156 = arith.addf %add3A_149, %mul3A_155 : vector<16xf32>
        %add3A_157 = arith.constant 192 : i32
        %add3A_158 = vector.broadcast %add3A_157 : i32 to vector<16xi32>
        %add3A_159 = arith.addi %iota3A, %add3A_158 : vector<16xi32>
        %gather3A_160 = tpu.vector_load_idx %arg12[%broadcast_in_dim3A, %add3A_159] : memref<48x512xf32, #tpu.memory_space<vmem>>[vector<16xi32>, vector<16xi32>], vector<16xf32>,
        %gather3A_161 = tpu.vector_load_idx %arg14[%broadcast_in_dim3A, %add3A_159] : memref<48x512xf32, #tpu.memory_space<vmem>>[vector<16xi32>, vector<16xi32>], vector<16xf32>,
        %mul3A_162 = arith.mulf %gather3A_160, %gather3A_161 : vector<16xf32>
        %add3A_163 = arith.addf %add3A_156, %mul3A_162 : vector<16xf32>
        %add3A_164 = arith.constant 208 : i32
        %add3A_165 = vector.broadcast %add3A_164 : i32 to vector<16xi32>
        %add3A_166 = arith.addi %iota3A, %add3A_165 : vector<16xi32>
        %gather3A_167 = tpu.vector_load_idx %arg12[%broadcast_in_dim3A, %add3A_166] : memref<48x512xf32, #tpu.memory_space<vmem>>[vector<16xi32>, vector<16xi32>], vector<16xf32>,
        %gather3A_168 = tpu.vector_load_idx %arg14[%broadcast_in_dim3A, %add3A_166] : memref<48x512xf32, #tpu.memory_space<vmem>>[vector<16xi32>, vector<16xi32>], vector<16xf32>,
        %mul3A_169 = arith.mulf %gather3A_167, %gather3A_168 : vector<16xf32>
        %add3A_170 = arith.addf %add3A_163, %mul3A_169 : vector<16xf32>
        %add3A_171 = arith.constant 224 : i32
        %add3A_172 = vector.broadcast %add3A_171 : i32 to vector<16xi32>
        %add3A_173 = arith.addi %iota3A, %add3A_172 : vector<16xi32>
        %gather3A_174 = tpu.vector_load_idx %arg12[%broadcast_in_dim3A, %add3A_173] : memref<48x512xf32, #tpu.memory_space<vmem>>[vector<16xi32>, vector<16xi32>], vector<16xf32>,
        %gather3A_175 = tpu.vector_load_idx %arg14[%broadcast_in_dim3A, %add3A_173] : memref<48x512xf32, #tpu.memory_space<vmem>>[vector<16xi32>, vector<16xi32>], vector<16xf32>,
        %mul3A_176 = arith.mulf %gather3A_174, %gather3A_175 : vector<16xf32>
        %add3A_177 = arith.addf %add3A_170, %mul3A_176 : vector<16xf32>
        %add3A_178 = arith.constant 240 : i32
        %add3A_179 = vector.broadcast %add3A_178 : i32 to vector<16xi32>
        %add3A_180 = arith.addi %iota3A, %add3A_179 : vector<16xi32>
        %gather3A_181 = tpu.vector_load_idx %arg12[%broadcast_in_dim3A, %add3A_180] : memref<48x512xf32, #tpu.memory_space<vmem>>[vector<16xi32>, vector<16xi32>], vector<16xf32>,
        %gather3A_182 = tpu.vector_load_idx %arg14[%broadcast_in_dim3A, %add3A_180] : memref<48x512xf32, #tpu.memory_space<vmem>>[vector<16xi32>, vector<16xi32>], vector<16xf32>,
        %mul3A_183 = arith.mulf %gather3A_181, %gather3A_182 : vector<16xf32>
        %add3A_184 = arith.addf %add3A_177, %mul3A_183 : vector<16xf32>
        %add3A_185 = arith.constant 256 : i32
        %add3A_186 = vector.broadcast %add3A_185 : i32 to vector<16xi32>
        %add3A_187 = arith.addi %iota3A, %add3A_186 : vector<16xi32>
        %gather3A_188 = tpu.vector_load_idx %arg12[%broadcast_in_dim3A, %add3A_187] : memref<48x512xf32, #tpu.memory_space<vmem>>[vector<16xi32>, vector<16xi32>], vector<16xf32>,
        %gather3A_189 = tpu.vector_load_idx %arg14[%broadcast_in_dim3A, %add3A_187] : memref<48x512xf32, #tpu.memory_space<vmem>>[vector<16xi32>, vector<16xi32>], vector<16xf32>,
        %mul3A_190 = arith.mulf %gather3A_188, %gather3A_189 : vector<16xf32>
        %add3A_191 = arith.addf %add3A_184, %mul3A_190 : vector<16xf32>
        %add3A_192 = arith.constant 272 : i32
        %add3A_193 = vector.broadcast %add3A_192 : i32 to vector<16xi32>
        %add3A_194 = arith.addi %iota3A, %add3A_193 : vector<16xi32>
        %gather3A_195 = tpu.vector_load_idx %arg12[%broadcast_in_dim3A, %add3A_194] : memref<48x512xf32, #tpu.memory_space<vmem>>[vector<16xi32>, vector<16xi32>], vector<16xf32>,
        %gather3A_196 = tpu.vector_load_idx %arg14[%broadcast_in_dim3A, %add3A_194] : memref<48x512xf32, #tpu.memory_space<vmem>>[vector<16xi32>, vector<16xi32>], vector<16xf32>,
        %mul3A_197 = arith.mulf %gather3A_195, %gather3A_196 : vector<16xf32>
        %add3A_198 = arith.addf %add3A_191, %mul3A_197 : vector<16xf32>
        %add3A_199 = arith.constant 288 : i32
        %add3A_200 = vector.broadcast %add3A_199 : i32 to vector<16xi32>
        %add3A_201 = arith.addi %iota3A, %add3A_200 : vector<16xi32>
        %gather3A_202 = tpu.vector_load_idx %arg12[%broadcast_in_dim3A, %add3A_201] : memref<48x512xf32, #tpu.memory_space<vmem>>[vector<16xi32>, vector<16xi32>], vector<16xf32>,
        %gather3A_203 = tpu.vector_load_idx %arg14[%broadcast_in_dim3A, %add3A_201] : memref<48x512xf32, #tpu.memory_space<vmem>>[vector<16xi32>, vector<16xi32>], vector<16xf32>,
        %mul3A_204 = arith.mulf %gather3A_202, %gather3A_203 : vector<16xf32>
        %add3A_205 = arith.addf %add3A_198, %mul3A_204 : vector<16xf32>
        %add3A_206 = arith.constant 304 : i32
        %add3A_207 = vector.broadcast %add3A_206 : i32 to vector<16xi32>
        %add3A_208 = arith.addi %iota3A, %add3A_207 : vector<16xi32>
        %gather3A_209 = tpu.vector_load_idx %arg12[%broadcast_in_dim3A, %add3A_208] : memref<48x512xf32, #tpu.memory_space<vmem>>[vector<16xi32>, vector<16xi32>], vector<16xf32>,
        %gather3A_210 = tpu.vector_load_idx %arg14[%broadcast_in_dim3A, %add3A_208] : memref<48x512xf32, #tpu.memory_space<vmem>>[vector<16xi32>, vector<16xi32>], vector<16xf32>,
        %mul3A_211 = arith.mulf %gather3A_209, %gather3A_210 : vector<16xf32>
        %add3A_212 = arith.addf %add3A_205, %mul3A_211 : vector<16xf32>
        %add3A_213 = arith.constant 320 : i32
        %add3A_214 = vector.broadcast %add3A_213 : i32 to vector<16xi32>
        %add3A_215 = arith.addi %iota3A, %add3A_214 : vector<16xi32>
        %gather3A_216 = tpu.vector_load_idx %arg12[%broadcast_in_dim3A, %add3A_215] : memref<48x512xf32, #tpu.memory_space<vmem>>[vector<16xi32>, vector<16xi32>], vector<16xf32>,
        %gather3A_217 = tpu.vector_load_idx %arg14[%broadcast_in_dim3A, %add3A_215] : memref<48x512xf32, #tpu.memory_space<vmem>>[vector<16xi32>, vector<16xi32>], vector<16xf32>,
        %mul3A_218 = arith.mulf %gather3A_216, %gather3A_217 : vector<16xf32>
        %add3A_219 = arith.addf %add3A_212, %mul3A_218 : vector<16xf32>
        %add3A_220 = arith.constant 336 : i32
        %add3A_221 = vector.broadcast %add3A_220 : i32 to vector<16xi32>
        %add3A_222 = arith.addi %iota3A, %add3A_221 : vector<16xi32>
        %gather3A_223 = tpu.vector_load_idx %arg12[%broadcast_in_dim3A, %add3A_222] : memref<48x512xf32, #tpu.memory_space<vmem>>[vector<16xi32>, vector<16xi32>], vector<16xf32>,
        %gather3A_224 = tpu.vector_load_idx %arg14[%broadcast_in_dim3A, %add3A_222] : memref<48x512xf32, #tpu.memory_space<vmem>>[vector<16xi32>, vector<16xi32>], vector<16xf32>,
        %mul3A_225 = arith.mulf %gather3A_223, %gather3A_224 : vector<16xf32>
        %add3A_226 = arith.addf %add3A_219, %mul3A_225 : vector<16xf32>
        %add3A_227 = arith.constant 352 : i32
        %add3A_228 = vector.broadcast %add3A_227 : i32 to vector<16xi32>
        %add3A_229 = arith.addi %iota3A, %add3A_228 : vector<16xi32>
        %gather3A_230 = tpu.vector_load_idx %arg12[%broadcast_in_dim3A, %add3A_229] : memref<48x512xf32, #tpu.memory_space<vmem>>[vector<16xi32>, vector<16xi32>], vector<16xf32>,
        %gather3A_231 = tpu.vector_load_idx %arg14[%broadcast_in_dim3A, %add3A_229] : memref<48x512xf32, #tpu.memory_space<vmem>>[vector<16xi32>, vector<16xi32>], vector<16xf32>,
        %mul3A_232 = arith.mulf %gather3A_230, %gather3A_231 : vector<16xf32>
        %add3A_233 = arith.addf %add3A_226, %mul3A_232 : vector<16xf32>
        %add3A_234 = arith.constant 368 : i32
        %add3A_235 = vector.broadcast %add3A_234 : i32 to vector<16xi32>
        %add3A_236 = arith.addi %iota3A, %add3A_235 : vector<16xi32>
        %gather3A_237 = tpu.vector_load_idx %arg12[%broadcast_in_dim3A, %add3A_236] : memref<48x512xf32, #tpu.memory_space<vmem>>[vector<16xi32>, vector<16xi32>], vector<16xf32>,
        %gather3A_238 = tpu.vector_load_idx %arg14[%broadcast_in_dim3A, %add3A_236] : memref<48x512xf32, #tpu.memory_space<vmem>>[vector<16xi32>, vector<16xi32>], vector<16xf32>,
        %mul3A_239 = arith.mulf %gather3A_237, %gather3A_238 : vector<16xf32>
        %add3A_240 = arith.addf %add3A_233, %mul3A_239 : vector<16xf32>
        %add3A_241 = arith.constant 384 : i32
        %add3A_242 = vector.broadcast %add3A_241 : i32 to vector<16xi32>
        %add3A_243 = arith.addi %iota3A, %add3A_242 : vector<16xi32>
        %gather3A_244 = tpu.vector_load_idx %arg12[%broadcast_in_dim3A, %add3A_243] : memref<48x512xf32, #tpu.memory_space<vmem>>[vector<16xi32>, vector<16xi32>], vector<16xf32>,
        %gather3A_245 = tpu.vector_load_idx %arg14[%broadcast_in_dim3A, %add3A_243] : memref<48x512xf32, #tpu.memory_space<vmem>>[vector<16xi32>, vector<16xi32>], vector<16xf32>,
        %mul3A_246 = arith.mulf %gather3A_244, %gather3A_245 : vector<16xf32>
        %add3A_247 = arith.addf %add3A_240, %mul3A_246 : vector<16xf32>
        %add3A_248 = arith.constant 400 : i32
        %add3A_249 = vector.broadcast %add3A_248 : i32 to vector<16xi32>
        %add3A_250 = arith.addi %iota3A, %add3A_249 : vector<16xi32>
        %gather3A_251 = tpu.vector_load_idx %arg12[%broadcast_in_dim3A, %add3A_250] : memref<48x512xf32, #tpu.memory_space<vmem>>[vector<16xi32>, vector<16xi32>], vector<16xf32>,
        %gather3A_252 = tpu.vector_load_idx %arg14[%broadcast_in_dim3A, %add3A_250] : memref<48x512xf32, #tpu.memory_space<vmem>>[vector<16xi32>, vector<16xi32>], vector<16xf32>,
        %mul3A_253 = arith.mulf %gather3A_251, %gather3A_252 : vector<16xf32>
        %add3A_254 = arith.addf %add3A_247, %mul3A_253 : vector<16xf32>
        %add3A_255 = arith.constant 416 : i32
        %add3A_256 = vector.broadcast %add3A_255 : i32 to vector<16xi32>
        %add3A_257 = arith.addi %iota3A, %add3A_256 : vector<16xi32>
        %gather3A_258 = tpu.vector_load_idx %arg12[%broadcast_in_dim3A, %add3A_257] : memref<48x512xf32, #tpu.memory_space<vmem>>[vector<16xi32>, vector<16xi32>], vector<16xf32>,
        %gather3A_259 = tpu.vector_load_idx %arg14[%broadcast_in_dim3A, %add3A_257] : memref<48x512xf32, #tpu.memory_space<vmem>>[vector<16xi32>, vector<16xi32>], vector<16xf32>,
        %mul3A_260 = arith.mulf %gather3A_258, %gather3A_259 : vector<16xf32>
        %add3A_261 = arith.addf %add3A_254, %mul3A_260 : vector<16xf32>
        %add3A_262 = arith.constant 432 : i32
        %add3A_263 = vector.broadcast %add3A_262 : i32 to vector<16xi32>
        %add3A_264 = arith.addi %iota3A, %add3A_263 : vector<16xi32>
        %gather3A_265 = tpu.vector_load_idx %arg12[%broadcast_in_dim3A, %add3A_264] : memref<48x512xf32, #tpu.memory_space<vmem>>[vector<16xi32>, vector<16xi32>], vector<16xf32>,
        %gather3A_266 = tpu.vector_load_idx %arg14[%broadcast_in_dim3A, %add3A_264] : memref<48x512xf32, #tpu.memory_space<vmem>>[vector<16xi32>, vector<16xi32>], vector<16xf32>,
        %mul3A_267 = arith.mulf %gather3A_265, %gather3A_266 : vector<16xf32>
        %add3A_268 = arith.addf %add3A_261, %mul3A_267 : vector<16xf32>
        %add3A_269 = arith.constant 448 : i32
        %add3A_270 = vector.broadcast %add3A_269 : i32 to vector<16xi32>
        %add3A_271 = arith.addi %iota3A, %add3A_270 : vector<16xi32>
        %gather3A_272 = tpu.vector_load_idx %arg12[%broadcast_in_dim3A, %add3A_271] : memref<48x512xf32, #tpu.memory_space<vmem>>[vector<16xi32>, vector<16xi32>], vector<16xf32>,
        %gather3A_273 = tpu.vector_load_idx %arg14[%broadcast_in_dim3A, %add3A_271] : memref<48x512xf32, #tpu.memory_space<vmem>>[vector<16xi32>, vector<16xi32>], vector<16xf32>,
        %mul3A_274 = arith.mulf %gather3A_272, %gather3A_273 : vector<16xf32>
        %add3A_275 = arith.addf %add3A_268, %mul3A_274 : vector<16xf32>
        %add3A_276 = arith.constant 464 : i32
        %add3A_277 = vector.broadcast %add3A_276 : i32 to vector<16xi32>
        %add3A_278 = arith.addi %iota3A, %add3A_277 : vector<16xi32>
        %gather3A_279 = tpu.vector_load_idx %arg12[%broadcast_in_dim3A, %add3A_278] : memref<48x512xf32, #tpu.memory_space<vmem>>[vector<16xi32>, vector<16xi32>], vector<16xf32>,
        %gather3A_280 = tpu.vector_load_idx %arg14[%broadcast_in_dim3A, %add3A_278] : memref<48x512xf32, #tpu.memory_space<vmem>>[vector<16xi32>, vector<16xi32>], vector<16xf32>,
        %mul3A_281 = arith.mulf %gather3A_279, %gather3A_280 : vector<16xf32>
        %add3A_282 = arith.addf %add3A_275, %mul3A_281 : vector<16xf32>
        %add3A_283 = arith.constant 480 : i32
        %add3A_284 = vector.broadcast %add3A_283 : i32 to vector<16xi32>
        %add3A_285 = arith.addi %iota3A, %add3A_284 : vector<16xi32>
        %gather3A_286 = tpu.vector_load_idx %arg12[%broadcast_in_dim3A, %add3A_285] : memref<48x512xf32, #tpu.memory_space<vmem>>[vector<16xi32>, vector<16xi32>], vector<16xf32>,
        %gather3A_287 = tpu.vector_load_idx %arg14[%broadcast_in_dim3A, %add3A_285] : memref<48x512xf32, #tpu.memory_space<vmem>>[vector<16xi32>, vector<16xi32>], vector<16xf32>,
        %mul3A_288 = arith.mulf %gather3A_286, %gather3A_287 : vector<16xf32>
        %add3A_289 = arith.addf %add3A_282, %mul3A_288 : vector<16xf32>
        %add3A_290 = arith.constant 496 : i32
        %add3A_291 = vector.broadcast %add3A_290 : i32 to vector<16xi32>
        %add3A_292 = arith.addi %iota3A, %add3A_291 : vector<16xi32>
        %gather3A_293 = tpu.vector_load_idx %arg12[%broadcast_in_dim3A, %add3A_292] : memref<48x512xf32, #tpu.memory_space<vmem>>[vector<16xi32>, vector<16xi32>], vector<16xf32>,
        %gather3A_294 = tpu.vector_load_idx %arg14[%broadcast_in_dim3A, %add3A_292] : memref<48x512xf32, #tpu.memory_space<vmem>>[vector<16xi32>, vector<16xi32>], vector<16xf32>,
        %mul3A_295 = arith.mulf %gather3A_293, %gather3A_294 : vector<16xf32>
        %add3A_296 = arith.addf %add3A_289, %mul3A_295 : vector<16xf32>
        %jit3A = arith.constant 16 : i32
        %eq3A = arith.constant 0 : i32
        %eq3A_297 = arith.cmpi eq, %jit3A, %eq3A : i32
        %jit3A_298 = arith.constant 1 : i32
        %select_n3A = arith.select %eq3A_297, %jit3A_298, %jit3A : i32
        %rem3A = arith.remsi %scan3A_70, %select_n3A : i32
        %ne3A = arith.constant 0 : i32
        %ne3A_299 = arith.cmpi ne, %rem3A, %ne3A : i32
        %lt3A_300 = arith.constant 0 : i32
        %lt3A_301 = arith.cmpi slt, %rem3A, %lt3A_300 : i32
        %lt3A_302 = arith.constant 0 : i32
        %lt3A_303 = arith.cmpi slt, %select_n3A, %lt3A_302 : i32
        %ne3A_304 = arith.xori %lt3A_301, %lt3A_303 : i1
        %and3A = arith.andi %ne3A_304, %ne3A_299 : i1
        %add3A_305 = arith.addi %rem3A, %select_n3A : i32
        %select_n3A_306 = arith.select %and3A, %add3A_305, %rem3A : i32
        %mul3A_307 = arith.constant 16 : i32
        %mul3A_308 = arith.muli %select_n3A_306, %mul3A_307 : i32
        %swap3A = arith.index_cast %mul3A_308 : i32 to index
        %swap3A_309 = tpu.vector_load %arg17[%swap3A] {strides = array<i32>} : memref<256xf32, #tpu.memory_space<vmem>>, vector<16xf32>,
        tpu.vector_store %arg17[%swap3A], %add3A_296 {strides = array<i32>} : memref<256xf32, #tpu.memory_space<vmem>>, vector<16xf32>,
        %jit3A_310 = arith.constant 16 : i32
        %eq3A_311 = arith.constant 0 : i32
        %eq3A_312 = arith.cmpi eq, %jit3A_310, %eq3A_311 : i32
        %jit3A_313 = arith.constant 1 : i32
        %select_n3A_314 = arith.select %eq3A_312, %jit3A_313, %jit3A_310 : i32
        %rem3A_315 = arith.remsi %scan3A_70, %select_n3A_314 : i32
        %ne3A_316 = arith.constant 0 : i32
        %ne3A_317 = arith.cmpi ne, %rem3A_315, %ne3A_316 : i32
        %lt3A_318 = arith.constant 0 : i32
        %lt3A_319 = arith.cmpi slt, %rem3A_315, %lt3A_318 : i32
        %lt3A_320 = arith.constant 0 : i32
        %lt3A_321 = arith.cmpi slt, %select_n3A_314, %lt3A_320 : i32
        %ne3A_322 = arith.xori %lt3A_319, %lt3A_321 : i1
        %and3A_323 = arith.andi %ne3A_322, %ne3A_317 : i1
        %add3A_324 = arith.addi %rem3A_315, %select_n3A_314 : i32
        %select_n3A_325 = arith.select %and3A_323, %add3A_324, %rem3A_315 : i32
        %eq3A_326 = arith.constant 15 : i32
        %eq3A_327 = arith.cmpi eq, %select_n3A_325, %eq3A_326 : i32
        %convert_element_type3A_328 = arith.extui %eq3A_327 : i1 to i32
        %cond3A_329 = arith.constant 0 : i32
        %cond3A_330 = arith.cmpi ne, %convert_element_type3A_328, %cond3A_329 : i32
        scf.if %cond3A_330 {
          %get3A = arith.constant 0 : index
          %get3A_332 = tpu.vector_load %arg18[%get3A] {strides = array<i32>} : memref<16xf32, #tpu.memory_space<vmem>>, vector<16xf32>,
          %mul3A_333 = arith.constant 16 : i32
          %mul3A_334 = vector.broadcast %mul3A_333 : i32 to vector<16xi32>
          %mul3A_335 = arith.muli %iota3A, %mul3A_334 : vector<16xi32>
          %add3A_336 = arith.constant 0 : i32
          %add3A_337 = vector.broadcast %add3A_336 : i32 to vector<16xi32>
          %add3A_338 = arith.addi %mul3A_335, %add3A_337 : vector<16xi32>
          %gather3A_339 = tpu.vector_load_idx %arg17[%add3A_338] : memref<256xf32, #tpu.memory_space<vmem>>[vector<16xi32>], vector<16xf32>,
          %add3A_340 = arith.addf %get3A_332, %gather3A_339 : vector<16xf32>
          %mul3A_341 = arith.constant 16 : i32
          %mul3A_342 = vector.broadcast %mul3A_341 : i32 to vector<16xi32>
          %mul3A_343 = arith.muli %iota3A, %mul3A_342 : vector<16xi32>
          %add3A_344 = arith.constant 1 : i32
          %add3A_345 = vector.broadcast %add3A_344 : i32 to vector<16xi32>
          %add3A_346 = arith.addi %mul3A_343, %add3A_345 : vector<16xi32>
          %gather3A_347 = tpu.vector_load_idx %arg17[%add3A_346] : memref<256xf32, #tpu.memory_space<vmem>>[vector<16xi32>], vector<16xf32>,
          %add3A_348 = arith.addf %add3A_340, %gather3A_347 : vector<16xf32>
          %mul3A_349 = arith.constant 16 : i32
          %mul3A_350 = vector.broadcast %mul3A_349 : i32 to vector<16xi32>
          %mul3A_351 = arith.muli %iota3A, %mul3A_350 : vector<16xi32>
          %add3A_352 = arith.constant 2 : i32
          %add3A_353 = vector.broadcast %add3A_352 : i32 to vector<16xi32>
          %add3A_354 = arith.addi %mul3A_351, %add3A_353 : vector<16xi32>
          %gather3A_355 = tpu.vector_load_idx %arg17[%add3A_354] : memref<256xf32, #tpu.memory_space<vmem>>[vector<16xi32>], vector<16xf32>,
          %add3A_356 = arith.addf %add3A_348, %gather3A_355 : vector<16xf32>
          %mul3A_357 = arith.constant 16 : i32
          %mul3A_358 = vector.broadcast %mul3A_357 : i32 to vector<16xi32>
          %mul3A_359 = arith.muli %iota3A, %mul3A_358 : vector<16xi32>
          %add3A_360 = arith.constant 3 : i32
          %add3A_361 = vector.broadcast %add3A_360 : i32 to vector<16xi32>
          %add3A_362 = arith.addi %mul3A_359, %add3A_361 : vector<16xi32>
          %gather3A_363 = tpu.vector_load_idx %arg17[%add3A_362] : memref<256xf32, #tpu.memory_space<vmem>>[vector<16xi32>], vector<16xf32>,
          %add3A_364 = arith.addf %add3A_356, %gather3A_363 : vector<16xf32>
          %mul3A_365 = arith.constant 16 : i32
          %mul3A_366 = vector.broadcast %mul3A_365 : i32 to vector<16xi32>
          %mul3A_367 = arith.muli %iota3A, %mul3A_366 : vector<16xi32>
          %add3A_368 = arith.constant 4 : i32
          %add3A_369 = vector.broadcast %add3A_368 : i32 to vector<16xi32>
          %add3A_370 = arith.addi %mul3A_367, %add3A_369 : vector<16xi32>
          %gather3A_371 = tpu.vector_load_idx %arg17[%add3A_370] : memref<256xf32, #tpu.memory_space<vmem>>[vector<16xi32>], vector<16xf32>,
          %add3A_372 = arith.addf %add3A_364, %gather3A_371 : vector<16xf32>
          %mul3A_373 = arith.constant 16 : i32
          %mul3A_374 = vector.broadcast %mul3A_373 : i32 to vector<16xi32>
          %mul3A_375 = arith.muli %iota3A, %mul3A_374 : vector<16xi32>
          %add3A_376 = arith.constant 5 : i32
          %add3A_377 = vector.broadcast %add3A_376 : i32 to vector<16xi32>
          %add3A_378 = arith.addi %mul3A_375, %add3A_377 : vector<16xi32>
          %gather3A_379 = tpu.vector_load_idx %arg17[%add3A_378] : memref<256xf32, #tpu.memory_space<vmem>>[vector<16xi32>], vector<16xf32>,
          %add3A_380 = arith.addf %add3A_372, %gather3A_379 : vector<16xf32>
          %mul3A_381 = arith.constant 16 : i32
          %mul3A_382 = vector.broadcast %mul3A_381 : i32 to vector<16xi32>
          %mul3A_383 = arith.muli %iota3A, %mul3A_382 : vector<16xi32>
          %add3A_384 = arith.constant 6 : i32
          %add3A_385 = vector.broadcast %add3A_384 : i32 to vector<16xi32>
          %add3A_386 = arith.addi %mul3A_383, %add3A_385 : vector<16xi32>
          %gather3A_387 = tpu.vector_load_idx %arg17[%add3A_386] : memref<256xf32, #tpu.memory_space<vmem>>[vector<16xi32>], vector<16xf32>,
          %add3A_388 = arith.addf %add3A_380, %gather3A_387 : vector<16xf32>
          %mul3A_389 = arith.constant 16 : i32
          %mul3A_390 = vector.broadcast %mul3A_389 : i32 to vector<16xi32>
          %mul3A_391 = arith.muli %iota3A, %mul3A_390 : vector<16xi32>
          %add3A_392 = arith.constant 7 : i32
          %add3A_393 = vector.broadcast %add3A_392 : i32 to vector<16xi32>
          %add3A_394 = arith.addi %mul3A_391, %add3A_393 : vector<16xi32>
          %gather3A_395 = tpu.vector_load_idx %arg17[%add3A_394] : memref<256xf32, #tpu.memory_space<vmem>>[vector<16xi32>], vector<16xf32>,
          %add3A_396 = arith.addf %add3A_388, %gather3A_395 : vector<16xf32>
          %mul3A_397 = arith.constant 16 : i32
          %mul3A_398 = vector.broadcast %mul3A_397 : i32 to vector<16xi32>
          %mul3A_399 = arith.muli %iota3A, %mul3A_398 : vector<16xi32>
          %add3A_400 = arith.constant 8 : i32
          %add3A_401 = vector.broadcast %add3A_400 : i32 to vector<16xi32>
          %add3A_402 = arith.addi %mul3A_399, %add3A_401 : vector<16xi32>
          %gather3A_403 = tpu.vector_load_idx %arg17[%add3A_402] : memref<256xf32, #tpu.memory_space<vmem>>[vector<16xi32>], vector<16xf32>,
          %add3A_404 = arith.addf %add3A_396, %gather3A_403 : vector<16xf32>
          %mul3A_405 = arith.constant 16 : i32
          %mul3A_406 = vector.broadcast %mul3A_405 : i32 to vector<16xi32>
          %mul3A_407 = arith.muli %iota3A, %mul3A_406 : vector<16xi32>
          %add3A_408 = arith.constant 9 : i32
          %add3A_409 = vector.broadcast %add3A_408 : i32 to vector<16xi32>
          %add3A_410 = arith.addi %mul3A_407, %add3A_409 : vector<16xi32>
          %gather3A_411 = tpu.vector_load_idx %arg17[%add3A_410] : memref<256xf32, #tpu.memory_space<vmem>>[vector<16xi32>], vector<16xf32>,
          %add3A_412 = arith.addf %add3A_404, %gather3A_411 : vector<16xf32>
          %mul3A_413 = arith.constant 16 : i32
          %mul3A_414 = vector.broadcast %mul3A_413 : i32 to vector<16xi32>
          %mul3A_415 = arith.muli %iota3A, %mul3A_414 : vector<16xi32>
          %add3A_416 = arith.constant 10 : i32
          %add3A_417 = vector.broadcast %add3A_416 : i32 to vector<16xi32>
          %add3A_418 = arith.addi %mul3A_415, %add3A_417 : vector<16xi32>
          %gather3A_419 = tpu.vector_load_idx %arg17[%add3A_418] : memref<256xf32, #tpu.memory_space<vmem>>[vector<16xi32>], vector<16xf32>,
          %add3A_420 = arith.addf %add3A_412, %gather3A_419 : vector<16xf32>
          %mul3A_421 = arith.constant 16 : i32
          %mul3A_422 = vector.broadcast %mul3A_421 : i32 to vector<16xi32>
          %mul3A_423 = arith.muli %iota3A, %mul3A_422 : vector<16xi32>
          %add3A_424 = arith.constant 11 : i32
          %add3A_425 = vector.broadcast %add3A_424 : i32 to vector<16xi32>
          %add3A_426 = arith.addi %mul3A_423, %add3A_425 : vector<16xi32>
          %gather3A_427 = tpu.vector_load_idx %arg17[%add3A_426] : memref<256xf32, #tpu.memory_space<vmem>>[vector<16xi32>], vector<16xf32>,
          %add3A_428 = arith.addf %add3A_420, %gather3A_427 : vector<16xf32>
          %mul3A_429 = arith.constant 16 : i32
          %mul3A_430 = vector.broadcast %mul3A_429 : i32 to vector<16xi32>
          %mul3A_431 = arith.muli %iota3A, %mul3A_430 : vector<16xi32>
          %add3A_432 = arith.constant 12 : i32
          %add3A_433 = vector.broadcast %add3A_432 : i32 to vector<16xi32>
          %add3A_434 = arith.addi %mul3A_431, %add3A_433 : vector<16xi32>
          %gather3A_435 = tpu.vector_load_idx %arg17[%add3A_434] : memref<256xf32, #tpu.memory_space<vmem>>[vector<16xi32>], vector<16xf32>,
          %add3A_436 = arith.addf %add3A_428, %gather3A_435 : vector<16xf32>
          %mul3A_437 = arith.constant 16 : i32
          %mul3A_438 = vector.broadcast %mul3A_437 : i32 to vector<16xi32>
          %mul3A_439 = arith.muli %iota3A, %mul3A_438 : vector<16xi32>
          %add3A_440 = arith.constant 13 : i32
          %add3A_441 = vector.broadcast %add3A_440 : i32 to vector<16xi32>
          %add3A_442 = arith.addi %mul3A_439, %add3A_441 : vector<16xi32>
          %gather3A_443 = tpu.vector_load_idx %arg17[%add3A_442] : memref<256xf32, #tpu.memory_space<vmem>>[vector<16xi32>], vector<16xf32>,
          %add3A_444 = arith.addf %add3A_436, %gather3A_443 : vector<16xf32>
          %mul3A_445 = arith.constant 16 : i32
          %mul3A_446 = vector.broadcast %mul3A_445 : i32 to vector<16xi32>
          %mul3A_447 = arith.muli %iota3A, %mul3A_446 : vector<16xi32>
          %add3A_448 = arith.constant 14 : i32
          %add3A_449 = vector.broadcast %add3A_448 : i32 to vector<16xi32>
          %add3A_450 = arith.addi %mul3A_447, %add3A_449 : vector<16xi32>
          %gather3A_451 = tpu.vector_load_idx %arg17[%add3A_450] : memref<256xf32, #tpu.memory_space<vmem>>[vector<16xi32>], vector<16xf32>,
          %add3A_452 = arith.addf %add3A_444, %gather3A_451 : vector<16xf32>
          %mul3A_453 = arith.constant 16 : i32
          %mul3A_454 = vector.broadcast %mul3A_453 : i32 to vector<16xi32>
          %mul3A_455 = arith.muli %iota3A, %mul3A_454 : vector<16xi32>
          %add3A_456 = arith.constant 15 : i32
          %add3A_457 = vector.broadcast %add3A_456 : i32 to vector<16xi32>
          %add3A_458 = arith.addi %mul3A_455, %add3A_457 : vector<16xi32>
          %gather3A_459 = tpu.vector_load_idx %arg17[%add3A_458] : memref<256xf32, #tpu.memory_space<vmem>>[vector<16xi32>], vector<16xf32>,
          %add3A_460 = arith.addf %add3A_452, %gather3A_459 : vector<16xf32>
          %jit3A_461 = arith.constant 16 : i32
          %div3A = arith.divsi %scan3A_70, %jit3A_461 : i32
          %sign3A = arith.constant 0 : i32
          %sign3A_462 = arith.cmpi sgt, %scan3A_70, %sign3A : i32
          %sign3A_463 = arith.extui %sign3A_462 : i1 to i32
          %sign3A_464 = arith.constant 0 : i32
          %sign3A_465 = arith.cmpi slt, %scan3A_70, %sign3A_464 : i32
          %sign3A_466 = arith.extui %sign3A_465 : i1 to i32
          %sign3A_467 = arith.subi %sign3A_463, %sign3A_466 : i32
          %sign3A_468 = arith.constant 0 : i32
          %sign3A_469 = arith.cmpi sgt, %jit3A_461, %sign3A_468 : i32
          %sign3A_470 = arith.extui %sign3A_469 : i1 to i32
          %sign3A_471 = arith.constant 0 : i32
          %sign3A_472 = arith.cmpi slt, %jit3A_461, %sign3A_471 : i32
          %sign3A_473 = arith.extui %sign3A_472 : i1 to i32
          %sign3A_474 = arith.subi %sign3A_470, %sign3A_473 : i32
          %ne3A_475 = arith.cmpi ne, %sign3A_467, %sign3A_474 : i32
          %rem3A_476 = arith.remsi %scan3A_70, %jit3A_461 : i32
          %ne3A_477 = arith.constant 0 : i32
          %ne3A_478 = arith.cmpi ne, %rem3A_476, %ne3A_477 : i32
          %and3A_479 = arith.andi %ne3A_475, %ne3A_478 : i1
          %sub3A = arith.constant 1 : i32
          %sub3A_480 = arith.subi %div3A, %sub3A : i32
          %select_n3A_481 = arith.select %and3A_479, %sub3A_480, %div3A : i32
          %mul3A_482 = arith.constant 16 : i32
          %mul3A_483 = arith.muli %select_n3A_481, %mul3A_482 : i32
          %swap3A_484 = arith.index_cast %mul3A_483 : i32 to index
          %swap3A_485 = tpu.vector_load %arg16[%swap3A_484] {strides = array<i32>} : memref<48xf32, #tpu.memory_space<vmem>>, vector<16xf32>,
          tpu.vector_store %arg16[%swap3A_484], %add3A_460 {strides = array<i32>} : memref<48xf32, #tpu.memory_space<vmem>>, vector<16xf32>,
        } else {
        }
        %scan3A_331 = arith.constant 0 : i32
        scf.yield %scan3A_331 : i32
      }
      %scan3A_40 = arith.constant 48 : i32
      "tpu.region"() ({
        %run_scoped3A_70 = tpu.sem_alloc : memref<!tpu.dma_semaphore, #tpu.memory_space<semaphore_mem>>
        %dma_start3A_71 = tpu.memref_slice %arg7[%mul3A_33] : memref<101376xf32, #tpu.memory_space<hbm>> -> memref<48xf32, #tpu.memory_space<hbm>>
        %dma_start3A_72 = tpu.memref_slice %arg7[%mul3A_33] : memref<101376xf32, #tpu.memory_space<hbm>> -> memref<48xf32, #tpu.memory_space<hbm>>
        tpu.enqueue_dma source(%arg16 : memref<48xf32, #tpu.memory_space<vmem>>) target(%dma_start3A_72 : memref<48xf32, #tpu.memory_space<hbm>>) target_semaphore(%run_scoped3A_70 : memref<!tpu.dma_semaphore, #tpu.memory_space<semaphore_mem>>)
        %dma_wait3A_73 = tpu.memref_slice %arg7[%mul3A_33] : memref<101376xf32, #tpu.memory_space<hbm>> -> memref<48xf32, #tpu.memory_space<hbm>>
        %dma_wait3A_74 = tpu.memref_slice %arg7[%mul3A_33] : memref<101376xf32, #tpu.memory_space<hbm>> -> memref<48xf32, #tpu.memory_space<hbm>>
        tpu.wait_dma2 semaphore(%run_scoped3A_70 : memref<!tpu.dma_semaphore, #tpu.memory_space<semaphore_mem>>) src(%arg16 : memref<48xf32, #tpu.memory_space<vmem>>) dst(%dma_wait3A_74 : memref<48xf32, #tpu.memory_space<hbm>>)
        tpu.yield
      }) : () -> ()
      %mul3A_41 = arith.constant 2 : i32
      %mul3A_42 = arith.muli %scan3A_15, %mul3A_41 : i32
      %add3A_43 = arith.constant 1 : i32
      %add3A_44 = arith.addi %mul3A_42, %add3A_43 : i32
      %add3A_45 = arith.constant 1 : i32
      %add3A_46 = arith.addi %add3A_44, %add3A_45 : i32
      %lt3A_47 = arith.constant 66 : i32
      %lt3A_48 = arith.cmpi slt, %add3A_46, %lt3A_47 : i32
      %convert_element_type3A_49 = arith.extui %lt3A_48 : i1 to i32
      %cond3A_50 = arith.constant 0 : i32
      %cond3A_51 = arith.cmpi ne, %convert_element_type3A_49, %cond3A_50 : i32
      scf.if %cond3A_51 {
        %add3A_70 = arith.constant 1 : i32
        %add3A_71 = arith.addi %add3A_44, %add3A_70 : i32
        %mul3A_72 = arith.constant 32 : i32
        %mul3A_73 = arith.muli %add3A_71, %mul3A_72 : i32
        %add3A_74 = arith.addi %add3A, %mul3A_73 : i32
        %mul3A_75 = arith.constant 48 : i32
        %mul3A_76 = arith.muli %add3A_74, %mul3A_75 : i32
        "tpu.region"() ({
          %run_scoped3A_83 = tpu.sem_alloc : memref<!tpu.dma_semaphore, #tpu.memory_space<semaphore_mem>>
          %dma_start3A_84 = tpu.memref_slice %arg4[%mul3A_76] : memref<101376xi32, #tpu.memory_space<hbm>> -> memref<48xi32, #tpu.memory_space<hbm>>
          %dma_start3A_85 = tpu.memref_slice %arg4[%mul3A_76] : memref<101376xi32, #tpu.memory_space<hbm>> -> memref<48xi32, #tpu.memory_space<hbm>>
          tpu.enqueue_dma source(%dma_start3A_85 : memref<48xi32, #tpu.memory_space<hbm>>) target(%arg8 : memref<48xi32, #tpu.memory_space<vmem>>) target_semaphore(%run_scoped3A_83 : memref<!tpu.dma_semaphore, #tpu.memory_space<semaphore_mem>>)
          %dma_wait3A_86 = tpu.memref_slice %arg4[%mul3A_76] : memref<101376xi32, #tpu.memory_space<hbm>> -> memref<48xi32, #tpu.memory_space<hbm>>
          %dma_wait3A_87 = tpu.memref_slice %arg4[%mul3A_76] : memref<101376xi32, #tpu.memory_space<hbm>> -> memref<48xi32, #tpu.memory_space<hbm>>
          tpu.wait_dma2 semaphore(%run_scoped3A_83 : memref<!tpu.dma_semaphore, #tpu.memory_space<semaphore_mem>>) src(%dma_wait3A_87 : memref<48xi32, #tpu.memory_space<hbm>>) dst(%arg8 : memref<48xi32, #tpu.memory_space<vmem>>)
          tpu.yield
        }) : () -> ()
        "tpu.region"() ({
          %run_scoped3A_83 = tpu.sem_alloc : memref<!tpu.dma_semaphore, #tpu.memory_space<semaphore_mem>>
          %dma_start3A_84 = tpu.memref_slice %arg5[%mul3A_76] : memref<101376xi32, #tpu.memory_space<hbm>> -> memref<48xi32, #tpu.memory_space<hbm>>
          %dma_start3A_85 = tpu.memref_slice %arg5[%mul3A_76] : memref<101376xi32, #tpu.memory_space<hbm>> -> memref<48xi32, #tpu.memory_space<hbm>>
          tpu.enqueue_dma source(%dma_start3A_85 : memref<48xi32, #tpu.memory_space<hbm>>) target(%arg10 : memref<48xi32, #tpu.memory_space<vmem>>) target_semaphore(%run_scoped3A_83 : memref<!tpu.dma_semaphore, #tpu.memory_space<semaphore_mem>>)
          %dma_wait3A_86 = tpu.memref_slice %arg5[%mul3A_76] : memref<101376xi32, #tpu.memory_space<hbm>> -> memref<48xi32, #tpu.memory_space<hbm>>
          %dma_wait3A_87 = tpu.memref_slice %arg5[%mul3A_76] : memref<101376xi32, #tpu.memory_space<hbm>> -> memref<48xi32, #tpu.memory_space<hbm>>
          tpu.wait_dma2 semaphore(%run_scoped3A_83 : memref<!tpu.dma_semaphore, #tpu.memory_space<semaphore_mem>>) src(%dma_wait3A_87 : memref<48xi32, #tpu.memory_space<hbm>>) dst(%arg10 : memref<48xi32, #tpu.memory_space<vmem>>)
          tpu.yield
        }) : () -> ()
        %dma_start3A_77 = arith.constant 0 : i32
        %dma_start3A_78 = arith.constant 0 : i32
        %dma_start3A_79 = tpu.memref_slice %arg2[%dma_start3A_77, %dma_start3A_78] : memref<10000x512xf32, #tpu.memory_space<hbm>> -> memref<10000x512xf32, #tpu.memory_space<hbm>>
        tpu.enqueue_indirect_dma source(%dma_start3A_79 : memref<10000x512xf32, #tpu.memory_space<hbm>>) target(%arg12 : memref<48x512xf32, #tpu.memory_space<vmem>>) offsets(%arg8 : memref<48xi32, #tpu.memory_space<vmem>>) semaphore(%arg19 : memref<!tpu.dma_semaphore, #tpu.memory_space<semaphore_mem>>)
        %dma_start3A_80 = arith.constant 0 : i32
        %dma_start3A_81 = arith.constant 0 : i32
        %dma_start3A_82 = tpu.memref_slice %arg3[%dma_start3A_80, %dma_start3A_81] : memref<10000x512xf32, #tpu.memory_space<hbm>> -> memref<10000x512xf32, #tpu.memory_space<hbm>>
        tpu.enqueue_indirect_dma source(%dma_start3A_82 : memref<10000x512xf32, #tpu.memory_space<hbm>>) target(%arg14 : memref<48x512xf32, #tpu.memory_space<vmem>>) offsets(%arg10 : memref<48xi32, #tpu.memory_space<vmem>>) semaphore(%arg21 : memref<!tpu.dma_semaphore, #tpu.memory_space<semaphore_mem>>)
      } else {
      }
      %dma_wait3A_52 = arith.constant 0 : i32
      %dma_wait3A_53 = arith.constant 0 : i32
      %dma_wait3A_54 = tpu.memref_slice %arg2[%dma_wait3A_52, %dma_wait3A_53] : memref<10000x512xf32, #tpu.memory_space<hbm>> -> memref<10000x512xf32, #tpu.memory_space<hbm>>
      tpu.wait_indirect_dma semaphore(%arg20 : memref<!tpu.dma_semaphore, #tpu.memory_space<semaphore_mem>>) src(%dma_wait3A_54 : memref<10000x512xf32, #tpu.memory_space<hbm>>) dst(%arg13 : memref<48x512xf32, #tpu.memory_space<vmem>>)
      %dma_wait3A_55 = arith.constant 0 : i32
      %dma_wait3A_56 = arith.constant 0 : i32
      %dma_wait3A_57 = tpu.memref_slice %arg3[%dma_wait3A_55, %dma_wait3A_56] : memref<10000x512xf32, #tpu.memory_space<hbm>> -> memref<10000x512xf32, #tpu.memory_space<hbm>>
      tpu.wait_indirect_dma semaphore(%arg22 : memref<!tpu.dma_semaphore, #tpu.memory_space<semaphore_mem>>) src(%dma_wait3A_57 : memref<10000x512xf32, #tpu.memory_space<hbm>>) dst(%arg15 : memref<48x512xf32, #tpu.memory_space<vmem>>)
      %mul3A_58 = arith.constant 32 : i32
      %mul3A_59 = arith.muli %add3A_44, %mul3A_58 : i32
      %add3A_60 = arith.addi %add3A, %mul3A_59 : i32
      %mul3A_61 = arith.constant 48 : i32
      %mul3A_62 = arith.muli %add3A_60, %mul3A_61 : i32
      %scan3A_63 = arith.constant 0 : i32
      %scan3A_64 = arith.constant 0 : i32
      %scan3A_65 = arith.constant 48 : i32
      %scan3A_66 = arith.addi %scan3A_64, %scan3A_65 : i32
      %scan3A_67 = arith.constant 1 : i32
      %scan3A_68 = scf.for %scan3A_70 = %scan3A_64 to %scan3A_66 step %scan3A_67 iter_args(%scan3A_71 = %scan3A_63) -> (i32)  : i32 {
        %broadcast_in_dim3A = vector.broadcast %scan3A_70 : i32 to vector<16xi32>
        %broadcast_in_dim3A_72 = arith.constant 0.000000e+00 : f32
        %broadcast_in_dim3A_73 = vector.broadcast %broadcast_in_dim3A_72 : f32 to vector<16xf32>
        %add3A_74 = arith.constant 0 : i32
        %add3A_75 = vector.broadcast %add3A_74 : i32 to vector<16xi32>
        %add3A_76 = arith.addi %iota3A, %add3A_75 : vector<16xi32>
        %gather3A = tpu.vector_load_idx %arg13[%broadcast_in_dim3A, %add3A_76] : memref<48x512xf32, #tpu.memory_space<vmem>>[vector<16xi32>, vector<16xi32>], vector<16xf32>,
        %gather3A_77 = tpu.vector_load_idx %arg15[%broadcast_in_dim3A, %add3A_76] : memref<48x512xf32, #tpu.memory_space<vmem>>[vector<16xi32>, vector<16xi32>], vector<16xf32>,
        %mul3A_78 = arith.mulf %gather3A, %gather3A_77 : vector<16xf32>
        %add3A_79 = arith.addf %broadcast_in_dim3A_73, %mul3A_78 : vector<16xf32>
        %add3A_80 = arith.constant 16 : i32
        %add3A_81 = vector.broadcast %add3A_80 : i32 to vector<16xi32>
        %add3A_82 = arith.addi %iota3A, %add3A_81 : vector<16xi32>
        %gather3A_83 = tpu.vector_load_idx %arg13[%broadcast_in_dim3A, %add3A_82] : memref<48x512xf32, #tpu.memory_space<vmem>>[vector<16xi32>, vector<16xi32>], vector<16xf32>,
        %gather3A_84 = tpu.vector_load_idx %arg15[%broadcast_in_dim3A, %add3A_82] : memref<48x512xf32, #tpu.memory_space<vmem>>[vector<16xi32>, vector<16xi32>], vector<16xf32>,
        %mul3A_85 = arith.mulf %gather3A_83, %gather3A_84 : vector<16xf32>
        %add3A_86 = arith.addf %add3A_79, %mul3A_85 : vector<16xf32>
        %add3A_87 = arith.constant 32 : i32
        %add3A_88 = vector.broadcast %add3A_87 : i32 to vector<16xi32>
        %add3A_89 = arith.addi %iota3A, %add3A_88 : vector<16xi32>
        %gather3A_90 = tpu.vector_load_idx %arg13[%broadcast_in_dim3A, %add3A_89] : memref<48x512xf32, #tpu.memory_space<vmem>>[vector<16xi32>, vector<16xi32>], vector<16xf32>,
        %gather3A_91 = tpu.vector_load_idx %arg15[%broadcast_in_dim3A, %add3A_89] : memref<48x512xf32, #tpu.memory_space<vmem>>[vector<16xi32>, vector<16xi32>], vector<16xf32>,
        %mul3A_92 = arith.mulf %gather3A_90, %gather3A_91 : vector<16xf32>
        %add3A_93 = arith.addf %add3A_86, %mul3A_92 : vector<16xf32>
        %add3A_94 = arith.constant 48 : i32
        %add3A_95 = vector.broadcast %add3A_94 : i32 to vector<16xi32>
        %add3A_96 = arith.addi %iota3A, %add3A_95 : vector<16xi32>
        %gather3A_97 = tpu.vector_load_idx %arg13[%broadcast_in_dim3A, %add3A_96] : memref<48x512xf32, #tpu.memory_space<vmem>>[vector<16xi32>, vector<16xi32>], vector<16xf32>,
        %gather3A_98 = tpu.vector_load_idx %arg15[%broadcast_in_dim3A, %add3A_96] : memref<48x512xf32, #tpu.memory_space<vmem>>[vector<16xi32>, vector<16xi32>], vector<16xf32>,
        %mul3A_99 = arith.mulf %gather3A_97, %gather3A_98 : vector<16xf32>
        %add3A_100 = arith.addf %add3A_93, %mul3A_99 : vector<16xf32>
        %add3A_101 = arith.constant 64 : i32
        %add3A_102 = vector.broadcast %add3A_101 : i32 to vector<16xi32>
        %add3A_103 = arith.addi %iota3A, %add3A_102 : vector<16xi32>
        %gather3A_104 = tpu.vector_load_idx %arg13[%broadcast_in_dim3A, %add3A_103] : memref<48x512xf32, #tpu.memory_space<vmem>>[vector<16xi32>, vector<16xi32>], vector<16xf32>,
        %gather3A_105 = tpu.vector_load_idx %arg15[%broadcast_in_dim3A, %add3A_103] : memref<48x512xf32, #tpu.memory_space<vmem>>[vector<16xi32>, vector<16xi32>], vector<16xf32>,
        %mul3A_106 = arith.mulf %gather3A_104, %gather3A_105 : vector<16xf32>
        %add3A_107 = arith.addf %add3A_100, %mul3A_106 : vector<16xf32>
        %add3A_108 = arith.constant 80 : i32
        %add3A_109 = vector.broadcast %add3A_108 : i32 to vector<16xi32>
        %add3A_110 = arith.addi %iota3A, %add3A_109 : vector<16xi32>
        %gather3A_111 = tpu.vector_load_idx %arg13[%broadcast_in_dim3A, %add3A_110] : memref<48x512xf32, #tpu.memory_space<vmem>>[vector<16xi32>, vector<16xi32>], vector<16xf32>,
        %gather3A_112 = tpu.vector_load_idx %arg15[%broadcast_in_dim3A, %add3A_110] : memref<48x512xf32, #tpu.memory_space<vmem>>[vector<16xi32>, vector<16xi32>], vector<16xf32>,
        %mul3A_113 = arith.mulf %gather3A_111, %gather3A_112 : vector<16xf32>
        %add3A_114 = arith.addf %add3A_107, %mul3A_113 : vector<16xf32>
        %add3A_115 = arith.constant 96 : i32
        %add3A_116 = vector.broadcast %add3A_115 : i32 to vector<16xi32>
        %add3A_117 = arith.addi %iota3A, %add3A_116 : vector<16xi32>
        %gather3A_118 = tpu.vector_load_idx %arg13[%broadcast_in_dim3A, %add3A_117] : memref<48x512xf32, #tpu.memory_space<vmem>>[vector<16xi32>, vector<16xi32>], vector<16xf32>,
        %gather3A_119 = tpu.vector_load_idx %arg15[%broadcast_in_dim3A, %add3A_117] : memref<48x512xf32, #tpu.memory_space<vmem>>[vector<16xi32>, vector<16xi32>], vector<16xf32>,
        %mul3A_120 = arith.mulf %gather3A_118, %gather3A_119 : vector<16xf32>
        %add3A_121 = arith.addf %add3A_114, %mul3A_120 : vector<16xf32>
        %add3A_122 = arith.constant 112 : i32
        %add3A_123 = vector.broadcast %add3A_122 : i32 to vector<16xi32>
        %add3A_124 = arith.addi %iota3A, %add3A_123 : vector<16xi32>
        %gather3A_125 = tpu.vector_load_idx %arg13[%broadcast_in_dim3A, %add3A_124] : memref<48x512xf32, #tpu.memory_space<vmem>>[vector<16xi32>, vector<16xi32>], vector<16xf32>,
        %gather3A_126 = tpu.vector_load_idx %arg15[%broadcast_in_dim3A, %add3A_124] : memref<48x512xf32, #tpu.memory_space<vmem>>[vector<16xi32>, vector<16xi32>], vector<16xf32>,
        %mul3A_127 = arith.mulf %gather3A_125, %gather3A_126 : vector<16xf32>
        %add3A_128 = arith.addf %add3A_121, %mul3A_127 : vector<16xf32>
        %add3A_129 = arith.constant 128 : i32
        %add3A_130 = vector.broadcast %add3A_129 : i32 to vector<16xi32>
        %add3A_131 = arith.addi %iota3A, %add3A_130 : vector<16xi32>
        %gather3A_132 = tpu.vector_load_idx %arg13[%broadcast_in_dim3A, %add3A_131] : memref<48x512xf32, #tpu.memory_space<vmem>>[vector<16xi32>, vector<16xi32>], vector<16xf32>,
        %gather3A_133 = tpu.vector_load_idx %arg15[%broadcast_in_dim3A, %add3A_131] : memref<48x512xf32, #tpu.memory_space<vmem>>[vector<16xi32>, vector<16xi32>], vector<16xf32>,
        %mul3A_134 = arith.mulf %gather3A_132, %gather3A_133 : vector<16xf32>
        %add3A_135 = arith.addf %add3A_128, %mul3A_134 : vector<16xf32>
        %add3A_136 = arith.constant 144 : i32
        %add3A_137 = vector.broadcast %add3A_136 : i32 to vector<16xi32>
        %add3A_138 = arith.addi %iota3A, %add3A_137 : vector<16xi32>
        %gather3A_139 = tpu.vector_load_idx %arg13[%broadcast_in_dim3A, %add3A_138] : memref<48x512xf32, #tpu.memory_space<vmem>>[vector<16xi32>, vector<16xi32>], vector<16xf32>,
        %gather3A_140 = tpu.vector_load_idx %arg15[%broadcast_in_dim3A, %add3A_138] : memref<48x512xf32, #tpu.memory_space<vmem>>[vector<16xi32>, vector<16xi32>], vector<16xf32>,
        %mul3A_141 = arith.mulf %gather3A_139, %gather3A_140 : vector<16xf32>
        %add3A_142 = arith.addf %add3A_135, %mul3A_141 : vector<16xf32>
        %add3A_143 = arith.constant 160 : i32
        %add3A_144 = vector.broadcast %add3A_143 : i32 to vector<16xi32>
        %add3A_145 = arith.addi %iota3A, %add3A_144 : vector<16xi32>
        %gather3A_146 = tpu.vector_load_idx %arg13[%broadcast_in_dim3A, %add3A_145] : memref<48x512xf32, #tpu.memory_space<vmem>>[vector<16xi32>, vector<16xi32>], vector<16xf32>,
        %gather3A_147 = tpu.vector_load_idx %arg15[%broadcast_in_dim3A, %add3A_145] : memref<48x512xf32, #tpu.memory_space<vmem>>[vector<16xi32>, vector<16xi32>], vector<16xf32>,
        %mul3A_148 = arith.mulf %gather3A_146, %gather3A_147 : vector<16xf32>
        %add3A_149 = arith.addf %add3A_142, %mul3A_148 : vector<16xf32>
        %add3A_150 = arith.constant 176 : i32
        %add3A_151 = vector.broadcast %add3A_150 : i32 to vector<16xi32>
        %add3A_152 = arith.addi %iota3A, %add3A_151 : vector<16xi32>
        %gather3A_153 = tpu.vector_load_idx %arg13[%broadcast_in_dim3A, %add3A_152] : memref<48x512xf32, #tpu.memory_space<vmem>>[vector<16xi32>, vector<16xi32>], vector<16xf32>,
        %gather3A_154 = tpu.vector_load_idx %arg15[%broadcast_in_dim3A, %add3A_152] : memref<48x512xf32, #tpu.memory_space<vmem>>[vector<16xi32>, vector<16xi32>], vector<16xf32>,
        %mul3A_155 = arith.mulf %gather3A_153, %gather3A_154 : vector<16xf32>
        %add3A_156 = arith.addf %add3A_149, %mul3A_155 : vector<16xf32>
        %add3A_157 = arith.constant 192 : i32
        %add3A_158 = vector.broadcast %add3A_157 : i32 to vector<16xi32>
        %add3A_159 = arith.addi %iota3A, %add3A_158 : vector<16xi32>
        %gather3A_160 = tpu.vector_load_idx %arg13[%broadcast_in_dim3A, %add3A_159] : memref<48x512xf32, #tpu.memory_space<vmem>>[vector<16xi32>, vector<16xi32>], vector<16xf32>,
        %gather3A_161 = tpu.vector_load_idx %arg15[%broadcast_in_dim3A, %add3A_159] : memref<48x512xf32, #tpu.memory_space<vmem>>[vector<16xi32>, vector<16xi32>], vector<16xf32>,
        %mul3A_162 = arith.mulf %gather3A_160, %gather3A_161 : vector<16xf32>
        %add3A_163 = arith.addf %add3A_156, %mul3A_162 : vector<16xf32>
        %add3A_164 = arith.constant 208 : i32
        %add3A_165 = vector.broadcast %add3A_164 : i32 to vector<16xi32>
        %add3A_166 = arith.addi %iota3A, %add3A_165 : vector<16xi32>
        %gather3A_167 = tpu.vector_load_idx %arg13[%broadcast_in_dim3A, %add3A_166] : memref<48x512xf32, #tpu.memory_space<vmem>>[vector<16xi32>, vector<16xi32>], vector<16xf32>,
        %gather3A_168 = tpu.vector_load_idx %arg15[%broadcast_in_dim3A, %add3A_166] : memref<48x512xf32, #tpu.memory_space<vmem>>[vector<16xi32>, vector<16xi32>], vector<16xf32>,
        %mul3A_169 = arith.mulf %gather3A_167, %gather3A_168 : vector<16xf32>
        %add3A_170 = arith.addf %add3A_163, %mul3A_169 : vector<16xf32>
        %add3A_171 = arith.constant 224 : i32
        %add3A_172 = vector.broadcast %add3A_171 : i32 to vector<16xi32>
        %add3A_173 = arith.addi %iota3A, %add3A_172 : vector<16xi32>
        %gather3A_174 = tpu.vector_load_idx %arg13[%broadcast_in_dim3A, %add3A_173] : memref<48x512xf32, #tpu.memory_space<vmem>>[vector<16xi32>, vector<16xi32>], vector<16xf32>,
        %gather3A_175 = tpu.vector_load_idx %arg15[%broadcast_in_dim3A, %add3A_173] : memref<48x512xf32, #tpu.memory_space<vmem>>[vector<16xi32>, vector<16xi32>], vector<16xf32>,
        %mul3A_176 = arith.mulf %gather3A_174, %gather3A_175 : vector<16xf32>
        %add3A_177 = arith.addf %add3A_170, %mul3A_176 : vector<16xf32>
        %add3A_178 = arith.constant 240 : i32
        %add3A_179 = vector.broadcast %add3A_178 : i32 to vector<16xi32>
        %add3A_180 = arith.addi %iota3A, %add3A_179 : vector<16xi32>
        %gather3A_181 = tpu.vector_load_idx %arg13[%broadcast_in_dim3A, %add3A_180] : memref<48x512xf32, #tpu.memory_space<vmem>>[vector<16xi32>, vector<16xi32>], vector<16xf32>,
        %gather3A_182 = tpu.vector_load_idx %arg15[%broadcast_in_dim3A, %add3A_180] : memref<48x512xf32, #tpu.memory_space<vmem>>[vector<16xi32>, vector<16xi32>], vector<16xf32>,
        %mul3A_183 = arith.mulf %gather3A_181, %gather3A_182 : vector<16xf32>
        %add3A_184 = arith.addf %add3A_177, %mul3A_183 : vector<16xf32>
        %add3A_185 = arith.constant 256 : i32
        %add3A_186 = vector.broadcast %add3A_185 : i32 to vector<16xi32>
        %add3A_187 = arith.addi %iota3A, %add3A_186 : vector<16xi32>
        %gather3A_188 = tpu.vector_load_idx %arg13[%broadcast_in_dim3A, %add3A_187] : memref<48x512xf32, #tpu.memory_space<vmem>>[vector<16xi32>, vector<16xi32>], vector<16xf32>,
        %gather3A_189 = tpu.vector_load_idx %arg15[%broadcast_in_dim3A, %add3A_187] : memref<48x512xf32, #tpu.memory_space<vmem>>[vector<16xi32>, vector<16xi32>], vector<16xf32>,
        %mul3A_190 = arith.mulf %gather3A_188, %gather3A_189 : vector<16xf32>
        %add3A_191 = arith.addf %add3A_184, %mul3A_190 : vector<16xf32>
        %add3A_192 = arith.constant 272 : i32
        %add3A_193 = vector.broadcast %add3A_192 : i32 to vector<16xi32>
        %add3A_194 = arith.addi %iota3A, %add3A_193 : vector<16xi32>
        %gather3A_195 = tpu.vector_load_idx %arg13[%broadcast_in_dim3A, %add3A_194] : memref<48x512xf32, #tpu.memory_space<vmem>>[vector<16xi32>, vector<16xi32>], vector<16xf32>,
        %gather3A_196 = tpu.vector_load_idx %arg15[%broadcast_in_dim3A, %add3A_194] : memref<48x512xf32, #tpu.memory_space<vmem>>[vector<16xi32>, vector<16xi32>], vector<16xf32>,
        %mul3A_197 = arith.mulf %gather3A_195, %gather3A_196 : vector<16xf32>
        %add3A_198 = arith.addf %add3A_191, %mul3A_197 : vector<16xf32>
        %add3A_199 = arith.constant 288 : i32
        %add3A_200 = vector.broadcast %add3A_199 : i32 to vector<16xi32>
        %add3A_201 = arith.addi %iota3A, %add3A_200 : vector<16xi32>
        %gather3A_202 = tpu.vector_load_idx %arg13[%broadcast_in_dim3A, %add3A_201] : memref<48x512xf32, #tpu.memory_space<vmem>>[vector<16xi32>, vector<16xi32>], vector<16xf32>,
        %gather3A_203 = tpu.vector_load_idx %arg15[%broadcast_in_dim3A, %add3A_201] : memref<48x512xf32, #tpu.memory_space<vmem>>[vector<16xi32>, vector<16xi32>], vector<16xf32>,
        %mul3A_204 = arith.mulf %gather3A_202, %gather3A_203 : vector<16xf32>
        %add3A_205 = arith.addf %add3A_198, %mul3A_204 : vector<16xf32>
        %add3A_206 = arith.constant 304 : i32
        %add3A_207 = vector.broadcast %add3A_206 : i32 to vector<16xi32>
        %add3A_208 = arith.addi %iota3A, %add3A_207 : vector<16xi32>
        %gather3A_209 = tpu.vector_load_idx %arg13[%broadcast_in_dim3A, %add3A_208] : memref<48x512xf32, #tpu.memory_space<vmem>>[vector<16xi32>, vector<16xi32>], vector<16xf32>,
        %gather3A_210 = tpu.vector_load_idx %arg15[%broadcast_in_dim3A, %add3A_208] : memref<48x512xf32, #tpu.memory_space<vmem>>[vector<16xi32>, vector<16xi32>], vector<16xf32>,
        %mul3A_211 = arith.mulf %gather3A_209, %gather3A_210 : vector<16xf32>
        %add3A_212 = arith.addf %add3A_205, %mul3A_211 : vector<16xf32>
        %add3A_213 = arith.constant 320 : i32
        %add3A_214 = vector.broadcast %add3A_213 : i32 to vector<16xi32>
        %add3A_215 = arith.addi %iota3A, %add3A_214 : vector<16xi32>
        %gather3A_216 = tpu.vector_load_idx %arg13[%broadcast_in_dim3A, %add3A_215] : memref<48x512xf32, #tpu.memory_space<vmem>>[vector<16xi32>, vector<16xi32>], vector<16xf32>,
        %gather3A_217 = tpu.vector_load_idx %arg15[%broadcast_in_dim3A, %add3A_215] : memref<48x512xf32, #tpu.memory_space<vmem>>[vector<16xi32>, vector<16xi32>], vector<16xf32>,
        %mul3A_218 = arith.mulf %gather3A_216, %gather3A_217 : vector<16xf32>
        %add3A_219 = arith.addf %add3A_212, %mul3A_218 : vector<16xf32>
        %add3A_220 = arith.constant 336 : i32
        %add3A_221 = vector.broadcast %add3A_220 : i32 to vector<16xi32>
        %add3A_222 = arith.addi %iota3A, %add3A_221 : vector<16xi32>
        %gather3A_223 = tpu.vector_load_idx %arg13[%broadcast_in_dim3A, %add3A_222] : memref<48x512xf32, #tpu.memory_space<vmem>>[vector<16xi32>, vector<16xi32>], vector<16xf32>,
        %gather3A_224 = tpu.vector_load_idx %arg15[%broadcast_in_dim3A, %add3A_222] : memref<48x512xf32, #tpu.memory_space<vmem>>[vector<16xi32>, vector<16xi32>], vector<16xf32>,
        %mul3A_225 = arith.mulf %gather3A_223, %gather3A_224 : vector<16xf32>
        %add3A_226 = arith.addf %add3A_219, %mul3A_225 : vector<16xf32>
        %add3A_227 = arith.constant 352 : i32
        %add3A_228 = vector.broadcast %add3A_227 : i32 to vector<16xi32>
        %add3A_229 = arith.addi %iota3A, %add3A_228 : vector<16xi32>
        %gather3A_230 = tpu.vector_load_idx %arg13[%broadcast_in_dim3A, %add3A_229] : memref<48x512xf32, #tpu.memory_space<vmem>>[vector<16xi32>, vector<16xi32>], vector<16xf32>,
        %gather3A_231 = tpu.vector_load_idx %arg15[%broadcast_in_dim3A, %add3A_229] : memref<48x512xf32, #tpu.memory_space<vmem>>[vector<16xi32>, vector<16xi32>], vector<16xf32>,
        %mul3A_232 = arith.mulf %gather3A_230, %gather3A_231 : vector<16xf32>
        %add3A_233 = arith.addf %add3A_226, %mul3A_232 : vector<16xf32>
        %add3A_234 = arith.constant 368 : i32
        %add3A_235 = vector.broadcast %add3A_234 : i32 to vector<16xi32>
        %add3A_236 = arith.addi %iota3A, %add3A_235 : vector<16xi32>
        %gather3A_237 = tpu.vector_load_idx %arg13[%broadcast_in_dim3A, %add3A_236] : memref<48x512xf32, #tpu.memory_space<vmem>>[vector<16xi32>, vector<16xi32>], vector<16xf32>,
        %gather3A_238 = tpu.vector_load_idx %arg15[%broadcast_in_dim3A, %add3A_236] : memref<48x512xf32, #tpu.memory_space<vmem>>[vector<16xi32>, vector<16xi32>], vector<16xf32>,
        %mul3A_239 = arith.mulf %gather3A_237, %gather3A_238 : vector<16xf32>
        %add3A_240 = arith.addf %add3A_233, %mul3A_239 : vector<16xf32>
        %add3A_241 = arith.constant 384 : i32
        %add3A_242 = vector.broadcast %add3A_241 : i32 to vector<16xi32>
        %add3A_243 = arith.addi %iota3A, %add3A_242 : vector<16xi32>
        %gather3A_244 = tpu.vector_load_idx %arg13[%broadcast_in_dim3A, %add3A_243] : memref<48x512xf32, #tpu.memory_space<vmem>>[vector<16xi32>, vector<16xi32>], vector<16xf32>,
        %gather3A_245 = tpu.vector_load_idx %arg15[%broadcast_in_dim3A, %add3A_243] : memref<48x512xf32, #tpu.memory_space<vmem>>[vector<16xi32>, vector<16xi32>], vector<16xf32>,
        %mul3A_246 = arith.mulf %gather3A_244, %gather3A_245 : vector<16xf32>
        %add3A_247 = arith.addf %add3A_240, %mul3A_246 : vector<16xf32>
        %add3A_248 = arith.constant 400 : i32
        %add3A_249 = vector.broadcast %add3A_248 : i32 to vector<16xi32>
        %add3A_250 = arith.addi %iota3A, %add3A_249 : vector<16xi32>
        %gather3A_251 = tpu.vector_load_idx %arg13[%broadcast_in_dim3A, %add3A_250] : memref<48x512xf32, #tpu.memory_space<vmem>>[vector<16xi32>, vector<16xi32>], vector<16xf32>,
        %gather3A_252 = tpu.vector_load_idx %arg15[%broadcast_in_dim3A, %add3A_250] : memref<48x512xf32, #tpu.memory_space<vmem>>[vector<16xi32>, vector<16xi32>], vector<16xf32>,
        %mul3A_253 = arith.mulf %gather3A_251, %gather3A_252 : vector<16xf32>
        %add3A_254 = arith.addf %add3A_247, %mul3A_253 : vector<16xf32>
        %add3A_255 = arith.constant 416 : i32
        %add3A_256 = vector.broadcast %add3A_255 : i32 to vector<16xi32>
        %add3A_257 = arith.addi %iota3A, %add3A_256 : vector<16xi32>
        %gather3A_258 = tpu.vector_load_idx %arg13[%broadcast_in_dim3A, %add3A_257] : memref<48x512xf32, #tpu.memory_space<vmem>>[vector<16xi32>, vector<16xi32>], vector<16xf32>,
        %gather3A_259 = tpu.vector_load_idx %arg15[%broadcast_in_dim3A, %add3A_257] : memref<48x512xf32, #tpu.memory_space<vmem>>[vector<16xi32>, vector<16xi32>], vector<16xf32>,
        %mul3A_260 = arith.mulf %gather3A_258, %gather3A_259 : vector<16xf32>
        %add3A_261 = arith.addf %add3A_254, %mul3A_260 : vector<16xf32>
        %add3A_262 = arith.constant 432 : i32
        %add3A_263 = vector.broadcast %add3A_262 : i32 to vector<16xi32>
        %add3A_264 = arith.addi %iota3A, %add3A_263 : vector<16xi32>
        %gather3A_265 = tpu.vector_load_idx %arg13[%broadcast_in_dim3A, %add3A_264] : memref<48x512xf32, #tpu.memory_space<vmem>>[vector<16xi32>, vector<16xi32>], vector<16xf32>,
        %gather3A_266 = tpu.vector_load_idx %arg15[%broadcast_in_dim3A, %add3A_264] : memref<48x512xf32, #tpu.memory_space<vmem>>[vector<16xi32>, vector<16xi32>], vector<16xf32>,
        %mul3A_267 = arith.mulf %gather3A_265, %gather3A_266 : vector<16xf32>
        %add3A_268 = arith.addf %add3A_261, %mul3A_267 : vector<16xf32>
        %add3A_269 = arith.constant 448 : i32
        %add3A_270 = vector.broadcast %add3A_269 : i32 to vector<16xi32>
        %add3A_271 = arith.addi %iota3A, %add3A_270 : vector<16xi32>
        %gather3A_272 = tpu.vector_load_idx %arg13[%broadcast_in_dim3A, %add3A_271] : memref<48x512xf32, #tpu.memory_space<vmem>>[vector<16xi32>, vector<16xi32>], vector<16xf32>,
        %gather3A_273 = tpu.vector_load_idx %arg15[%broadcast_in_dim3A, %add3A_271] : memref<48x512xf32, #tpu.memory_space<vmem>>[vector<16xi32>, vector<16xi32>], vector<16xf32>,
        %mul3A_274 = arith.mulf %gather3A_272, %gather3A_273 : vector<16xf32>
        %add3A_275 = arith.addf %add3A_268, %mul3A_274 : vector<16xf32>
        %add3A_276 = arith.constant 464 : i32
        %add3A_277 = vector.broadcast %add3A_276 : i32 to vector<16xi32>
        %add3A_278 = arith.addi %iota3A, %add3A_277 : vector<16xi32>
        %gather3A_279 = tpu.vector_load_idx %arg13[%broadcast_in_dim3A, %add3A_278] : memref<48x512xf32, #tpu.memory_space<vmem>>[vector<16xi32>, vector<16xi32>], vector<16xf32>,
        %gather3A_280 = tpu.vector_load_idx %arg15[%broadcast_in_dim3A, %add3A_278] : memref<48x512xf32, #tpu.memory_space<vmem>>[vector<16xi32>, vector<16xi32>], vector<16xf32>,
        %mul3A_281 = arith.mulf %gather3A_279, %gather3A_280 : vector<16xf32>
        %add3A_282 = arith.addf %add3A_275, %mul3A_281 : vector<16xf32>
        %add3A_283 = arith.constant 480 : i32
        %add3A_284 = vector.broadcast %add3A_283 : i32 to vector<16xi32>
        %add3A_285 = arith.addi %iota3A, %add3A_284 : vector<16xi32>
        %gather3A_286 = tpu.vector_load_idx %arg13[%broadcast_in_dim3A, %add3A_285] : memref<48x512xf32, #tpu.memory_space<vmem>>[vector<16xi32>, vector<16xi32>], vector<16xf32>,
        %gather3A_287 = tpu.vector_load_idx %arg15[%broadcast_in_dim3A, %add3A_285] : memref<48x512xf32, #tpu.memory_space<vmem>>[vector<16xi32>, vector<16xi32>], vector<16xf32>,
        %mul3A_288 = arith.mulf %gather3A_286, %gather3A_287 : vector<16xf32>
        %add3A_289 = arith.addf %add3A_282, %mul3A_288 : vector<16xf32>
        %add3A_290 = arith.constant 496 : i32
        %add3A_291 = vector.broadcast %add3A_290 : i32 to vector<16xi32>
        %add3A_292 = arith.addi %iota3A, %add3A_291 : vector<16xi32>
        %gather3A_293 = tpu.vector_load_idx %arg13[%broadcast_in_dim3A, %add3A_292] : memref<48x512xf32, #tpu.memory_space<vmem>>[vector<16xi32>, vector<16xi32>], vector<16xf32>,
        %gather3A_294 = tpu.vector_load_idx %arg15[%broadcast_in_dim3A, %add3A_292] : memref<48x512xf32, #tpu.memory_space<vmem>>[vector<16xi32>, vector<16xi32>], vector<16xf32>,
        %mul3A_295 = arith.mulf %gather3A_293, %gather3A_294 : vector<16xf32>
        %add3A_296 = arith.addf %add3A_289, %mul3A_295 : vector<16xf32>
        %jit3A = arith.constant 16 : i32
        %eq3A = arith.constant 0 : i32
        %eq3A_297 = arith.cmpi eq, %jit3A, %eq3A : i32
        %jit3A_298 = arith.constant 1 : i32
        %select_n3A = arith.select %eq3A_297, %jit3A_298, %jit3A : i32
        %rem3A = arith.remsi %scan3A_70, %select_n3A : i32
        %ne3A = arith.constant 0 : i32
        %ne3A_299 = arith.cmpi ne, %rem3A, %ne3A : i32
        %lt3A_300 = arith.constant 0 : i32
        %lt3A_301 = arith.cmpi slt, %rem3A, %lt3A_300 : i32
        %lt3A_302 = arith.constant 0 : i32
        %lt3A_303 = arith.cmpi slt, %select_n3A, %lt3A_302 : i32
        %ne3A_304 = arith.xori %lt3A_301, %lt3A_303 : i1
        %and3A = arith.andi %ne3A_304, %ne3A_299 : i1
        %add3A_305 = arith.addi %rem3A, %select_n3A : i32
        %select_n3A_306 = arith.select %and3A, %add3A_305, %rem3A : i32
        %mul3A_307 = arith.constant 16 : i32
        %mul3A_308 = arith.muli %select_n3A_306, %mul3A_307 : i32
        %swap3A = arith.index_cast %mul3A_308 : i32 to index
        %swap3A_309 = tpu.vector_load %arg17[%swap3A] {strides = array<i32>} : memref<256xf32, #tpu.memory_space<vmem>>, vector<16xf32>,
        tpu.vector_store %arg17[%swap3A], %add3A_296 {strides = array<i32>} : memref<256xf32, #tpu.memory_space<vmem>>, vector<16xf32>,
        %jit3A_310 = arith.constant 16 : i32
        %eq3A_311 = arith.constant 0 : i32
        %eq3A_312 = arith.cmpi eq, %jit3A_310, %eq3A_311 : i32
        %jit3A_313 = arith.constant 1 : i32
        %select_n3A_314 = arith.select %eq3A_312, %jit3A_313, %jit3A_310 : i32
        %rem3A_315 = arith.remsi %scan3A_70, %select_n3A_314 : i32
        %ne3A_316 = arith.constant 0 : i32
        %ne3A_317 = arith.cmpi ne, %rem3A_315, %ne3A_316 : i32
        %lt3A_318 = arith.constant 0 : i32
        %lt3A_319 = arith.cmpi slt, %rem3A_315, %lt3A_318 : i32
        %lt3A_320 = arith.constant 0 : i32
        %lt3A_321 = arith.cmpi slt, %select_n3A_314, %lt3A_320 : i32
        %ne3A_322 = arith.xori %lt3A_319, %lt3A_321 : i1
        %and3A_323 = arith.andi %ne3A_322, %ne3A_317 : i1
        %add3A_324 = arith.addi %rem3A_315, %select_n3A_314 : i32
        %select_n3A_325 = arith.select %and3A_323, %add3A_324, %rem3A_315 : i32
        %eq3A_326 = arith.constant 15 : i32
        %eq3A_327 = arith.cmpi eq, %select_n3A_325, %eq3A_326 : i32
        %convert_element_type3A_328 = arith.extui %eq3A_327 : i1 to i32
        %cond3A_329 = arith.constant 0 : i32
        %cond3A_330 = arith.cmpi ne, %convert_element_type3A_328, %cond3A_329 : i32
        scf.if %cond3A_330 {
          %get3A = arith.constant 0 : index
          %get3A_332 = tpu.vector_load %arg18[%get3A] {strides = array<i32>} : memref<16xf32, #tpu.memory_space<vmem>>, vector<16xf32>,
          %mul3A_333 = arith.constant 16 : i32
          %mul3A_334 = vector.broadcast %mul3A_333 : i32 to vector<16xi32>
          %mul3A_335 = arith.muli %iota3A, %mul3A_334 : vector<16xi32>
          %add3A_336 = arith.constant 0 : i32
          %add3A_337 = vector.broadcast %add3A_336 : i32 to vector<16xi32>
          %add3A_338 = arith.addi %mul3A_335, %add3A_337 : vector<16xi32>
          %gather3A_339 = tpu.vector_load_idx %arg17[%add3A_338] : memref<256xf32, #tpu.memory_space<vmem>>[vector<16xi32>], vector<16xf32>,
          %add3A_340 = arith.addf %get3A_332, %gather3A_339 : vector<16xf32>
          %mul3A_341 = arith.constant 16 : i32
          %mul3A_342 = vector.broadcast %mul3A_341 : i32 to vector<16xi32>
          %mul3A_343 = arith.muli %iota3A, %mul3A_342 : vector<16xi32>
          %add3A_344 = arith.constant 1 : i32
          %add3A_345 = vector.broadcast %add3A_344 : i32 to vector<16xi32>
          %add3A_346 = arith.addi %mul3A_343, %add3A_345 : vector<16xi32>
          %gather3A_347 = tpu.vector_load_idx %arg17[%add3A_346] : memref<256xf32, #tpu.memory_space<vmem>>[vector<16xi32>], vector<16xf32>,
          %add3A_348 = arith.addf %add3A_340, %gather3A_347 : vector<16xf32>
          %mul3A_349 = arith.constant 16 : i32
          %mul3A_350 = vector.broadcast %mul3A_349 : i32 to vector<16xi32>
          %mul3A_351 = arith.muli %iota3A, %mul3A_350 : vector<16xi32>
          %add3A_352 = arith.constant 2 : i32
          %add3A_353 = vector.broadcast %add3A_352 : i32 to vector<16xi32>
          %add3A_354 = arith.addi %mul3A_351, %add3A_353 : vector<16xi32>
          %gather3A_355 = tpu.vector_load_idx %arg17[%add3A_354] : memref<256xf32, #tpu.memory_space<vmem>>[vector<16xi32>], vector<16xf32>,
          %add3A_356 = arith.addf %add3A_348, %gather3A_355 : vector<16xf32>
          %mul3A_357 = arith.constant 16 : i32
          %mul3A_358 = vector.broadcast %mul3A_357 : i32 to vector<16xi32>
          %mul3A_359 = arith.muli %iota3A, %mul3A_358 : vector<16xi32>
          %add3A_360 = arith.constant 3 : i32
          %add3A_361 = vector.broadcast %add3A_360 : i32 to vector<16xi32>
          %add3A_362 = arith.addi %mul3A_359, %add3A_361 : vector<16xi32>
          %gather3A_363 = tpu.vector_load_idx %arg17[%add3A_362] : memref<256xf32, #tpu.memory_space<vmem>>[vector<16xi32>], vector<16xf32>,
          %add3A_364 = arith.addf %add3A_356, %gather3A_363 : vector<16xf32>
          %mul3A_365 = arith.constant 16 : i32
          %mul3A_366 = vector.broadcast %mul3A_365 : i32 to vector<16xi32>
          %mul3A_367 = arith.muli %iota3A, %mul3A_366 : vector<16xi32>
          %add3A_368 = arith.constant 4 : i32
          %add3A_369 = vector.broadcast %add3A_368 : i32 to vector<16xi32>
          %add3A_370 = arith.addi %mul3A_367, %add3A_369 : vector<16xi32>
          %gather3A_371 = tpu.vector_load_idx %arg17[%add3A_370] : memref<256xf32, #tpu.memory_space<vmem>>[vector<16xi32>], vector<16xf32>,
          %add3A_372 = arith.addf %add3A_364, %gather3A_371 : vector<16xf32>
          %mul3A_373 = arith.constant 16 : i32
          %mul3A_374 = vector.broadcast %mul3A_373 : i32 to vector<16xi32>
          %mul3A_375 = arith.muli %iota3A, %mul3A_374 : vector<16xi32>
          %add3A_376 = arith.constant 5 : i32
          %add3A_377 = vector.broadcast %add3A_376 : i32 to vector<16xi32>
          %add3A_378 = arith.addi %mul3A_375, %add3A_377 : vector<16xi32>
          %gather3A_379 = tpu.vector_load_idx %arg17[%add3A_378] : memref<256xf32, #tpu.memory_space<vmem>>[vector<16xi32>], vector<16xf32>,
          %add3A_380 = arith.addf %add3A_372, %gather3A_379 : vector<16xf32>
          %mul3A_381 = arith.constant 16 : i32
          %mul3A_382 = vector.broadcast %mul3A_381 : i32 to vector<16xi32>
          %mul3A_383 = arith.muli %iota3A, %mul3A_382 : vector<16xi32>
          %add3A_384 = arith.constant 6 : i32
          %add3A_385 = vector.broadcast %add3A_384 : i32 to vector<16xi32>
          %add3A_386 = arith.addi %mul3A_383, %add3A_385 : vector<16xi32>
          %gather3A_387 = tpu.vector_load_idx %arg17[%add3A_386] : memref<256xf32, #tpu.memory_space<vmem>>[vector<16xi32>], vector<16xf32>,
          %add3A_388 = arith.addf %add3A_380, %gather3A_387 : vector<16xf32>
          %mul3A_389 = arith.constant 16 : i32
          %mul3A_390 = vector.broadcast %mul3A_389 : i32 to vector<16xi32>
          %mul3A_391 = arith.muli %iota3A, %mul3A_390 : vector<16xi32>
          %add3A_392 = arith.constant 7 : i32
          %add3A_393 = vector.broadcast %add3A_392 : i32 to vector<16xi32>
          %add3A_394 = arith.addi %mul3A_391, %add3A_393 : vector<16xi32>
          %gather3A_395 = tpu.vector_load_idx %arg17[%add3A_394] : memref<256xf32, #tpu.memory_space<vmem>>[vector<16xi32>], vector<16xf32>,
          %add3A_396 = arith.addf %add3A_388, %gather3A_395 : vector<16xf32>
          %mul3A_397 = arith.constant 16 : i32
          %mul3A_398 = vector.broadcast %mul3A_397 : i32 to vector<16xi32>
          %mul3A_399 = arith.muli %iota3A, %mul3A_398 : vector<16xi32>
          %add3A_400 = arith.constant 8 : i32
          %add3A_401 = vector.broadcast %add3A_400 : i32 to vector<16xi32>
          %add3A_402 = arith.addi %mul3A_399, %add3A_401 : vector<16xi32>
          %gather3A_403 = tpu.vector_load_idx %arg17[%add3A_402] : memref<256xf32, #tpu.memory_space<vmem>>[vector<16xi32>], vector<16xf32>,
          %add3A_404 = arith.addf %add3A_396, %gather3A_403 : vector<16xf32>
          %mul3A_405 = arith.constant 16 : i32
          %mul3A_406 = vector.broadcast %mul3A_405 : i32 to vector<16xi32>
          %mul3A_407 = arith.muli %iota3A, %mul3A_406 : vector<16xi32>
          %add3A_408 = arith.constant 9 : i32
          %add3A_409 = vector.broadcast %add3A_408 : i32 to vector<16xi32>
          %add3A_410 = arith.addi %mul3A_407, %add3A_409 : vector<16xi32>
          %gather3A_411 = tpu.vector_load_idx %arg17[%add3A_410] : memref<256xf32, #tpu.memory_space<vmem>>[vector<16xi32>], vector<16xf32>,
          %add3A_412 = arith.addf %add3A_404, %gather3A_411 : vector<16xf32>
          %mul3A_413 = arith.constant 16 : i32
          %mul3A_414 = vector.broadcast %mul3A_413 : i32 to vector<16xi32>
          %mul3A_415 = arith.muli %iota3A, %mul3A_414 : vector<16xi32>
          %add3A_416 = arith.constant 10 : i32
          %add3A_417 = vector.broadcast %add3A_416 : i32 to vector<16xi32>
          %add3A_418 = arith.addi %mul3A_415, %add3A_417 : vector<16xi32>
          %gather3A_419 = tpu.vector_load_idx %arg17[%add3A_418] : memref<256xf32, #tpu.memory_space<vmem>>[vector<16xi32>], vector<16xf32>,
          %add3A_420 = arith.addf %add3A_412, %gather3A_419 : vector<16xf32>
          %mul3A_421 = arith.constant 16 : i32
          %mul3A_422 = vector.broadcast %mul3A_421 : i32 to vector<16xi32>
          %mul3A_423 = arith.muli %iota3A, %mul3A_422 : vector<16xi32>
          %add3A_424 = arith.constant 11 : i32
          %add3A_425 = vector.broadcast %add3A_424 : i32 to vector<16xi32>
          %add3A_426 = arith.addi %mul3A_423, %add3A_425 : vector<16xi32>
          %gather3A_427 = tpu.vector_load_idx %arg17[%add3A_426] : memref<256xf32, #tpu.memory_space<vmem>>[vector<16xi32>], vector<16xf32>,
          %add3A_428 = arith.addf %add3A_420, %gather3A_427 : vector<16xf32>
          %mul3A_429 = arith.constant 16 : i32
          %mul3A_430 = vector.broadcast %mul3A_429 : i32 to vector<16xi32>
          %mul3A_431 = arith.muli %iota3A, %mul3A_430 : vector<16xi32>
          %add3A_432 = arith.constant 12 : i32
          %add3A_433 = vector.broadcast %add3A_432 : i32 to vector<16xi32>
          %add3A_434 = arith.addi %mul3A_431, %add3A_433 : vector<16xi32>
          %gather3A_435 = tpu.vector_load_idx %arg17[%add3A_434] : memref<256xf32, #tpu.memory_space<vmem>>[vector<16xi32>], vector<16xf32>,
          %add3A_436 = arith.addf %add3A_428, %gather3A_435 : vector<16xf32>
          %mul3A_437 = arith.constant 16 : i32
          %mul3A_438 = vector.broadcast %mul3A_437 : i32 to vector<16xi32>
          %mul3A_439 = arith.muli %iota3A, %mul3A_438 : vector<16xi32>
          %add3A_440 = arith.constant 13 : i32
          %add3A_441 = vector.broadcast %add3A_440 : i32 to vector<16xi32>
          %add3A_442 = arith.addi %mul3A_439, %add3A_441 : vector<16xi32>
          %gather3A_443 = tpu.vector_load_idx %arg17[%add3A_442] : memref<256xf32, #tpu.memory_space<vmem>>[vector<16xi32>], vector<16xf32>,
          %add3A_444 = arith.addf %add3A_436, %gather3A_443 : vector<16xf32>
          %mul3A_445 = arith.constant 16 : i32
          %mul3A_446 = vector.broadcast %mul3A_445 : i32 to vector<16xi32>
          %mul3A_447 = arith.muli %iota3A, %mul3A_446 : vector<16xi32>
          %add3A_448 = arith.constant 14 : i32
          %add3A_449 = vector.broadcast %add3A_448 : i32 to vector<16xi32>
          %add3A_450 = arith.addi %mul3A_447, %add3A_449 : vector<16xi32>
          %gather3A_451 = tpu.vector_load_idx %arg17[%add3A_450] : memref<256xf32, #tpu.memory_space<vmem>>[vector<16xi32>], vector<16xf32>,
          %add3A_452 = arith.addf %add3A_444, %gather3A_451 : vector<16xf32>
          %mul3A_453 = arith.constant 16 : i32
          %mul3A_454 = vector.broadcast %mul3A_453 : i32 to vector<16xi32>
          %mul3A_455 = arith.muli %iota3A, %mul3A_454 : vector<16xi32>
          %add3A_456 = arith.constant 15 : i32
          %add3A_457 = vector.broadcast %add3A_456 : i32 to vector<16xi32>
          %add3A_458 = arith.addi %mul3A_455, %add3A_457 : vector<16xi32>
          %gather3A_459 = tpu.vector_load_idx %arg17[%add3A_458] : memref<256xf32, #tpu.memory_space<vmem>>[vector<16xi32>], vector<16xf32>,
          %add3A_460 = arith.addf %add3A_452, %gather3A_459 : vector<16xf32>
          %jit3A_461 = arith.constant 16 : i32
          %div3A = arith.divsi %scan3A_70, %jit3A_461 : i32
          %sign3A = arith.constant 0 : i32
          %sign3A_462 = arith.cmpi sgt, %scan3A_70, %sign3A : i32
          %sign3A_463 = arith.extui %sign3A_462 : i1 to i32
          %sign3A_464 = arith.constant 0 : i32
          %sign3A_465 = arith.cmpi slt, %scan3A_70, %sign3A_464 : i32
          %sign3A_466 = arith.extui %sign3A_465 : i1 to i32
          %sign3A_467 = arith.subi %sign3A_463, %sign3A_466 : i32
          %sign3A_468 = arith.constant 0 : i32
          %sign3A_469 = arith.cmpi sgt, %jit3A_461, %sign3A_468 : i32
          %sign3A_470 = arith.extui %sign3A_469 : i1 to i32
          %sign3A_471 = arith.constant 0 : i32
          %sign3A_472 = arith.cmpi slt, %jit3A_461, %sign3A_471 : i32
          %sign3A_473 = arith.extui %sign3A_472 : i1 to i32
          %sign3A_474 = arith.subi %sign3A_470, %sign3A_473 : i32
          %ne3A_475 = arith.cmpi ne, %sign3A_467, %sign3A_474 : i32
          %rem3A_476 = arith.remsi %scan3A_70, %jit3A_461 : i32
          %ne3A_477 = arith.constant 0 : i32
          %ne3A_478 = arith.cmpi ne, %rem3A_476, %ne3A_477 : i32
          %and3A_479 = arith.andi %ne3A_475, %ne3A_478 : i1
          %sub3A = arith.constant 1 : i32
          %sub3A_480 = arith.subi %div3A, %sub3A : i32
          %select_n3A_481 = arith.select %and3A_479, %sub3A_480, %div3A : i32
          %mul3A_482 = arith.constant 16 : i32
          %mul3A_483 = arith.muli %select_n3A_481, %mul3A_482 : i32
          %swap3A_484 = arith.index_cast %mul3A_483 : i32 to index
          %swap3A_485 = tpu.vector_load %arg16[%swap3A_484] {strides = array<i32>} : memref<48xf32, #tpu.memory_space<vmem>>, vector<16xf32>,
          tpu.vector_store %arg16[%swap3A_484], %add3A_460 {strides = array<i32>} : memref<48xf32, #tpu.memory_space<vmem>>, vector<16xf32>,
        } else {
        }
        %scan3A_331 = arith.constant 0 : i32
        scf.yield %scan3A_331 : i32
      }
      %scan3A_69 = arith.constant 48 : i32
      "tpu.region"() ({
        %run_scoped3A_70 = tpu.sem_alloc : memref<!tpu.dma_semaphore, #tpu.memory_space<semaphore_mem>>
        %dma_start3A_71 = tpu.memref_slice %arg7[%mul3A_62] : memref<101376xf32, #tpu.memory_space<hbm>> -> memref<48xf32, #tpu.memory_space<hbm>>
        %dma_start3A_72 = tpu.memref_slice %arg7[%mul3A_62] : memref<101376xf32, #tpu.memory_space<hbm>> -> memref<48xf32, #tpu.memory_space<hbm>>
        tpu.enqueue_dma source(%arg16 : memref<48xf32, #tpu.memory_space<vmem>>) target(%dma_start3A_72 : memref<48xf32, #tpu.memory_space<hbm>>) target_semaphore(%run_scoped3A_70 : memref<!tpu.dma_semaphore, #tpu.memory_space<semaphore_mem>>)
        %dma_wait3A_73 = tpu.memref_slice %arg7[%mul3A_62] : memref<101376xf32, #tpu.memory_space<hbm>> -> memref<48xf32, #tpu.memory_space<hbm>>
        %dma_wait3A_74 = tpu.memref_slice %arg7[%mul3A_62] : memref<101376xf32, #tpu.memory_space<hbm>> -> memref<48xf32, #tpu.memory_space<hbm>>
        tpu.wait_dma2 semaphore(%run_scoped3A_70 : memref<!tpu.dma_semaphore, #tpu.memory_space<semaphore_mem>>) src(%arg16 : memref<48xf32, #tpu.memory_space<vmem>>) dst(%dma_wait3A_74 : memref<48xf32, #tpu.memory_space<hbm>>)
        tpu.yield
      }) : () -> ()
    }
    %scan3A_14 = arith.constant 33 : i32
    return
  }
}

module attributes {stable_mosaic.version = 14 : i64} {
  func.func @body(%arg0: i32, %arg1: memref<512x256xf32, #tpu.memory_space<vmem>>, %arg2: memref<256x512xf32, #tpu.memory_space<vmem>>, %arg3: memref<512x1xf32, #tpu.memory_space<vmem>>, %arg4: memref<4x512x128xf32, #tpu.memory_space<vmem>>, %arg5: memref<512x1xf32, #tpu.memory_space<vmem>>) attributes {dimension_semantics = [#tpu.dimension_semantics<arbitrary>], iteration_bounds = array<i64: 20>, scalar_prefetch = 0 : i64, scratch_operands = 0 : i64, tpu.core_type = #tpu.core_type<tc>, window_params = [{transform_indices = @transform_0, window_bounds = array<i64: 512, 256>}, {pipeline_mode = #tpu.pipeline_mode<synchronous>, transform_indices = @transform_1, window_bounds = array<i64: 256, 512>}, {transform_indices = @transform_2, window_bounds = array<i64: 512, 1>}, {transform_indices = @transform_3, window_bounds = array<i64: 4, 512, 128>}, {transform_indices = @transform_4, window_bounds = array<i64: 512, 1>}]} {
    %get3A = arith.constant 0 : index
    %get3A_0 = arith.constant 0 : index
    %get3A_1 = vector.load %arg3[%get3A, %get3A_0] : memref<512x1xf32, #tpu.memory_space<vmem>>, vector<512x1xf32>
    %rsqrt3A = math.rsqrt %get3A_1 : vector<512x1xf32>
    %swap3A = arith.constant 0 : index
    %swap3A_2 = arith.constant 0 : index
    %swap3A_3 = vector.load %arg5[%swap3A, %swap3A_2] : memref<512x1xf32, #tpu.memory_space<vmem>>, vector<512x1xf32>
    tpu.vector_store %arg5[%swap3A, %swap3A_2], %rsqrt3A {strides = array<i32>} : memref<512x1xf32, #tpu.memory_space<vmem>>, vector<512x1xf32>,
    %get3A_4 = arith.constant 0 : index
    %get3A_5 = arith.constant 0 : index
    %get3A_6 = vector.load %arg1[%get3A_4, %get3A_5] : memref<512x256xf32, #tpu.memory_space<vmem>>, vector<512x256xf32>
    %get3A_7 = arith.constant 0 : index
    %get3A_8 = arith.constant 0 : index
    %get3A_9 = vector.load %arg2[%get3A_7, %get3A_8] : memref<256x512xf32, #tpu.memory_space<vmem>>, vector<256x512xf32>
    %convert_element_type3A = arith.truncf %get3A_6 : vector<512x256xf32> to vector<512x256xbf16>
    %convert_element_type3A_10 = arith.extf %convert_element_type3A : vector<512x256xbf16> to vector<512x256xf32>
    %sub3A = arith.subf %get3A_6, %convert_element_type3A_10 : vector<512x256xf32>
    %convert_element_type3A_11 = arith.truncf %sub3A : vector<512x256xf32> to vector<512x256xbf16>
    %convert_element_type3A_12 = arith.truncf %get3A_9 : vector<256x512xf32> to vector<256x512xbf16>
    %convert_element_type3A_13 = arith.extf %convert_element_type3A_12 : vector<256x512xbf16> to vector<256x512xf32>
    %sub3A_14 = arith.subf %get3A_9, %convert_element_type3A_13 : vector<256x512xf32>
    %convert_element_type3A_15 = arith.truncf %sub3A_14 : vector<256x512xf32> to vector<256x512xbf16>
    %dot_general3A = arith.constant dense<0.000000e+00> : vector<512x512xf32>
    %dot_general3A_16 = tpu.matmul %convert_element_type3A, %convert_element_type3A_15, %dot_general3A {dimension_numbers = #tpu.dot_dimension_numbers<[1], [0], [0], [1], [0, 0, 1, 1], [], []>, transpose_lhs_hint = false} : vector<512x256xbf16>, vector<256x512xbf16>, vector<512x512xf32> -> vector<512x512xf32>
    %dot_general3A_17 = arith.constant dense<0.000000e+00> : vector<512x512xf32>
    %dot_general3A_18 = tpu.matmul %convert_element_type3A_11, %convert_element_type3A_12, %dot_general3A_17 {dimension_numbers = #tpu.dot_dimension_numbers<[1], [0], [0], [1], [0, 0, 1, 1], [], []>, transpose_lhs_hint = false} : vector<512x256xbf16>, vector<256x512xbf16>, vector<512x512xf32> -> vector<512x512xf32>
    %add3A = arith.addf %dot_general3A_16, %dot_general3A_18 : vector<512x512xf32>
    %dot_general3A_19 = arith.constant dense<0.000000e+00> : vector<512x512xf32>
    %dot_general3A_20 = tpu.matmul %convert_element_type3A, %convert_element_type3A_12, %dot_general3A_19 {dimension_numbers = #tpu.dot_dimension_numbers<[1], [0], [0], [1], [0, 0, 1, 1], [], []>, transpose_lhs_hint = false} : vector<512x256xbf16>, vector<256x512xbf16>, vector<512x512xf32> -> vector<512x512xf32>
    %add3A_21 = arith.addf %add3A, %dot_general3A_20 : vector<512x512xf32>
    %iota3A = tpu.iota {dimensions = array<i32: 0>} : vector<512x1xi32>
    %mul3A = arith.constant 512 : i32
    %mul3A_22 = arith.muli %arg0, %mul3A : i32
    %add3A_23 = vector.broadcast %mul3A_22 : i32 to vector<512x1xi32>
    %add3A_24 = arith.addi %iota3A, %add3A_23 : vector<512x1xi32>
    %lt3A = arith.constant 10000 : i32
    %lt3A_25 = vector.broadcast %lt3A : i32 to vector<512x1xi32>
    %lt3A_26 = arith.cmpi slt, %add3A_24, %lt3A_25 : vector<512x1xi32>
    %mul3A_27 = vector.broadcast %rsqrt3A : vector<512x1xf32> to vector<512x512xf32>
    %mul3A_28 = arith.mulf %add3A_21, %mul3A_27 : vector<512x512xf32>
    %jit3A = arith.constant 0.000000e+00 : f32
    %broadcast_in_dim3A = vector.shape_cast %lt3A_26 : vector<512x1xi1> to vector<512x1xi1>
    %broadcast_in_dim3A_29 = vector.broadcast %broadcast_in_dim3A : vector<512x1xi1> to vector<512x512xi1>
    %broadcast_in_dim3A_30 = vector.broadcast %jit3A : f32 to vector<512x512xf32>
    %select_n3A = arith.select %broadcast_in_dim3A_29, %mul3A_28, %broadcast_in_dim3A_30 : vector<512x512xi1>, vector<512x512xf32>
    %slice3A = vector.extract_strided_slice %select_n3A {offsets = [0, 0], sizes = [512, 128], strides = [1, 1]} : vector<512x512xf32> to vector<512x128xf32>
    %swap3A_31 = arith.constant 0 : index
    %swap3A_32 = arith.constant 0 : index
    %swap3A_33 = arith.constant 0 : index
    %swap3A_34 = vector.load %arg4[%swap3A_31, %swap3A_32, %swap3A_33] : memref<4x512x128xf32, #tpu.memory_space<vmem>>, vector<1x512x128xf32>
    %swap3A_35 = vector.shape_cast %swap3A_34 : vector<1x512x128xf32> to vector<512x128xf32>
    %swap3A_36 = vector.shape_cast %slice3A : vector<512x128xf32> to vector<1x512x128xf32>
    tpu.vector_store %arg4[%swap3A_31, %swap3A_32, %swap3A_33], %swap3A_36 {strides = array<i32>} : memref<4x512x128xf32, #tpu.memory_space<vmem>>, vector<1x512x128xf32>,
    %slice3A_37 = vector.extract_strided_slice %select_n3A {offsets = [0, 128], sizes = [512, 128], strides = [1, 1]} : vector<512x512xf32> to vector<512x128xf32>
    %swap3A_38 = arith.constant 1 : index
    %swap3A_39 = arith.constant 0 : index
    %swap3A_40 = arith.constant 0 : index
    %swap3A_41 = vector.load %arg4[%swap3A_38, %swap3A_39, %swap3A_40] : memref<4x512x128xf32, #tpu.memory_space<vmem>>, vector<1x512x128xf32>
    %swap3A_42 = vector.shape_cast %swap3A_41 : vector<1x512x128xf32> to vector<512x128xf32>
    %swap3A_43 = vector.shape_cast %slice3A_37 : vector<512x128xf32> to vector<1x512x128xf32>
    tpu.vector_store %arg4[%swap3A_38, %swap3A_39, %swap3A_40], %swap3A_43 {strides = array<i32>} : memref<4x512x128xf32, #tpu.memory_space<vmem>>, vector<1x512x128xf32>,
    %slice3A_44 = vector.extract_strided_slice %select_n3A {offsets = [0, 256], sizes = [512, 128], strides = [1, 1]} : vector<512x512xf32> to vector<512x128xf32>
    %swap3A_45 = arith.constant 2 : index
    %swap3A_46 = arith.constant 0 : index
    %swap3A_47 = arith.constant 0 : index
    %swap3A_48 = vector.load %arg4[%swap3A_45, %swap3A_46, %swap3A_47] : memref<4x512x128xf32, #tpu.memory_space<vmem>>, vector<1x512x128xf32>
    %swap3A_49 = vector.shape_cast %swap3A_48 : vector<1x512x128xf32> to vector<512x128xf32>
    %swap3A_50 = vector.shape_cast %slice3A_44 : vector<512x128xf32> to vector<1x512x128xf32>
    tpu.vector_store %arg4[%swap3A_45, %swap3A_46, %swap3A_47], %swap3A_50 {strides = array<i32>} : memref<4x512x128xf32, #tpu.memory_space<vmem>>, vector<1x512x128xf32>,
    %slice3A_51 = vector.extract_strided_slice %select_n3A {offsets = [0, 384], sizes = [512, 128], strides = [1, 1]} : vector<512x512xf32> to vector<512x128xf32>
    %swap3A_52 = arith.constant 3 : index
    %swap3A_53 = arith.constant 0 : index
    %swap3A_54 = arith.constant 0 : index
    %swap3A_55 = vector.load %arg4[%swap3A_52, %swap3A_53, %swap3A_54] : memref<4x512x128xf32, #tpu.memory_space<vmem>>, vector<1x512x128xf32>
    %swap3A_56 = vector.shape_cast %swap3A_55 : vector<1x512x128xf32> to vector<512x128xf32>
    %swap3A_57 = vector.shape_cast %slice3A_51 : vector<512x128xf32> to vector<1x512x128xf32>
    tpu.vector_store %arg4[%swap3A_52, %swap3A_53, %swap3A_54], %swap3A_57 {strides = array<i32>} : memref<4x512x128xf32, #tpu.memory_space<vmem>>, vector<1x512x128xf32>,
    return
  }
  func.func @transform_0(%arg0: i32) -> (i32, i32) {
    %c0_i32 = arith.constant 0 : i32
    %c0_i32_0 = arith.constant 0 : i32
    return %arg0, %c0_i32 : i32, i32
  }
  func.func @transform_1(%arg0: i32) -> (i32, i32) {
    %c0_i32 = arith.constant 0 : i32
    %c0_i32_0 = arith.constant 0 : i32
    %c0_i32_1 = arith.constant 0 : i32
    return %c0_i32, %c0_i32_0 : i32, i32
  }
  func.func @transform_2(%arg0: i32) -> (i32, i32) {
    %c0_i32 = arith.constant 0 : i32
    %c0_i32_0 = arith.constant 0 : i32
    return %arg0, %c0_i32 : i32, i32
  }
  func.func @transform_3(%arg0: i32) -> (i32, i32, i32) {
    %c0_i32 = arith.constant 0 : i32
    %c0_i32_0 = arith.constant 0 : i32
    %c0_i32_1 = arith.constant 0 : i32
    return %c0_i32, %arg0, %c0_i32_0 : i32, i32, i32
  }
  func.func @transform_4(%arg0: i32) -> (i32, i32) {
    %c0_i32 = arith.constant 0 : i32
    %c0_i32_0 = arith.constant 0 : i32
    return %arg0, %c0_i32 : i32, i32
  }
}

module attributes {stable_mosaic.version = 14 : i64} {
  func.func @body(%arg0: i32, %arg1: memref<4x512x128xf32, #tpu.memory_space<vmem>>, %arg2: memref<512x1xf32, #tpu.memory_space<vmem>>, %arg3: memref<1x512xf32, #tpu.memory_space<vmem>>, %arg4: memref<512x512xf32, #tpu.memory_space<vmem>>, %arg5: memref<512x512xf32, #tpu.memory_space<vmem>>, %arg6: memref<4x512x128xf32, #tpu.memory_space<vmem>>) attributes {dimension_semantics = [#tpu.dimension_semantics<arbitrary>], iteration_bounds = array<i64: 20>, scalar_prefetch = 0 : i64, scratch_operands = 0 : i64, tpu.core_type = #tpu.core_type<tc>, window_params = [{transform_indices = @transform_0, window_bounds = array<i64: 4, 512, 128>}, {transform_indices = @transform_1, window_bounds = array<i64: 512, 1>}, {pipeline_mode = #tpu.pipeline_mode<synchronous>, transform_indices = @transform_2, window_bounds = array<i64: 1, 512>}, {pipeline_mode = #tpu.pipeline_mode<synchronous>, transform_indices = @transform_3, window_bounds = array<i64: 512, 512>}, {transform_indices = @transform_4, window_bounds = array<i64: 512, 512>}, {transform_indices = @transform_5, window_bounds = array<i64: 4, 512, 128>}]} {
    %get3A = arith.constant 0 : index
    %get3A_0 = arith.constant 0 : index
    %get3A_1 = arith.constant 0 : index
    %get3A_2 = vector.load %arg1[%get3A, %get3A_0, %get3A_1] : memref<4x512x128xf32, #tpu.memory_space<vmem>>, vector<1x512x128xf32>
    %get3A_3 = vector.shape_cast %get3A_2 : vector<1x512x128xf32> to vector<512x128xf32>
    %get3A_4 = arith.constant 1 : index
    %get3A_5 = arith.constant 0 : index
    %get3A_6 = arith.constant 0 : index
    %get3A_7 = vector.load %arg1[%get3A_4, %get3A_5, %get3A_6] : memref<4x512x128xf32, #tpu.memory_space<vmem>>, vector<1x512x128xf32>
    %get3A_8 = vector.shape_cast %get3A_7 : vector<1x512x128xf32> to vector<512x128xf32>
    %get3A_9 = arith.constant 2 : index
    %get3A_10 = arith.constant 0 : index
    %get3A_11 = arith.constant 0 : index
    %get3A_12 = vector.load %arg1[%get3A_9, %get3A_10, %get3A_11] : memref<4x512x128xf32, #tpu.memory_space<vmem>>, vector<1x512x128xf32>
    %get3A_13 = vector.shape_cast %get3A_12 : vector<1x512x128xf32> to vector<512x128xf32>
    %get3A_14 = arith.constant 3 : index
    %get3A_15 = arith.constant 0 : index
    %get3A_16 = arith.constant 0 : index
    %get3A_17 = vector.load %arg1[%get3A_14, %get3A_15, %get3A_16] : memref<4x512x128xf32, #tpu.memory_space<vmem>>, vector<1x512x128xf32>
    %get3A_18 = vector.shape_cast %get3A_17 : vector<1x512x128xf32> to vector<512x128xf32>
    %concatenate3A = tpu.concatenate %get3A_3, %get3A_8, %get3A_13, %get3A_18 in 1 : vector<512x128xf32>, vector<512x128xf32>, vector<512x128xf32>, vector<512x128xf32> -> vector<512x512xf32>
    %get3A_19 = arith.constant 0 : index
    %get3A_20 = arith.constant 0 : index
    %get3A_21 = vector.load %arg2[%get3A_19, %get3A_20] : memref<512x1xf32, #tpu.memory_space<vmem>>, vector<512x1xf32>
    %mul3A = vector.broadcast %get3A_21 : vector<512x1xf32> to vector<512x512xf32>
    %mul3A_22 = arith.mulf %concatenate3A, %mul3A : vector<512x512xf32>
    %get3A_23 = arith.constant 0 : index
    %get3A_24 = arith.constant 0 : index
    %get3A_25 = vector.load %arg3[%get3A_23, %get3A_24] : memref<1x512xf32, #tpu.memory_space<vmem>>, vector<1x512xf32>
    %add3A = vector.broadcast %get3A_25 : vector<1x512xf32> to vector<512x512xf32>
    %add3A_26 = arith.addf %mul3A_22, %add3A : vector<512x512xf32>
    %max3A = arith.constant 0.000000e+00 : f32
    %max3A_27 = vector.broadcast %max3A : f32 to vector<512x512xf32>
    %max3A_28 = arith.maximumf %add3A_26, %max3A_27 : vector<512x512xf32>
    %swap3A = arith.constant 0 : index
    %swap3A_29 = arith.constant 0 : index
    %swap3A_30 = vector.load %arg5[%swap3A, %swap3A_29] : memref<512x512xf32, #tpu.memory_space<vmem>>, vector<512x512xf32>
    tpu.vector_store %arg5[%swap3A, %swap3A_29], %max3A_28 {strides = array<i32>} : memref<512x512xf32, #tpu.memory_space<vmem>>, vector<512x512xf32>,
    %get3A_31 = arith.constant 0 : index
    %get3A_32 = arith.constant 0 : index
    %get3A_33 = vector.load %arg4[%get3A_31, %get3A_32] : memref<512x512xf32, #tpu.memory_space<vmem>>, vector<512x512xf32>
    %convert_element_type3A = arith.truncf %max3A_28 : vector<512x512xf32> to vector<512x512xbf16>
    %convert_element_type3A_34 = arith.extf %convert_element_type3A : vector<512x512xbf16> to vector<512x512xf32>
    %sub3A = arith.subf %max3A_28, %convert_element_type3A_34 : vector<512x512xf32>
    %convert_element_type3A_35 = arith.truncf %sub3A : vector<512x512xf32> to vector<512x512xbf16>
    %convert_element_type3A_36 = arith.truncf %get3A_33 : vector<512x512xf32> to vector<512x512xbf16>
    %convert_element_type3A_37 = arith.extf %convert_element_type3A_36 : vector<512x512xbf16> to vector<512x512xf32>
    %sub3A_38 = arith.subf %get3A_33, %convert_element_type3A_37 : vector<512x512xf32>
    %convert_element_type3A_39 = arith.truncf %sub3A_38 : vector<512x512xf32> to vector<512x512xbf16>
    %dot_general3A = arith.constant dense<0.000000e+00> : vector<512x512xf32>
    %dot_general3A_40 = tpu.matmul %convert_element_type3A, %convert_element_type3A_39, %dot_general3A {dimension_numbers = #tpu.dot_dimension_numbers<[1], [0], [0], [1], [0, 0, 1, 1], [], []>, transpose_lhs_hint = false} : vector<512x512xbf16>, vector<512x512xbf16>, vector<512x512xf32> -> vector<512x512xf32>
    %dot_general3A_41 = arith.constant dense<0.000000e+00> : vector<512x512xf32>
    %dot_general3A_42 = tpu.matmul %convert_element_type3A_35, %convert_element_type3A_36, %dot_general3A_41 {dimension_numbers = #tpu.dot_dimension_numbers<[1], [0], [0], [1], [0, 0, 1, 1], [], []>, transpose_lhs_hint = false} : vector<512x512xbf16>, vector<512x512xbf16>, vector<512x512xf32> -> vector<512x512xf32>
    %add3A_43 = arith.addf %dot_general3A_40, %dot_general3A_42 : vector<512x512xf32>
    %dot_general3A_44 = arith.constant dense<0.000000e+00> : vector<512x512xf32>
    %dot_general3A_45 = tpu.matmul %convert_element_type3A, %convert_element_type3A_36, %dot_general3A_44 {dimension_numbers = #tpu.dot_dimension_numbers<[1], [0], [0], [1], [0, 0, 1, 1], [], []>, transpose_lhs_hint = false} : vector<512x512xbf16>, vector<512x512xbf16>, vector<512x512xf32> -> vector<512x512xf32>
    %add3A_46 = arith.addf %add3A_43, %dot_general3A_45 : vector<512x512xf32>
    %iota3A = tpu.iota {dimensions = array<i32: 0>} : vector<512x1xi32>
    %mul3A_47 = arith.constant 512 : i32
    %mul3A_48 = arith.muli %arg0, %mul3A_47 : i32
    %add3A_49 = vector.broadcast %mul3A_48 : i32 to vector<512x1xi32>
    %add3A_50 = arith.addi %iota3A, %add3A_49 : vector<512x1xi32>
    %lt3A = arith.constant 10000 : i32
    %lt3A_51 = vector.broadcast %lt3A : i32 to vector<512x1xi32>
    %lt3A_52 = arith.cmpi slt, %add3A_50, %lt3A_51 : vector<512x1xi32>
    %get3A_53 = arith.constant 0 : index
    %get3A_54 = arith.constant 0 : index
    %get3A_55 = vector.load %arg2[%get3A_53, %get3A_54] : memref<512x1xf32, #tpu.memory_space<vmem>>, vector<512x1xf32>
    %mul3A_56 = vector.broadcast %get3A_55 : vector<512x1xf32> to vector<512x512xf32>
    %mul3A_57 = arith.mulf %add3A_46, %mul3A_56 : vector<512x512xf32>
    %jit3A = arith.constant 0.000000e+00 : f32
    %broadcast_in_dim3A = vector.shape_cast %lt3A_52 : vector<512x1xi1> to vector<512x1xi1>
    %broadcast_in_dim3A_58 = vector.broadcast %broadcast_in_dim3A : vector<512x1xi1> to vector<512x512xi1>
    %broadcast_in_dim3A_59 = vector.broadcast %jit3A : f32 to vector<512x512xf32>
    %select_n3A = arith.select %broadcast_in_dim3A_58, %mul3A_57, %broadcast_in_dim3A_59 : vector<512x512xi1>, vector<512x512xf32>
    %slice3A = vector.extract_strided_slice %select_n3A {offsets = [0, 0], sizes = [512, 128], strides = [1, 1]} : vector<512x512xf32> to vector<512x128xf32>
    %swap3A_60 = arith.constant 0 : index
    %swap3A_61 = arith.constant 0 : index
    %swap3A_62 = arith.constant 0 : index
    %swap3A_63 = vector.load %arg6[%swap3A_60, %swap3A_61, %swap3A_62] : memref<4x512x128xf32, #tpu.memory_space<vmem>>, vector<1x512x128xf32>
    %swap3A_64 = vector.shape_cast %swap3A_63 : vector<1x512x128xf32> to vector<512x128xf32>
    %swap3A_65 = vector.shape_cast %slice3A : vector<512x128xf32> to vector<1x512x128xf32>
    tpu.vector_store %arg6[%swap3A_60, %swap3A_61, %swap3A_62], %swap3A_65 {strides = array<i32>} : memref<4x512x128xf32, #tpu.memory_space<vmem>>, vector<1x512x128xf32>,
    %slice3A_66 = vector.extract_strided_slice %select_n3A {offsets = [0, 128], sizes = [512, 128], strides = [1, 1]} : vector<512x512xf32> to vector<512x128xf32>
    %swap3A_67 = arith.constant 1 : index
    %swap3A_68 = arith.constant 0 : index
    %swap3A_69 = arith.constant 0 : index
    %swap3A_70 = vector.load %arg6[%swap3A_67, %swap3A_68, %swap3A_69] : memref<4x512x128xf32, #tpu.memory_space<vmem>>, vector<1x512x128xf32>
    %swap3A_71 = vector.shape_cast %swap3A_70 : vector<1x512x128xf32> to vector<512x128xf32>
    %swap3A_72 = vector.shape_cast %slice3A_66 : vector<512x128xf32> to vector<1x512x128xf32>
    tpu.vector_store %arg6[%swap3A_67, %swap3A_68, %swap3A_69], %swap3A_72 {strides = array<i32>} : memref<4x512x128xf32, #tpu.memory_space<vmem>>, vector<1x512x128xf32>,
    %slice3A_73 = vector.extract_strided_slice %select_n3A {offsets = [0, 256], sizes = [512, 128], strides = [1, 1]} : vector<512x512xf32> to vector<512x128xf32>
    %swap3A_74 = arith.constant 2 : index
    %swap3A_75 = arith.constant 0 : index
    %swap3A_76 = arith.constant 0 : index
    %swap3A_77 = vector.load %arg6[%swap3A_74, %swap3A_75, %swap3A_76] : memref<4x512x128xf32, #tpu.memory_space<vmem>>, vector<1x512x128xf32>
    %swap3A_78 = vector.shape_cast %swap3A_77 : vector<1x512x128xf32> to vector<512x128xf32>
    %swap3A_79 = vector.shape_cast %slice3A_73 : vector<512x128xf32> to vector<1x512x128xf32>
    tpu.vector_store %arg6[%swap3A_74, %swap3A_75, %swap3A_76], %swap3A_79 {strides = array<i32>} : memref<4x512x128xf32, #tpu.memory_space<vmem>>, vector<1x512x128xf32>,
    %slice3A_80 = vector.extract_strided_slice %select_n3A {offsets = [0, 384], sizes = [512, 128], strides = [1, 1]} : vector<512x512xf32> to vector<512x128xf32>
    %swap3A_81 = arith.constant 3 : index
    %swap3A_82 = arith.constant 0 : index
    %swap3A_83 = arith.constant 0 : index
    %swap3A_84 = vector.load %arg6[%swap3A_81, %swap3A_82, %swap3A_83] : memref<4x512x128xf32, #tpu.memory_space<vmem>>, vector<1x512x128xf32>
    %swap3A_85 = vector.shape_cast %swap3A_84 : vector<1x512x128xf32> to vector<512x128xf32>
    %swap3A_86 = vector.shape_cast %slice3A_80 : vector<512x128xf32> to vector<1x512x128xf32>
    tpu.vector_store %arg6[%swap3A_81, %swap3A_82, %swap3A_83], %swap3A_86 {strides = array<i32>} : memref<4x512x128xf32, #tpu.memory_space<vmem>>, vector<1x512x128xf32>,
    return
  }
  func.func @transform_0(%arg0: i32) -> (i32, i32, i32) {
    %c0_i32 = arith.constant 0 : i32
    %c0_i32_0 = arith.constant 0 : i32
    %c0_i32_1 = arith.constant 0 : i32
    return %c0_i32, %arg0, %c0_i32_0 : i32, i32, i32
  }
  func.func @transform_1(%arg0: i32) -> (i32, i32) {
    %c0_i32 = arith.constant 0 : i32
    %c0_i32_0 = arith.constant 0 : i32
    return %arg0, %c0_i32 : i32, i32
  }
  func.func @transform_2(%arg0: i32) -> (i32, i32) {
    %c0_i32 = arith.constant 0 : i32
    %c0_i32_0 = arith.constant 0 : i32
    %c0_i32_1 = arith.constant 0 : i32
    return %c0_i32, %c0_i32_0 : i32, i32
  }
  func.func @transform_3(%arg0: i32) -> (i32, i32) {
    %c0_i32 = arith.constant 0 : i32
    %c0_i32_0 = arith.constant 0 : i32
    %c0_i32_1 = arith.constant 0 : i32
    return %c0_i32, %c0_i32_0 : i32, i32
  }
  func.func @transform_4(%arg0: i32) -> (i32, i32) {
    %c0_i32 = arith.constant 0 : i32
    %c0_i32_0 = arith.constant 0 : i32
    return %arg0, %c0_i32 : i32, i32
  }
  func.func @transform_5(%arg0: i32) -> (i32, i32, i32) {
    %c0_i32 = arith.constant 0 : i32
    %c0_i32_0 = arith.constant 0 : i32
    %c0_i32_1 = arith.constant 0 : i32
    return %c0_i32, %arg0, %c0_i32_0 : i32, i32, i32
  }
}

module attributes {stable_mosaic.version = 14 : i64} {
  func.func @body(%arg0: i32, %arg1: memref<4x512x128xf32, #tpu.memory_space<vmem>>, %arg2: memref<512x1xf32, #tpu.memory_space<vmem>>, %arg3: memref<1x512xf32, #tpu.memory_space<vmem>>, %arg4: memref<2x512xf32, #tpu.memory_space<vmem>>, %arg5: memref<1x2xf32, #tpu.memory_space<vmem>>, %arg6: memref<512x512xf32, #tpu.memory_space<vmem>>, %arg7: memref<512x512xf32, #tpu.memory_space<vmem>>, %arg8: memref<1x16xf32, #tpu.memory_space<vmem>>) attributes {dimension_semantics = [#tpu.dimension_semantics<arbitrary>], iteration_bounds = array<i64: 20>, scalar_prefetch = 0 : i64, scratch_operands = 0 : i64, tpu.core_type = #tpu.core_type<tc>, window_params = [{transform_indices = @transform_0, window_bounds = array<i64: 4, 512, 128>}, {transform_indices = @transform_1, window_bounds = array<i64: 512, 1>}, {pipeline_mode = #tpu.pipeline_mode<synchronous>, transform_indices = @transform_2, window_bounds = array<i64: 1, 512>}, {pipeline_mode = #tpu.pipeline_mode<synchronous>, transform_indices = @transform_3, window_bounds = array<i64: 2, 512>}, {pipeline_mode = #tpu.pipeline_mode<synchronous>, transform_indices = @transform_4, window_bounds = array<i64: 1, 2>}, {transform_indices = @transform_5, window_bounds = array<i64: 512, 512>}, {transform_indices = @transform_6, window_bounds = array<i64: 512, 512>}, {pipeline_mode = #tpu.pipeline_mode<synchronous>, transform_indices = @transform_7, window_bounds = array<i64: 1, 16>}]} {
    %get3A = arith.constant 0 : index
    %get3A_0 = arith.constant 0 : index
    %get3A_1 = arith.constant 0 : index
    %get3A_2 = vector.load %arg1[%get3A, %get3A_0, %get3A_1] : memref<4x512x128xf32, #tpu.memory_space<vmem>>, vector<1x512x128xf32>
    %get3A_3 = vector.shape_cast %get3A_2 : vector<1x512x128xf32> to vector<512x128xf32>
    %get3A_4 = arith.constant 1 : index
    %get3A_5 = arith.constant 0 : index
    %get3A_6 = arith.constant 0 : index
    %get3A_7 = vector.load %arg1[%get3A_4, %get3A_5, %get3A_6] : memref<4x512x128xf32, #tpu.memory_space<vmem>>, vector<1x512x128xf32>
    %get3A_8 = vector.shape_cast %get3A_7 : vector<1x512x128xf32> to vector<512x128xf32>
    %get3A_9 = arith.constant 2 : index
    %get3A_10 = arith.constant 0 : index
    %get3A_11 = arith.constant 0 : index
    %get3A_12 = vector.load %arg1[%get3A_9, %get3A_10, %get3A_11] : memref<4x512x128xf32, #tpu.memory_space<vmem>>, vector<1x512x128xf32>
    %get3A_13 = vector.shape_cast %get3A_12 : vector<1x512x128xf32> to vector<512x128xf32>
    %get3A_14 = arith.constant 3 : index
    %get3A_15 = arith.constant 0 : index
    %get3A_16 = arith.constant 0 : index
    %get3A_17 = vector.load %arg1[%get3A_14, %get3A_15, %get3A_16] : memref<4x512x128xf32, #tpu.memory_space<vmem>>, vector<1x512x128xf32>
    %get3A_18 = vector.shape_cast %get3A_17 : vector<1x512x128xf32> to vector<512x128xf32>
    %concatenate3A = tpu.concatenate %get3A_3, %get3A_8, %get3A_13, %get3A_18 in 1 : vector<512x128xf32>, vector<512x128xf32>, vector<512x128xf32>, vector<512x128xf32> -> vector<512x512xf32>
    %get3A_19 = arith.constant 0 : index
    %get3A_20 = arith.constant 0 : index
    %get3A_21 = vector.load %arg2[%get3A_19, %get3A_20] : memref<512x1xf32, #tpu.memory_space<vmem>>, vector<512x1xf32>
    %mul3A = vector.broadcast %get3A_21 : vector<512x1xf32> to vector<512x512xf32>
    %mul3A_22 = arith.mulf %concatenate3A, %mul3A : vector<512x512xf32>
    %get3A_23 = arith.constant 0 : index
    %get3A_24 = arith.constant 0 : index
    %get3A_25 = vector.load %arg3[%get3A_23, %get3A_24] : memref<1x512xf32, #tpu.memory_space<vmem>>, vector<1x512xf32>
    %add3A = vector.broadcast %get3A_25 : vector<1x512xf32> to vector<512x512xf32>
    %add3A_26 = arith.addf %mul3A_22, %add3A : vector<512x512xf32>
    %max3A = arith.constant 0.000000e+00 : f32
    %max3A_27 = vector.broadcast %max3A : f32 to vector<512x512xf32>
    %max3A_28 = arith.maximumf %add3A_26, %max3A_27 : vector<512x512xf32>
    %swap3A = arith.constant 0 : index
    %swap3A_29 = arith.constant 0 : index
    %swap3A_30 = vector.load %arg6[%swap3A, %swap3A_29] : memref<512x512xf32, #tpu.memory_space<vmem>>, vector<512x512xf32>
    tpu.vector_store %arg6[%swap3A, %swap3A_29], %max3A_28 {strides = array<i32>} : memref<512x512xf32, #tpu.memory_space<vmem>>, vector<512x512xf32>,
    %get3A_31 = arith.constant 0 : index
    %get3A_32 = arith.constant 0 : index
    %get3A_33 = vector.load %arg4[%get3A_31, %get3A_32] : memref<2x512xf32, #tpu.memory_space<vmem>>, vector<2x512xf32>
    %reduce_sum3A = arith.constant dense<0.000000e+00> : vector<512xf32>
    %reduce_sum3A_34 = vector.multi_reduction <add>, %get3A_33, %reduce_sum3A [0] : vector<2x512xf32> to vector<512xf32>
    %broadcast_in_dim3A = vector.shape_cast %reduce_sum3A_34 : vector<512xf32> to vector<1x512xf32>
    %mul3A_35 = vector.broadcast %broadcast_in_dim3A : vector<1x512xf32> to vector<512x512xf32>
    %mul3A_36 = arith.mulf %max3A_28, %mul3A_35 : vector<512x512xf32>
    %swap3A_37 = arith.constant 0 : index
    %swap3A_38 = arith.constant 0 : index
    %swap3A_39 = vector.load %arg7[%swap3A_37, %swap3A_38] : memref<512x512xf32, #tpu.memory_space<vmem>>, vector<512x512xf32>
    tpu.vector_store %arg7[%swap3A_37, %swap3A_38], %mul3A_36 {strides = array<i32>} : memref<512x512xf32, #tpu.memory_space<vmem>>, vector<512x512xf32>,
    %eq3A = arith.constant 0 : i32
    %eq3A_40 = arith.cmpi eq, %arg0, %eq3A : i32
    %convert_element_type3A = arith.extui %eq3A_40 : i1 to i32
    %cond3A = arith.constant 0 : i32
    %cond3A_41 = arith.cmpi ne, %convert_element_type3A, %cond3A : i32
    scf.if %cond3A_41 {
      %get3A_42 = arith.constant 0 : index
      %get3A_43 = arith.constant 0 : index
      %get3A_44 = vector.load %arg5[%get3A_42, %get3A_43] : memref<1x2xf32, #tpu.memory_space<vmem>>, vector<1x2xf32>
      %reduce_sum3A_45 = vector.shape_cast %get3A_44 : vector<1x2xf32> to vector<1x1x2xf32>
      %reduce_sum3A_46 = arith.constant dense<0.000000e+00> : vector<1xf32>
      %reduce_sum3A_47 = vector.multi_reduction <add>, %reduce_sum3A_45, %reduce_sum3A_46 [1, 2] : vector<1x1x2xf32> to vector<1xf32>
      %reduce_sum3A_48 = vector.shape_cast %reduce_sum3A_47 : vector<1xf32> to vector<1x1x1xf32>
      %reduce_sum3A_49 = vector.extract %reduce_sum3A_48[0, 0, 0] : f32 from vector<1x1x1xf32>
      %broadcast_in_dim3A_50 = vector.broadcast %reduce_sum3A_49 : f32 to vector<1x16xf32>
      %swap3A_51 = arith.constant 0 : index
      %swap3A_52 = arith.constant 0 : index
      %swap3A_53 = vector.load %arg8[%swap3A_51, %swap3A_52] : memref<1x16xf32, #tpu.memory_space<vmem>>, vector<1x16xf32>
      tpu.vector_store %arg8[%swap3A_51, %swap3A_52], %broadcast_in_dim3A_50 {strides = array<i32>} : memref<1x16xf32, #tpu.memory_space<vmem>>, vector<1x16xf32>,
    } else {
    }
    return
  }
  func.func @transform_0(%arg0: i32) -> (i32, i32, i32) {
    %c0_i32 = arith.constant 0 : i32
    %c0_i32_0 = arith.constant 0 : i32
    %c0_i32_1 = arith.constant 0 : i32
    return %c0_i32, %arg0, %c0_i32_0 : i32, i32, i32
  }
  func.func @transform_1(%arg0: i32) -> (i32, i32) {
    %c0_i32 = arith.constant 0 : i32
    %c0_i32_0 = arith.constant 0 : i32
    return %arg0, %c0_i32 : i32, i32
  }
  func.func @transform_2(%arg0: i32) -> (i32, i32) {
    %c0_i32 = arith.constant 0 : i32
    %c0_i32_0 = arith.constant 0 : i32
    %c0_i32_1 = arith.constant 0 : i32
    return %c0_i32, %c0_i32_0 : i32, i32
  }
  func.func @transform_3(%arg0: i32) -> (i32, i32) {
    %c0_i32 = arith.constant 0 : i32
    %c0_i32_0 = arith.constant 0 : i32
    %c0_i32_1 = arith.constant 0 : i32
    return %c0_i32, %c0_i32_0 : i32, i32
  }
  func.func @transform_4(%arg0: i32) -> (i32, i32) {
    %c0_i32 = arith.constant 0 : i32
    %c0_i32_0 = arith.constant 0 : i32
    %c0_i32_1 = arith.constant 0 : i32
    return %c0_i32, %c0_i32_0 : i32, i32
  }
  func.func @transform_5(%arg0: i32) -> (i32, i32) {
    %c0_i32 = arith.constant 0 : i32
    %c0_i32_0 = arith.constant 0 : i32
    return %arg0, %c0_i32 : i32, i32
  }
  func.func @transform_6(%arg0: i32) -> (i32, i32) {
    %c0_i32 = arith.constant 0 : i32
    %c0_i32_0 = arith.constant 0 : i32
    return %arg0, %c0_i32 : i32, i32
  }
  func.func @transform_7(%arg0: i32) -> (i32, i32) {
    %c0_i32 = arith.constant 0 : i32
    %c0_i32_0 = arith.constant 0 : i32
    %c0_i32_1 = arith.constant 0 : i32
    return %c0_i32, %c0_i32_0 : i32, i32
  }
}

</mosaic_0001>

<sc_bundles>
// kernel: kernel.11.cloned.1.call-start
scs
__scs_entry_jumppad:
0x0: {  	(pc) =	sbr.rel $0x88, $3  }
0x1: {  	(tag) =	ssettag $0x0;
	lr =	simm.s32 $0x1  }
0x2: {  	[smem:$0x3F96] =	sst lr;
	_ =	strace $0xD0000000  }
0x3: {  	_ = 	snop  }
0x4: {  	_ = 	snop  }
0x5: {  	_ = 	snop  }
0x6: {  	_ = 	snop  }
0x7: {  	_ = 	snop  }
__scs_overlays_trampoline_lowered:
0x8: {  	[smem:$0x3FA5] =	sst s0  }
0x9: {  	[smem:$0x3FA6] =	sst s1  }
0xa: {  	[smem:$0x3FA7] =	sst s2  }
0xb: {  	[smem:$0x3FA8] =	sst s3  }
0xc: {  	[smem:$0x3FA9] =	sst s4  }
0xd: {  	[smem:$0x3FAA] =	sst s5  }
0xe: {  	[smem:$0x3FAB] =	sst s6  }
0xf: {  	[smem:$0x3FAC] =	sst s7  }
0x10: {  	[smem:$0x3FAD] =	sst s8  }
0x11: {  	[smem:$0x3FAE] =	sst s9;
	s0 =	simm.s32 @!p0 $0x0  }
0x12: {  	s1 =	sld [smem:$0x3F94];
	s0 =	simm.s32 @p0 $0x1  }
0x13: {  	[smem:$0x3FAF] =	sst s0;
	s0 =	simm.s32 @!p1 $0x0  }
0x14: {  	s2 =	sld [smem:$0x3F93];
	s0 =	simm.s32 @p1 $0x1  }
0x15: {  	[smem:$0x3FB0] =	sst s0;
	s0 =	simm.s32 @!p2 $0x0  }
0x16: {  	s3 =	sld [smem:$0x3FDB];
	s0 =	simm.s32 @p2 $0x1  }
0x17: {  	s4 =	simm.s32 $0x1BF5;
	[smem:$0x3FB2] =	sst s0  }
0x18: {  	s0 =	sld [smem:$0x3F95];
	_ =	swait.ge [sflag:s4], $0x0  }
0x19: {  	s7 =	sld [smem:$0x3F96]  }
0x1a: {  	s8 =	sadd.s32 $0xFFFFE003, lr  }
0x1b: {  	s9 =	sadd.s32 $0xFFFFFEF7, lr;
	s5 =	simm.s32 $0xFFFFFFFF;
	p2 =	slt.u32 s8, $0xFFFFF086  }
0x1c: {  	p1 =	slt.u32 s9, $0xF7A;
	s5 =	simm.s32 @!p2 $0x0  }
0x1d: {  	s5 =	simm.s32 @p1 $0x1;
	p0 =	seq.s32 s7, s2  }
0x1e: {  	s7 =	smul.u32 @!p0 $0xF7A, s2;
	p2 =	seq.s32 @!p0 s5, $0x0  }
0x1f: {  	s9 =	smul.u32 $0xF7A, s1;
	s8 =	simm.s32 @!p0 $0x1BF5;
	p2 =	por !p2, p0  }
0x20: {  	[sflag:s8] =	ssyncset.s32 @!p0 $0xFFFFF086;
	s6 =	sadd.s32 @!p0 s3, s7;
	s7 =	simm.s32 @!p0 $0x108  }
0x21: {  	s3 =	sadd.s32 s3, s9;
	s6 =	sadd.s32 @!p0 $0x88, s6;
	s7 =	simm.s32 @p2 $0x1082  }
0x22: {  	[simem:s7], [sflag:s8] =	dma.local @!p0 [hbm:s6], $0xF7A  }
0x23: {  	s9 =	sor.u32 $0xD0000000, s2;
	s6 =	simm.s32 $0x108;
	_ =	swait.ge @!p0 [sflag:s8], $0x0  }
0x24: {  	s3 =	sadd.s32 $0x88, s3;
	s6 =	simm.s32 @!p1 $0x1082;
	[sflag:s4] =	ssyncset.s32 $0xFFFFF086  }
0x25: {  	[simem:s6], [sflag:s4] =	dma.local [hbm:s3], $0xF7A  }
0x26: {  	[smem:$0x3F96] =	sst s1;
	(tag) =	ssettag s2;
	_ =	strace s9  }
0x27: {  	s1 =	sld [smem:$0x3FA6]  }
0x28: {  	s2 =	sld [smem:$0x3FA7]  }
0x29: {  	s4 =	sld [smem:$0x3FA9]  }
0x2a: {  	p0 =	seq.s32 s5, $0x0;
	s5 =	sld [smem:$0x3FAA]  }
0x2b: {  	s6 =	sld [smem:$0x3FAB]  }
0x2c: {  	s7 =	sld [smem:$0x3FAC]  }
0x2d: {  	s3 =	simm.s32 $0x108;
	s8 =	sld [smem:$0x3FAD]  }
0x2e: {  	s3 =	simm.s32 @!p0 $0x1082;
	s9 =	sld [smem:$0x3FAE]  }
0x2f: {  	lr =	sadd.s32 s0, s3;
	s0 =	sld [smem:$0x3FA5]  }
0x30: {  	s3 =	sld [smem:$0x3FA8]  }
0x31: {  	[smem:$0x3FB1] =	sst s10  }
0x32: {  	s10 =	sld [smem:$0x3FAF];
	_ =	sdelay $0x3  }
0x33: {  	p0 =	seq.s32 s10, $0x1;
	s10 =	sld [smem:$0x3FB1];
	_ =	sdelay $0x3  }
0x34: {  	[smem:$0x3FB1] =	sst s10  }
0x35: {  	s10 =	sld [smem:$0x3FB0];
	_ =	sdelay $0x3  }
0x36: {  	p1 =	seq.s32 s10, $0x1;
	s10 =	sld [smem:$0x3FB1];
	_ =	sdelay $0x3  }
0x37: {  	[smem:$0x3FB1] =	sst s10  }
0x38: {  	s10 =	sld [smem:$0x3FB2]  }
0x39: {  	_ = 	snop;
	(pc) =	sbr.ind lr, $3  }
0x3a: {  	_ = 	snop  }
0x3b: {  	_ = 	snop  }
0x3c: {  	p2 =	seq.s32 s10, $0x1;
	s10 =	sld [smem:$0x3FB1]  }
0x3d: {  	_ =	shalt  }
0x3e: {  	_ =	shalt  }
0x3f: {  	_ =	shalt  }
0x40: {  	_ =	shalt  }
0x41: {  	_ =	shalt  }
0x42: {  	_ =	shalt  }
0x43: {  	_ =	shalt  }
0x44: {  	_ =	shalt  }
0x45: {  	_ =	shalt  }
0x46: {  	_ =	shalt  }
0x47: {  	_ =	shalt  }
0x48: {  	_ =	shalt  }
0x49: {  	_ =	shalt  }
0x4a: {  	_ =	shalt  }
0x4b: {  	_ =	shalt  }
0x4c: {  	_ =	shalt  }
0x4d: {  	_ =	shalt  }
0x4e: {  	_ =	shalt  }
0x4f: {  	_ =	shalt  }
0x50: {  	_ =	shalt  }
0x51: {  	_ =	shalt  }
0x52: {  	_ =	shalt  }
0x53: {  	_ =	shalt  }
0x54: {  	_ =	shalt  }
0x55: {  	_ =	shalt  }
0x56: {  	_ =	shalt  }
0x57: {  	_ =	shalt  }
0x58: {  	_ =	shalt  }
0x59: {  	_ =	shalt  }
0x5a: {  	_ =	shalt  }
0x5b: {  	_ =	shalt  }
0x5c: {  	_ =	shalt  }
0x5d: {  	_ =	shalt  }
0x5e: {  	_ =	shalt  }
0x5f: {  	_ =	shalt  }
0x60: {  	_ =	shalt  }
0x61: {  	_ =	shalt  }
0x62: {  	_ =	shalt  }
0x63: {  	_ =	shalt  }
0x64: {  	_ =	shalt  }
0x65: {  	_ =	shalt  }
0x66: {  	_ =	shalt  }
0x67: {  	_ =	shalt  }
0x68: {  	_ =	shalt  }
0x69: {  	_ =	shalt  }
0x6a: {  	_ =	shalt  }
0x6b: {  	_ =	shalt  }
0x6c: {  	_ =	shalt  }
0x6d: {  	_ =	shalt  }
0x6e: {  	_ =	shalt  }
0x6f: {  	_ =	shalt  }
0x70: {  	_ =	shalt  }
0x71: {  	_ =	shalt  }
0x72: {  	_ =	shalt  }
0x73: {  	_ =	shalt  }
0x74: {  	_ =	shalt  }
0x75: {  	_ =	shalt  }
0x76: {  	_ =	shalt  }
0x77: {  	_ =	shalt  }
0x78: {  	_ =	shalt  }
0x79: {  	_ =	shalt  }
0x7a: {  	_ =	shalt  }
0x7b: {  	_ =	shalt  }
0x7c: {  	_ =	shalt  }
0x7d: {  	_ =	shalt  }
0x7e: {  	_ =	shalt  }
0x7f: {  	_ =	shalt  }
0x80: {  	_ =	shalt  }
0x81: {  	_ =	shalt  }
0x82: {  	_ =	shalt  }
0x83: {  	_ =	shalt  }
0x84: {  	_ =	shalt  }
0x85: {  	_ =	shalt  }
0x86: {  	_ =	shalt  }
0x87: {  	_ =	shalt  }
.Lfunc_end0:
.L_simem_size_0:
called_computation_lowered:
.L_overlay_start_0:
0x88: {  	s2 =	sld [smem:$0x3FD9]  }
0x89: {  	s3 =	sld [smem:$0x3FFE];
	_ =	sdelay $0x1  }
0x8a: {  	s1 =	srdreg.scid  }
0x8b: {  	s0 =	sand.u32 $0x1, s1  }
0x8c: {  	s15 =	sshll.u32 s0, $0xA;
	s2 =	sadd.s32 s3, s2  }
0x8d: {  	s2 =	sadd.s32 s2, s15  }
0x8e: {  	[smem:$0x3FBD] =	sst s2  }
0x8f: {  	_ = 	snop  }
0x90: {  	s2 =	sld [smem:$0x3FD0];
	_ =	sdelay $0x2  }
0x91: {  	s16 =	simm.s32 $0xA;
	s4 =	simm.s32 $0x10  }
0x92: {  	[smem:s4], [sflag:s16] =	dma.local [hbm:s2], $0x1  }
0x93: {  	_ =	swait.eq [sflag:s16], $0x1  }
0x94: {  	[sflag:s16] =	ssyncset.done $0x0  }
0x95: {  	s17 =	sld [smem:$0x10];
	[sflag:s16] =	ssyncadd.s32 $0xFFFFFFFF  }
0x96: {  	s18 =	sld [smem:$0x12];
	(tm) =	ssettm $0x1  }
0x97: {  	s19 =	sld [smem:$0x3FFB];
	_ =	sdelay $0x3  }
0x98: {  	_ =	strace s19  }
0x99: {  	s4 =	sld [smem:$0x3FFC];
	_ =	sdelay $0x3  }
0x9a: {  	_ =	strace s4  }
0x9b: {  	s4 =	sld [smem:$0x3FFD];
	_ =	sdelay $0x3  }
0x9c: {  	_ =	strace s4  }
0x9d: {  	_ =	strace $0x8FFFFFFF  }
0x9e: {  	s20 =	sld [smem:$0x3FDB];
	_ =	sdelay $0x1  }
0x9f: {  	s5 =	simm.s32 $_scs_section_size  }
0xa0: {  	s6 =	simm.s32 $_size__tile_overlayer_lowered;
	s7 =	simm.s32 $_tile_overlayer_lowered  }
0xa1: {  	s23 =	simm.s32 $0x1BFF;
	s22 =	sshll.u32 s7, $0x1;
	s4 =	sadd.s32 s5, s20  }
0xa2: {  	s8 =	simm.s32 $0x0;
	s21 =	sshll.u32 s6, $0x1;
	s6 =	sadd.s32 s22, s4  }
0xa3: {  	[timem:s8], [sflag:s23] =	dma.local [hbm:s6], s21  }
0xa4: {  	_ =	swait.ge [sflag:s23], s21  }
0xa5: {  	s5 =	ssub.s32 $0x0, s21;
	[sflag:s23] =	ssyncset.done $0x0  }
0xa6: {  	[sflag:s23] =	ssyncadd.s32 s5;
	_ =	sdelay $0x1  }
0xa7: {  	s24 =	simm.s32 $0x1B8B  }
0xa8: {  	_ =	swait.ge [sflag:s24], $0x1  }
0xa9: {  	[sflag:s24] =	ssyncset.done $0x0  }
0xaa: {  	s25 =	simm.s32 $0x1B8E;
	[sflag:s24] =	ssyncadd.s32 $0xFFFFFFFF  }
0xab: {  	s26 =	simm.s32 $execute0_lowered;
	[smem:$0x3FD2] =	sst s25  }
0xac: {  	s5 =	sshll.u32 s26, $0x1;
	_ =	strace $0x80000046;
	[dreg:$0x1] =	wrdreg $0xFFFFFFFF  }
0xad: {  	s28 =	simm.s32 $_size_execute0_lowered;
	s4 =	sadd.s32 s4, s5;
	[dreg:$0x0] =	wrdreg $0x0  }
0xae: {  	s5 =	sshll.u32 s28, $0x1;
	[dreg:$0x2] =	wrdreg s4  }
0xaf: {  	[dreg:$0x3] =	wrdreg s5  }
0xb0: {  	[dreg:$0x4] =	wrdreg $0xC0  }
0xb1: {  	_ =	task [dreg:s8], $0x5FFFF  }
0xb2: {  	[dreg:$0x1] =	wrdreg $0xFFFFFFFF  }
0xb3: {  	[dreg:$0x0] =	wrdreg $0x60  }
0xb4: {  	[dreg:$0x2] =	wrdreg s18  }
0xb5: {  	[dreg:$0x3] =	wrdreg s17  }
0xb6: {  	[dreg:$0x4] =	wrdreg $0x5800  }
0xb7: {  	[dreg:$0x5] =	wrdreg $0x9  }
0xb8: {  	_ =	task.clear_ibuf [dreg:s8], $0x6FFFF;
	_ =	strace $0x90000046  }
0xb9: {  	s29 =	simm.s32 $0x9;
	_ =	strace $0x80000048  }
0xba: {  	_ =	swait.ge [sflag:s29], $0x1  }
0xbb: {  	[sflag:s29] =	ssyncadd.s32 $0xFFFFFFFF  }
0xbc: {  	_ =	strace $0x90000048  }
0xbd: {  	_ =	sfence  }
0xbe: {  	s30 =	sld [smem:$0x0];
	_ =	sdelay $0x2  }
0xbf: {  	s31 =	sshll.u32 s1, $0xD;
	s1 =	sshrl.u32 s1, $0x2  }
0xc0: {  	s3 =	sand.u32 $0x4000, s31;
	s1 =	sadd.s32 s1, s30  }
0xc1: {  	s0 =	sor.u32 s3, s0;
	s1 =	sshll.u32 s1, $0x11  }
0xc2: {  	s0 =	sor.u32 s1, s0  }
0xc3: {  	s0 =	sadd.s32 $0x8F2B, s0  }
0xc4: {  	[sflag:s0] =	ssyncadd.remote.s32 $0x1  }
0xc5: {  	_ =	sfence.sel $0xFFFF  }
0xc6: {  	[dreg:$0x0] =	wrdreg $0xFFFFFFFF;
	(pc) =	sbr.abs _section_cstart, $3  }
0xc7: {  	[dreg:$0x1] =	wrdreg $0xFFFFFFFF  }
0xc8: {  	_ =	task.clear_ibuf [dreg:s8], $0x2FFFF;
	_ =	strace $0x9FFFFFFF  }
0xc9: {  	(tm) =	ssettm $0x7FFFFFFF  }
tec
execute0_lowered:
.L_overlay_start_1:
0x0: {  	(tag) =	ssettag $0x1  }
0x1: {  	s7 =	rddreg [dreg:$0x0]  }
0x2: {  	s5 =	rddreg [dreg:$0x1]  }
0x3: {  	s2 =	rddreg [dreg:$0x2]  }
0x4: {  	s0 =	rddreg [dreg:$0x3]  }
0x5: {  	s4 =	srdreg.scid;
	s1 =	stileid.u32  }
0x6: {  	s3 =	simm.s32 $0x0;
	s14 =	simm.s32 $0x0;
	s30 =	smul.u32 $0xA00, s1  }
0x7: {  	s8 =	sand.u32 $0x1, s4;
	[smem:$0x7FF] =	sst s3;
	s9 =	smul.u32 $0x280, s1  }
0x8: {  	s12 =	smul.u32 $0x4EC, s1;
	s31 =	sshll.u32 s1, $0x6;
	s6 =	ssub.s32 $0x2, s8  }
0x9: {  	_ =	strace $0x80000047;
	p0 =	sne.s32 s8, $0x0;
	s8 =	simm.s32 $0x300  }
.Ltmp0:
0xa: {  	s10 =	sshrl.u32 s6, $0x1;
	s4 =	sshrl.u32 s30, $0x2;
	(pc) =	sbr.rel .LBB2_1-.Ltmp0, $4  }
0xb: {  	s11 =	sshrl.u32 s9, $0x3;
	s13 =	sadd.s32 s9, s2;
	s7 =	sadd.s32 s12, s7  }
0xc: {  	s9 =	simm.s32 $0x1;
	s12 =	sor.u32 $0x1C01, s31;
	s6 =	ssub.s32 s6, s10  }
0xd: {  	s4 =	sadd.s32 s4, s2;
	s5 =	sadd.s32 s5, s11;
	s10 =	simm.s32 $0x150  }
0xe: {  	v0 =	vimm.f32 $1.000000000e+00;
	s11 =	simm.s32 $0x180;
	s13 =	sshrl.u32 s13, $0x3;
	s6 =	smax.u32 s6, $0x1  }
.LBB2_7:
0xf: {  	[bflag:$0x0] =	sbarrier.arrive $0xFFFF  }
0x10: {  	[bflag:$0x0] =	sbarrier.arrive $0xFFFF  }
.LBB2_5:
0x11: {  	s14 =	sadd.s32 $0x1, s14  }
0x12: {  	p1 =	sne.s32 s14, s6  }
.Ltmp1:
0x13: {  	_ = 	snop;
	(pc) =	sbr.rel @!p1 .LBB2_6-.Ltmp1, $1  }
0x14: {  	_ =	sdelay $0x3  }
.LBB2_1:
0x15: {  	[tilespmem:$0x180] =	vst v0  }
0x16: {  	[tilespmem:$0x190] =	vst v0  }
0x17: {  	[tilespmem:$0x1A0] =	vst v0  }
0x18: {  	[tilespmem:$0x1B0] =	vst v0  }
0x19: {  	[tilespmem:$0x1C0] =	vst v0  }
0x1a: {  	[tilespmem:$0x1D0] =	vst v0  }
0x1b: {  	[tilespmem:$0x1E0] =	vst v0  }
0x1c: {  	[tilespmem:$0x1F0] =	vst v0  }
0x1d: {  	[tilespmem:$0x200] =	vst v0  }
0x1e: {  	[tilespmem:$0x210] =	vst v0  }
0x1f: {  	[tilespmem:$0x220] =	vst v0  }
0x20: {  	[tilespmem:$0x230] =	vst v0  }
0x21: {  	[tilespmem:$0x240] =	vst v0  }
0x22: {  	[tilespmem:$0x250] =	vst v0  }
0x23: {  	[tilespmem:$0x260] =	vst v0  }
0x24: {  	[tilespmem:$0x270] =	vst v0  }
0x25: {  	[tilespmem:$0x280] =	vst v0  }
0x26: {  	[tilespmem:$0x290] =	vst v0  }
0x27: {  	[tilespmem:$0x2A0] =	vst v0  }
0x28: {  	[tilespmem:$0x2B0] =	vst v0  }
0x29: {  	[tilespmem:$0x2C0] =	vst v0  }
0x2a: {  	[tilespmem:$0x300] =	vst v0  }
0x2b: {  	[tilespmem:$0x310] =	vst v0  }
0x2c: {  	[tilespmem:$0x320] =	vst v0  }
0x2d: {  	[tilespmem:$0x330] =	vst v0  }
0x2e: {  	[tilespmem:$0x340] =	vst v0  }
0x2f: {  	[tilespmem:$0x350] =	vst v0  }
0x30: {  	[tilespmem:$0x360] =	vst v0  }
0x31: {  	[tilespmem:$0x370] =	vst v0  }
0x32: {  	[tilespmem:$0x380] =	vst v0  }
0x33: {  	[tilespmem:$0x390] =	vst v0  }
0x34: {  	[tilespmem:$0x3A0] =	vst v0  }
0x35: {  	[tilespmem:$0x3B0] =	vst v0  }
0x36: {  	[tilespmem:$0x3C0] =	vst v0  }
0x37: {  	[tilespmem:$0x3D0] =	vst v0  }
0x38: {  	[tilespmem:$0x3E0] =	vst v0  }
0x39: {  	[tilespmem:$0x3F0] =	vst v0  }
0x3a: {  	[tilespmem:$0x400] =	vst v0  }
0x3b: {  	[tilespmem:$0x410] =	vst v0  }
0x3c: {  	[tilespmem:$0x420] =	vst v0  }
0x3d: {  	[tilespmem:$0x430] =	vst v0  }
0x3e: {  	[tilespmem:$0x440] =	vst v0  }
0x3f: {  	[tilespmem:$0x450] =	vst v0  }
0x40: {  	[tilespmem:$0x460] =	vst v0  }
0x41: {  	[tilespmem:$0x470] =	vst v0  }
0x42: {  	[tilespmem:$0x480] =	vst v0  }
0x43: {  	[tilespmem:$0x490] =	vst v0  }
0x44: {  	[tilespmem:$0x4A0] =	vst v0  }
0x45: {  	[tilespmem:$0x4B0] =	vst v0  }
0x46: {  	[tilespmem:$0x4C0] =	vst v0  }
0x47: {  	[tilespmem:$0x4D0] =	vst v0  }
0x48: {  	[tilespmem:$0x4E0] =	vst v0  }
0x49: {  	[tilespmem:$0x4F0] =	vst v0  }
0x4a: {  	[tilespmem:$0x500] =	vst v0  }
0x4b: {  	[tilespmem:$0x510] =	vst v0  }
0x4c: {  	[tilespmem:$0x520] =	vst v0  }
.Ltmp2:
0x4d: {  	[tilespmem:$0x530] =	vst v0;
	(pc) =	sbr.rel @p0 .LBB2_7-.Ltmp2, $4  }
0x4e: {  	[tilespmem:$0x540] =	vst v0  }
0x4f: {  	[tilespmem:$0x550] =	vst v0  }
0x50: {  	[tilespmem:$0x560] =	vst v0  }
0x51: {  	[tilespmem:$0x570] =	vst v0  }
0x52: {  	[spmem:s4] =	stream.linear.scatter [tilespmem:s8], [sflag:$0x1], $0x280, $0x38;
	[tilespmem:$0x800] =	vst v63  }
0x53: {  	_ =	swait.ge [sflag:s9], $0x280  }
0x54: {  	[sflag:s9] =	ssyncset.done $0x0  }
0x55: {  	[sflag:s9] =	ssyncadd.s32 $0xFFFFFD80  }
0x56: {  	s15 =	sadd.s32 $0x0, s7;
	[bflag:$0x0] =	sbarrier.arrive $0xFFFF  }
0x57: {  	[tilespmem:s3], [sflag:$0x1] =	stream.linear.gather [hbm4b:s15+s3], $0x150, $0x38;
	[tilespmem:$0x800] =	vst v63  }
0x58: {  	_ =	swait.ge [sflag:s9], $0x150  }
0x59: {  	[sflag:s9] =	ssyncset.done $0x0  }
0x5a: {  	[sflag:s9] =	ssyncadd.s32 $0xFFFFFEB0  }
0x5b: {  	[spmem:s2] =	stream.indirect.scatter.add.f32 [tilespmem:s11], [sflag:$0x1], $0x1, s3, s10, $0xb8;
	[tilespmem:$0x800] =	vst v63  }
0x5c: {  	_ =	swait.ge [sflag:s9], $0x150  }
0x5d: {  	s16 =	simm.s32 $0x54;
	s15 =	simm.s32 $0x2A;
	[sflag:s9] =	ssyncset.done $0x0  }
.LBB2_3:
0x5e: {  	s17 =	sadd.s32 s15, s7  }
0x5f: {  	[sflag:s9] =	ssyncadd.s32 $0xFFFFFEB0;
	s15 =	smov.u32 s16;
	s18 =	sadd.s32 $0x2A, s16  }
0x60: {  	[tilespmem:s3], [sflag:$0x1] =	stream.linear.gather [hbm4b:s17+s3], $0x150, $0x38;
	[tilespmem:$0x800] =	vst v63  }
0x61: {  	p1 =	seq.s32 s16, $0x4C2;
	_ =	swait.ge [sflag:s9], $0x150  }
.Ltmp3:
0x62: {  	[sflag:s9] =	ssyncset.done $0x0;
	(pc) =	sbr.rel @!p1 .LBB2_3-.Ltmp3, $4  }
0x63: {  	[sflag:s9] =	ssyncadd.s32 $0xFFFFFEB0  }
0x64: {  	[spmem:s2] =	stream.indirect.scatter.add.f32 [tilespmem:s11], [sflag:$0x1], $0x1, s3, s10, $0xb8;
	[tilespmem:$0x800] =	vst v63  }
0x65: {  	_ =	swait.ge [sflag:s9], $0x150  }
0x66: {  	s16 =	smov.u32 s18;
	[sflag:s9] =	ssyncset.done $0x0  }
0x67: {  	s15 =	sadd.s32 s15, s7;
	[sflag:s9] =	ssyncadd.s32 $0xFFFFFEB0  }
0x68: {  	[tilespmem:s3], [sflag:$0x1] =	stream.linear.gather [hbm4b:s15+s3], $0x150, $0x38;
	[tilespmem:$0x800] =	vst v63  }
0x69: {  	_ =	swait.ge [sflag:s9], $0x150  }
0x6a: {  	[sflag:s9] =	ssyncset.done $0x0  }
0x6b: {  	[sflag:s9] =	ssyncadd.s32 $0xFFFFFEB0  }
0x6c: {  	[spmem:s2] =	stream.indirect.scatter.add.f32 [tilespmem:s11], [sflag:$0x1], $0x1, s3, s10, $0xb8;
	[tilespmem:$0x800] =	vst v63  }
0x6d: {  	_ =	swait.ge [sflag:s9], $0x150  }
0x6e: {  	[sflag:s9] =	ssyncset.done $0x0  }
0x6f: {  	[sflag:s9] =	ssyncadd.s32 $0xFFFFFEB0  }
.Ltmp4:
0x70: {  	[bflag:$0x0] =	sbarrier.arrive $0xFFFF;
	(pc) =	sbr.rel .LBB2_5-.Ltmp4, $4  }
0x71: {  	[hbm:s5], [sflag:s12] =	dma.local [spmem:s13], $0x50  }
0x72: {  	_ =	swait.ge [sflag:s9], $0x50  }
0x73: {  	[sflag:s9] =	ssyncset.done $0x0  }
0x74: {  	[sflag:s9] =	ssyncadd.s32 $0xFFFFFFB0  }
.LBB2_6:
0x75: {  	_ =	sfence.sel $0x180000  }
0x76: {  	[bflag:$0x0] =	sbarrier.arrive $0xFFFF  }
0x77: {  	p0 =	sne.s32 s1, $0x0;
	_ =	strace $0x90000047  }
0x78: {  	s0 =	sadd.s32 @!p0 $0x100000, s0;
	[bflag:$0x2] =	sbarrier.arrive $0xFFFF  }
0x79: {  	[sflag:s0] =	ssyncadd.tile.s32 @!p0 $0x1;
	_ =	shalt  }
.Lfunc_end2:
_tile_overlayer_lowered:
.L_overlay_start_2:
0x7a: {  	(tag) =	ssettag $0x2  }
0x7b: {  	s0 =	rddreg [dreg:$0x0];
	s2 =	stileid.u32  }
0x7c: {  	s1 =	rddreg [dreg:$0x1];
	p0 =	sne.s32 s2, $0x0  }
0x7d: {  	s3 =	rddreg [dreg:$0x2];
	[bflag:$0x3] =	sbarrier.arrive $0xFFFF;
	s2 =	simm.s32 @!p0 $0x1C01  }
0x7e: {  	[timem:s3], [sflag:s2] =	dma.local @!p0 [hbm:s0], s1  }
0x7f: {  	s0 =	simm.s32 @!p0 $0x1  }
0x80: {  	_ =	swait.ge @!p0 [sflag:s0], s1  }
0x81: {  	s1 =	ssub.s32 @!p0 $0x0, s1;
	[sflag:s0] =	ssyncset.done @!p0 $0x0  }
0x82: {  	[sflag:s0] =	ssyncadd.s32 @!p0 s1  }
0x83: {  	[bflag:$0x3] =	sbarrier.arrive $0xFFFF  }
0x84: {  	_ =	shalt  }

// kernel: kernel.14.cloned.1.call-start
scs
__scs_entry_jumppad:
0x0: {  	(pc) =	sbr.rel $0x88, $3  }
0x1: {  	(tag) =	ssettag $0x0;
	lr =	simm.s32 $0x1  }
0x2: {  	[smem:$0x3F96] =	sst lr;
	_ =	strace $0xD0000000  }
0x3: {  	_ = 	snop  }
0x4: {  	_ = 	snop  }
0x5: {  	_ = 	snop  }
0x6: {  	_ = 	snop  }
0x7: {  	_ = 	snop  }
__scs_overlays_trampoline_lowered:
0x8: {  	[smem:$0x3FA5] =	sst s0  }
0x9: {  	[smem:$0x3FA6] =	sst s1  }
0xa: {  	[smem:$0x3FA7] =	sst s2  }
0xb: {  	[smem:$0x3FA8] =	sst s3  }
0xc: {  	[smem:$0x3FA9] =	sst s4  }
0xd: {  	[smem:$0x3FAA] =	sst s5  }
0xe: {  	[smem:$0x3FAB] =	sst s6  }
0xf: {  	[smem:$0x3FAC] =	sst s7  }
0x10: {  	[smem:$0x3FAD] =	sst s8  }
0x11: {  	[smem:$0x3FAE] =	sst s9;
	s0 =	simm.s32 @!p0 $0x0  }
0x12: {  	s1 =	sld [smem:$0x3F94];
	s0 =	simm.s32 @p0 $0x1  }
0x13: {  	[smem:$0x3FAF] =	sst s0;
	s0 =	simm.s32 @!p1 $0x0  }
0x14: {  	s2 =	sld [smem:$0x3F93];
	s0 =	simm.s32 @p1 $0x1  }
0x15: {  	[smem:$0x3FB0] =	sst s0;
	s0 =	simm.s32 @!p2 $0x0  }
0x16: {  	s3 =	sld [smem:$0x3FDB];
	s0 =	simm.s32 @p2 $0x1  }
0x17: {  	s4 =	simm.s32 $0x1BF5;
	[smem:$0x3FB2] =	sst s0  }
0x18: {  	s0 =	sld [smem:$0x3F95];
	_ =	swait.ge [sflag:s4], $0x0  }
0x19: {  	s7 =	sld [smem:$0x3F96]  }
0x1a: {  	s8 =	sadd.s32 $0xFFFFE003, lr  }
0x1b: {  	s9 =	sadd.s32 $0xFFFFFEF7, lr;
	s5 =	simm.s32 $0xFFFFFFFF;
	p2 =	slt.u32 s8, $0xFFFFF086  }
0x1c: {  	p1 =	slt.u32 s9, $0xF7A;
	s5 =	simm.s32 @!p2 $0x0  }
0x1d: {  	s5 =	simm.s32 @p1 $0x1;
	p0 =	seq.s32 s7, s2  }
0x1e: {  	s7 =	smul.u32 @!p0 $0xF7A, s2;
	p2 =	seq.s32 @!p0 s5, $0x0  }
0x1f: {  	s9 =	smul.u32 $0xF7A, s1;
	s8 =	simm.s32 @!p0 $0x1BF5;
	p2 =	por !p2, p0  }
0x20: {  	[sflag:s8] =	ssyncset.s32 @!p0 $0xFFFFF086;
	s6 =	sadd.s32 @!p0 s3, s7;
	s7 =	simm.s32 @!p0 $0x108  }
0x21: {  	s3 =	sadd.s32 s3, s9;
	s6 =	sadd.s32 @!p0 $0x88, s6;
	s7 =	simm.s32 @p2 $0x1082  }
0x22: {  	[simem:s7], [sflag:s8] =	dma.local @!p0 [hbm:s6], $0xF7A  }
0x23: {  	s9 =	sor.u32 $0xD0000000, s2;
	s6 =	simm.s32 $0x108;
	_ =	swait.ge @!p0 [sflag:s8], $0x0  }
0x24: {  	s3 =	sadd.s32 $0x88, s3;
	s6 =	simm.s32 @!p1 $0x1082;
	[sflag:s4] =	ssyncset.s32 $0xFFFFF086  }
0x25: {  	[simem:s6], [sflag:s4] =	dma.local [hbm:s3], $0xF7A  }
0x26: {  	[smem:$0x3F96] =	sst s1;
	(tag) =	ssettag s2;
	_ =	strace s9  }
0x27: {  	s1 =	sld [smem:$0x3FA6]  }
0x28: {  	s2 =	sld [smem:$0x3FA7]  }
0x29: {  	s4 =	sld [smem:$0x3FA9]  }
0x2a: {  	p0 =	seq.s32 s5, $0x0;
	s5 =	sld [smem:$0x3FAA]  }
0x2b: {  	s6 =	sld [smem:$0x3FAB]  }
0x2c: {  	s7 =	sld [smem:$0x3FAC]  }
0x2d: {  	s3 =	simm.s32 $0x108;
	s8 =	sld [smem:$0x3FAD]  }
0x2e: {  	s3 =	simm.s32 @!p0 $0x1082;
	s9 =	sld [smem:$0x3FAE]  }
0x2f: {  	lr =	sadd.s32 s0, s3;
	s0 =	sld [smem:$0x3FA5]  }
0x30: {  	s3 =	sld [smem:$0x3FA8]  }
0x31: {  	[smem:$0x3FB1] =	sst s10  }
0x32: {  	s10 =	sld [smem:$0x3FAF];
	_ =	sdelay $0x3  }
0x33: {  	p0 =	seq.s32 s10, $0x1;
	s10 =	sld [smem:$0x3FB1];
	_ =	sdelay $0x3  }
0x34: {  	[smem:$0x3FB1] =	sst s10  }
0x35: {  	s10 =	sld [smem:$0x3FB0];
	_ =	sdelay $0x3  }
0x36: {  	p1 =	seq.s32 s10, $0x1;
	s10 =	sld [smem:$0x3FB1];
	_ =	sdelay $0x3  }
0x37: {  	[smem:$0x3FB1] =	sst s10  }
0x38: {  	s10 =	sld [smem:$0x3FB2]  }
0x39: {  	_ = 	snop;
	(pc) =	sbr.ind lr, $3  }
0x3a: {  	_ = 	snop  }
0x3b: {  	_ = 	snop  }
0x3c: {  	p2 =	seq.s32 s10, $0x1;
	s10 =	sld [smem:$0x3FB1]  }
0x3d: {  	_ =	shalt  }
0x3e: {  	_ =	shalt  }
0x3f: {  	_ =	shalt  }
0x40: {  	_ =	shalt  }
0x41: {  	_ =	shalt  }
0x42: {  	_ =	shalt  }
0x43: {  	_ =	shalt  }
0x44: {  	_ =	shalt  }
0x45: {  	_ =	shalt  }
0x46: {  	_ =	shalt  }
0x47: {  	_ =	shalt  }
0x48: {  	_ =	shalt  }
0x49: {  	_ =	shalt  }
0x4a: {  	_ =	shalt  }
0x4b: {  	_ =	shalt  }
0x4c: {  	_ =	shalt  }
0x4d: {  	_ =	shalt  }
0x4e: {  	_ =	shalt  }
0x4f: {  	_ =	shalt  }
0x50: {  	_ =	shalt  }
0x51: {  	_ =	shalt  }
0x52: {  	_ =	shalt  }
0x53: {  	_ =	shalt  }
0x54: {  	_ =	shalt  }
0x55: {  	_ =	shalt  }
0x56: {  	_ =	shalt  }
0x57: {  	_ =	shalt  }
0x58: {  	_ =	shalt  }
0x59: {  	_ =	shalt  }
0x5a: {  	_ =	shalt  }
0x5b: {  	_ =	shalt  }
0x5c: {  	_ =	shalt  }
0x5d: {  	_ =	shalt  }
0x5e: {  	_ =	shalt  }
0x5f: {  	_ =	shalt  }
0x60: {  	_ =	shalt  }
0x61: {  	_ =	shalt  }
0x62: {  	_ =	shalt  }
0x63: {  	_ =	shalt  }
0x64: {  	_ =	shalt  }
0x65: {  	_ =	shalt  }
0x66: {  	_ =	shalt  }
0x67: {  	_ =	shalt  }
0x68: {  	_ =	shalt  }
0x69: {  	_ =	shalt  }
0x6a: {  	_ =	shalt  }
0x6b: {  	_ =	shalt  }
0x6c: {  	_ =	shalt  }
0x6d: {  	_ =	shalt  }
0x6e: {  	_ =	shalt  }
0x6f: {  	_ =	shalt  }
0x70: {  	_ =	shalt  }
0x71: {  	_ =	shalt  }
0x72: {  	_ =	shalt  }
0x73: {  	_ =	shalt  }
0x74: {  	_ =	shalt  }
0x75: {  	_ =	shalt  }
0x76: {  	_ =	shalt  }
0x77: {  	_ =	shalt  }
0x78: {  	_ =	shalt  }
0x79: {  	_ =	shalt  }
0x7a: {  	_ =	shalt  }
0x7b: {  	_ =	shalt  }
0x7c: {  	_ =	shalt  }
0x7d: {  	_ =	shalt  }
0x7e: {  	_ =	shalt  }
0x7f: {  	_ =	shalt  }
0x80: {  	_ =	shalt  }
0x81: {  	_ =	shalt  }
0x82: {  	_ =	shalt  }
0x83: {  	_ =	shalt  }
0x84: {  	_ =	shalt  }
0x85: {  	_ =	shalt  }
0x86: {  	_ =	shalt  }
0x87: {  	_ =	shalt  }
.Lfunc_end0:
.L_simem_size_0:
called_computation.1_lowered:
.L_overlay_start_0:
0x88: {  	s2 =	sld [smem:$0x3FD9]  }
0x89: {  	s3 =	sld [smem:$0x3FFE];
	_ =	sdelay $0x1  }
0x8a: {  	s1 =	srdreg.scid  }
0x8b: {  	s0 =	sand.u32 $0x1, s1  }
0x8c: {  	s14 =	sshll.u32 s0, $0xA;
	s2 =	sadd.s32 s3, s2  }
0x8d: {  	s2 =	sadd.s32 s2, s14  }
0x8e: {  	[smem:$0x3FBD] =	sst s2  }
0x8f: {  	_ = 	snop  }
0x90: {  	s2 =	sld [smem:$0x3FD0];
	_ =	sdelay $0x2  }
0x91: {  	s15 =	simm.s32 $0xA;
	s4 =	simm.s32 $0x10  }
0x92: {  	[smem:s4], [sflag:s15] =	dma.local [hbm:s2], $0x1  }
0x93: {  	_ =	swait.eq [sflag:s15], $0x1  }
0x94: {  	[sflag:s15] =	ssyncset.done $0x0  }
0x95: {  	[sflag:s15] =	ssyncadd.s32 $0xFFFFFFFF  }
0x96: {  	s16 =	sld [smem:$0x13];
	(tm) =	ssettm $0x1  }
0x97: {  	s17 =	sld [smem:$0x3FFB];
	_ =	sdelay $0x3  }
0x98: {  	_ =	strace s17  }
0x99: {  	s3 =	sld [smem:$0x3FFC];
	_ =	sdelay $0x3  }
0x9a: {  	_ =	strace s3  }
0x9b: {  	s3 =	sld [smem:$0x3FFD];
	_ =	sdelay $0x3  }
0x9c: {  	_ =	strace s3  }
0x9d: {  	_ =	strace $0x8FFFFFFF  }
0x9e: {  	s18 =	sld [smem:$0x3FDB];
	_ =	sdelay $0x1  }
0x9f: {  	s19 =	simm.s32 $_scs_section_size  }
0xa0: {  	s5 =	simm.s32 $_size__tile_overlayer_lowered;
	s6 =	simm.s32 $_tile_overlayer_lowered  }
0xa1: {  	s22 =	simm.s32 $0x1BFF;
	s21 =	sshll.u32 s6, $0x1;
	s3 =	sadd.s32 s19, s18  }
0xa2: {  	s7 =	simm.s32 $0x0;
	s20 =	sshll.u32 s5, $0x1;
	s5 =	sadd.s32 s21, s3  }
0xa3: {  	[timem:s7], [sflag:s22] =	dma.local [hbm:s5], s20  }
0xa4: {  	_ =	swait.ge [sflag:s22], s20  }
0xa5: {  	s4 =	ssub.s32 $0x0, s20;
	[sflag:s22] =	ssyncset.done $0x0  }
0xa6: {  	[sflag:s22] =	ssyncadd.s32 s4;
	_ =	sdelay $0x1  }
0xa7: {  	s23 =	simm.s32 $0x1B8B  }
0xa8: {  	_ =	swait.ge [sflag:s23], $0x1  }
0xa9: {  	[sflag:s23] =	ssyncset.done $0x0  }
0xaa: {  	s25 =	simm.s32 $0x1B8E;
	s24 =	sld [smem:$0x3FFE];
	[sflag:s23] =	ssyncadd.s32 $0xFFFFFFFF  }
0xab: {  	s26 =	simm.s32 $execute0_lowered;
	[smem:$0x3FD2] =	sst s25  }
0xac: {  	s5 =	sshll.u32 s26, $0x1;
	_ =	strace $0x80000049;
	[dreg:$0x1] =	wrdreg $0xFFFFFFFF  }
0xad: {  	s28 =	simm.s32 $_size_execute0_lowered;
	s3 =	sadd.s32 s3, s5;
	[dreg:$0x0] =	wrdreg $0x0  }
0xae: {  	s5 =	sshll.u32 s28, $0x1;
	[dreg:$0x2] =	wrdreg s3  }
0xaf: {  	[dreg:$0x3] =	wrdreg s5  }
0xb0: {  	[dreg:$0x4] =	wrdreg $0xC0  }
0xb1: {  	_ =	task [dreg:s7], $0x5FFFF  }
0xb2: {  	[dreg:$0x1] =	wrdreg $0xFFFFFFFF  }
0xb3: {  	[dreg:$0x0] =	wrdreg $0x60  }
0xb4: {  	[dreg:$0x2] =	wrdreg s24  }
0xb5: {  	[dreg:$0x3] =	wrdreg s16  }
0xb6: {  	[dreg:$0x4] =	wrdreg $0xA1000  }
0xb7: {  	[dreg:$0x5] =	wrdreg $0x9  }
0xb8: {  	_ =	task.clear_ibuf [dreg:s7], $0x6FFFF;
	_ =	strace $0x90000049  }
0xb9: {  	s29 =	simm.s32 $0x9;
	_ =	strace $0x8000004B  }
0xba: {  	_ =	swait.ge [sflag:s29], $0x1  }
0xbb: {  	[sflag:s29] =	ssyncadd.s32 $0xFFFFFFFF  }
0xbc: {  	_ =	strace $0x9000004B  }
0xbd: {  	_ =	sfence  }
0xbe: {  	s30 =	sld [smem:$0x0];
	_ =	sdelay $0x2  }
0xbf: {  	s31 =	sshll.u32 s1, $0xD;
	s1 =	sshrl.u32 s1, $0x2  }
0xc0: {  	s3 =	sand.u32 $0x4000, s31;
	s1 =	sadd.s32 s1, s30  }
0xc1: {  	s0 =	sor.u32 s3, s0;
	s1 =	sshll.u32 s1, $0x11  }
0xc2: {  	s0 =	sor.u32 s1, s0  }
0xc3: {  	s0 =	sadd.s32 $0x8F2B, s0  }
0xc4: {  	[sflag:s0] =	ssyncadd.remote.s32 $0x1  }
0xc5: {  	_ =	sfence.sel $0xFFFF  }
0xc6: {  	[dreg:$0x0] =	wrdreg $0xFFFFFFFF;
	(pc) =	sbr.abs _section_cstart, $3  }
0xc7: {  	[dreg:$0x1] =	wrdreg $0xFFFFFFFF  }
0xc8: {  	_ =	task.clear_ibuf [dreg:s7], $0x2FFFF;
	_ =	strace $0x9FFFFFFF  }
0xc9: {  	(tm) =	ssettm $0x7FFFFFFF  }
tec
execute0_lowered:
.L_overlay_start_1:
0x0: {  	(tag) =	ssettag $0x1  }
0x1: {  	s0 =	rddreg [dreg:$0x0]  }
0x2: {  	s2 =	rddreg [dreg:$0x1]  }
0x3: {  	s1 =	rddreg [dreg:$0x2];
	s3 =	simm.s32 $0x0  }
0x4: {  	s4 =	srdreg.scid;
	s17 =	stileid.u32;
	s28 =	simm.s32 $0x1  }
0x5: {  	s29 =	simm.s32 $0x3;
	s30 =	simm.s32 $0x100;
	s5 =	smul.u32 $0x4F000, s17  }
0x6: {  	s31 =	simm.s32 $0x6;
	[smem:$0x7FF] =	sst s3;
	s11 =	smul.u32 $0x13C00, s17  }
0x7: {  	s4 =	sand.u32 $0x1, s4;
	s8 =	sadd.s32 $0x7200, s0;
	s15 =	smul.u32 $0x600, s17  }
0x8: {  	s9 =	sadd.s32 $0x2200, s0;
	s0 =	sadd.s32 $0xA7200, s0;
	s16 =	smul.u32 $0x2760, s17  }
0x9: {  	s24 =	smul.u32 $0x4EC, s17;
	s26 =	sshll.u32 s17, $0x6;
	s17 =	simm.s32 $0x7  }
0xa: {  	_ =	strace $0x8000004A;
	s6 =	ssub.s32 $0x2, s4;
	s7 =	smul.u32 $0x280000, s4  }
0xb: {  	s20 =	smul.u32 $0x278000, s4;
	s4 =	sshllo.u32 s4, $0x1;
	s10 =	sshrl.u32 s6, $0x1  }
0xc: {  	s5 =	sshrl.u32 s5, $0x2;
	s2 =	sadd.s32 s2, s15;
	s21 =	smul.u32 $0x140000, s4  }
0xd: {  	s19 =	sshrl.u32 s16, $0x3;
	s4 =	smul.u32 $0x13C000, s4;
	s16 =	sadd.s32 s24, s9  }
0xe: {  	s24 =	simm.s32 $0x80;
	s12 =	ssub.s32 s6, s10;
	s13 =	sadd.s32 s11, s7  }
0xf: {  	[dreg:$0x4] =	wrdreg s2;
	s2 =	sadd.s32 s5, s1;
	s6 =	sadd.s32 s9, s19  }
0x10: {  	s7 =	sshrl.u32 s7, $0x3;
	s10 =	sadd.s32 s11, s20;
	s20 =	simm.s32 $0x3000  }
0x11: {  	s18 =	sshrl.u32 s13, $0x3;
	s7 =	sadd.s32 s8, s7;
	s10 =	sshrl.u32 s10, $0x3  }
0x12: {  	s22 =	sadd.s32 s11, s21;
	s4 =	sadd.s32 s11, s4;
	s25 =	smax.u32 s12, $0x1  }
0x13: {  	s13 =	sadd.s32 $0xE, s6;
	s14 =	sadd.s32 $0x1C, s6;
	s15 =	sadd.s32 $0x4DE, s6  }
0x14: {  	s19 =	sshrl.u32 s2, $0x3;
	s2 =	simm.s32 $0x4;
	s5 =	sadd.s32 s8, s18  }
0x15: {  	s10 =	sadd.s32 s0, s10;
	s23 =	sshrl.u32 s22, $0x3;
	s4 =	sshrl.u32 s4, $0x3  }
0x16: {  	[dreg:$0x9] =	wrdreg s25;
	s18 =	sor.u32 $0x1C07, s26;
	s22 =	simm.s32 $0x3100  }
0x17: {  	s25 =	simm.s32 $0x6900;
	s26 =	simm.s32 $0x5;
	[dreg:$0x5] =	wrdreg s5  }
0x18: {  	[dreg:$0x6] =	wrdreg s10;
	s10 =	sadd.s32 s8, s23;
	s5 =	sshrl.u32 s21, $0x3  }
0x19: {  	s0 =	sadd.s32 s0, s4;
	s21 =	simm.s32 $0x70;
	s23 =	simm.s32 $0x3080  }
0x1a: {  	s4 =	simm.s32 $0x2C80;
	[dreg:$0x7] =	wrdreg s10;
	s10 =	sadd.s32 s8, s5  }
0x1b: {  	[dreg:$0x8] =	wrdreg s0;
	s0 =	simm.s32 $0x2;
	s5 =	simm.s32 $0x0  }
.LBB2_1:
0x1c: {  	s8 =	rddreg [dreg:$0x4]  }
0x1d: {  	[tilespmem:s3], [sflag:$0x7] =	stream.linear.gather [hbm4b:s8+s3], $0x2D00, $0x38;
	[tilespmem:$0x1DD00] =	vst v63  }
0x1e: {  	_ =	swait.ge [sflag:s17], $0x2D00  }
0x1f: {  	[sflag:s17] =	ssyncset.done $0x0  }
0x20: {  	s11 =	rddreg [dreg:$0x5];
	[sflag:s17] =	ssyncadd.s32 $0xFFFFD300  }
0x21: {  	[spmem:s19], [sflag:s18] =	dma.local [hbm:s11], $0x2780  }
0x22: {  	_ =	swait.ge [sflag:s17], $0x2780  }
0x23: {  	[sflag:s17] =	ssyncset.done $0x0  }
0x24: {  	[sflag:s17] =	ssyncadd.s32 $0xFFFFD880  }
0x25: {  	[bflag:$0x0] =	sbarrier.arrive $0xFFFF  }
0x26: {  	[tilespmem:s20], [sflag:$0x5] =	stream.linear.gather [hbm4b:s6+s3], $0x70, $0x38;
	[tilespmem:$0x1DD00] =	vst v63  }
0x27: {  	_ = 	snop  }
0x28: {  	[tilespmem:s22], [sflag:$0x1] =	stream.indirect.gather [hbm4b:s7+s21], $0x80, s3, s21, $0xb8;
	[tilespmem:$0x1DD00] =	vst v63  }
0x29: {  	_ = 	snop  }
0x2a: {  	[tilespmem:s23], [sflag:$0x6] =	stream.linear.gather [hbm4b:s13+s3], $0x70, $0x38;
	[tilespmem:$0x1DD00] =	vst v63  }
0x2b: {  	_ = 	snop  }
0x2c: {  	[tilespmem:s25], [sflag:$0x2] =	stream.indirect.gather [hbm4b:s7+s21], $0x80, s24, s21, $0xb8;
	[tilespmem:$0x1DD00] =	vst v63  }
0x2d: {  	_ =	swait.ge [sflag:s26], $0x70  }
0x2e: {  	[sflag:s26] =	ssyncset.done $0x0  }
0x2f: {  	[sflag:s26] =	ssyncadd.s32 $0xFFFFFF90  }
0x30: {  	_ =	swait.ge [sflag:s28], $0x3800  }
0x31: {  	[sflag:s28] =	ssyncset.done $0x0  }
0x32: {  	[sflag:s28] =	ssyncadd.s32 $0xFFFFC800  }
0x33: {  	[spmem:s1] =	stream.indirect.scatter.add.f32 [tilespmem:s22], [sflag:$0x3], $0x80, s20, s21, $0xb8;
	[tilespmem:$0x1DD00] =	vst v63  }
0x34: {  	_ =	swait.ge [sflag:s29], $0x3800  }
0x35: {  	[sflag:s29] =	ssyncset.done $0x0  }
0x36: {  	[sflag:s29] =	ssyncadd.s32 $0xFFFFC800  }
0x37: {  	[tilespmem:s20], [sflag:$0x5] =	stream.linear.gather [hbm4b:s14+s3], $0x70, $0x38;
	[tilespmem:$0x1DD00] =	vst v63  }
0x38: {  	_ = 	snop  }
0x39: {  	[tilespmem:s22], [sflag:$0x1] =	stream.indirect.gather [hbm4b:s7+s21], $0x80, s30, s21, $0xb8;
	[tilespmem:$0x1DD00] =	vst v63  }
0x3a: {  	_ =	swait.ge [sflag:s31], $0x70  }
0x3b: {  	[sflag:s31] =	ssyncset.done $0x0  }
0x3c: {  	[sflag:s31] =	ssyncadd.s32 $0xFFFFFF90  }
0x3d: {  	_ =	swait.ge [sflag:s0], $0x3800  }
0x3e: {  	[sflag:s0] =	ssyncset.done $0x0  }
0x3f: {  	[sflag:s0] =	ssyncadd.s32 $0xFFFFC800  }
0x40: {  	[spmem:s1] =	stream.indirect.scatter.add.f32 [tilespmem:s25], [sflag:$0x4], $0x80, s23, s21, $0xb8;
	[tilespmem:$0x1DD00] =	vst v63  }
0x41: {  	_ =	swait.ge [sflag:s2], $0x3800  }
0x42: {  	s12 =	sadd.s32 $0xFFFFFB4C, s16;
	[sflag:s2] =	ssyncset.done $0x0  }
0x43: {  	s9 =	sadd.s32 $0x4DE, s12;
	[sflag:s2] =	ssyncadd.s32 $0xFFFFC800  }
0x44: {  	[tilespmem:s23], [sflag:$0x6] =	stream.linear.gather [hbm4b:s9+s3], $0x70, $0x38;
	[tilespmem:$0x1DD00] =	vst v63  }
0x45: {  	s11 =	simm.s32 $0x180  }
0x46: {  	[tilespmem:s25], [sflag:$0x2] =	stream.indirect.gather [hbm4b:s7+s21], $0x80, s11, s21, $0xb8;
	[tilespmem:$0x1DD00] =	vst v63  }
0x47: {  	_ =	swait.ge [sflag:s26], $0x70  }
0x48: {  	[sflag:s26] =	ssyncset.done $0x0  }
0x49: {  	[sflag:s26] =	ssyncadd.s32 $0xFFFFFF90  }
0x4a: {  	_ =	swait.ge [sflag:s28], $0x3800  }
0x4b: {  	[sflag:s28] =	ssyncset.done $0x0  }
0x4c: {  	[sflag:s28] =	ssyncadd.s32 $0xFFFFC800  }
0x4d: {  	[spmem:s1] =	stream.indirect.scatter.add.f32 [tilespmem:s22], [sflag:$0x3], $0x80, s20, s21, $0xb8;
	[tilespmem:$0x1DD00] =	vst v63  }
0x4e: {  	_ =	swait.ge [sflag:s29], $0x3800  }
0x4f: {  	[sflag:s29] =	ssyncset.done $0x0  }
0x50: {  	s8 =	sadd.s32 $0x4EC, s12;
	[sflag:s29] =	ssyncadd.s32 $0xFFFFC800  }
0x51: {  	[tilespmem:s20], [sflag:$0x5] =	stream.linear.gather [hbm4b:s8+s3], $0x70, $0x38;
	[tilespmem:$0x1DD00] =	vst v63  }
0x52: {  	s12 =	simm.s32 $0x200  }
0x53: {  	[tilespmem:s22], [sflag:$0x1] =	stream.indirect.gather [hbm4b:s7+s21], $0x80, s12, s21, $0xb8;
	[tilespmem:$0x1DD00] =	vst v63  }
0x54: {  	_ =	swait.ge [sflag:s31], $0x70  }
0x55: {  	[sflag:s31] =	ssyncset.done $0x0  }
0x56: {  	[sflag:s31] =	ssyncadd.s32 $0xFFFFFF90  }
0x57: {  	_ =	swait.ge [sflag:s0], $0x3800  }
0x58: {  	[sflag:s0] =	ssyncset.done $0x0  }
0x59: {  	s9 =	simm.s32 $0x280;
	s8 =	simm.s32 $0xFFFFFB68;
	[sflag:s0] =	ssyncadd.s32 $0xFFFFC800  }
.LBB2_2:
0x5a: {  	[spmem:s1] =	stream.indirect.scatter.add.f32 [tilespmem:s25], [sflag:$0x4], $0x80, s23, s21, $0xb8;
	[tilespmem:$0x1DD00] =	vst v63  }
0x5b: {  	s11 =	smov.u32 s8  }
0x5c: {  	p0 =	sne.s32 s8, $0xFFFFFFE4;
	s8 =	sadd.s32 $0x1C, s8;
	_ =	swait.ge [sflag:s2], $0x3800  }
0x5d: {  	s11 =	sadd.s32 s11, s16;
	[sflag:s2] =	ssyncset.done $0x0  }
0x5e: {  	s12 =	sadd.s32 $0x4DE, s11;
	[sflag:s2] =	ssyncadd.s32 $0xFFFFC800  }
0x5f: {  	[tilespmem:s23], [sflag:$0x6] =	stream.linear.gather [hbm4b:s12+s3], $0x70, $0x38;
	[tilespmem:$0x1DD00] =	vst v63  }
0x60: {  	_ = 	snop  }
0x61: {  	[tilespmem:s25], [sflag:$0x2] =	stream.indirect.gather [hbm4b:s7+s21], $0x80, s9, s21, $0xb8;
	[tilespmem:$0x1DD00] =	vst v63  }
0x62: {  	_ =	swait.ge [sflag:s26], $0x70  }
0x63: {  	[sflag:s26] =	ssyncset.done $0x0  }
0x64: {  	[sflag:s26] =	ssyncadd.s32 $0xFFFFFF90  }
0x65: {  	_ =	swait.ge [sflag:s28], $0x3800  }
0x66: {  	[sflag:s28] =	ssyncset.done $0x0  }
0x67: {  	[sflag:s28] =	ssyncadd.s32 $0xFFFFC800  }
0x68: {  	[spmem:s1] =	stream.indirect.scatter.add.f32 [tilespmem:s22], [sflag:$0x3], $0x80, s20, s21, $0xb8;
	[tilespmem:$0x1DD00] =	vst v63  }
0x69: {  	_ =	swait.ge [sflag:s29], $0x3800  }
0x6a: {  	[sflag:s29] =	ssyncset.done $0x0  }
0x6b: {  	s11 =	sadd.s32 $0x4EC, s11;
	[sflag:s29] =	ssyncadd.s32 $0xFFFFC800  }
0x6c: {  	[tilespmem:s20], [sflag:$0x5] =	stream.linear.gather [hbm4b:s11+s3], $0x70, $0x38;
	[tilespmem:$0x1DD00] =	vst v63  }
0x6d: {  	s11 =	sadd.s32 $0x80, s9  }
0x6e: {  	[tilespmem:s22], [sflag:$0x1] =	stream.indirect.gather [hbm4b:s7+s21], $0x80, s11, s21, $0xb8;
	[tilespmem:$0x1DD00] =	vst v63  }
0x6f: {  	_ =	swait.ge [sflag:s31], $0x70  }
.Ltmp0:
0x70: {  	[sflag:s31] =	ssyncset.done $0x0;
	(pc) =	sbr.rel @p0 .LBB2_2-.Ltmp0, $4  }
0x71: {  	[sflag:s31] =	ssyncadd.s32 $0xFFFFFF90  }
0x72: {  	_ =	swait.ge [sflag:s0], $0x3800  }
0x73: {  	[sflag:s0] =	ssyncset.done $0x0  }
0x74: {  	s9 =	sadd.s32 $0x100, s9;
	[sflag:s0] =	ssyncadd.s32 $0xFFFFC800  }
0x75: {  	[spmem:s1] =	stream.indirect.scatter.add.f32 [tilespmem:s25], [sflag:$0x4], $0x80, s23, s21, $0xb8;
	[tilespmem:$0x1DD00] =	vst v63  }
0x76: {  	_ =	swait.ge [sflag:s2], $0x3800  }
0x77: {  	[sflag:s2] =	ssyncset.done $0x0  }
0x78: {  	[sflag:s2] =	ssyncadd.s32 $0xFFFFC800  }
0x79: {  	[tilespmem:s23], [sflag:$0x6] =	stream.linear.gather [hbm4b:s15+s3], $0x70, $0x38;
	[tilespmem:$0x1DD00] =	vst v63  }
0x7a: {  	_ = 	snop  }
0x7b: {  	[tilespmem:s25], [sflag:$0x2] =	stream.indirect.gather [hbm4b:s7+s21], $0x80, s4, s21, $0xb8;
	[tilespmem:$0x1DD00] =	vst v63  }
0x7c: {  	_ =	swait.ge [sflag:s26], $0x70  }
0x7d: {  	[sflag:s26] =	ssyncset.done $0x0  }
0x7e: {  	[sflag:s26] =	ssyncadd.s32 $0xFFFFFF90  }
0x7f: {  	_ =	swait.ge [sflag:s28], $0x3800  }
0x80: {  	[sflag:s28] =	ssyncset.done $0x0  }
0x81: {  	[sflag:s28] =	ssyncadd.s32 $0xFFFFC800  }
0x82: {  	[spmem:s1] =	stream.indirect.scatter.add.f32 [tilespmem:s22], [sflag:$0x3], $0x80, s20, s21, $0xb8;
	[tilespmem:$0x1DD00] =	vst v63  }
0x83: {  	_ =	swait.ge [sflag:s31], $0x70  }
0x84: {  	[sflag:s31] =	ssyncset.done $0x0  }
0x85: {  	[sflag:s31] =	ssyncadd.s32 $0xFFFFFF90  }
0x86: {  	_ =	swait.ge [sflag:s0], $0x3800  }
0x87: {  	[sflag:s0] =	ssyncset.done $0x0  }
0x88: {  	[sflag:s0] =	ssyncadd.s32 $0xFFFFC800  }
0x89: {  	[spmem:s1] =	stream.indirect.scatter.add.f32 [tilespmem:s25], [sflag:$0x4], $0x80, s23, s21, $0xb8;
	[tilespmem:$0x1DD00] =	vst v63  }
0x8a: {  	_ =	swait.ge [sflag:s29], $0x3800  }
0x8b: {  	[sflag:s29] =	ssyncset.done $0x0  }
0x8c: {  	[sflag:s29] =	ssyncadd.s32 $0xFFFFC800  }
0x8d: {  	_ =	swait.ge [sflag:s2], $0x3800  }
0x8e: {  	[sflag:s2] =	ssyncset.done $0x0  }
0x8f: {  	[sflag:s2] =	ssyncadd.s32 $0xFFFFC800  }
0x90: {  	[bflag:$0x0] =	sbarrier.arrive $0xFFFF  }
0x91: {  	s8 =	rddreg [dreg:$0x6]  }
0x92: {  	[hbm:s8], [sflag:s18] =	dma.local [spmem:s19], $0x2780  }
0x93: {  	_ =	swait.ge [sflag:s17], $0x2780  }
0x94: {  	[sflag:s17] =	ssyncset.done $0x0  }
0x95: {  	[sflag:s17] =	ssyncadd.s32 $0xFFFFD880  }
0x96: {  	[bflag:$0x0] =	sbarrier.arrive $0xFFFF  }
0x97: {  	s11 =	rddreg [dreg:$0x7]  }
0x98: {  	[spmem:s19], [sflag:s18] =	dma.local [hbm:s11], $0x2780  }
0x99: {  	_ =	swait.ge [sflag:s17], $0x2780  }
0x9a: {  	[sflag:s17] =	ssyncset.done $0x0  }
0x9b: {  	[sflag:s17] =	ssyncadd.s32 $0xFFFFD880  }
0x9c: {  	[bflag:$0x0] =	sbarrier.arrive $0xFFFF  }
0x9d: {  	[tilespmem:s20], [sflag:$0x5] =	stream.linear.gather [hbm4b:s6+s3], $0x70, $0x38;
	[tilespmem:$0x1DD00] =	vst v63  }
0x9e: {  	_ = 	snop  }
0x9f: {  	[tilespmem:s22], [sflag:$0x1] =	stream.indirect.gather [hbm4b:s10+s21], $0x80, s3, s21, $0xb8;
	[tilespmem:$0x1DD00] =	vst v63  }
0xa0: {  	_ = 	snop  }
0xa1: {  	[tilespmem:s23], [sflag:$0x6] =	stream.linear.gather [hbm4b:s13+s3], $0x70, $0x38;
	[tilespmem:$0x1DD00] =	vst v63  }
0xa2: {  	_ = 	snop  }
0xa3: {  	[tilespmem:s25], [sflag:$0x2] =	stream.indirect.gather [hbm4b:s10+s21], $0x80, s24, s21, $0xb8;
	[tilespmem:$0x1DD00] =	vst v63  }
0xa4: {  	_ =	swait.ge [sflag:s26], $0x70  }
0xa5: {  	[sflag:s26] =	ssyncset.done $0x0  }
0xa6: {  	[sflag:s26] =	ssyncadd.s32 $0xFFFFFF90  }
0xa7: {  	_ =	swait.ge [sflag:s28], $0x3800  }
0xa8: {  	[sflag:s28] =	ssyncset.done $0x0  }
0xa9: {  	[sflag:s28] =	ssyncadd.s32 $0xFFFFC800  }
0xaa: {  	[spmem:s1] =	stream.indirect.scatter.add.f32 [tilespmem:s22], [sflag:$0x3], $0x80, s20, s21, $0xb8;
	[tilespmem:$0x1DD00] =	vst v63  }
0xab: {  	_ =	swait.ge [sflag:s29], $0x3800  }
0xac: {  	[sflag:s29] =	ssyncset.done $0x0  }
0xad: {  	[sflag:s29] =	ssyncadd.s32 $0xFFFFC800  }
0xae: {  	[tilespmem:s20], [sflag:$0x5] =	stream.linear.gather [hbm4b:s14+s3], $0x70, $0x38;
	[tilespmem:$0x1DD00] =	vst v63  }
0xaf: {  	_ = 	snop  }
0xb0: {  	[tilespmem:s22], [sflag:$0x1] =	stream.indirect.gather [hbm4b:s10+s21], $0x80, s30, s21, $0xb8;
	[tilespmem:$0x1DD00] =	vst v63  }
0xb1: {  	_ =	swait.ge [sflag:s31], $0x70  }
0xb2: {  	[sflag:s31] =	ssyncset.done $0x0  }
0xb3: {  	[sflag:s31] =	ssyncadd.s32 $0xFFFFFF90  }
0xb4: {  	_ =	swait.ge [sflag:s0], $0x3800  }
0xb5: {  	[sflag:s0] =	ssyncset.done $0x0  }
0xb6: {  	[sflag:s0] =	ssyncadd.s32 $0xFFFFC800  }
0xb7: {  	[spmem:s1] =	stream.indirect.scatter.add.f32 [tilespmem:s25], [sflag:$0x4], $0x80, s23, s21, $0xb8;
	[tilespmem:$0x1DD00] =	vst v63  }
0xb8: {  	_ =	swait.ge [sflag:s2], $0x3800  }
0xb9: {  	s12 =	sadd.s32 $0xFFFFFB4C, s16;
	[sflag:s2] =	ssyncset.done $0x0  }
0xba: {  	s9 =	sadd.s32 $0x4DE, s12;
	[sflag:s2] =	ssyncadd.s32 $0xFFFFC800  }
0xbb: {  	[tilespmem:s23], [sflag:$0x6] =	stream.linear.gather [hbm4b:s9+s3], $0x70, $0x38;
	[tilespmem:$0x1DD00] =	vst v63  }
0xbc: {  	s11 =	simm.s32 $0x180  }
0xbd: {  	[tilespmem:s25], [sflag:$0x2] =	stream.indirect.gather [hbm4b:s10+s21], $0x80, s11, s21, $0xb8;
	[tilespmem:$0x1DD00] =	vst v63  }
0xbe: {  	_ =	swait.ge [sflag:s26], $0x70  }
0xbf: {  	[sflag:s26] =	ssyncset.done $0x0  }
0xc0: {  	[sflag:s26] =	ssyncadd.s32 $0xFFFFFF90  }
0xc1: {  	_ =	swait.ge [sflag:s28], $0x3800  }
0xc2: {  	[sflag:s28] =	ssyncset.done $0x0  }
0xc3: {  	[sflag:s28] =	ssyncadd.s32 $0xFFFFC800  }
0xc4: {  	[spmem:s1] =	stream.indirect.scatter.add.f32 [tilespmem:s22], [sflag:$0x3], $0x80, s20, s21, $0xb8;
	[tilespmem:$0x1DD00] =	vst v63  }
0xc5: {  	_ =	swait.ge [sflag:s29], $0x3800  }
0xc6: {  	[sflag:s29] =	ssyncset.done $0x0  }
0xc7: {  	s8 =	sadd.s32 $0x4EC, s12;
	[sflag:s29] =	ssyncadd.s32 $0xFFFFC800  }
0xc8: {  	[tilespmem:s20], [sflag:$0x5] =	stream.linear.gather [hbm4b:s8+s3], $0x70, $0x38;
	[tilespmem:$0x1DD00] =	vst v63  }
0xc9: {  	s12 =	simm.s32 $0x200  }
0xca: {  	[tilespmem:s22], [sflag:$0x1] =	stream.indirect.gather [hbm4b:s10+s21], $0x80, s12, s21, $0xb8;
	[tilespmem:$0x1DD00] =	vst v63  }
0xcb: {  	_ =	swait.ge [sflag:s31], $0x70  }
0xcc: {  	[sflag:s31] =	ssyncset.done $0x0  }
0xcd: {  	[sflag:s31] =	ssyncadd.s32 $0xFFFFFF90  }
0xce: {  	_ =	swait.ge [sflag:s0], $0x3800  }
0xcf: {  	[sflag:s0] =	ssyncset.done $0x0  }
0xd0: {  	s9 =	simm.s32 $0x280;
	s8 =	simm.s32 $0xFFFFFB68;
	[sflag:s0] =	ssyncadd.s32 $0xFFFFC800  }
.LBB2_4:
0xd1: {  	[spmem:s1] =	stream.indirect.scatter.add.f32 [tilespmem:s25], [sflag:$0x4], $0x80, s23, s21, $0xb8;
	[tilespmem:$0x1DD00] =	vst v63  }
0xd2: {  	s11 =	smov.u32 s8  }
0xd3: {  	p0 =	sne.s32 s8, $0xFFFFFFE4;
	s8 =	sadd.s32 $0x1C, s8;
	_ =	swait.ge [sflag:s2], $0x3800  }
0xd4: {  	s11 =	sadd.s32 s11, s16;
	[sflag:s2] =	ssyncset.done $0x0  }
0xd5: {  	s12 =	sadd.s32 $0x4DE, s11;
	[sflag:s2] =	ssyncadd.s32 $0xFFFFC800  }
0xd6: {  	[tilespmem:s23], [sflag:$0x6] =	stream.linear.gather [hbm4b:s12+s3], $0x70, $0x38;
	[tilespmem:$0x1DD00] =	vst v63  }
0xd7: {  	_ = 	snop  }
0xd8: {  	[tilespmem:s25], [sflag:$0x2] =	stream.indirect.gather [hbm4b:s10+s21], $0x80, s9, s21, $0xb8;
	[tilespmem:$0x1DD00] =	vst v63  }
0xd9: {  	_ =	swait.ge [sflag:s26], $0x70  }
0xda: {  	[sflag:s26] =	ssyncset.done $0x0  }
0xdb: {  	[sflag:s26] =	ssyncadd.s32 $0xFFFFFF90  }
0xdc: {  	_ =	swait.ge [sflag:s28], $0x3800  }
0xdd: {  	[sflag:s28] =	ssyncset.done $0x0  }
0xde: {  	[sflag:s28] =	ssyncadd.s32 $0xFFFFC800  }
0xdf: {  	[spmem:s1] =	stream.indirect.scatter.add.f32 [tilespmem:s22], [sflag:$0x3], $0x80, s20, s21, $0xb8;
	[tilespmem:$0x1DD00] =	vst v63  }
0xe0: {  	_ =	swait.ge [sflag:s29], $0x3800  }
0xe1: {  	[sflag:s29] =	ssyncset.done $0x0  }
0xe2: {  	s11 =	sadd.s32 $0x4EC, s11;
	[sflag:s29] =	ssyncadd.s32 $0xFFFFC800  }
0xe3: {  	[tilespmem:s20], [sflag:$0x5] =	stream.linear.gather [hbm4b:s11+s3], $0x70, $0x38;
	[tilespmem:$0x1DD00] =	vst v63  }
0xe4: {  	s11 =	sadd.s32 $0x80, s9  }
0xe5: {  	[tilespmem:s22], [sflag:$0x1] =	stream.indirect.gather [hbm4b:s10+s21], $0x80, s11, s21, $0xb8;
	[tilespmem:$0x1DD00] =	vst v63  }
0xe6: {  	_ =	swait.ge [sflag:s31], $0x70  }
.Ltmp1:
0xe7: {  	[sflag:s31] =	ssyncset.done $0x0;
	(pc) =	sbr.rel @p0 .LBB2_4-.Ltmp1, $4  }
0xe8: {  	[sflag:s31] =	ssyncadd.s32 $0xFFFFFF90  }
0xe9: {  	_ =	swait.ge [sflag:s0], $0x3800  }
0xea: {  	[sflag:s0] =	ssyncset.done $0x0  }
0xeb: {  	s9 =	sadd.s32 $0x100, s9;
	[sflag:s0] =	ssyncadd.s32 $0xFFFFC800  }
0xec: {  	[spmem:s1] =	stream.indirect.scatter.add.f32 [tilespmem:s25], [sflag:$0x4], $0x80, s23, s21, $0xb8;
	[tilespmem:$0x1DD00] =	vst v63  }
0xed: {  	_ =	swait.ge [sflag:s2], $0x3800  }
0xee: {  	[sflag:s2] =	ssyncset.done $0x0  }
0xef: {  	[sflag:s2] =	ssyncadd.s32 $0xFFFFC800  }
0xf0: {  	[tilespmem:s23], [sflag:$0x6] =	stream.linear.gather [hbm4b:s15+s3], $0x70, $0x38;
	[tilespmem:$0x1DD00] =	vst v63  }
0xf1: {  	_ = 	snop  }
0xf2: {  	[tilespmem:s25], [sflag:$0x2] =	stream.indirect.gather [hbm4b:s10+s21], $0x80, s4, s21, $0xb8;
	[tilespmem:$0x1DD00] =	vst v63  }
0xf3: {  	_ =	swait.ge [sflag:s26], $0x70  }
0xf4: {  	[sflag:s26] =	ssyncset.done $0x0  }
0xf5: {  	[sflag:s26] =	ssyncadd.s32 $0xFFFFFF90  }
0xf6: {  	_ =	swait.ge [sflag:s28], $0x3800  }
0xf7: {  	[sflag:s28] =	ssyncset.done $0x0  }
0xf8: {  	[sflag:s28] =	ssyncadd.s32 $0xFFFFC800  }
0xf9: {  	[spmem:s1] =	stream.indirect.scatter.add.f32 [tilespmem:s22], [sflag:$0x3], $0x80, s20, s21, $0xb8;
	[tilespmem:$0x1DD00] =	vst v63  }
0xfa: {  	_ =	swait.ge [sflag:s31], $0x70  }
0xfb: {  	[sflag:s31] =	ssyncset.done $0x0  }
0xfc: {  	[sflag:s31] =	ssyncadd.s32 $0xFFFFFF90  }
0xfd: {  	_ =	swait.ge [sflag:s0], $0x3800  }
0xfe: {  	[sflag:s0] =	ssyncset.done $0x0  }
0xff: {  	[sflag:s0] =	ssyncadd.s32 $0xFFFFC800  }
0x100: {  	[spmem:s1] =	stream.indirect.scatter.add.f32 [tilespmem:s25], [sflag:$0x4], $0x80, s23, s21, $0xb8;
	[tilespmem:$0x1DD00] =	vst v63  }
0x101: {  	_ =	swait.ge [sflag:s29], $0x3800  }
0x102: {  	[sflag:s29] =	ssyncset.done $0x0  }
0x103: {  	[sflag:s29] =	ssyncadd.s32 $0xFFFFC800  }
0x104: {  	_ =	swait.ge [sflag:s2], $0x3800  }
0x105: {  	[sflag:s2] =	ssyncset.done $0x0  }
0x106: {  	[sflag:s2] =	ssyncadd.s32 $0xFFFFC800  }
0x107: {  	[bflag:$0x0] =	sbarrier.arrive $0xFFFF  }
0x108: {  	s8 =	rddreg [dreg:$0x8]  }
0x109: {  	[hbm:s8], [sflag:s18] =	dma.local [spmem:s19], $0x2780  }
0x10a: {  	_ =	swait.ge [sflag:s17], $0x2780  }
0x10b: {  	s5 =	sadd.s32 $0x1, s5;
	s12 =	rddreg [dreg:$0x9]  }
0x10c: {  	p0 =	sne.s32 s5, s12  }
.Ltmp2:
0x10d: {  	_ = 	snop;
	(pc) =	sbr.rel @p0 .LBB2_1-.Ltmp2, $3  }
0x10e: {  	[sflag:s17] =	ssyncset.done $0x0  }
0x10f: {  	[sflag:s17] =	ssyncadd.s32 $0xFFFFD880  }
0x110: {  	[bflag:$0x0] =	sbarrier.arrive $0xFFFF;
	_ =	sdelay $0x1  }
0x111: {  	_ =	sfence.sel $0x180000  }
0x112: {  	[bflag:$0x0] =	sbarrier.arrive $0xFFFF  }
0x113: {  	_ =	strace $0x9000004A  }
0x114: {  	s0 =	stileid.u32;
	[bflag:$0x2] =	sbarrier.arrive $0xFFFF  }
0x115: {  	p0 =	sne.s32 s0, $0x0;
	s0 =	rddreg [dreg:$0x3]  }
0x116: {  	s0 =	sadd.s32 @!p0 $0x100000, s0  }
0x117: {  	[sflag:s0] =	ssyncadd.tile.s32 @!p0 $0x1;
	_ =	shalt  }
.Lfunc_end2:
_tile_overlayer_lowered:
.L_overlay_start_2:
0x118: {  	(tag) =	ssettag $0x2  }
0x119: {  	s0 =	rddreg [dreg:$0x0];
	s2 =	stileid.u32  }
0x11a: {  	s1 =	rddreg [dreg:$0x1];
	p0 =	sne.s32 s2, $0x0  }
0x11b: {  	s3 =	rddreg [dreg:$0x2];
	[bflag:$0x3] =	sbarrier.arrive $0xFFFF;
	s2 =	simm.s32 @!p0 $0x1C07  }
0x11c: {  	[timem:s3], [sflag:s2] =	dma.local @!p0 [hbm:s0], s1  }
0x11d: {  	s0 =	simm.s32 @!p0 $0x7  }
0x11e: {  	_ =	swait.ge @!p0 [sflag:s0], s1  }
0x11f: {  	s1 =	ssub.s32 @!p0 $0x0, s1;
	[sflag:s0] =	ssyncset.done @!p0 $0x0  }
0x120: {  	[sflag:s0] =	ssyncadd.s32 @!p0 s1  }
0x121: {  	[bflag:$0x3] =	sbarrier.arrive $0xFFFF  }
0x122: {  	_ =	shalt  }

// kernel: kernel.17.cloned.1.call-start
scs
__scs_entry_jumppad:
0x0: {  	(pc) =	sbr.rel $0x88, $3  }
0x1: {  	(tag) =	ssettag $0x0;
	lr =	simm.s32 $0x1  }
0x2: {  	[smem:$0x3F96] =	sst lr;
	_ =	strace $0xD0000000  }
0x3: {  	_ = 	snop  }
0x4: {  	_ = 	snop  }
0x5: {  	_ = 	snop  }
0x6: {  	_ = 	snop  }
0x7: {  	_ = 	snop  }
__scs_overlays_trampoline_lowered:
0x8: {  	[smem:$0x3FA5] =	sst s0  }
0x9: {  	[smem:$0x3FA6] =	sst s1  }
0xa: {  	[smem:$0x3FA7] =	sst s2  }
0xb: {  	[smem:$0x3FA8] =	sst s3  }
0xc: {  	[smem:$0x3FA9] =	sst s4  }
0xd: {  	[smem:$0x3FAA] =	sst s5  }
0xe: {  	[smem:$0x3FAB] =	sst s6  }
0xf: {  	[smem:$0x3FAC] =	sst s7  }
0x10: {  	[smem:$0x3FAD] =	sst s8  }
0x11: {  	[smem:$0x3FAE] =	sst s9;
	s0 =	simm.s32 @!p0 $0x0  }
0x12: {  	s1 =	sld [smem:$0x3F94];
	s0 =	simm.s32 @p0 $0x1  }
0x13: {  	[smem:$0x3FAF] =	sst s0;
	s0 =	simm.s32 @!p1 $0x0  }
0x14: {  	s2 =	sld [smem:$0x3F93];
	s0 =	simm.s32 @p1 $0x1  }
0x15: {  	[smem:$0x3FB0] =	sst s0;
	s0 =	simm.s32 @!p2 $0x0  }
0x16: {  	s3 =	sld [smem:$0x3FDB];
	s0 =	simm.s32 @p2 $0x1  }
0x17: {  	s4 =	simm.s32 $0x1BF5;
	[smem:$0x3FB2] =	sst s0  }
0x18: {  	s0 =	sld [smem:$0x3F95];
	_ =	swait.ge [sflag:s4], $0x0  }
0x19: {  	s7 =	sld [smem:$0x3F96]  }
0x1a: {  	s8 =	sadd.s32 $0xFFFFE003, lr  }
0x1b: {  	s9 =	sadd.s32 $0xFFFFFEF7, lr;
	s5 =	simm.s32 $0xFFFFFFFF;
	p2 =	slt.u32 s8, $0xFFFFF086  }
0x1c: {  	p1 =	slt.u32 s9, $0xF7A;
	s5 =	simm.s32 @!p2 $0x0  }
0x1d: {  	s5 =	simm.s32 @p1 $0x1;
	p0 =	seq.s32 s7, s2  }
0x1e: {  	s7 =	smul.u32 @!p0 $0xF7A, s2;
	p2 =	seq.s32 @!p0 s5, $0x0  }
0x1f: {  	s9 =	smul.u32 $0xF7A, s1;
	s8 =	simm.s32 @!p0 $0x1BF5;
	p2 =	por !p2, p0  }
0x20: {  	[sflag:s8] =	ssyncset.s32 @!p0 $0xFFFFF086;
	s6 =	sadd.s32 @!p0 s3, s7;
	s7 =	simm.s32 @!p0 $0x108  }
0x21: {  	s3 =	sadd.s32 s3, s9;
	s6 =	sadd.s32 @!p0 $0x88, s6;
	s7 =	simm.s32 @p2 $0x1082  }
0x22: {  	[simem:s7], [sflag:s8] =	dma.local @!p0 [hbm:s6], $0xF7A  }
0x23: {  	s9 =	sor.u32 $0xD0000000, s2;
	s6 =	simm.s32 $0x108;
	_ =	swait.ge @!p0 [sflag:s8], $0x0  }
0x24: {  	s3 =	sadd.s32 $0x88, s3;
	s6 =	simm.s32 @!p1 $0x1082;
	[sflag:s4] =	ssyncset.s32 $0xFFFFF086  }
0x25: {  	[simem:s6], [sflag:s4] =	dma.local [hbm:s3], $0xF7A  }
0x26: {  	[smem:$0x3F96] =	sst s1;
	(tag) =	ssettag s2;
	_ =	strace s9  }
0x27: {  	s1 =	sld [smem:$0x3FA6]  }
0x28: {  	s2 =	sld [smem:$0x3FA7]  }
0x29: {  	s4 =	sld [smem:$0x3FA9]  }
0x2a: {  	p0 =	seq.s32 s5, $0x0;
	s5 =	sld [smem:$0x3FAA]  }
0x2b: {  	s6 =	sld [smem:$0x3FAB]  }
0x2c: {  	s7 =	sld [smem:$0x3FAC]  }
0x2d: {  	s3 =	simm.s32 $0x108;
	s8 =	sld [smem:$0x3FAD]  }
0x2e: {  	s3 =	simm.s32 @!p0 $0x1082;
	s9 =	sld [smem:$0x3FAE]  }
0x2f: {  	lr =	sadd.s32 s0, s3;
	s0 =	sld [smem:$0x3FA5]  }
0x30: {  	s3 =	sld [smem:$0x3FA8]  }
0x31: {  	[smem:$0x3FB1] =	sst s10  }
0x32: {  	s10 =	sld [smem:$0x3FAF];
	_ =	sdelay $0x3  }
0x33: {  	p0 =	seq.s32 s10, $0x1;
	s10 =	sld [smem:$0x3FB1];
	_ =	sdelay $0x3  }
0x34: {  	[smem:$0x3FB1] =	sst s10  }
0x35: {  	s10 =	sld [smem:$0x3FB0];
	_ =	sdelay $0x3  }
0x36: {  	p1 =	seq.s32 s10, $0x1;
	s10 =	sld [smem:$0x3FB1];
	_ =	sdelay $0x3  }
0x37: {  	[smem:$0x3FB1] =	sst s10  }
0x38: {  	s10 =	sld [smem:$0x3FB2]  }
0x39: {  	_ = 	snop;
	(pc) =	sbr.ind lr, $3  }
0x3a: {  	_ = 	snop  }
0x3b: {  	_ = 	snop  }
0x3c: {  	p2 =	seq.s32 s10, $0x1;
	s10 =	sld [smem:$0x3FB1]  }
0x3d: {  	_ =	shalt  }
0x3e: {  	_ =	shalt  }
0x3f: {  	_ =	shalt  }
0x40: {  	_ =	shalt  }
0x41: {  	_ =	shalt  }
0x42: {  	_ =	shalt  }
0x43: {  	_ =	shalt  }
0x44: {  	_ =	shalt  }
0x45: {  	_ =	shalt  }
0x46: {  	_ =	shalt  }
0x47: {  	_ =	shalt  }
0x48: {  	_ =	shalt  }
0x49: {  	_ =	shalt  }
0x4a: {  	_ =	shalt  }
0x4b: {  	_ =	shalt  }
0x4c: {  	_ =	shalt  }
0x4d: {  	_ =	shalt  }
0x4e: {  	_ =	shalt  }
0x4f: {  	_ =	shalt  }
0x50: {  	_ =	shalt  }
0x51: {  	_ =	shalt  }
0x52: {  	_ =	shalt  }
0x53: {  	_ =	shalt  }
0x54: {  	_ =	shalt  }
0x55: {  	_ =	shalt  }
0x56: {  	_ =	shalt  }
0x57: {  	_ =	shalt  }
0x58: {  	_ =	shalt  }
0x59: {  	_ =	shalt  }
0x5a: {  	_ =	shalt  }
0x5b: {  	_ =	shalt  }
0x5c: {  	_ =	shalt  }
0x5d: {  	_ =	shalt  }
0x5e: {  	_ =	shalt  }
0x5f: {  	_ =	shalt  }
0x60: {  	_ =	shalt  }
0x61: {  	_ =	shalt  }
0x62: {  	_ =	shalt  }
0x63: {  	_ =	shalt  }
0x64: {  	_ =	shalt  }
0x65: {  	_ =	shalt  }
0x66: {  	_ =	shalt  }
0x67: {  	_ =	shalt  }
0x68: {  	_ =	shalt  }
0x69: {  	_ =	shalt  }
0x6a: {  	_ =	shalt  }
0x6b: {  	_ =	shalt  }
0x6c: {  	_ =	shalt  }
0x6d: {  	_ =	shalt  }
0x6e: {  	_ =	shalt  }
0x6f: {  	_ =	shalt  }
0x70: {  	_ =	shalt  }
0x71: {  	_ =	shalt  }
0x72: {  	_ =	shalt  }
0x73: {  	_ =	shalt  }
0x74: {  	_ =	shalt  }
0x75: {  	_ =	shalt  }
0x76: {  	_ =	shalt  }
0x77: {  	_ =	shalt  }
0x78: {  	_ =	shalt  }
0x79: {  	_ =	shalt  }
0x7a: {  	_ =	shalt  }
0x7b: {  	_ =	shalt  }
0x7c: {  	_ =	shalt  }
0x7d: {  	_ =	shalt  }
0x7e: {  	_ =	shalt  }
0x7f: {  	_ =	shalt  }
0x80: {  	_ =	shalt  }
0x81: {  	_ =	shalt  }
0x82: {  	_ =	shalt  }
0x83: {  	_ =	shalt  }
0x84: {  	_ =	shalt  }
0x85: {  	_ =	shalt  }
0x86: {  	_ =	shalt  }
0x87: {  	_ =	shalt  }
.Lfunc_end0:
.L_simem_size_0:
called_computation.2_lowered:
.L_overlay_start_0:
0x88: {  	s2 =	sld [smem:$0x3FD9]  }
0x89: {  	s3 =	sld [smem:$0x3FFE];
	_ =	sdelay $0x1  }
0x8a: {  	s1 =	srdreg.scid  }
0x8b: {  	s0 =	sand.u32 $0x1, s1  }
0x8c: {  	s14 =	sshll.u32 s0, $0xA;
	s2 =	sadd.s32 s3, s2  }
0x8d: {  	s2 =	sadd.s32 s2, s14  }
0x8e: {  	[smem:$0x3FBD] =	sst s2  }
0x8f: {  	_ = 	snop  }
0x90: {  	s2 =	sld [smem:$0x3FD0];
	_ =	sdelay $0x2  }
0x91: {  	s15 =	simm.s32 $0xA;
	s4 =	simm.s32 $0x10  }
0x92: {  	[smem:s4], [sflag:s15] =	dma.local [hbm:s2], $0x1  }
0x93: {  	_ =	swait.eq [sflag:s15], $0x1  }
0x94: {  	[sflag:s15] =	ssyncset.done $0x0  }
0x95: {  	[sflag:s15] =	ssyncadd.s32 $0xFFFFFFFF  }
0x96: {  	s16 =	sld [smem:$0x13];
	(tm) =	ssettm $0x1  }
0x97: {  	s17 =	sld [smem:$0x3FFB];
	_ =	sdelay $0x3  }
0x98: {  	_ =	strace s17  }
0x99: {  	s3 =	sld [smem:$0x3FFC];
	_ =	sdelay $0x3  }
0x9a: {  	_ =	strace s3  }
0x9b: {  	s3 =	sld [smem:$0x3FFD];
	_ =	sdelay $0x3  }
0x9c: {  	_ =	strace s3  }
0x9d: {  	_ =	strace $0x8FFFFFFF  }
0x9e: {  	s18 =	sld [smem:$0x3FDB];
	_ =	sdelay $0x1  }
0x9f: {  	s19 =	simm.s32 $_scs_section_size  }
0xa0: {  	s5 =	simm.s32 $_size__tile_overlayer_lowered;
	s6 =	simm.s32 $_tile_overlayer_lowered  }
0xa1: {  	s22 =	simm.s32 $0x1BFF;
	s21 =	sshll.u32 s6, $0x1;
	s3 =	sadd.s32 s19, s18  }
0xa2: {  	s7 =	simm.s32 $0x0;
	s20 =	sshll.u32 s5, $0x1;
	s5 =	sadd.s32 s21, s3  }
0xa3: {  	[timem:s7], [sflag:s22] =	dma.local [hbm:s5], s20  }
0xa4: {  	_ =	swait.ge [sflag:s22], s20  }
0xa5: {  	s4 =	ssub.s32 $0x0, s20;
	[sflag:s22] =	ssyncset.done $0x0  }
0xa6: {  	[sflag:s22] =	ssyncadd.s32 s4;
	_ =	sdelay $0x1  }
0xa7: {  	s23 =	simm.s32 $0x1B8B  }
0xa8: {  	_ =	swait.ge [sflag:s23], $0x1  }
0xa9: {  	[sflag:s23] =	ssyncset.done $0x0  }
0xaa: {  	s25 =	simm.s32 $0x1B8E;
	s24 =	sld [smem:$0x3FFE];
	[sflag:s23] =	ssyncadd.s32 $0xFFFFFFFF  }
0xab: {  	s26 =	simm.s32 $execute0_lowered;
	[smem:$0x3FD2] =	sst s25  }
0xac: {  	s5 =	sshll.u32 s26, $0x1;
	_ =	strace $0x8000004C;
	[dreg:$0x1] =	wrdreg $0xFFFFFFFF  }
0xad: {  	s28 =	simm.s32 $_size_execute0_lowered;
	s3 =	sadd.s32 s3, s5;
	[dreg:$0x0] =	wrdreg $0x0  }
0xae: {  	s5 =	sshll.u32 s28, $0x1;
	[dreg:$0x2] =	wrdreg s3  }
0xaf: {  	[dreg:$0x3] =	wrdreg s5  }
0xb0: {  	[dreg:$0x4] =	wrdreg $0xC0  }
0xb1: {  	_ =	task [dreg:s7], $0x5FFFF  }
0xb2: {  	[dreg:$0x1] =	wrdreg $0xFFFFFFFF  }
0xb3: {  	[dreg:$0x0] =	wrdreg $0x60  }
0xb4: {  	[dreg:$0x2] =	wrdreg s24  }
0xb5: {  	[dreg:$0x3] =	wrdreg s16  }
0xb6: {  	[dreg:$0x4] =	wrdreg $0xA1000  }
0xb7: {  	[dreg:$0x5] =	wrdreg $0x9  }
0xb8: {  	_ =	task.clear_ibuf [dreg:s7], $0x6FFFF;
	_ =	strace $0x9000004C  }
0xb9: {  	s29 =	simm.s32 $0x9;
	_ =	strace $0x8000004E  }
0xba: {  	_ =	swait.ge [sflag:s29], $0x1  }
0xbb: {  	[sflag:s29] =	ssyncadd.s32 $0xFFFFFFFF  }
0xbc: {  	_ =	strace $0x9000004E  }
0xbd: {  	_ =	sfence  }
0xbe: {  	s30 =	sld [smem:$0x0];
	_ =	sdelay $0x2  }
0xbf: {  	s31 =	sshll.u32 s1, $0xD;
	s1 =	sshrl.u32 s1, $0x2  }
0xc0: {  	s3 =	sand.u32 $0x4000, s31;
	s1 =	sadd.s32 s1, s30  }
0xc1: {  	s0 =	sor.u32 s3, s0;
	s1 =	sshll.u32 s1, $0x11  }
0xc2: {  	s0 =	sor.u32 s1, s0  }
0xc3: {  	s0 =	sadd.s32 $0x8F2B, s0  }
0xc4: {  	[sflag:s0] =	ssyncadd.remote.s32 $0x1  }
0xc5: {  	_ =	sfence.sel $0xFFFF  }
0xc6: {  	[dreg:$0x0] =	wrdreg $0xFFFFFFFF;
	(pc) =	sbr.abs _section_cstart, $3  }
0xc7: {  	[dreg:$0x1] =	wrdreg $0xFFFFFFFF  }
0xc8: {  	_ =	task.clear_ibuf [dreg:s7], $0x2FFFF;
	_ =	strace $0x9FFFFFFF  }
0xc9: {  	(tm) =	ssettm $0x7FFFFFFF  }
tec
execute0_lowered:
.L_overlay_start_1:
0x0: {  	(tag) =	ssettag $0x1  }
0x1: {  	s0 =	rddreg [dreg:$0x0]  }
0x2: {  	s2 =	rddreg [dreg:$0x1]  }
0x3: {  	s1 =	rddreg [dreg:$0x2];
	s3 =	simm.s32 $0x0  }
0x4: {  	s4 =	srdreg.scid;
	s17 =	stileid.u32;
	s28 =	simm.s32 $0x1  }
0x5: {  	s29 =	simm.s32 $0x3;
	s30 =	simm.s32 $0x100;
	s5 =	smul.u32 $0x4F000, s17  }
0x6: {  	s31 =	simm.s32 $0x6;
	[smem:$0x7FF] =	sst s3;
	s11 =	smul.u32 $0x13C00, s17  }
0x7: {  	s4 =	sand.u32 $0x1, s4;
	s8 =	sadd.s32 $0x7200, s0;
	s15 =	smul.u32 $0x600, s17  }
0x8: {  	s9 =	sadd.s32 $0x2200, s0;
	s0 =	sadd.s32 $0xA7200, s0;
	s16 =	smul.u32 $0x2760, s17  }
0x9: {  	s24 =	smul.u32 $0x4EC, s17;
	s26 =	sshll.u32 s17, $0x6;
	s17 =	simm.s32 $0x7  }
0xa: {  	_ =	strace $0x8000004D;
	s6 =	ssub.s32 $0x2, s4;
	s7 =	smul.u32 $0x280000, s4  }
0xb: {  	s20 =	smul.u32 $0x278000, s4;
	s4 =	sshllo.u32 s4, $0x1;
	s10 =	sshrl.u32 s6, $0x1  }
0xc: {  	s5 =	sshrl.u32 s5, $0x2;
	s2 =	sadd.s32 s2, s15;
	s21 =	smul.u32 $0x140000, s4  }
0xd: {  	s19 =	sshrl.u32 s16, $0x3;
	s4 =	smul.u32 $0x13C000, s4;
	s16 =	sadd.s32 s24, s9  }
0xe: {  	s24 =	simm.s32 $0x80;
	s12 =	ssub.s32 s6, s10;
	s13 =	sadd.s32 s11, s7  }
0xf: {  	[dreg:$0x4] =	wrdreg s2;
	s2 =	sadd.s32 s5, s1;
	s6 =	sadd.s32 s9, s19  }
0x10: {  	s7 =	sshrl.u32 s7, $0x3;
	s10 =	sadd.s32 s11, s20;
	s20 =	simm.s32 $0x3000  }
0x11: {  	s18 =	sshrl.u32 s13, $0x3;
	s7 =	sadd.s32 s8, s7;
	s10 =	sshrl.u32 s10, $0x3  }
0x12: {  	s22 =	sadd.s32 s11, s21;
	s4 =	sadd.s32 s11, s4;
	s25 =	smax.u32 s12, $0x1  }
0x13: {  	s13 =	sadd.s32 $0xE, s6;
	s14 =	sadd.s32 $0x1C, s6;
	s15 =	sadd.s32 $0x4DE, s6  }
0x14: {  	s19 =	sshrl.u32 s2, $0x3;
	s2 =	simm.s32 $0x4;
	s5 =	sadd.s32 s8, s18  }
0x15: {  	s10 =	sadd.s32 s0, s10;
	s23 =	sshrl.u32 s22, $0x3;
	s4 =	sshrl.u32 s4, $0x3  }
0x16: {  	[dreg:$0x9] =	wrdreg s25;
	s18 =	sor.u32 $0x1C07, s26;
	s22 =	simm.s32 $0x3100  }
0x17: {  	s25 =	simm.s32 $0x6900;
	s26 =	simm.s32 $0x5;
	[dreg:$0x5] =	wrdreg s5  }
0x18: {  	[dreg:$0x6] =	wrdreg s10;
	s10 =	sadd.s32 s8, s23;
	s5 =	sshrl.u32 s21, $0x3  }
0x19: {  	s0 =	sadd.s32 s0, s4;
	s21 =	simm.s32 $0x70;
	s23 =	simm.s32 $0x3080  }
0x1a: {  	s4 =	simm.s32 $0x2C80;
	[dreg:$0x7] =	wrdreg s10;
	s10 =	sadd.s32 s8, s5  }
0x1b: {  	[dreg:$0x8] =	wrdreg s0;
	s0 =	simm.s32 $0x2;
	s5 =	simm.s32 $0x0  }
.LBB2_1:
0x1c: {  	s8 =	rddreg [dreg:$0x4]  }
0x1d: {  	[tilespmem:s3], [sflag:$0x7] =	stream.linear.gather [hbm4b:s8+s3], $0x2D00, $0x38;
	[tilespmem:$0x1DD00] =	vst v63  }
0x1e: {  	_ =	swait.ge [sflag:s17], $0x2D00  }
0x1f: {  	[sflag:s17] =	ssyncset.done $0x0  }
0x20: {  	s11 =	rddreg [dreg:$0x5];
	[sflag:s17] =	ssyncadd.s32 $0xFFFFD300  }
0x21: {  	[spmem:s19], [sflag:s18] =	dma.local [hbm:s11], $0x2780  }
0x22: {  	_ =	swait.ge [sflag:s17], $0x2780  }
0x23: {  	[sflag:s17] =	ssyncset.done $0x0  }
0x24: {  	[sflag:s17] =	ssyncadd.s32 $0xFFFFD880  }
0x25: {  	[bflag:$0x0] =	sbarrier.arrive $0xFFFF  }
0x26: {  	[tilespmem:s20], [sflag:$0x5] =	stream.linear.gather [hbm4b:s6+s3], $0x70, $0x38;
	[tilespmem:$0x1DD00] =	vst v63  }
0x27: {  	_ = 	snop  }
0x28: {  	[tilespmem:s22], [sflag:$0x1] =	stream.indirect.gather [hbm4b:s7+s21], $0x80, s3, s21, $0xb8;
	[tilespmem:$0x1DD00] =	vst v63  }
0x29: {  	_ = 	snop  }
0x2a: {  	[tilespmem:s23], [sflag:$0x6] =	stream.linear.gather [hbm4b:s13+s3], $0x70, $0x38;
	[tilespmem:$0x1DD00] =	vst v63  }
0x2b: {  	_ = 	snop  }
0x2c: {  	[tilespmem:s25], [sflag:$0x2] =	stream.indirect.gather [hbm4b:s7+s21], $0x80, s24, s21, $0xb8;
	[tilespmem:$0x1DD00] =	vst v63  }
0x2d: {  	_ =	swait.ge [sflag:s26], $0x70  }
0x2e: {  	[sflag:s26] =	ssyncset.done $0x0  }
0x2f: {  	[sflag:s26] =	ssyncadd.s32 $0xFFFFFF90  }
0x30: {  	_ =	swait.ge [sflag:s28], $0x3800  }
0x31: {  	[sflag:s28] =	ssyncset.done $0x0  }
0x32: {  	[sflag:s28] =	ssyncadd.s32 $0xFFFFC800  }
0x33: {  	[spmem:s1] =	stream.indirect.scatter.add.f32 [tilespmem:s22], [sflag:$0x3], $0x80, s20, s21, $0xb8;
	[tilespmem:$0x1DD00] =	vst v63  }
0x34: {  	_ =	swait.ge [sflag:s29], $0x3800  }
0x35: {  	[sflag:s29] =	ssyncset.done $0x0  }
0x36: {  	[sflag:s29] =	ssyncadd.s32 $0xFFFFC800  }
0x37: {  	[tilespmem:s20], [sflag:$0x5] =	stream.linear.gather [hbm4b:s14+s3], $0x70, $0x38;
	[tilespmem:$0x1DD00] =	vst v63  }
0x38: {  	_ = 	snop  }
0x39: {  	[tilespmem:s22], [sflag:$0x1] =	stream.indirect.gather [hbm4b:s7+s21], $0x80, s30, s21, $0xb8;
	[tilespmem:$0x1DD00] =	vst v63  }
0x3a: {  	_ =	swait.ge [sflag:s31], $0x70  }
0x3b: {  	[sflag:s31] =	ssyncset.done $0x0  }
0x3c: {  	[sflag:s31] =	ssyncadd.s32 $0xFFFFFF90  }
0x3d: {  	_ =	swait.ge [sflag:s0], $0x3800  }
0x3e: {  	[sflag:s0] =	ssyncset.done $0x0  }
0x3f: {  	[sflag:s0] =	ssyncadd.s32 $0xFFFFC800  }
0x40: {  	[spmem:s1] =	stream.indirect.scatter.add.f32 [tilespmem:s25], [sflag:$0x4], $0x80, s23, s21, $0xb8;
	[tilespmem:$0x1DD00] =	vst v63  }
0x41: {  	_ =	swait.ge [sflag:s2], $0x3800  }
0x42: {  	s12 =	sadd.s32 $0xFFFFFB4C, s16;
	[sflag:s2] =	ssyncset.done $0x0  }
0x43: {  	s9 =	sadd.s32 $0x4DE, s12;
	[sflag:s2] =	ssyncadd.s32 $0xFFFFC800  }
0x44: {  	[tilespmem:s23], [sflag:$0x6] =	stream.linear.gather [hbm4b:s9+s3], $0x70, $0x38;
	[tilespmem:$0x1DD00] =	vst v63  }
0x45: {  	s11 =	simm.s32 $0x180  }
0x46: {  	[tilespmem:s25], [sflag:$0x2] =	stream.indirect.gather [hbm4b:s7+s21], $0x80, s11, s21, $0xb8;
	[tilespmem:$0x1DD00] =	vst v63  }
0x47: {  	_ =	swait.ge [sflag:s26], $0x70  }
0x48: {  	[sflag:s26] =	ssyncset.done $0x0  }
0x49: {  	[sflag:s26] =	ssyncadd.s32 $0xFFFFFF90  }
0x4a: {  	_ =	swait.ge [sflag:s28], $0x3800  }
0x4b: {  	[sflag:s28] =	ssyncset.done $0x0  }
0x4c: {  	[sflag:s28] =	ssyncadd.s32 $0xFFFFC800  }
0x4d: {  	[spmem:s1] =	stream.indirect.scatter.add.f32 [tilespmem:s22], [sflag:$0x3], $0x80, s20, s21, $0xb8;
	[tilespmem:$0x1DD00] =	vst v63  }
0x4e: {  	_ =	swait.ge [sflag:s29], $0x3800  }
0x4f: {  	[sflag:s29] =	ssyncset.done $0x0  }
0x50: {  	s8 =	sadd.s32 $0x4EC, s12;
	[sflag:s29] =	ssyncadd.s32 $0xFFFFC800  }
0x51: {  	[tilespmem:s20], [sflag:$0x5] =	stream.linear.gather [hbm4b:s8+s3], $0x70, $0x38;
	[tilespmem:$0x1DD00] =	vst v63  }
0x52: {  	s12 =	simm.s32 $0x200  }
0x53: {  	[tilespmem:s22], [sflag:$0x1] =	stream.indirect.gather [hbm4b:s7+s21], $0x80, s12, s21, $0xb8;
	[tilespmem:$0x1DD00] =	vst v63  }
0x54: {  	_ =	swait.ge [sflag:s31], $0x70  }
0x55: {  	[sflag:s31] =	ssyncset.done $0x0  }
0x56: {  	[sflag:s31] =	ssyncadd.s32 $0xFFFFFF90  }
0x57: {  	_ =	swait.ge [sflag:s0], $0x3800  }
0x58: {  	[sflag:s0] =	ssyncset.done $0x0  }
0x59: {  	s9 =	simm.s32 $0x280;
	s8 =	simm.s32 $0xFFFFFB68;
	[sflag:s0] =	ssyncadd.s32 $0xFFFFC800  }
.LBB2_2:
0x5a: {  	[spmem:s1] =	stream.indirect.scatter.add.f32 [tilespmem:s25], [sflag:$0x4], $0x80, s23, s21, $0xb8;
	[tilespmem:$0x1DD00] =	vst v63  }
0x5b: {  	s11 =	smov.u32 s8  }
0x5c: {  	p0 =	sne.s32 s8, $0xFFFFFFE4;
	s8 =	sadd.s32 $0x1C, s8;
	_ =	swait.ge [sflag:s2], $0x3800  }
0x5d: {  	s11 =	sadd.s32 s11, s16;
	[sflag:s2] =	ssyncset.done $0x0  }
0x5e: {  	s12 =	sadd.s32 $0x4DE, s11;
	[sflag:s2] =	ssyncadd.s32 $0xFFFFC800  }
0x5f: {  	[tilespmem:s23], [sflag:$0x6] =	stream.linear.gather [hbm4b:s12+s3], $0x70, $0x38;
	[tilespmem:$0x1DD00] =	vst v63  }
0x60: {  	_ = 	snop  }
0x61: {  	[tilespmem:s25], [sflag:$0x2] =	stream.indirect.gather [hbm4b:s7+s21], $0x80, s9, s21, $0xb8;
	[tilespmem:$0x1DD00] =	vst v63  }
0x62: {  	_ =	swait.ge [sflag:s26], $0x70  }
0x63: {  	[sflag:s26] =	ssyncset.done $0x0  }
0x64: {  	[sflag:s26] =	ssyncadd.s32 $0xFFFFFF90  }
0x65: {  	_ =	swait.ge [sflag:s28], $0x3800  }
0x66: {  	[sflag:s28] =	ssyncset.done $0x0  }
0x67: {  	[sflag:s28] =	ssyncadd.s32 $0xFFFFC800  }
0x68: {  	[spmem:s1] =	stream.indirect.scatter.add.f32 [tilespmem:s22], [sflag:$0x3], $0x80, s20, s21, $0xb8;
	[tilespmem:$0x1DD00] =	vst v63  }
0x69: {  	_ =	swait.ge [sflag:s29], $0x3800  }
0x6a: {  	[sflag:s29] =	ssyncset.done $0x0  }
0x6b: {  	s11 =	sadd.s32 $0x4EC, s11;
	[sflag:s29] =	ssyncadd.s32 $0xFFFFC800  }
0x6c: {  	[tilespmem:s20], [sflag:$0x5] =	stream.linear.gather [hbm4b:s11+s3], $0x70, $0x38;
	[tilespmem:$0x1DD00] =	vst v63  }
0x6d: {  	s11 =	sadd.s32 $0x80, s9  }
0x6e: {  	[tilespmem:s22], [sflag:$0x1] =	stream.indirect.gather [hbm4b:s7+s21], $0x80, s11, s21, $0xb8;
	[tilespmem:$0x1DD00] =	vst v63  }
0x6f: {  	_ =	swait.ge [sflag:s31], $0x70  }
.Ltmp0:
0x70: {  	[sflag:s31] =	ssyncset.done $0x0;
	(pc) =	sbr.rel @p0 .LBB2_2-.Ltmp0, $4  }
0x71: {  	[sflag:s31] =	ssyncadd.s32 $0xFFFFFF90  }
0x72: {  	_ =	swait.ge [sflag:s0], $0x3800  }
0x73: {  	[sflag:s0] =	ssyncset.done $0x0  }
0x74: {  	s9 =	sadd.s32 $0x100, s9;
	[sflag:s0] =	ssyncadd.s32 $0xFFFFC800  }
0x75: {  	[spmem:s1] =	stream.indirect.scatter.add.f32 [tilespmem:s25], [sflag:$0x4], $0x80, s23, s21, $0xb8;
	[tilespmem:$0x1DD00] =	vst v63  }
0x76: {  	_ =	swait.ge [sflag:s2], $0x3800  }
0x77: {  	[sflag:s2] =	ssyncset.done $0x0  }
0x78: {  	[sflag:s2] =	ssyncadd.s32 $0xFFFFC800  }
0x79: {  	[tilespmem:s23], [sflag:$0x6] =	stream.linear.gather [hbm4b:s15+s3], $0x70, $0x38;
	[tilespmem:$0x1DD00] =	vst v63  }
0x7a: {  	_ = 	snop  }
0x7b: {  	[tilespmem:s25], [sflag:$0x2] =	stream.indirect.gather [hbm4b:s7+s21], $0x80, s4, s21, $0xb8;
	[tilespmem:$0x1DD00] =	vst v63  }
0x7c: {  	_ =	swait.ge [sflag:s26], $0x70  }
0x7d: {  	[sflag:s26] =	ssyncset.done $0x0  }
0x7e: {  	[sflag:s26] =	ssyncadd.s32 $0xFFFFFF90  }
0x7f: {  	_ =	swait.ge [sflag:s28], $0x3800  }
0x80: {  	[sflag:s28] =	ssyncset.done $0x0  }
0x81: {  	[sflag:s28] =	ssyncadd.s32 $0xFFFFC800  }
0x82: {  	[spmem:s1] =	stream.indirect.scatter.add.f32 [tilespmem:s22], [sflag:$0x3], $0x80, s20, s21, $0xb8;
	[tilespmem:$0x1DD00] =	vst v63  }
0x83: {  	_ =	swait.ge [sflag:s31], $0x70  }
0x84: {  	[sflag:s31] =	ssyncset.done $0x0  }
0x85: {  	[sflag:s31] =	ssyncadd.s32 $0xFFFFFF90  }
0x86: {  	_ =	swait.ge [sflag:s0], $0x3800  }
0x87: {  	[sflag:s0] =	ssyncset.done $0x0  }
0x88: {  	[sflag:s0] =	ssyncadd.s32 $0xFFFFC800  }
0x89: {  	[spmem:s1] =	stream.indirect.scatter.add.f32 [tilespmem:s25], [sflag:$0x4], $0x80, s23, s21, $0xb8;
	[tilespmem:$0x1DD00] =	vst v63  }
0x8a: {  	_ =	swait.ge [sflag:s29], $0x3800  }
0x8b: {  	[sflag:s29] =	ssyncset.done $0x0  }
0x8c: {  	[sflag:s29] =	ssyncadd.s32 $0xFFFFC800  }
0x8d: {  	_ =	swait.ge [sflag:s2], $0x3800  }
0x8e: {  	[sflag:s2] =	ssyncset.done $0x0  }
0x8f: {  	[sflag:s2] =	ssyncadd.s32 $0xFFFFC800  }
0x90: {  	[bflag:$0x0] =	sbarrier.arrive $0xFFFF  }
0x91: {  	s8 =	rddreg [dreg:$0x6]  }
0x92: {  	[hbm:s8], [sflag:s18] =	dma.local [spmem:s19], $0x2780  }
0x93: {  	_ =	swait.ge [sflag:s17], $0x2780  }
0x94: {  	[sflag:s17] =	ssyncset.done $0x0  }
0x95: {  	[sflag:s17] =	ssyncadd.s32 $0xFFFFD880  }
0x96: {  	[bflag:$0x0] =	sbarrier.arrive $0xFFFF  }
0x97: {  	s11 =	rddreg [dreg:$0x7]  }
0x98: {  	[spmem:s19], [sflag:s18] =	dma.local [hbm:s11], $0x2780  }
0x99: {  	_ =	swait.ge [sflag:s17], $0x2780  }
0x9a: {  	[sflag:s17] =	ssyncset.done $0x0  }
0x9b: {  	[sflag:s17] =	ssyncadd.s32 $0xFFFFD880  }
0x9c: {  	[bflag:$0x0] =	sbarrier.arrive $0xFFFF  }
0x9d: {  	[tilespmem:s20], [sflag:$0x5] =	stream.linear.gather [hbm4b:s6+s3], $0x70, $0x38;
	[tilespmem:$0x1DD00] =	vst v63  }
0x9e: {  	_ = 	snop  }
0x9f: {  	[tilespmem:s22], [sflag:$0x1] =	stream.indirect.gather [hbm4b:s10+s21], $0x80, s3, s21, $0xb8;
	[tilespmem:$0x1DD00] =	vst v63  }
0xa0: {  	_ = 	snop  }
0xa1: {  	[tilespmem:s23], [sflag:$0x6] =	stream.linear.gather [hbm4b:s13+s3], $0x70, $0x38;
	[tilespmem:$0x1DD00] =	vst v63  }
0xa2: {  	_ = 	snop  }
0xa3: {  	[tilespmem:s25], [sflag:$0x2] =	stream.indirect.gather [hbm4b:s10+s21], $0x80, s24, s21, $0xb8;
	[tilespmem:$0x1DD00] =	vst v63  }
0xa4: {  	_ =	swait.ge [sflag:s26], $0x70  }
0xa5: {  	[sflag:s26] =	ssyncset.done $0x0  }
0xa6: {  	[sflag:s26] =	ssyncadd.s32 $0xFFFFFF90  }
0xa7: {  	_ =	swait.ge [sflag:s28], $0x3800  }
0xa8: {  	[sflag:s28] =	ssyncset.done $0x0  }
0xa9: {  	[sflag:s28] =	ssyncadd.s32 $0xFFFFC800  }
0xaa: {  	[spmem:s1] =	stream.indirect.scatter.add.f32 [tilespmem:s22], [sflag:$0x3], $0x80, s20, s21, $0xb8;
	[tilespmem:$0x1DD00] =	vst v63  }
0xab: {  	_ =	swait.ge [sflag:s29], $0x3800  }
0xac: {  	[sflag:s29] =	ssyncset.done $0x0  }
0xad: {  	[sflag:s29] =	ssyncadd.s32 $0xFFFFC800  }
0xae: {  	[tilespmem:s20], [sflag:$0x5] =	stream.linear.gather [hbm4b:s14+s3], $0x70, $0x38;
	[tilespmem:$0x1DD00] =	vst v63  }
0xaf: {  	_ = 	snop  }
0xb0: {  	[tilespmem:s22], [sflag:$0x1] =	stream.indirect.gather [hbm4b:s10+s21], $0x80, s30, s21, $0xb8;
	[tilespmem:$0x1DD00] =	vst v63  }
0xb1: {  	_ =	swait.ge [sflag:s31], $0x70  }
0xb2: {  	[sflag:s31] =	ssyncset.done $0x0  }
0xb3: {  	[sflag:s31] =	ssyncadd.s32 $0xFFFFFF90  }
0xb4: {  	_ =	swait.ge [sflag:s0], $0x3800  }
0xb5: {  	[sflag:s0] =	ssyncset.done $0x0  }
0xb6: {  	[sflag:s0] =	ssyncadd.s32 $0xFFFFC800  }
0xb7: {  	[spmem:s1] =	stream.indirect.scatter.add.f32 [tilespmem:s25], [sflag:$0x4], $0x80, s23, s21, $0xb8;
	[tilespmem:$0x1DD00] =	vst v63  }
0xb8: {  	_ =	swait.ge [sflag:s2], $0x3800  }
0xb9: {  	s12 =	sadd.s32 $0xFFFFFB4C, s16;
	[sflag:s2] =	ssyncset.done $0x0  }
0xba: {  	s9 =	sadd.s32 $0x4DE, s12;
	[sflag:s2] =	ssyncadd.s32 $0xFFFFC800  }
0xbb: {  	[tilespmem:s23], [sflag:$0x6] =	stream.linear.gather [hbm4b:s9+s3], $0x70, $0x38;
	[tilespmem:$0x1DD00] =	vst v63  }
0xbc: {  	s11 =	simm.s32 $0x180  }
0xbd: {  	[tilespmem:s25], [sflag:$0x2] =	stream.indirect.gather [hbm4b:s10+s21], $0x80, s11, s21, $0xb8;
	[tilespmem:$0x1DD00] =	vst v63  }
0xbe: {  	_ =	swait.ge [sflag:s26], $0x70  }
0xbf: {  	[sflag:s26] =	ssyncset.done $0x0  }
0xc0: {  	[sflag:s26] =	ssyncadd.s32 $0xFFFFFF90  }
0xc1: {  	_ =	swait.ge [sflag:s28], $0x3800  }
0xc2: {  	[sflag:s28] =	ssyncset.done $0x0  }
0xc3: {  	[sflag:s28] =	ssyncadd.s32 $0xFFFFC800  }
0xc4: {  	[spmem:s1] =	stream.indirect.scatter.add.f32 [tilespmem:s22], [sflag:$0x3], $0x80, s20, s21, $0xb8;
	[tilespmem:$0x1DD00] =	vst v63  }
0xc5: {  	_ =	swait.ge [sflag:s29], $0x3800  }
0xc6: {  	[sflag:s29] =	ssyncset.done $0x0  }
0xc7: {  	s8 =	sadd.s32 $0x4EC, s12;
	[sflag:s29] =	ssyncadd.s32 $0xFFFFC800  }
0xc8: {  	[tilespmem:s20], [sflag:$0x5] =	stream.linear.gather [hbm4b:s8+s3], $0x70, $0x38;
	[tilespmem:$0x1DD00] =	vst v63  }
0xc9: {  	s12 =	simm.s32 $0x200  }
0xca: {  	[tilespmem:s22], [sflag:$0x1] =	stream.indirect.gather [hbm4b:s10+s21], $0x80, s12, s21, $0xb8;
	[tilespmem:$0x1DD00] =	vst v63  }
0xcb: {  	_ =	swait.ge [sflag:s31], $0x70  }
0xcc: {  	[sflag:s31] =	ssyncset.done $0x0  }
0xcd: {  	[sflag:s31] =	ssyncadd.s32 $0xFFFFFF90  }
0xce: {  	_ =	swait.ge [sflag:s0], $0x3800  }
0xcf: {  	[sflag:s0] =	ssyncset.done $0x0  }
0xd0: {  	s9 =	simm.s32 $0x280;
	s8 =	simm.s32 $0xFFFFFB68;
	[sflag:s0] =	ssyncadd.s32 $0xFFFFC800  }
.LBB2_4:
0xd1: {  	[spmem:s1] =	stream.indirect.scatter.add.f32 [tilespmem:s25], [sflag:$0x4], $0x80, s23, s21, $0xb8;
	[tilespmem:$0x1DD00] =	vst v63  }
0xd2: {  	s11 =	smov.u32 s8  }
0xd3: {  	p0 =	sne.s32 s8, $0xFFFFFFE4;
	s8 =	sadd.s32 $0x1C, s8;
	_ =	swait.ge [sflag:s2], $0x3800  }
0xd4: {  	s11 =	sadd.s32 s11, s16;
	[sflag:s2] =	ssyncset.done $0x0  }
0xd5: {  	s12 =	sadd.s32 $0x4DE, s11;
	[sflag:s2] =	ssyncadd.s32 $0xFFFFC800  }
0xd6: {  	[tilespmem:s23], [sflag:$0x6] =	stream.linear.gather [hbm4b:s12+s3], $0x70, $0x38;
	[tilespmem:$0x1DD00] =	vst v63  }
0xd7: {  	_ = 	snop  }
0xd8: {  	[tilespmem:s25], [sflag:$0x2] =	stream.indirect.gather [hbm4b:s10+s21], $0x80, s9, s21, $0xb8;
	[tilespmem:$0x1DD00] =	vst v63  }
0xd9: {  	_ =	swait.ge [sflag:s26], $0x70  }
0xda: {  	[sflag:s26] =	ssyncset.done $0x0  }
0xdb: {  	[sflag:s26] =	ssyncadd.s32 $0xFFFFFF90  }
0xdc: {  	_ =	swait.ge [sflag:s28], $0x3800  }
0xdd: {  	[sflag:s28] =	ssyncset.done $0x0  }
0xde: {  	[sflag:s28] =	ssyncadd.s32 $0xFFFFC800  }
0xdf: {  	[spmem:s1] =	stream.indirect.scatter.add.f32 [tilespmem:s22], [sflag:$0x3], $0x80, s20, s21, $0xb8;
	[tilespmem:$0x1DD00] =	vst v63  }
0xe0: {  	_ =	swait.ge [sflag:s29], $0x3800  }
0xe1: {  	[sflag:s29] =	ssyncset.done $0x0  }
0xe2: {  	s11 =	sadd.s32 $0x4EC, s11;
	[sflag:s29] =	ssyncadd.s32 $0xFFFFC800  }
0xe3: {  	[tilespmem:s20], [sflag:$0x5] =	stream.linear.gather [hbm4b:s11+s3], $0x70, $0x38;
	[tilespmem:$0x1DD00] =	vst v63  }
0xe4: {  	s11 =	sadd.s32 $0x80, s9  }
0xe5: {  	[tilespmem:s22], [sflag:$0x1] =	stream.indirect.gather [hbm4b:s10+s21], $0x80, s11, s21, $0xb8;
	[tilespmem:$0x1DD00] =	vst v63  }
0xe6: {  	_ =	swait.ge [sflag:s31], $0x70  }
.Ltmp1:
0xe7: {  	[sflag:s31] =	ssyncset.done $0x0;
	(pc) =	sbr.rel @p0 .LBB2_4-.Ltmp1, $4  }
0xe8: {  	[sflag:s31] =	ssyncadd.s32 $0xFFFFFF90  }
0xe9: {  	_ =	swait.ge [sflag:s0], $0x3800  }
0xea: {  	[sflag:s0] =	ssyncset.done $0x0  }
0xeb: {  	s9 =	sadd.s32 $0x100, s9;
	[sflag:s0] =	ssyncadd.s32 $0xFFFFC800  }
0xec: {  	[spmem:s1] =	stream.indirect.scatter.add.f32 [tilespmem:s25], [sflag:$0x4], $0x80, s23, s21, $0xb8;
	[tilespmem:$0x1DD00] =	vst v63  }
0xed: {  	_ =	swait.ge [sflag:s2], $0x3800  }
0xee: {  	[sflag:s2] =	ssyncset.done $0x0  }
0xef: {  	[sflag:s2] =	ssyncadd.s32 $0xFFFFC800  }
0xf0: {  	[tilespmem:s23], [sflag:$0x6] =	stream.linear.gather [hbm4b:s15+s3], $0x70, $0x38;
	[tilespmem:$0x1DD00] =	vst v63  }
0xf1: {  	_ = 	snop  }
0xf2: {  	[tilespmem:s25], [sflag:$0x2] =	stream.indirect.gather [hbm4b:s10+s21], $0x80, s4, s21, $0xb8;
	[tilespmem:$0x1DD00] =	vst v63  }
0xf3: {  	_ =	swait.ge [sflag:s26], $0x70  }
0xf4: {  	[sflag:s26] =	ssyncset.done $0x0  }
0xf5: {  	[sflag:s26] =	ssyncadd.s32 $0xFFFFFF90  }
0xf6: {  	_ =	swait.ge [sflag:s28], $0x3800  }
0xf7: {  	[sflag:s28] =	ssyncset.done $0x0  }
0xf8: {  	[sflag:s28] =	ssyncadd.s32 $0xFFFFC800  }
0xf9: {  	[spmem:s1] =	stream.indirect.scatter.add.f32 [tilespmem:s22], [sflag:$0x3], $0x80, s20, s21, $0xb8;
	[tilespmem:$0x1DD00] =	vst v63  }
0xfa: {  	_ =	swait.ge [sflag:s31], $0x70  }
0xfb: {  	[sflag:s31] =	ssyncset.done $0x0  }
0xfc: {  	[sflag:s31] =	ssyncadd.s32 $0xFFFFFF90  }
0xfd: {  	_ =	swait.ge [sflag:s0], $0x3800  }
0xfe: {  	[sflag:s0] =	ssyncset.done $0x0  }
0xff: {  	[sflag:s0] =	ssyncadd.s32 $0xFFFFC800  }
0x100: {  	[spmem:s1] =	stream.indirect.scatter.add.f32 [tilespmem:s25], [sflag:$0x4], $0x80, s23, s21, $0xb8;
	[tilespmem:$0x1DD00] =	vst v63  }
0x101: {  	_ =	swait.ge [sflag:s29], $0x3800  }
0x102: {  	[sflag:s29] =	ssyncset.done $0x0  }
0x103: {  	[sflag:s29] =	ssyncadd.s32 $0xFFFFC800  }
0x104: {  	_ =	swait.ge [sflag:s2], $0x3800  }
0x105: {  	[sflag:s2] =	ssyncset.done $0x0  }
0x106: {  	[sflag:s2] =	ssyncadd.s32 $0xFFFFC800  }
0x107: {  	[bflag:$0x0] =	sbarrier.arrive $0xFFFF  }
0x108: {  	s8 =	rddreg [dreg:$0x8]  }
0x109: {  	[hbm:s8], [sflag:s18] =	dma.local [spmem:s19], $0x2780  }
0x10a: {  	_ =	swait.ge [sflag:s17], $0x2780  }
0x10b: {  	s5 =	sadd.s32 $0x1, s5;
	s12 =	rddreg [dreg:$0x9]  }
0x10c: {  	p0 =	sne.s32 s5, s12  }
.Ltmp2:
0x10d: {  	_ = 	snop;
	(pc) =	sbr.rel @p0 .LBB2_1-.Ltmp2, $3  }
0x10e: {  	[sflag:s17] =	ssyncset.done $0x0  }
0x10f: {  	[sflag:s17] =	ssyncadd.s32 $0xFFFFD880  }
0x110: {  	[bflag:$0x0] =	sbarrier.arrive $0xFFFF;
	_ =	sdelay $0x1  }
0x111: {  	_ =	sfence.sel $0x180000  }
0x112: {  	[bflag:$0x0] =	sbarrier.arrive $0xFFFF  }
0x113: {  	_ =	strace $0x9000004D  }
0x114: {  	s0 =	stileid.u32;
	[bflag:$0x2] =	sbarrier.arrive $0xFFFF  }
0x115: {  	p0 =	sne.s32 s0, $0x0;
	s0 =	rddreg [dreg:$0x3]  }
0x116: {  	s0 =	sadd.s32 @!p0 $0x100000, s0  }
0x117: {  	[sflag:s0] =	ssyncadd.tile.s32 @!p0 $0x1;
	_ =	shalt  }
.Lfunc_end2:
_tile_overlayer_lowered:
.L_overlay_start_2:
0x118: {  	(tag) =	ssettag $0x2  }
0x119: {  	s0 =	rddreg [dreg:$0x0];
	s2 =	stileid.u32  }
0x11a: {  	s1 =	rddreg [dreg:$0x1];
	p0 =	sne.s32 s2, $0x0  }
0x11b: {  	s3 =	rddreg [dreg:$0x2];
	[bflag:$0x3] =	sbarrier.arrive $0xFFFF;
	s2 =	simm.s32 @!p0 $0x1C07  }
0x11c: {  	[timem:s3], [sflag:s2] =	dma.local @!p0 [hbm:s0], s1  }
0x11d: {  	s0 =	simm.s32 @!p0 $0x7  }
0x11e: {  	_ =	swait.ge @!p0 [sflag:s0], s1  }
0x11f: {  	s1 =	ssub.s32 @!p0 $0x0, s1;
	[sflag:s0] =	ssyncset.done @!p0 $0x0  }
0x120: {  	[sflag:s0] =	ssyncadd.s32 @!p0 s1  }
0x121: {  	[bflag:$0x3] =	sbarrier.arrive $0xFFFF  }
0x122: {  	_ =	shalt  }

// kernel: kernel.20.cloned.1.call-start
scs
__scs_entry_jumppad:
0x0: {  	(pc) =	sbr.rel $0x88, $3  }
0x1: {  	(tag) =	ssettag $0x0;
	lr =	simm.s32 $0x1  }
0x2: {  	[smem:$0x3F96] =	sst lr;
	_ =	strace $0xD0000000  }
0x3: {  	_ = 	snop  }
0x4: {  	_ = 	snop  }
0x5: {  	_ = 	snop  }
0x6: {  	_ = 	snop  }
0x7: {  	_ = 	snop  }
__scs_overlays_trampoline_lowered:
0x8: {  	[smem:$0x3FA5] =	sst s0  }
0x9: {  	[smem:$0x3FA6] =	sst s1  }
0xa: {  	[smem:$0x3FA7] =	sst s2  }
0xb: {  	[smem:$0x3FA8] =	sst s3  }
0xc: {  	[smem:$0x3FA9] =	sst s4  }
0xd: {  	[smem:$0x3FAA] =	sst s5  }
0xe: {  	[smem:$0x3FAB] =	sst s6  }
0xf: {  	[smem:$0x3FAC] =	sst s7  }
0x10: {  	[smem:$0x3FAD] =	sst s8  }
0x11: {  	[smem:$0x3FAE] =	sst s9;
	s0 =	simm.s32 @!p0 $0x0  }
0x12: {  	s1 =	sld [smem:$0x3F94];
	s0 =	simm.s32 @p0 $0x1  }
0x13: {  	[smem:$0x3FAF] =	sst s0;
	s0 =	simm.s32 @!p1 $0x0  }
0x14: {  	s2 =	sld [smem:$0x3F93];
	s0 =	simm.s32 @p1 $0x1  }
0x15: {  	[smem:$0x3FB0] =	sst s0;
	s0 =	simm.s32 @!p2 $0x0  }
0x16: {  	s3 =	sld [smem:$0x3FDB];
	s0 =	simm.s32 @p2 $0x1  }
0x17: {  	s4 =	simm.s32 $0x1BF5;
	[smem:$0x3FB2] =	sst s0  }
0x18: {  	s0 =	sld [smem:$0x3F95];
	_ =	swait.ge [sflag:s4], $0x0  }
0x19: {  	s7 =	sld [smem:$0x3F96]  }
0x1a: {  	s8 =	sadd.s32 $0xFFFFE003, lr  }
0x1b: {  	s9 =	sadd.s32 $0xFFFFFEF7, lr;
	s5 =	simm.s32 $0xFFFFFFFF;
	p2 =	slt.u32 s8, $0xFFFFF086  }
0x1c: {  	p1 =	slt.u32 s9, $0xF7A;
	s5 =	simm.s32 @!p2 $0x0  }
0x1d: {  	s5 =	simm.s32 @p1 $0x1;
	p0 =	seq.s32 s7, s2  }
0x1e: {  	s7 =	smul.u32 @!p0 $0xF7A, s2;
	p2 =	seq.s32 @!p0 s5, $0x0  }
0x1f: {  	s9 =	smul.u32 $0xF7A, s1;
	s8 =	simm.s32 @!p0 $0x1BF5;
	p2 =	por !p2, p0  }
0x20: {  	[sflag:s8] =	ssyncset.s32 @!p0 $0xFFFFF086;
	s6 =	sadd.s32 @!p0 s3, s7;
	s7 =	simm.s32 @!p0 $0x108  }
0x21: {  	s3 =	sadd.s32 s3, s9;
	s6 =	sadd.s32 @!p0 $0x88, s6;
	s7 =	simm.s32 @p2 $0x1082  }
0x22: {  	[simem:s7], [sflag:s8] =	dma.local @!p0 [hbm:s6], $0xF7A  }
0x23: {  	s9 =	sor.u32 $0xD0000000, s2;
	s6 =	simm.s32 $0x108;
	_ =	swait.ge @!p0 [sflag:s8], $0x0  }
0x24: {  	s3 =	sadd.s32 $0x88, s3;
	s6 =	simm.s32 @!p1 $0x1082;
	[sflag:s4] =	ssyncset.s32 $0xFFFFF086  }
0x25: {  	[simem:s6], [sflag:s4] =	dma.local [hbm:s3], $0xF7A  }
0x26: {  	[smem:$0x3F96] =	sst s1;
	(tag) =	ssettag s2;
	_ =	strace s9  }
0x27: {  	s1 =	sld [smem:$0x3FA6]  }
0x28: {  	s2 =	sld [smem:$0x3FA7]  }
0x29: {  	s4 =	sld [smem:$0x3FA9]  }
0x2a: {  	p0 =	seq.s32 s5, $0x0;
	s5 =	sld [smem:$0x3FAA]  }
0x2b: {  	s6 =	sld [smem:$0x3FAB]  }
0x2c: {  	s7 =	sld [smem:$0x3FAC]  }
0x2d: {  	s3 =	simm.s32 $0x108;
	s8 =	sld [smem:$0x3FAD]  }
0x2e: {  	s3 =	simm.s32 @!p0 $0x1082;
	s9 =	sld [smem:$0x3FAE]  }
0x2f: {  	lr =	sadd.s32 s0, s3;
	s0 =	sld [smem:$0x3FA5]  }
0x30: {  	s3 =	sld [smem:$0x3FA8]  }
0x31: {  	[smem:$0x3FB1] =	sst s10  }
0x32: {  	s10 =	sld [smem:$0x3FAF];
	_ =	sdelay $0x3  }
0x33: {  	p0 =	seq.s32 s10, $0x1;
	s10 =	sld [smem:$0x3FB1];
	_ =	sdelay $0x3  }
0x34: {  	[smem:$0x3FB1] =	sst s10  }
0x35: {  	s10 =	sld [smem:$0x3FB0];
	_ =	sdelay $0x3  }
0x36: {  	p1 =	seq.s32 s10, $0x1;
	s10 =	sld [smem:$0x3FB1];
	_ =	sdelay $0x3  }
0x37: {  	[smem:$0x3FB1] =	sst s10  }
0x38: {  	s10 =	sld [smem:$0x3FB2]  }
0x39: {  	_ = 	snop;
	(pc) =	sbr.ind lr, $3  }
0x3a: {  	_ = 	snop  }
0x3b: {  	_ = 	snop  }
0x3c: {  	p2 =	seq.s32 s10, $0x1;
	s10 =	sld [smem:$0x3FB1]  }
0x3d: {  	_ =	shalt  }
0x3e: {  	_ =	shalt  }
0x3f: {  	_ =	shalt  }
0x40: {  	_ =	shalt  }
0x41: {  	_ =	shalt  }
0x42: {  	_ =	shalt  }
0x43: {  	_ =	shalt  }
0x44: {  	_ =	shalt  }
0x45: {  	_ =	shalt  }
0x46: {  	_ =	shalt  }
0x47: {  	_ =	shalt  }
0x48: {  	_ =	shalt  }
0x49: {  	_ =	shalt  }
0x4a: {  	_ =	shalt  }
0x4b: {  	_ =	shalt  }
0x4c: {  	_ =	shalt  }
0x4d: {  	_ =	shalt  }
0x4e: {  	_ =	shalt  }
0x4f: {  	_ =	shalt  }
0x50: {  	_ =	shalt  }
0x51: {  	_ =	shalt  }
0x52: {  	_ =	shalt  }
0x53: {  	_ =	shalt  }
0x54: {  	_ =	shalt  }
0x55: {  	_ =	shalt  }
0x56: {  	_ =	shalt  }
0x57: {  	_ =	shalt  }
0x58: {  	_ =	shalt  }
0x59: {  	_ =	shalt  }
0x5a: {  	_ =	shalt  }
0x5b: {  	_ =	shalt  }
0x5c: {  	_ =	shalt  }
0x5d: {  	_ =	shalt  }
0x5e: {  	_ =	shalt  }
0x5f: {  	_ =	shalt  }
0x60: {  	_ =	shalt  }
0x61: {  	_ =	shalt  }
0x62: {  	_ =	shalt  }
0x63: {  	_ =	shalt  }
0x64: {  	_ =	shalt  }
0x65: {  	_ =	shalt  }
0x66: {  	_ =	shalt  }
0x67: {  	_ =	shalt  }
0x68: {  	_ =	shalt  }
0x69: {  	_ =	shalt  }
0x6a: {  	_ =	shalt  }
0x6b: {  	_ =	shalt  }
0x6c: {  	_ =	shalt  }
0x6d: {  	_ =	shalt  }
0x6e: {  	_ =	shalt  }
0x6f: {  	_ =	shalt  }
0x70: {  	_ =	shalt  }
0x71: {  	_ =	shalt  }
0x72: {  	_ =	shalt  }
0x73: {  	_ =	shalt  }
0x74: {  	_ =	shalt  }
0x75: {  	_ =	shalt  }
0x76: {  	_ =	shalt  }
0x77: {  	_ =	shalt  }
0x78: {  	_ =	shalt  }
0x79: {  	_ =	shalt  }
0x7a: {  	_ =	shalt  }
0x7b: {  	_ =	shalt  }
0x7c: {  	_ =	shalt  }
0x7d: {  	_ =	shalt  }
0x7e: {  	_ =	shalt  }
0x7f: {  	_ =	shalt  }
0x80: {  	_ =	shalt  }
0x81: {  	_ =	shalt  }
0x82: {  	_ =	shalt  }
0x83: {  	_ =	shalt  }
0x84: {  	_ =	shalt  }
0x85: {  	_ =	shalt  }
0x86: {  	_ =	shalt  }
0x87: {  	_ =	shalt  }
.Lfunc_end0:
.L_simem_size_0:
called_computation.3_lowered:
.L_overlay_start_0:
0x88: {  	s2 =	sld [smem:$0x3FD9]  }
0x89: {  	s3 =	sld [smem:$0x3FFE];
	_ =	sdelay $0x1  }
0x8a: {  	s1 =	srdreg.scid  }
0x8b: {  	s0 =	sand.u32 $0x1, s1  }
0x8c: {  	s14 =	sshll.u32 s0, $0xA;
	s2 =	sadd.s32 s3, s2  }
0x8d: {  	s2 =	sadd.s32 s2, s14  }
0x8e: {  	[smem:$0x3FBD] =	sst s2  }
0x8f: {  	_ = 	snop  }
0x90: {  	s2 =	sld [smem:$0x3FD0];
	_ =	sdelay $0x2  }
0x91: {  	s15 =	simm.s32 $0xA;
	s4 =	simm.s32 $0x10  }
0x92: {  	[smem:s4], [sflag:s15] =	dma.local [hbm:s2], $0x1  }
0x93: {  	_ =	swait.eq [sflag:s15], $0x1  }
0x94: {  	[sflag:s15] =	ssyncset.done $0x0  }
0x95: {  	[sflag:s15] =	ssyncadd.s32 $0xFFFFFFFF  }
0x96: {  	s16 =	sld [smem:$0x13];
	(tm) =	ssettm $0x1  }
0x97: {  	s17 =	sld [smem:$0x3FFB];
	_ =	sdelay $0x3  }
0x98: {  	_ =	strace s17  }
0x99: {  	s3 =	sld [smem:$0x3FFC];
	_ =	sdelay $0x3  }
0x9a: {  	_ =	strace s3  }
0x9b: {  	s3 =	sld [smem:$0x3FFD];
	_ =	sdelay $0x3  }
0x9c: {  	_ =	strace s3  }
0x9d: {  	_ =	strace $0x8FFFFFFF  }
0x9e: {  	s18 =	sld [smem:$0x3FDB];
	_ =	sdelay $0x1  }
0x9f: {  	s19 =	simm.s32 $_scs_section_size  }
0xa0: {  	s5 =	simm.s32 $_size__tile_overlayer_lowered;
	s6 =	simm.s32 $_tile_overlayer_lowered  }
0xa1: {  	s22 =	simm.s32 $0x1BFF;
	s21 =	sshll.u32 s6, $0x1;
	s3 =	sadd.s32 s19, s18  }
0xa2: {  	s7 =	simm.s32 $0x0;
	s20 =	sshll.u32 s5, $0x1;
	s5 =	sadd.s32 s21, s3  }
0xa3: {  	[timem:s7], [sflag:s22] =	dma.local [hbm:s5], s20  }
0xa4: {  	_ =	swait.ge [sflag:s22], s20  }
0xa5: {  	s4 =	ssub.s32 $0x0, s20;
	[sflag:s22] =	ssyncset.done $0x0  }
0xa6: {  	[sflag:s22] =	ssyncadd.s32 s4;
	_ =	sdelay $0x1  }
0xa7: {  	s23 =	simm.s32 $0x1B8B  }
0xa8: {  	_ =	swait.ge [sflag:s23], $0x1  }
0xa9: {  	[sflag:s23] =	ssyncset.done $0x0  }
0xaa: {  	s25 =	simm.s32 $0x1B8E;
	s24 =	sld [smem:$0x3FFE];
	[sflag:s23] =	ssyncadd.s32 $0xFFFFFFFF  }
0xab: {  	s26 =	simm.s32 $execute0_lowered;
	[smem:$0x3FD2] =	sst s25  }
0xac: {  	s5 =	sshll.u32 s26, $0x1;
	_ =	strace $0x8000004F;
	[dreg:$0x1] =	wrdreg $0xFFFFFFFF  }
0xad: {  	s28 =	simm.s32 $_size_execute0_lowered;
	s3 =	sadd.s32 s3, s5;
	[dreg:$0x0] =	wrdreg $0x0  }
0xae: {  	s5 =	sshll.u32 s28, $0x1;
	[dreg:$0x2] =	wrdreg s3  }
0xaf: {  	[dreg:$0x3] =	wrdreg s5  }
0xb0: {  	[dreg:$0x4] =	wrdreg $0xC0  }
0xb1: {  	_ =	task [dreg:s7], $0x5FFFF  }
0xb2: {  	[dreg:$0x1] =	wrdreg $0xFFFFFFFF  }
0xb3: {  	[dreg:$0x0] =	wrdreg $0x60  }
0xb4: {  	[dreg:$0x2] =	wrdreg s24  }
0xb5: {  	[dreg:$0x3] =	wrdreg s16  }
0xb6: {  	[dreg:$0x4] =	wrdreg $0xA1000  }
0xb7: {  	[dreg:$0x5] =	wrdreg $0x9  }
0xb8: {  	_ =	task.clear_ibuf [dreg:s7], $0x6FFFF;
	_ =	strace $0x9000004F  }
0xb9: {  	s29 =	simm.s32 $0x9;
	_ =	strace $0x80000051  }
0xba: {  	_ =	swait.ge [sflag:s29], $0x1  }
0xbb: {  	[sflag:s29] =	ssyncadd.s32 $0xFFFFFFFF  }
0xbc: {  	_ =	strace $0x90000051  }
0xbd: {  	_ =	sfence  }
0xbe: {  	s30 =	sld [smem:$0x0];
	_ =	sdelay $0x2  }
0xbf: {  	s31 =	sshll.u32 s1, $0xD;
	s1 =	sshrl.u32 s1, $0x2  }
0xc0: {  	s3 =	sand.u32 $0x4000, s31;
	s1 =	sadd.s32 s1, s30  }
0xc1: {  	s0 =	sor.u32 s3, s0;
	s1 =	sshll.u32 s1, $0x11  }
0xc2: {  	s0 =	sor.u32 s1, s0  }
0xc3: {  	s0 =	sadd.s32 $0x8F2B, s0  }
0xc4: {  	[sflag:s0] =	ssyncadd.remote.s32 $0x1  }
0xc5: {  	_ =	sfence.sel $0xFFFF  }
0xc6: {  	[dreg:$0x0] =	wrdreg $0xFFFFFFFF;
	(pc) =	sbr.abs _section_cstart, $3  }
0xc7: {  	[dreg:$0x1] =	wrdreg $0xFFFFFFFF  }
0xc8: {  	_ =	task.clear_ibuf [dreg:s7], $0x2FFFF;
	_ =	strace $0x9FFFFFFF  }
0xc9: {  	(tm) =	ssettm $0x7FFFFFFF  }
tec
execute0_lowered:
.L_overlay_start_1:
0x0: {  	(tag) =	ssettag $0x1  }
0x1: {  	s0 =	rddreg [dreg:$0x0]  }
0x2: {  	s2 =	rddreg [dreg:$0x1]  }
0x3: {  	s1 =	rddreg [dreg:$0x2];
	s3 =	simm.s32 $0x0  }
0x4: {  	s4 =	srdreg.scid;
	s17 =	stileid.u32;
	s28 =	simm.s32 $0x1  }
0x5: {  	s29 =	simm.s32 $0x3;
	s30 =	simm.s32 $0x100;
	s5 =	smul.u32 $0x4F000, s17  }
0x6: {  	s31 =	simm.s32 $0x6;
	[smem:$0x7FF] =	sst s3;
	s11 =	smul.u32 $0x13C00, s17  }
0x7: {  	s4 =	sand.u32 $0x1, s4;
	s8 =	sadd.s32 $0x7200, s0;
	s15 =	smul.u32 $0x600, s17  }
0x8: {  	s9 =	sadd.s32 $0x2200, s0;
	s0 =	sadd.s32 $0xA7200, s0;
	s16 =	smul.u32 $0x2760, s17  }
0x9: {  	s24 =	smul.u32 $0x4EC, s17;
	s26 =	sshll.u32 s17, $0x6;
	s17 =	simm.s32 $0x7  }
0xa: {  	_ =	strace $0x80000050;
	s6 =	ssub.s32 $0x2, s4;
	s7 =	smul.u32 $0x280000, s4  }
0xb: {  	s20 =	smul.u32 $0x278000, s4;
	s4 =	sshllo.u32 s4, $0x1;
	s10 =	sshrl.u32 s6, $0x1  }
0xc: {  	s5 =	sshrl.u32 s5, $0x2;
	s2 =	sadd.s32 s2, s15;
	s21 =	smul.u32 $0x140000, s4  }
0xd: {  	s19 =	sshrl.u32 s16, $0x3;
	s4 =	smul.u32 $0x13C000, s4;
	s16 =	sadd.s32 s24, s9  }
0xe: {  	s24 =	simm.s32 $0x80;
	s12 =	ssub.s32 s6, s10;
	s13 =	sadd.s32 s11, s7  }
0xf: {  	[dreg:$0x4] =	wrdreg s2;
	s2 =	sadd.s32 s5, s1;
	s6 =	sadd.s32 s9, s19  }
0x10: {  	s7 =	sshrl.u32 s7, $0x3;
	s10 =	sadd.s32 s11, s20;
	s20 =	simm.s32 $0x3000  }
0x11: {  	s18 =	sshrl.u32 s13, $0x3;
	s7 =	sadd.s32 s8, s7;
	s10 =	sshrl.u32 s10, $0x3  }
0x12: {  	s22 =	sadd.s32 s11, s21;
	s4 =	sadd.s32 s11, s4;
	s25 =	smax.u32 s12, $0x1  }
0x13: {  	s13 =	sadd.s32 $0xE, s6;
	s14 =	sadd.s32 $0x1C, s6;
	s15 =	sadd.s32 $0x4DE, s6  }
0x14: {  	s19 =	sshrl.u32 s2, $0x3;
	s2 =	simm.s32 $0x4;
	s5 =	sadd.s32 s8, s18  }
0x15: {  	s10 =	sadd.s32 s0, s10;
	s23 =	sshrl.u32 s22, $0x3;
	s4 =	sshrl.u32 s4, $0x3  }
0x16: {  	[dreg:$0x9] =	wrdreg s25;
	s18 =	sor.u32 $0x1C07, s26;
	s22 =	simm.s32 $0x3100  }
0x17: {  	s25 =	simm.s32 $0x6900;
	s26 =	simm.s32 $0x5;
	[dreg:$0x5] =	wrdreg s5  }
0x18: {  	[dreg:$0x6] =	wrdreg s10;
	s10 =	sadd.s32 s8, s23;
	s5 =	sshrl.u32 s21, $0x3  }
0x19: {  	s0 =	sadd.s32 s0, s4;
	s21 =	simm.s32 $0x70;
	s23 =	simm.s32 $0x3080  }
0x1a: {  	s4 =	simm.s32 $0x2C80;
	[dreg:$0x7] =	wrdreg s10;
	s10 =	sadd.s32 s8, s5  }
0x1b: {  	[dreg:$0x8] =	wrdreg s0;
	s0 =	simm.s32 $0x2;
	s5 =	simm.s32 $0x0  }
.LBB2_1:
0x1c: {  	s8 =	rddreg [dreg:$0x4]  }
0x1d: {  	[tilespmem:s3], [sflag:$0x7] =	stream.linear.gather [hbm4b:s8+s3], $0x2D00, $0x38;
	[tilespmem:$0x1DD00] =	vst v63  }
0x1e: {  	_ =	swait.ge [sflag:s17], $0x2D00  }
0x1f: {  	[sflag:s17] =	ssyncset.done $0x0  }
0x20: {  	s11 =	rddreg [dreg:$0x5];
	[sflag:s17] =	ssyncadd.s32 $0xFFFFD300  }
0x21: {  	[spmem:s19], [sflag:s18] =	dma.local [hbm:s11], $0x2780  }
0x22: {  	_ =	swait.ge [sflag:s17], $0x2780  }
0x23: {  	[sflag:s17] =	ssyncset.done $0x0  }
0x24: {  	[sflag:s17] =	ssyncadd.s32 $0xFFFFD880  }
0x25: {  	[bflag:$0x0] =	sbarrier.arrive $0xFFFF  }
0x26: {  	[tilespmem:s20], [sflag:$0x5] =	stream.linear.gather [hbm4b:s6+s3], $0x70, $0x38;
	[tilespmem:$0x1DD00] =	vst v63  }
0x27: {  	_ = 	snop  }
0x28: {  	[tilespmem:s22], [sflag:$0x1] =	stream.indirect.gather [hbm4b:s7+s21], $0x80, s3, s21, $0xb8;
	[tilespmem:$0x1DD00] =	vst v63  }
0x29: {  	_ = 	snop  }
0x2a: {  	[tilespmem:s23], [sflag:$0x6] =	stream.linear.gather [hbm4b:s13+s3], $0x70, $0x38;
	[tilespmem:$0x1DD00] =	vst v63  }
0x2b: {  	_ = 	snop  }
0x2c: {  	[tilespmem:s25], [sflag:$0x2] =	stream.indirect.gather [hbm4b:s7+s21], $0x80, s24, s21, $0xb8;
	[tilespmem:$0x1DD00] =	vst v63  }
0x2d: {  	_ =	swait.ge [sflag:s26], $0x70  }
0x2e: {  	[sflag:s26] =	ssyncset.done $0x0  }
0x2f: {  	[sflag:s26] =	ssyncadd.s32 $0xFFFFFF90  }
0x30: {  	_ =	swait.ge [sflag:s28], $0x3800  }
0x31: {  	[sflag:s28] =	ssyncset.done $0x0  }
0x32: {  	[sflag:s28] =	ssyncadd.s32 $0xFFFFC800  }
0x33: {  	[spmem:s1] =	stream.indirect.scatter.add.f32 [tilespmem:s22], [sflag:$0x3], $0x80, s20, s21, $0xb8;
	[tilespmem:$0x1DD00] =	vst v63  }
0x34: {  	_ =	swait.ge [sflag:s29], $0x3800  }
0x35: {  	[sflag:s29] =	ssyncset.done $0x0  }
0x36: {  	[sflag:s29] =	ssyncadd.s32 $0xFFFFC800  }
0x37: {  	[tilespmem:s20], [sflag:$0x5] =	stream.linear.gather [hbm4b:s14+s3], $0x70, $0x38;
	[tilespmem:$0x1DD00] =	vst v63  }
0x38: {  	_ = 	snop  }
0x39: {  	[tilespmem:s22], [sflag:$0x1] =	stream.indirect.gather [hbm4b:s7+s21], $0x80, s30, s21, $0xb8;
	[tilespmem:$0x1DD00] =	vst v63  }
0x3a: {  	_ =	swait.ge [sflag:s31], $0x70  }
0x3b: {  	[sflag:s31] =	ssyncset.done $0x0  }
0x3c: {  	[sflag:s31] =	ssyncadd.s32 $0xFFFFFF90  }
0x3d: {  	_ =	swait.ge [sflag:s0], $0x3800  }
0x3e: {  	[sflag:s0] =	ssyncset.done $0x0  }
0x3f: {  	[sflag:s0] =	ssyncadd.s32 $0xFFFFC800  }
0x40: {  	[spmem:s1] =	stream.indirect.scatter.add.f32 [tilespmem:s25], [sflag:$0x4], $0x80, s23, s21, $0xb8;
	[tilespmem:$0x1DD00] =	vst v63  }
0x41: {  	_ =	swait.ge [sflag:s2], $0x3800  }
0x42: {  	s12 =	sadd.s32 $0xFFFFFB4C, s16;
	[sflag:s2] =	ssyncset.done $0x0  }
0x43: {  	s9 =	sadd.s32 $0x4DE, s12;
	[sflag:s2] =	ssyncadd.s32 $0xFFFFC800  }
0x44: {  	[tilespmem:s23], [sflag:$0x6] =	stream.linear.gather [hbm4b:s9+s3], $0x70, $0x38;
	[tilespmem:$0x1DD00] =	vst v63  }
0x45: {  	s11 =	simm.s32 $0x180  }
0x46: {  	[tilespmem:s25], [sflag:$0x2] =	stream.indirect.gather [hbm4b:s7+s21], $0x80, s11, s21, $0xb8;
	[tilespmem:$0x1DD00] =	vst v63  }
0x47: {  	_ =	swait.ge [sflag:s26], $0x70  }
0x48: {  	[sflag:s26] =	ssyncset.done $0x0  }
0x49: {  	[sflag:s26] =	ssyncadd.s32 $0xFFFFFF90  }
0x4a: {  	_ =	swait.ge [sflag:s28], $0x3800  }
0x4b: {  	[sflag:s28] =	ssyncset.done $0x0  }
0x4c: {  	[sflag:s28] =	ssyncadd.s32 $0xFFFFC800  }
0x4d: {  	[spmem:s1] =	stream.indirect.scatter.add.f32 [tilespmem:s22], [sflag:$0x3], $0x80, s20, s21, $0xb8;
	[tilespmem:$0x1DD00] =	vst v63  }
0x4e: {  	_ =	swait.ge [sflag:s29], $0x3800  }
0x4f: {  	[sflag:s29] =	ssyncset.done $0x0  }
0x50: {  	s8 =	sadd.s32 $0x4EC, s12;
	[sflag:s29] =	ssyncadd.s32 $0xFFFFC800  }
0x51: {  	[tilespmem:s20], [sflag:$0x5] =	stream.linear.gather [hbm4b:s8+s3], $0x70, $0x38;
	[tilespmem:$0x1DD00] =	vst v63  }
0x52: {  	s12 =	simm.s32 $0x200  }
0x53: {  	[tilespmem:s22], [sflag:$0x1] =	stream.indirect.gather [hbm4b:s7+s21], $0x80, s12, s21, $0xb8;
	[tilespmem:$0x1DD00] =	vst v63  }
0x54: {  	_ =	swait.ge [sflag:s31], $0x70  }
0x55: {  	[sflag:s31] =	ssyncset.done $0x0  }
0x56: {  	[sflag:s31] =	ssyncadd.s32 $0xFFFFFF90  }
0x57: {  	_ =	swait.ge [sflag:s0], $0x3800  }
0x58: {  	[sflag:s0] =	ssyncset.done $0x0  }
0x59: {  	s9 =	simm.s32 $0x280;
	s8 =	simm.s32 $0xFFFFFB68;
	[sflag:s0] =	ssyncadd.s32 $0xFFFFC800  }
.LBB2_2:
0x5a: {  	[spmem:s1] =	stream.indirect.scatter.add.f32 [tilespmem:s25], [sflag:$0x4], $0x80, s23, s21, $0xb8;
	[tilespmem:$0x1DD00] =	vst v63  }
0x5b: {  	s11 =	smov.u32 s8  }
0x5c: {  	p0 =	sne.s32 s8, $0xFFFFFFE4;
	s8 =	sadd.s32 $0x1C, s8;
	_ =	swait.ge [sflag:s2], $0x3800  }
0x5d: {  	s11 =	sadd.s32 s11, s16;
	[sflag:s2] =	ssyncset.done $0x0  }
0x5e: {  	s12 =	sadd.s32 $0x4DE, s11;
	[sflag:s2] =	ssyncadd.s32 $0xFFFFC800  }
0x5f: {  	[tilespmem:s23], [sflag:$0x6] =	stream.linear.gather [hbm4b:s12+s3], $0x70, $0x38;
	[tilespmem:$0x1DD00] =	vst v63  }
0x60: {  	_ = 	snop  }
0x61: {  	[tilespmem:s25], [sflag:$0x2] =	stream.indirect.gather [hbm4b:s7+s21], $0x80, s9, s21, $0xb8;
	[tilespmem:$0x1DD00] =	vst v63  }
0x62: {  	_ =	swait.ge [sflag:s26], $0x70  }
0x63: {  	[sflag:s26] =	ssyncset.done $0x0  }
0x64: {  	[sflag:s26] =	ssyncadd.s32 $0xFFFFFF90  }
0x65: {  	_ =	swait.ge [sflag:s28], $0x3800  }
0x66: {  	[sflag:s28] =	ssyncset.done $0x0  }
0x67: {  	[sflag:s28] =	ssyncadd.s32 $0xFFFFC800  }
0x68: {  	[spmem:s1] =	stream.indirect.scatter.add.f32 [tilespmem:s22], [sflag:$0x3], $0x80, s20, s21, $0xb8;
	[tilespmem:$0x1DD00] =	vst v63  }
0x69: {  	_ =	swait.ge [sflag:s29], $0x3800  }
0x6a: {  	[sflag:s29] =	ssyncset.done $0x0  }
0x6b: {  	s11 =	sadd.s32 $0x4EC, s11;
	[sflag:s29] =	ssyncadd.s32 $0xFFFFC800  }
0x6c: {  	[tilespmem:s20], [sflag:$0x5] =	stream.linear.gather [hbm4b:s11+s3], $0x70, $0x38;
	[tilespmem:$0x1DD00] =	vst v63  }
0x6d: {  	s11 =	sadd.s32 $0x80, s9  }
0x6e: {  	[tilespmem:s22], [sflag:$0x1] =	stream.indirect.gather [hbm4b:s7+s21], $0x80, s11, s21, $0xb8;
	[tilespmem:$0x1DD00] =	vst v63  }
0x6f: {  	_ =	swait.ge [sflag:s31], $0x70  }
.Ltmp0:
0x70: {  	[sflag:s31] =	ssyncset.done $0x0;
	(pc) =	sbr.rel @p0 .LBB2_2-.Ltmp0, $4  }
0x71: {  	[sflag:s31] =	ssyncadd.s32 $0xFFFFFF90  }
0x72: {  	_ =	swait.ge [sflag:s0], $0x3800  }
0x73: {  	[sflag:s0] =	ssyncset.done $0x0  }
0x74: {  	s9 =	sadd.s32 $0x100, s9;
	[sflag:s0] =	ssyncadd.s32 $0xFFFFC800  }
0x75: {  	[spmem:s1] =	stream.indirect.scatter.add.f32 [tilespmem:s25], [sflag:$0x4], $0x80, s23, s21, $0xb8;
	[tilespmem:$0x1DD00] =	vst v63  }
0x76: {  	_ =	swait.ge [sflag:s2], $0x3800  }
0x77: {  	[sflag:s2] =	ssyncset.done $0x0  }
0x78: {  	[sflag:s2] =	ssyncadd.s32 $0xFFFFC800  }
0x79: {  	[tilespmem:s23], [sflag:$0x6] =	stream.linear.gather [hbm4b:s15+s3], $0x70, $0x38;
	[tilespmem:$0x1DD00] =	vst v63  }
0x7a: {  	_ = 	snop  }
0x7b: {  	[tilespmem:s25], [sflag:$0x2] =	stream.indirect.gather [hbm4b:s7+s21], $0x80, s4, s21, $0xb8;
	[tilespmem:$0x1DD00] =	vst v63  }
0x7c: {  	_ =	swait.ge [sflag:s26], $0x70  }
0x7d: {  	[sflag:s26] =	ssyncset.done $0x0  }
0x7e: {  	[sflag:s26] =	ssyncadd.s32 $0xFFFFFF90  }
0x7f: {  	_ =	swait.ge [sflag:s28], $0x3800  }
0x80: {  	[sflag:s28] =	ssyncset.done $0x0  }
0x81: {  	[sflag:s28] =	ssyncadd.s32 $0xFFFFC800  }
0x82: {  	[spmem:s1] =	stream.indirect.scatter.add.f32 [tilespmem:s22], [sflag:$0x3], $0x80, s20, s21, $0xb8;
	[tilespmem:$0x1DD00] =	vst v63  }
0x83: {  	_ =	swait.ge [sflag:s31], $0x70  }
0x84: {  	[sflag:s31] =	ssyncset.done $0x0  }
0x85: {  	[sflag:s31] =	ssyncadd.s32 $0xFFFFFF90  }
0x86: {  	_ =	swait.ge [sflag:s0], $0x3800  }
0x87: {  	[sflag:s0] =	ssyncset.done $0x0  }
0x88: {  	[sflag:s0] =	ssyncadd.s32 $0xFFFFC800  }
0x89: {  	[spmem:s1] =	stream.indirect.scatter.add.f32 [tilespmem:s25], [sflag:$0x4], $0x80, s23, s21, $0xb8;
	[tilespmem:$0x1DD00] =	vst v63  }
0x8a: {  	_ =	swait.ge [sflag:s29], $0x3800  }
0x8b: {  	[sflag:s29] =	ssyncset.done $0x0  }
0x8c: {  	[sflag:s29] =	ssyncadd.s32 $0xFFFFC800  }
0x8d: {  	_ =	swait.ge [sflag:s2], $0x3800  }
0x8e: {  	[sflag:s2] =	ssyncset.done $0x0  }
0x8f: {  	[sflag:s2] =	ssyncadd.s32 $0xFFFFC800  }
0x90: {  	[bflag:$0x0] =	sbarrier.arrive $0xFFFF  }
0x91: {  	s8 =	rddreg [dreg:$0x6]  }
0x92: {  	[hbm:s8], [sflag:s18] =	dma.local [spmem:s19], $0x2780  }
0x93: {  	_ =	swait.ge [sflag:s17], $0x2780  }
0x94: {  	[sflag:s17] =	ssyncset.done $0x0  }
0x95: {  	[sflag:s17] =	ssyncadd.s32 $0xFFFFD880  }
0x96: {  	[bflag:$0x0] =	sbarrier.arrive $0xFFFF  }
0x97: {  	s11 =	rddreg [dreg:$0x7]  }
0x98: {  	[spmem:s19], [sflag:s18] =	dma.local [hbm:s11], $0x2780  }
0x99: {  	_ =	swait.ge [sflag:s17], $0x2780  }
0x9a: {  	[sflag:s17] =	ssyncset.done $0x0  }
0x9b: {  	[sflag:s17] =	ssyncadd.s32 $0xFFFFD880  }
0x9c: {  	[bflag:$0x0] =	sbarrier.arrive $0xFFFF  }
0x9d: {  	[tilespmem:s20], [sflag:$0x5] =	stream.linear.gather [hbm4b:s6+s3], $0x70, $0x38;
	[tilespmem:$0x1DD00] =	vst v63  }
0x9e: {  	_ = 	snop  }
0x9f: {  	[tilespmem:s22], [sflag:$0x1] =	stream.indirect.gather [hbm4b:s10+s21], $0x80, s3, s21, $0xb8;
	[tilespmem:$0x1DD00] =	vst v63  }
0xa0: {  	_ = 	snop  }
0xa1: {  	[tilespmem:s23], [sflag:$0x6] =	stream.linear.gather [hbm4b:s13+s3], $0x70, $0x38;
	[tilespmem:$0x1DD00] =	vst v63  }
0xa2: {  	_ = 	snop  }
0xa3: {  	[tilespmem:s25], [sflag:$0x2] =	stream.indirect.gather [hbm4b:s10+s21], $0x80, s24, s21, $0xb8;
	[tilespmem:$0x1DD00] =	vst v63  }
0xa4: {  	_ =	swait.ge [sflag:s26], $0x70  }
0xa5: {  	[sflag:s26] =	ssyncset.done $0x0  }
0xa6: {  	[sflag:s26] =	ssyncadd.s32 $0xFFFFFF90  }
0xa7: {  	_ =	swait.ge [sflag:s28], $0x3800  }
0xa8: {  	[sflag:s28] =	ssyncset.done $0x0  }
0xa9: {  	[sflag:s28] =	ssyncadd.s32 $0xFFFFC800  }
0xaa: {  	[spmem:s1] =	stream.indirect.scatter.add.f32 [tilespmem:s22], [sflag:$0x3], $0x80, s20, s21, $0xb8;
	[tilespmem:$0x1DD00] =	vst v63  }
0xab: {  	_ =	swait.ge [sflag:s29], $0x3800  }
0xac: {  	[sflag:s29] =	ssyncset.done $0x0  }
0xad: {  	[sflag:s29] =	ssyncadd.s32 $0xFFFFC800  }
0xae: {  	[tilespmem:s20], [sflag:$0x5] =	stream.linear.gather [hbm4b:s14+s3], $0x70, $0x38;
	[tilespmem:$0x1DD00] =	vst v63  }
0xaf: {  	_ = 	snop  }
0xb0: {  	[tilespmem:s22], [sflag:$0x1] =	stream.indirect.gather [hbm4b:s10+s21], $0x80, s30, s21, $0xb8;
	[tilespmem:$0x1DD00] =	vst v63  }
0xb1: {  	_ =	swait.ge [sflag:s31], $0x70  }
0xb2: {  	[sflag:s31] =	ssyncset.done $0x0  }
0xb3: {  	[sflag:s31] =	ssyncadd.s32 $0xFFFFFF90  }
0xb4: {  	_ =	swait.ge [sflag:s0], $0x3800  }
0xb5: {  	[sflag:s0] =	ssyncset.done $0x0  }
0xb6: {  	[sflag:s0] =	ssyncadd.s32 $0xFFFFC800  }
0xb7: {  	[spmem:s1] =	stream.indirect.scatter.add.f32 [tilespmem:s25], [sflag:$0x4], $0x80, s23, s21, $0xb8;
	[tilespmem:$0x1DD00] =	vst v63  }
0xb8: {  	_ =	swait.ge [sflag:s2], $0x3800  }
0xb9: {  	s12 =	sadd.s32 $0xFFFFFB4C, s16;
	[sflag:s2] =	ssyncset.done $0x0  }
0xba: {  	s9 =	sadd.s32 $0x4DE, s12;
	[sflag:s2] =	ssyncadd.s32 $0xFFFFC800  }
0xbb: {  	[tilespmem:s23], [sflag:$0x6] =	stream.linear.gather [hbm4b:s9+s3], $0x70, $0x38;
	[tilespmem:$0x1DD00] =	vst v63  }
0xbc: {  	s11 =	simm.s32 $0x180  }
0xbd: {  	[tilespmem:s25], [sflag:$0x2] =	stream.indirect.gather [hbm4b:s10+s21], $0x80, s11, s21, $0xb8;
	[tilespmem:$0x1DD00] =	vst v63  }
0xbe: {  	_ =	swait.ge [sflag:s26], $0x70  }
0xbf: {  	[sflag:s26] =	ssyncset.done $0x0  }
0xc0: {  	[sflag:s26] =	ssyncadd.s32 $0xFFFFFF90  }
0xc1: {  	_ =	swait.ge [sflag:s28], $0x3800  }
0xc2: {  	[sflag:s28] =	ssyncset.done $0x0  }
0xc3: {  	[sflag:s28] =	ssyncadd.s32 $0xFFFFC800  }
0xc4: {  	[spmem:s1] =	stream.indirect.scatter.add.f32 [tilespmem:s22], [sflag:$0x3], $0x80, s20, s21, $0xb8;
	[tilespmem:$0x1DD00] =	vst v63  }
0xc5: {  	_ =	swait.ge [sflag:s29], $0x3800  }
0xc6: {  	[sflag:s29] =	ssyncset.done $0x0  }
0xc7: {  	s8 =	sadd.s32 $0x4EC, s12;
	[sflag:s29] =	ssyncadd.s32 $0xFFFFC800  }
0xc8: {  	[tilespmem:s20], [sflag:$0x5] =	stream.linear.gather [hbm4b:s8+s3], $0x70, $0x38;
	[tilespmem:$0x1DD00] =	vst v63  }
0xc9: {  	s12 =	simm.s32 $0x200  }
0xca: {  	[tilespmem:s22], [sflag:$0x1] =	stream.indirect.gather [hbm4b:s10+s21], $0x80, s12, s21, $0xb8;
	[tilespmem:$0x1DD00] =	vst v63  }
0xcb: {  	_ =	swait.ge [sflag:s31], $0x70  }
0xcc: {  	[sflag:s31] =	ssyncset.done $0x0  }
0xcd: {  	[sflag:s31] =	ssyncadd.s32 $0xFFFFFF90  }
0xce: {  	_ =	swait.ge [sflag:s0], $0x3800  }
0xcf: {  	[sflag:s0] =	ssyncset.done $0x0  }
0xd0: {  	s9 =	simm.s32 $0x280;
	s8 =	simm.s32 $0xFFFFFB68;
	[sflag:s0] =	ssyncadd.s32 $0xFFFFC800  }
.LBB2_4:
0xd1: {  	[spmem:s1] =	stream.indirect.scatter.add.f32 [tilespmem:s25], [sflag:$0x4], $0x80, s23, s21, $0xb8;
	[tilespmem:$0x1DD00] =	vst v63  }
0xd2: {  	s11 =	smov.u32 s8  }
0xd3: {  	p0 =	sne.s32 s8, $0xFFFFFFE4;
	s8 =	sadd.s32 $0x1C, s8;
	_ =	swait.ge [sflag:s2], $0x3800  }
0xd4: {  	s11 =	sadd.s32 s11, s16;
	[sflag:s2] =	ssyncset.done $0x0  }
0xd5: {  	s12 =	sadd.s32 $0x4DE, s11;
	[sflag:s2] =	ssyncadd.s32 $0xFFFFC800  }
0xd6: {  	[tilespmem:s23], [sflag:$0x6] =	stream.linear.gather [hbm4b:s12+s3], $0x70, $0x38;
	[tilespmem:$0x1DD00] =	vst v63  }
0xd7: {  	_ = 	snop  }
0xd8: {  	[tilespmem:s25], [sflag:$0x2] =	stream.indirect.gather [hbm4b:s10+s21], $0x80, s9, s21, $0xb8;
	[tilespmem:$0x1DD00] =	vst v63  }
0xd9: {  	_ =	swait.ge [sflag:s26], $0x70  }
0xda: {  	[sflag:s26] =	ssyncset.done $0x0  }
0xdb: {  	[sflag:s26] =	ssyncadd.s32 $0xFFFFFF90  }
0xdc: {  	_ =	swait.ge [sflag:s28], $0x3800  }
0xdd: {  	[sflag:s28] =	ssyncset.done $0x0  }
0xde: {  	[sflag:s28] =	ssyncadd.s32 $0xFFFFC800  }
0xdf: {  	[spmem:s1] =	stream.indirect.scatter.add.f32 [tilespmem:s22], [sflag:$0x3], $0x80, s20, s21, $0xb8;
	[tilespmem:$0x1DD00] =	vst v63  }
0xe0: {  	_ =	swait.ge [sflag:s29], $0x3800  }
0xe1: {  	[sflag:s29] =	ssyncset.done $0x0  }
0xe2: {  	s11 =	sadd.s32 $0x4EC, s11;
	[sflag:s29] =	ssyncadd.s32 $0xFFFFC800  }
0xe3: {  	[tilespmem:s20], [sflag:$0x5] =	stream.linear.gather [hbm4b:s11+s3], $0x70, $0x38;
	[tilespmem:$0x1DD00] =	vst v63  }
0xe4: {  	s11 =	sadd.s32 $0x80, s9  }
0xe5: {  	[tilespmem:s22], [sflag:$0x1] =	stream.indirect.gather [hbm4b:s10+s21], $0x80, s11, s21, $0xb8;
	[tilespmem:$0x1DD00] =	vst v63  }
0xe6: {  	_ =	swait.ge [sflag:s31], $0x70  }
.Ltmp1:
0xe7: {  	[sflag:s31] =	ssyncset.done $0x0;
	(pc) =	sbr.rel @p0 .LBB2_4-.Ltmp1, $4  }
0xe8: {  	[sflag:s31] =	ssyncadd.s32 $0xFFFFFF90  }
0xe9: {  	_ =	swait.ge [sflag:s0], $0x3800  }
0xea: {  	[sflag:s0] =	ssyncset.done $0x0  }
0xeb: {  	s9 =	sadd.s32 $0x100, s9;
	[sflag:s0] =	ssyncadd.s32 $0xFFFFC800  }
0xec: {  	[spmem:s1] =	stream.indirect.scatter.add.f32 [tilespmem:s25], [sflag:$0x4], $0x80, s23, s21, $0xb8;
	[tilespmem:$0x1DD00] =	vst v63  }
0xed: {  	_ =	swait.ge [sflag:s2], $0x3800  }
0xee: {  	[sflag:s2] =	ssyncset.done $0x0  }
0xef: {  	[sflag:s2] =	ssyncadd.s32 $0xFFFFC800  }
0xf0: {  	[tilespmem:s23], [sflag:$0x6] =	stream.linear.gather [hbm4b:s15+s3], $0x70, $0x38;
	[tilespmem:$0x1DD00] =	vst v63  }
0xf1: {  	_ = 	snop  }
0xf2: {  	[tilespmem:s25], [sflag:$0x2] =	stream.indirect.gather [hbm4b:s10+s21], $0x80, s4, s21, $0xb8;
	[tilespmem:$0x1DD00] =	vst v63  }
0xf3: {  	_ =	swait.ge [sflag:s26], $0x70  }
0xf4: {  	[sflag:s26] =	ssyncset.done $0x0  }
0xf5: {  	[sflag:s26] =	ssyncadd.s32 $0xFFFFFF90  }
0xf6: {  	_ =	swait.ge [sflag:s28], $0x3800  }
0xf7: {  	[sflag:s28] =	ssyncset.done $0x0  }
0xf8: {  	[sflag:s28] =	ssyncadd.s32 $0xFFFFC800  }
0xf9: {  	[spmem:s1] =	stream.indirect.scatter.add.f32 [tilespmem:s22], [sflag:$0x3], $0x80, s20, s21, $0xb8;
	[tilespmem:$0x1DD00] =	vst v63  }
0xfa: {  	_ =	swait.ge [sflag:s31], $0x70  }
0xfb: {  	[sflag:s31] =	ssyncset.done $0x0  }
0xfc: {  	[sflag:s31] =	ssyncadd.s32 $0xFFFFFF90  }
0xfd: {  	_ =	swait.ge [sflag:s0], $0x3800  }
0xfe: {  	[sflag:s0] =	ssyncset.done $0x0  }
0xff: {  	[sflag:s0] =	ssyncadd.s32 $0xFFFFC800  }
0x100: {  	[spmem:s1] =	stream.indirect.scatter.add.f32 [tilespmem:s25], [sflag:$0x4], $0x80, s23, s21, $0xb8;
	[tilespmem:$0x1DD00] =	vst v63  }
0x101: {  	_ =	swait.ge [sflag:s29], $0x3800  }
0x102: {  	[sflag:s29] =	ssyncset.done $0x0  }
0x103: {  	[sflag:s29] =	ssyncadd.s32 $0xFFFFC800  }
0x104: {  	_ =	swait.ge [sflag:s2], $0x3800  }
0x105: {  	[sflag:s2] =	ssyncset.done $0x0  }
0x106: {  	[sflag:s2] =	ssyncadd.s32 $0xFFFFC800  }
0x107: {  	[bflag:$0x0] =	sbarrier.arrive $0xFFFF  }
0x108: {  	s8 =	rddreg [dreg:$0x8]  }
0x109: {  	[hbm:s8], [sflag:s18] =	dma.local [spmem:s19], $0x2780  }
0x10a: {  	_ =	swait.ge [sflag:s17], $0x2780  }
0x10b: {  	s5 =	sadd.s32 $0x1, s5;
	s12 =	rddreg [dreg:$0x9]  }
0x10c: {  	p0 =	sne.s32 s5, s12  }
.Ltmp2:
0x10d: {  	_ = 	snop;
	(pc) =	sbr.rel @p0 .LBB2_1-.Ltmp2, $3  }
0x10e: {  	[sflag:s17] =	ssyncset.done $0x0  }
0x10f: {  	[sflag:s17] =	ssyncadd.s32 $0xFFFFD880  }
0x110: {  	[bflag:$0x0] =	sbarrier.arrive $0xFFFF;
	_ =	sdelay $0x1  }
0x111: {  	_ =	sfence.sel $0x180000  }
0x112: {  	[bflag:$0x0] =	sbarrier.arrive $0xFFFF  }
0x113: {  	_ =	strace $0x90000050  }
0x114: {  	s0 =	stileid.u32;
	[bflag:$0x2] =	sbarrier.arrive $0xFFFF  }
0x115: {  	p0 =	sne.s32 s0, $0x0;
	s0 =	rddreg [dreg:$0x3]  }
0x116: {  	s0 =	sadd.s32 @!p0 $0x100000, s0  }
0x117: {  	[sflag:s0] =	ssyncadd.tile.s32 @!p0 $0x1;
	_ =	shalt  }
.Lfunc_end2:
_tile_overlayer_lowered:
.L_overlay_start_2:
0x118: {  	(tag) =	ssettag $0x2  }
0x119: {  	s0 =	rddreg [dreg:$0x0];
	s2 =	stileid.u32  }
0x11a: {  	s1 =	rddreg [dreg:$0x1];
	p0 =	sne.s32 s2, $0x0  }
0x11b: {  	s3 =	rddreg [dreg:$0x2];
	[bflag:$0x3] =	sbarrier.arrive $0xFFFF;
	s2 =	simm.s32 @!p0 $0x1C07  }
0x11c: {  	[timem:s3], [sflag:s2] =	dma.local @!p0 [hbm:s0], s1  }
0x11d: {  	s0 =	simm.s32 @!p0 $0x7  }
0x11e: {  	_ =	swait.ge @!p0 [sflag:s0], s1  }
0x11f: {  	s1 =	ssub.s32 @!p0 $0x0, s1;
	[sflag:s0] =	ssyncset.done @!p0 $0x0  }
0x120: {  	[sflag:s0] =	ssyncadd.s32 @!p0 s1  }
0x121: {  	[bflag:$0x3] =	sbarrier.arrive $0xFFFF  }
0x122: {  	_ =	shalt  }

// kernel: kernel.23.cloned.1.call-start
scs
__scs_entry_jumppad:
0x0: {  	(pc) =	sbr.rel $0x88, $3  }
0x1: {  	(tag) =	ssettag $0x0;
	lr =	simm.s32 $0x1  }
0x2: {  	[smem:$0x3F96] =	sst lr;
	_ =	strace $0xD0000000  }
0x3: {  	_ = 	snop  }
0x4: {  	_ = 	snop  }
0x5: {  	_ = 	snop  }
0x6: {  	_ = 	snop  }
0x7: {  	_ = 	snop  }
__scs_overlays_trampoline_lowered:
0x8: {  	[smem:$0x3FA5] =	sst s0  }
0x9: {  	[smem:$0x3FA6] =	sst s1  }
0xa: {  	[smem:$0x3FA7] =	sst s2  }
0xb: {  	[smem:$0x3FA8] =	sst s3  }
0xc: {  	[smem:$0x3FA9] =	sst s4  }
0xd: {  	[smem:$0x3FAA] =	sst s5  }
0xe: {  	[smem:$0x3FAB] =	sst s6  }
0xf: {  	[smem:$0x3FAC] =	sst s7  }
0x10: {  	[smem:$0x3FAD] =	sst s8  }
0x11: {  	[smem:$0x3FAE] =	sst s9;
	s0 =	simm.s32 @!p0 $0x0  }
0x12: {  	s1 =	sld [smem:$0x3F94];
	s0 =	simm.s32 @p0 $0x1  }
0x13: {  	[smem:$0x3FAF] =	sst s0;
	s0 =	simm.s32 @!p1 $0x0  }
0x14: {  	s2 =	sld [smem:$0x3F93];
	s0 =	simm.s32 @p1 $0x1  }
0x15: {  	[smem:$0x3FB0] =	sst s0;
	s0 =	simm.s32 @!p2 $0x0  }
0x16: {  	s3 =	sld [smem:$0x3FDB];
	s0 =	simm.s32 @p2 $0x1  }
0x17: {  	s4 =	simm.s32 $0x1BF5;
	[smem:$0x3FB2] =	sst s0  }
0x18: {  	s0 =	sld [smem:$0x3F95];
	_ =	swait.ge [sflag:s4], $0x0  }
0x19: {  	s7 =	sld [smem:$0x3F96]  }
0x1a: {  	s8 =	sadd.s32 $0xFFFFE003, lr  }
0x1b: {  	s9 =	sadd.s32 $0xFFFFFEF7, lr;
	s5 =	simm.s32 $0xFFFFFFFF;
	p2 =	slt.u32 s8, $0xFFFFF086  }
0x1c: {  	p1 =	slt.u32 s9, $0xF7A;
	s5 =	simm.s32 @!p2 $0x0  }
0x1d: {  	s5 =	simm.s32 @p1 $0x1;
	p0 =	seq.s32 s7, s2  }
0x1e: {  	s7 =	smul.u32 @!p0 $0xF7A, s2;
	p2 =	seq.s32 @!p0 s5, $0x0  }
0x1f: {  	s9 =	smul.u32 $0xF7A, s1;
	s8 =	simm.s32 @!p0 $0x1BF5;
	p2 =	por !p2, p0  }
0x20: {  	[sflag:s8] =	ssyncset.s32 @!p0 $0xFFFFF086;
	s6 =	sadd.s32 @!p0 s3, s7;
	s7 =	simm.s32 @!p0 $0x108  }
0x21: {  	s3 =	sadd.s32 s3, s9;
	s6 =	sadd.s32 @!p0 $0x88, s6;
	s7 =	simm.s32 @p2 $0x1082  }
0x22: {  	[simem:s7], [sflag:s8] =	dma.local @!p0 [hbm:s6], $0xF7A  }
0x23: {  	s9 =	sor.u32 $0xD0000000, s2;
	s6 =	simm.s32 $0x108;
	_ =	swait.ge @!p0 [sflag:s8], $0x0  }
0x24: {  	s3 =	sadd.s32 $0x88, s3;
	s6 =	simm.s32 @!p1 $0x1082;
	[sflag:s4] =	ssyncset.s32 $0xFFFFF086  }
0x25: {  	[simem:s6], [sflag:s4] =	dma.local [hbm:s3], $0xF7A  }
0x26: {  	[smem:$0x3F96] =	sst s1;
	(tag) =	ssettag s2;
	_ =	strace s9  }
0x27: {  	s1 =	sld [smem:$0x3FA6]  }
0x28: {  	s2 =	sld [smem:$0x3FA7]  }
0x29: {  	s4 =	sld [smem:$0x3FA9]  }
0x2a: {  	p0 =	seq.s32 s5, $0x0;
	s5 =	sld [smem:$0x3FAA]  }
0x2b: {  	s6 =	sld [smem:$0x3FAB]  }
0x2c: {  	s7 =	sld [smem:$0x3FAC]  }
0x2d: {  	s3 =	simm.s32 $0x108;
	s8 =	sld [smem:$0x3FAD]  }
0x2e: {  	s3 =	simm.s32 @!p0 $0x1082;
	s9 =	sld [smem:$0x3FAE]  }
0x2f: {  	lr =	sadd.s32 s0, s3;
	s0 =	sld [smem:$0x3FA5]  }
0x30: {  	s3 =	sld [smem:$0x3FA8]  }
0x31: {  	[smem:$0x3FB1] =	sst s10  }
0x32: {  	s10 =	sld [smem:$0x3FAF];
	_ =	sdelay $0x3  }
0x33: {  	p0 =	seq.s32 s10, $0x1;
	s10 =	sld [smem:$0x3FB1];
	_ =	sdelay $0x3  }
0x34: {  	[smem:$0x3FB1] =	sst s10  }
0x35: {  	s10 =	sld [smem:$0x3FB0];
	_ =	sdelay $0x3  }
0x36: {  	p1 =	seq.s32 s10, $0x1;
	s10 =	sld [smem:$0x3FB1];
	_ =	sdelay $0x3  }
0x37: {  	[smem:$0x3FB1] =	sst s10  }
0x38: {  	s10 =	sld [smem:$0x3FB2]  }
0x39: {  	_ = 	snop;
	(pc) =	sbr.ind lr, $3  }
0x3a: {  	_ = 	snop  }
0x3b: {  	_ = 	snop  }
0x3c: {  	p2 =	seq.s32 s10, $0x1;
	s10 =	sld [smem:$0x3FB1]  }
0x3d: {  	_ =	shalt  }
0x3e: {  	_ =	shalt  }
0x3f: {  	_ =	shalt  }
0x40: {  	_ =	shalt  }
0x41: {  	_ =	shalt  }
0x42: {  	_ =	shalt  }
0x43: {  	_ =	shalt  }
0x44: {  	_ =	shalt  }
0x45: {  	_ =	shalt  }
0x46: {  	_ =	shalt  }
0x47: {  	_ =	shalt  }
0x48: {  	_ =	shalt  }
0x49: {  	_ =	shalt  }
0x4a: {  	_ =	shalt  }
0x4b: {  	_ =	shalt  }
0x4c: {  	_ =	shalt  }
0x4d: {  	_ =	shalt  }
0x4e: {  	_ =	shalt  }
0x4f: {  	_ =	shalt  }
0x50: {  	_ =	shalt  }
0x51: {  	_ =	shalt  }
0x52: {  	_ =	shalt  }
0x53: {  	_ =	shalt  }
0x54: {  	_ =	shalt  }
0x55: {  	_ =	shalt  }
0x56: {  	_ =	shalt  }
0x57: {  	_ =	shalt  }
0x58: {  	_ =	shalt  }
0x59: {  	_ =	shalt  }
0x5a: {  	_ =	shalt  }
0x5b: {  	_ =	shalt  }
0x5c: {  	_ =	shalt  }
0x5d: {  	_ =	shalt  }
0x5e: {  	_ =	shalt  }
0x5f: {  	_ =	shalt  }
0x60: {  	_ =	shalt  }
0x61: {  	_ =	shalt  }
0x62: {  	_ =	shalt  }
0x63: {  	_ =	shalt  }
0x64: {  	_ =	shalt  }
0x65: {  	_ =	shalt  }
0x66: {  	_ =	shalt  }
0x67: {  	_ =	shalt  }
0x68: {  	_ =	shalt  }
0x69: {  	_ =	shalt  }
0x6a: {  	_ =	shalt  }
0x6b: {  	_ =	shalt  }
0x6c: {  	_ =	shalt  }
0x6d: {  	_ =	shalt  }
0x6e: {  	_ =	shalt  }
0x6f: {  	_ =	shalt  }
0x70: {  	_ =	shalt  }
0x71: {  	_ =	shalt  }
0x72: {  	_ =	shalt  }
0x73: {  	_ =	shalt  }
0x74: {  	_ =	shalt  }
0x75: {  	_ =	shalt  }
0x76: {  	_ =	shalt  }
0x77: {  	_ =	shalt  }
0x78: {  	_ =	shalt  }
0x79: {  	_ =	shalt  }
0x7a: {  	_ =	shalt  }
0x7b: {  	_ =	shalt  }
0x7c: {  	_ =	shalt  }
0x7d: {  	_ =	shalt  }
0x7e: {  	_ =	shalt  }
0x7f: {  	_ =	shalt  }
0x80: {  	_ =	shalt  }
0x81: {  	_ =	shalt  }
0x82: {  	_ =	shalt  }
0x83: {  	_ =	shalt  }
0x84: {  	_ =	shalt  }
0x85: {  	_ =	shalt  }
0x86: {  	_ =	shalt  }
0x87: {  	_ =	shalt  }
.Lfunc_end0:
.L_simem_size_0:
called_computation.4_lowered:
.L_overlay_start_0:
0x88: {  	s2 =	sld [smem:$0x3FD9]  }
0x89: {  	s3 =	sld [smem:$0x3FFE];
	_ =	sdelay $0x1  }
0x8a: {  	s1 =	srdreg.scid  }
0x8b: {  	s0 =	sand.u32 $0x1, s1  }
0x8c: {  	s14 =	sshll.u32 s0, $0xA;
	s2 =	sadd.s32 s3, s2  }
0x8d: {  	s2 =	sadd.s32 s2, s14  }
0x8e: {  	[smem:$0x3FBD] =	sst s2  }
0x8f: {  	_ = 	snop  }
0x90: {  	s2 =	sld [smem:$0x3FD0];
	_ =	sdelay $0x2  }
0x91: {  	s15 =	simm.s32 $0xA;
	s4 =	simm.s32 $0x10  }
0x92: {  	[smem:s4], [sflag:s15] =	dma.local [hbm:s2], $0x1  }
0x93: {  	_ =	swait.eq [sflag:s15], $0x1  }
0x94: {  	[sflag:s15] =	ssyncset.done $0x0  }
0x95: {  	s16 =	sld [smem:$0x10];
	[sflag:s15] =	ssyncadd.s32 $0xFFFFFFFF  }
0x96: {  	s17 =	sld [smem:$0x13];
	(tm) =	ssettm $0x1  }
0x97: {  	s18 =	sld [smem:$0x3FFB];
	_ =	sdelay $0x3  }
0x98: {  	_ =	strace s18  }
0x99: {  	s4 =	sld [smem:$0x3FFC];
	_ =	sdelay $0x3  }
0x9a: {  	_ =	strace s4  }
0x9b: {  	s4 =	sld [smem:$0x3FFD];
	_ =	sdelay $0x3  }
0x9c: {  	_ =	strace s4  }
0x9d: {  	_ =	strace $0x8FFFFFFF  }
0x9e: {  	s19 =	sld [smem:$0x3FDB];
	_ =	sdelay $0x1  }
0x9f: {  	s5 =	simm.s32 $_scs_section_size  }
0xa0: {  	s6 =	simm.s32 $_size__tile_overlayer_lowered;
	s7 =	simm.s32 $_tile_overlayer_lowered  }
0xa1: {  	s22 =	simm.s32 $0x1BFF;
	s21 =	sshll.u32 s7, $0x1;
	s4 =	sadd.s32 s5, s19  }
0xa2: {  	s8 =	simm.s32 $0x0;
	s20 =	sshll.u32 s6, $0x1;
	s6 =	sadd.s32 s21, s4  }
0xa3: {  	[timem:s8], [sflag:s22] =	dma.local [hbm:s6], s20  }
0xa4: {  	_ =	swait.ge [sflag:s22], s20  }
0xa5: {  	s5 =	ssub.s32 $0x0, s20;
	[sflag:s22] =	ssyncset.done $0x0  }
0xa6: {  	[sflag:s22] =	ssyncadd.s32 s5;
	_ =	sdelay $0x1  }
0xa7: {  	s23 =	simm.s32 $0x1B8B  }
0xa8: {  	_ =	swait.ge [sflag:s23], $0x1  }
0xa9: {  	[sflag:s23] =	ssyncset.done $0x0  }
0xaa: {  	s25 =	simm.s32 $0x1B8E;
	s24 =	sld [smem:$0x3FFE];
	[sflag:s23] =	ssyncadd.s32 $0xFFFFFFFF  }
0xab: {  	s26 =	simm.s32 $execute0_lowered;
	[smem:$0x3FD2] =	sst s25  }
0xac: {  	s6 =	sshll.u32 s26, $0x1;
	_ =	strace $0x80000052;
	[dreg:$0x1] =	wrdreg $0xFFFFFFFF  }
0xad: {  	s28 =	simm.s32 $_size_execute0_lowered;
	s4 =	sadd.s32 s4, s6;
	[dreg:$0x0] =	wrdreg $0x0  }
0xae: {  	s6 =	sshll.u32 s28, $0x1;
	[dreg:$0x2] =	wrdreg s4  }
0xaf: {  	[dreg:$0x3] =	wrdreg s6  }
0xb0: {  	[dreg:$0x4] =	wrdreg $0xC0  }
0xb1: {  	_ =	task [dreg:s8], $0x5FFFF  }
0xb2: {  	[dreg:$0x1] =	wrdreg $0xFFFFFFFF  }
0xb3: {  	[dreg:$0x0] =	wrdreg $0x60  }
0xb4: {  	[dreg:$0x2] =	wrdreg s17  }
0xb5: {  	[dreg:$0x3] =	wrdreg s24  }
0xb6: {  	[dreg:$0x4] =	wrdreg s16  }
0xb7: {  	[dreg:$0x5] =	wrdreg $0x9  }
0xb8: {  	_ =	task.clear_ibuf [dreg:s8], $0x6FFFF;
	_ =	strace $0x90000052  }
0xb9: {  	s29 =	simm.s32 $0x9;
	_ =	strace $0x80000054  }
0xba: {  	_ =	swait.ge [sflag:s29], $0x1  }
0xbb: {  	[sflag:s29] =	ssyncadd.s32 $0xFFFFFFFF  }
0xbc: {  	_ =	strace $0x90000054  }
0xbd: {  	_ =	sfence  }
0xbe: {  	s30 =	sld [smem:$0x0];
	_ =	sdelay $0x2  }
0xbf: {  	s31 =	sshll.u32 s1, $0xD;
	s1 =	sshrl.u32 s1, $0x2  }
0xc0: {  	s3 =	sand.u32 $0x4000, s31;
	s1 =	sadd.s32 s1, s30  }
0xc1: {  	s0 =	sor.u32 s3, s0;
	s1 =	sshll.u32 s1, $0x11  }
0xc2: {  	s0 =	sor.u32 s1, s0  }
0xc3: {  	s0 =	sadd.s32 $0x8F2B, s0  }
0xc4: {  	[sflag:s0] =	ssyncadd.remote.s32 $0x1  }
0xc5: {  	_ =	sfence.sel $0xFFFF  }
0xc6: {  	[dreg:$0x0] =	wrdreg $0xFFFFFFFF;
	(pc) =	sbr.abs _section_cstart, $3  }
0xc7: {  	[dreg:$0x1] =	wrdreg $0xFFFFFFFF  }
0xc8: {  	_ =	task.clear_ibuf [dreg:s8], $0x2FFFF;
	_ =	strace $0x9FFFFFFF  }
0xc9: {  	(tm) =	ssettm $0x7FFFFFFF  }
tec
execute0_lowered:
.L_overlay_start_1:
0x0: {  	(tag) =	ssettag $0x1  }
0x1: {  	s1 =	rddreg [dreg:$0x0]  }
0x2: {  	s0 =	rddreg [dreg:$0x1];
	s4 =	simm.s32 $0x0  }
0x3: {  	s2 =	srdreg.scid;
	s3 =	stileid.u32;
	s18 =	simm.s32 $0x5  }
0x4: {  	s20 =	simm.s32 $0x200;
	s29 =	simm.s32 $0x6200;
	s23 =	simm.s32 $0x12200  }
0x5: {  	s17 =	simm.s32 $0x17200;
	s11 =	simm.s32 $0x1;
	s16 =	simm.s32 $0x3  }
0x6: {  	s19 =	simm.s32 $0x18200;
	s21 =	simm.s32 $0x2;
	s22 =	simm.s32 $0x4  }
0x7: {  	[smem:$0x7FF] =	sst s4;
	s2 =	sand.u32 $0x1, s2;
	s5 =	sadd.s32 $0x2200, s0  }
0x8: {  	s3 =	sshll.u32 s3, $0x1;
	s7 =	sadd.s32 $0x148400, s0;
	s8 =	sadd.s32 $0x145200, s0  }
0x9: {  	v49 =	vlaneseq.u32;
	s9 =	sadd.s32 $0x9E600, s0;
	s12 =	sadd.s32 $0x100, s1;
	s6 =	sor.u32 s2, s3  }
0xa: {  	vm0 =	vmmov $0xffff;
	s13 =	sadd.s32 $0x2300, s0;
	v0 =	vand.u32 $0x7, v49;
	s10 =	ssub.s32 $0x2, s2;
	s3 =	smul.u32 $0x6, s6  }
0xb: {  	v2 =	vshrl.u32 v49, $0x3;
	v63 =	vor.u32 $0x8, v49;
	v50 =	vor.u32 $0x10, v49;
	_ =	strace $0x80000053;
	s26 =	sshrl.u32 s10, $0x1;
	s30 =	sor.u32 $0x40, s6  }
0xc: {  	v51 =	vor.u32 $0x20, v49;
	v52 =	vor.u32 $0x30, v49;
	v53 =	vor.u32 $0x40, v49;
	s14 =	sor.u32 $0x20, s6;
	[dreg:$0x6] =	wrdreg s30;
	s28 =	sadd.s32 s7, s3  }
0xd: {  	v54 =	vor.u32 $0x50, v49;
	v55 =	vor.u32 $0x60, v49;
	[tilespmem:$0x1FFD0] =	vst v0;
	v62 =	vmul.u32 $0x8, v2;
	s2 =	ssub.s32 s10, s26;
	s3 =	sadd.s32 s8, s3;
	[dreg:$0x4] =	wrdreg s28  }
0xe: {  	v56 =	vor.u32 $0x70, v49;
	v57 =	vor.u32 $0x400, v49;
	v58 =	vor.u32 $0x410, v49;
	[tilespmem:$0x1FFF0] =	vst v63;
	s10 =	simm.s32 $0x17A00;
	s31 =	smax.u32 s2, $0x1;
	[dreg:$0x5] =	wrdreg s3  }
0xf: {  	v59 =	vor.u32 $0x420, v49;
	v60 =	vor.u32 $0x430, v49;
	v61 =	vor.u32 $0x440, v49;
	[tilespmem:$0x1FFE0] =	vst v62;
	s2 =	simm.s32 $0x0;
	[dreg:$0x7] =	wrdreg s31;
	s3 =	simm.s32 $0xC200  }
.LBB2_1:
0x10: {  	[dreg:$0x8] =	wrdreg s2  }
0x11: {  	s0 =	rddreg [dreg:$0x2];
	s30 =	simm.s32 $0x18380  }
0x12: {  	[tilespmem:s30], [sflag:$0x5] =	stream.linear.gather [hbm4b:s0+s4], $0x80, $0x38;
	[tilespmem:$0x18400] =	vst v63  }
0x13: {  	_ =	swait.ge [sflag:s18], $0x80  }
0x14: {  	[sflag:s18] =	ssyncset.done $0x0  }
0x15: {  	s31 =	rddreg [dreg:$0x4];
	[sflag:s18] =	ssyncadd.s32 $0xFFFFFF80  }
0x16: {  	[tilespmem:s4], [sflag:$0x5] =	stream.linear.gather [hbm4b:s31+s4], $0x30, $0x38;
	[tilespmem:$0x18400] =	vst v63  }
0x17: {  	_ =	swait.ge [sflag:s18], $0x30  }
0x18: {  	[sflag:s18] =	ssyncset.done $0x0  }
0x19: {  	s15 =	simm.s32 $0x100;
	s2 =	rddreg [dreg:$0x5];
	[sflag:s18] =	ssyncadd.s32 $0xFFFFFFD0  }
0x1a: {  	[tilespmem:s15], [sflag:$0x5] =	stream.linear.gather [hbm4b:s2+s4], $0x30, $0x38;
	[tilespmem:$0x18400] =	vst v63  }
0x1b: {  	_ =	swait.ge [sflag:s18], $0x30  }
0x1c: {  	[sflag:s18] =	ssyncset.done $0x0  }
0x1d: {  	[sflag:s18] =	ssyncadd.s32 $0xFFFFFFD0  }
0x1e: {  	v16 =	vld [tilespmem:$0x0];
	_ =	sdelay $0x2  }
0x1f: {  	v0 =	vld [tilespmem:$0x1FFD0];
	_ =	sdelay $0x1  }
0x20: {  	v1 =	vld [tilespmem:$0x1FFE0];
	v17 =	vshll.u32 v16, $0x2  }
0x21: {  	v16 =	vand.u32 $0x7, v16;
	v17 =	vand.u32 $0xFFFFFFE0, v17  }
0x22: {  	v2 =	vld [tilespmem:$0x1FFF0];
	v16 =	vor.u32 v16, v17  }
0x23: {  	v17 =	vperm.xlane v16, v0;
	_ =	sdelay $0x1  }
0x24: {  	v17 =	vadd.s32 v1, v17;
	_ =	sdelay $0x1  }
0x25: {  	v16 =	vperm.xlane v16, v2;
	_ =	sdelay $0x1  }
0x26: {  	v16 =	vadd.s32 v1, v16  }
0x27: {  	[tilespmem:s20], [sflag:$0x1] =	stream.indirect_vreg.gather [hbm4b:s1+s4], $0x80, v17, vm0, $0xb8;
	[tilespmem:$0x18400] =	vst v63  }
0x28: {  	s24 =	simm.s32 $0xA00  }
0x29: {  	[tilespmem:s24], [sflag:$0x1] =	stream.indirect_vreg.gather [hbm4b:s12+s4], $0x80, v17, vm0, $0xb8;
	[tilespmem:$0x18400] =	vst v63  }
0x2a: {  	s25 =	simm.s32 $0x1200  }
0x2b: {  	[tilespmem:s25], [sflag:$0x1] =	stream.indirect_vreg.gather [hbm4b:s1+s4], $0x80, v16, vm0, $0xb8;
	[tilespmem:$0x18400] =	vst v63  }
0x2c: {  	s26 =	simm.s32 $0x1A00  }
0x2d: {  	[tilespmem:s26], [sflag:$0x1] =	stream.indirect_vreg.gather [hbm4b:s12+s4], $0x80, v16, vm0, $0xb8;
	[tilespmem:$0x18400] =	vst v63  }
0x2e: {  	v16 =	vld [tilespmem:$0x10];
	_ =	sdelay $0x4  }
0x2f: {  	v46 =	vshll.u32 v16, $0x2  }
0x30: {  	v16 =	vand.u32 $0x7, v16;
	v17 =	vand.u32 $0xFFFFFFE0, v46  }
0x31: {  	v16 =	vor.u32 v16, v17  }
0x32: {  	v17 =	vperm.xlane v16, v0;
	_ =	sdelay $0x1  }
0x33: {  	v17 =	vadd.s32 v1, v17;
	_ =	sdelay $0x1  }
0x34: {  	v16 =	vperm.xlane v16, v2;
	_ =	sdelay $0x1  }
0x35: {  	s28 =	simm.s32 $0x2200;
	v16 =	vadd.s32 v1, v16  }
0x36: {  	[tilespmem:s28], [sflag:$0x1] =	stream.indirect_vreg.gather [hbm4b:s1+s4], $0x80, v17, vm0, $0xb8;
	[tilespmem:$0x18400] =	vst v63  }
0x37: {  	s30 =	simm.s32 $0x2A00  }
0x38: {  	[tilespmem:s30], [sflag:$0x1] =	stream.indirect_vreg.gather [hbm4b:s12+s4], $0x80, v17, vm0, $0xb8;
	[tilespmem:$0x18400] =	vst v63  }
0x39: {  	s31 =	simm.s32 $0x3200  }
0x3a: {  	[tilespmem:s31], [sflag:$0x1] =	stream.indirect_vreg.gather [hbm4b:s1+s4], $0x80, v16, vm0, $0xb8;
	[tilespmem:$0x18400] =	vst v63  }
0x3b: {  	s2 =	simm.s32 $0x3A00  }
0x3c: {  	[tilespmem:s2], [sflag:$0x1] =	stream.indirect_vreg.gather [hbm4b:s12+s4], $0x80, v16, vm0, $0xb8;
	[tilespmem:$0x18400] =	vst v63  }
0x3d: {  	v16 =	vld [tilespmem:$0x20];
	_ =	sdelay $0x4  }
0x3e: {  	v47 =	vshll.u32 v16, $0x2  }
0x3f: {  	v16 =	vand.u32 $0x7, v16;
	v17 =	vand.u32 $0xFFFFFFE0, v47  }
0x40: {  	v16 =	vor.u32 v16, v17  }
0x41: {  	v17 =	vperm.xlane v16, v0;
	_ =	sdelay $0x1  }
0x42: {  	v17 =	vadd.s32 v1, v17;
	_ =	sdelay $0x1  }
0x43: {  	v16 =	vperm.xlane v16, v2;
	_ =	sdelay $0x1  }
0x44: {  	s15 =	simm.s32 $0x4200;
	v16 =	vadd.s32 v1, v16  }
0x45: {  	[tilespmem:s15], [sflag:$0x1] =	stream.indirect_vreg.gather [hbm4b:s1+s4], $0x80, v17, vm0, $0xb8;
	[tilespmem:$0x18400] =	vst v63  }
0x46: {  	s24 =	simm.s32 $0x4A00  }
0x47: {  	[tilespmem:s24], [sflag:$0x1] =	stream.indirect_vreg.gather [hbm4b:s12+s4], $0x80, v17, vm0, $0xb8;
	[tilespmem:$0x18400] =	vst v63  }
0x48: {  	s25 =	simm.s32 $0x5200  }
0x49: {  	[tilespmem:s25], [sflag:$0x1] =	stream.indirect_vreg.gather [hbm4b:s1+s4], $0x80, v16, vm0, $0xb8;
	[tilespmem:$0x18400] =	vst v63  }
0x4a: {  	s26 =	simm.s32 $0x5A00  }
0x4b: {  	[tilespmem:s26], [sflag:$0x1] =	stream.indirect_vreg.gather [hbm4b:s12+s4], $0x80, v16, vm0, $0xb8;
	[tilespmem:$0x18400] =	vst v63  }
0x4c: {  	v16 =	vld [tilespmem:$0x100];
	_ =	sdelay $0x4  }
0x4d: {  	v48 =	vshll.u32 v16, $0x2  }
0x4e: {  	v16 =	vand.u32 $0x7, v16;
	v17 =	vand.u32 $0xFFFFFFE0, v48  }
0x4f: {  	v16 =	vor.u32 v16, v17  }
0x50: {  	v17 =	vperm.xlane v16, v0;
	_ =	sdelay $0x1  }
0x51: {  	v17 =	vadd.s32 v1, v17;
	_ =	sdelay $0x1  }
0x52: {  	v16 =	vperm.xlane v16, v2;
	_ =	sdelay $0x1  }
0x53: {  	v16 =	vadd.s32 v1, v16  }
0x54: {  	[tilespmem:s3], [sflag:$0x3] =	stream.indirect_vreg.gather [hbm4b:s5+s4], $0x80, v17, vm0, $0xb8;
	[tilespmem:$0x18400] =	vst v63  }
0x55: {  	s28 =	simm.s32 $0xCA00  }
0x56: {  	[tilespmem:s28], [sflag:$0x3] =	stream.indirect_vreg.gather [hbm4b:s13+s4], $0x80, v17, vm0, $0xb8;
	[tilespmem:$0x18400] =	vst v63  }
0x57: {  	s30 =	simm.s32 $0xD200  }
0x58: {  	[tilespmem:s30], [sflag:$0x3] =	stream.indirect_vreg.gather [hbm4b:s5+s4], $0x80, v16, vm0, $0xb8;
	[tilespmem:$0x18400] =	vst v63  }
0x59: {  	s31 =	simm.s32 $0xDA00  }
0x5a: {  	[tilespmem:s31], [sflag:$0x3] =	stream.indirect_vreg.gather [hbm4b:s13+s4], $0x80, v16, vm0, $0xb8;
	[tilespmem:$0x18400] =	vst v63  }
0x5b: {  	v16 =	vld [tilespmem:$0x110];
	_ =	sdelay $0x4  }
0x5c: {  	v62 =	vshll.u32 v16, $0x2  }
0x5d: {  	v16 =	vand.u32 $0x7, v16;
	v17 =	vand.u32 $0xFFFFFFE0, v62  }
0x5e: {  	v16 =	vor.u32 v16, v17  }
0x5f: {  	v17 =	vperm.xlane v16, v0;
	_ =	sdelay $0x1  }
0x60: {  	v17 =	vadd.s32 v1, v17;
	_ =	sdelay $0x1  }
0x61: {  	v16 =	vperm.xlane v16, v2;
	_ =	sdelay $0x1  }
0x62: {  	s2 =	simm.s32 $0xE200;
	v16 =	vadd.s32 v1, v16  }
0x63: {  	[tilespmem:s2], [sflag:$0x3] =	stream.indirect_vreg.gather [hbm4b:s5+s4], $0x80, v17, vm0, $0xb8;
	[tilespmem:$0x18400] =	vst v63  }
0x64: {  	s15 =	simm.s32 $0xEA00  }
0x65: {  	[tilespmem:s15], [sflag:$0x3] =	stream.indirect_vreg.gather [hbm4b:s13+s4], $0x80, v17, vm0, $0xb8;
	[tilespmem:$0x18400] =	vst v63  }
0x66: {  	s24 =	simm.s32 $0xF200  }
0x67: {  	[tilespmem:s24], [sflag:$0x3] =	stream.indirect_vreg.gather [hbm4b:s5+s4], $0x80, v16, vm0, $0xb8;
	[tilespmem:$0x18400] =	vst v63  }
0x68: {  	s25 =	simm.s32 $0xFA00  }
0x69: {  	[tilespmem:s25], [sflag:$0x3] =	stream.indirect_vreg.gather [hbm4b:s13+s4], $0x80, v16, vm0, $0xb8;
	[tilespmem:$0x18400] =	vst v63  }
0x6a: {  	v16 =	vld [tilespmem:$0x120];
	_ =	sdelay $0x4  }
0x6b: {  	v63 =	vshll.u32 v16, $0x2  }
0x6c: {  	v16 =	vand.u32 $0x7, v16;
	v17 =	vand.u32 $0xFFFFFFE0, v63  }
0x6d: {  	v16 =	vor.u32 v16, v17  }
0x6e: {  	v17 =	vperm.xlane v16, v0;
	_ =	sdelay $0x1  }
0x6f: {  	v17 =	vadd.s32 v1, v17;
	_ =	sdelay $0x1  }
0x70: {  	v16 =	vperm.xlane v16, v2;
	_ =	sdelay $0x1  }
0x71: {  	s26 =	simm.s32 $0x10200;
	v16 =	vadd.s32 v1, v16  }
0x72: {  	[tilespmem:s26], [sflag:$0x3] =	stream.indirect_vreg.gather [hbm4b:s5+s4], $0x80, v17, vm0, $0xb8;
	[tilespmem:$0x18400] =	vst v63  }
0x73: {  	s28 =	simm.s32 $0x10A00  }
0x74: {  	[tilespmem:s28], [sflag:$0x3] =	stream.indirect_vreg.gather [hbm4b:s13+s4], $0x80, v17, vm0, $0xb8;
	[tilespmem:$0x18400] =	vst v63  }
0x75: {  	s30 =	simm.s32 $0x11200  }
0x76: {  	[tilespmem:s30], [sflag:$0x3] =	stream.indirect_vreg.gather [hbm4b:s5+s4], $0x80, v16, vm0, $0xb8;
	[tilespmem:$0x18400] =	vst v63  }
0x77: {  	s31 =	simm.s32 $0x11A00;
	s24 =	simm.s32 $0x0  }
0x78: {  	[tilespmem:s31], [sflag:$0x3] =	stream.indirect_vreg.gather [hbm4b:s13+s4], $0x80, v16, vm0, $0xb8;
	[tilespmem:$0x18400] =	vst v63  }
.LBB2_2:
0x79: {  	s15 =	sshll.u32 s24, $0x6  }
0x7a: {  	s0 =	sor.u32 s14, s15  }
0x7b: {  	s25 =	smul.u32 $0x6, s0;
	_ =	sdelay $0x1  }
0x7c: {  	s26 =	simm.s32 $0x0;
	s2 =	simm.s32 $0x80;
	s0 =	sadd.s32 s7, s25  }
0x7d: {  	[tilespmem:s2], [sflag:$0x5] =	stream.linear.gather [hbm4b:s0+s26], $0x30, $0x38;
	[tilespmem:$0x18400] =	vst v63  }
0x7e: {  	_ =	swait.ge [sflag:s18], $0x30  }
0x7f: {  	[sflag:s18] =	ssyncset.done $0x0  }
0x80: {  	s0 =	sadd.s32 s8, s25;
	s2 =	simm.s32 $0x180;
	[sflag:s18] =	ssyncadd.s32 $0xFFFFFFD0  }
0x81: {  	[tilespmem:s2], [sflag:$0x5] =	stream.linear.gather [hbm4b:s0+s26], $0x30, $0x38;
	[tilespmem:$0x18400] =	vst v63  }
0x82: {  	_ =	swait.ge [sflag:s18], $0x30  }
0x83: {  	[sflag:s18] =	ssyncset.done $0x0  }
0x84: {  	[sflag:s18] =	ssyncadd.s32 $0xFFFFFFD0  }
0x85: {  	v16 =	vld [tilespmem:$0x80];
	_ =	sdelay $0x2  }
0x86: {  	v0 =	vld [tilespmem:$0x1FFD0];
	_ =	sdelay $0x1  }
0x87: {  	v1 =	vld [tilespmem:$0x1FFE0];
	v17 =	vshll.u32 v16, $0x2  }
0x88: {  	v16 =	vand.u32 $0x7, v16;
	v17 =	vand.u32 $0xFFFFFFE0, v17  }
0x89: {  	v2 =	vld [tilespmem:$0x1FFF0];
	v16 =	vor.u32 v16, v17  }
0x8a: {  	v17 =	vperm.xlane v16, v0;
	_ =	sdelay $0x1  }
0x8b: {  	v17 =	vadd.s32 v1, v17;
	_ =	sdelay $0x1  }
0x8c: {  	v16 =	vperm.xlane v16, v2;
	_ =	sdelay $0x1  }
0x8d: {  	v16 =	vadd.s32 v1, v16  }
0x8e: {  	[tilespmem:s29], [sflag:$0x2] =	stream.indirect_vreg.gather [hbm4b:s1+s26], $0x80, v17, vm0, $0xb8;
	[tilespmem:$0x18400] =	vst v63  }
0x8f: {  	s2 =	simm.s32 $0x6A00  }
0x90: {  	[tilespmem:s2], [sflag:$0x2] =	stream.indirect_vreg.gather [hbm4b:s12+s26], $0x80, v17, vm0, $0xb8;
	[tilespmem:$0x18400] =	vst v63  }
0x91: {  	s2 =	simm.s32 $0x7200  }
0x92: {  	[tilespmem:s2], [sflag:$0x2] =	stream.indirect_vreg.gather [hbm4b:s1+s26], $0x80, v16, vm0, $0xb8;
	[tilespmem:$0x18400] =	vst v63  }
0x93: {  	s2 =	simm.s32 $0x7A00  }
0x94: {  	[tilespmem:s2], [sflag:$0x2] =	stream.indirect_vreg.gather [hbm4b:s12+s26], $0x80, v16, vm0, $0xb8;
	[tilespmem:$0x18400] =	vst v63  }
0x95: {  	v16 =	vld [tilespmem:$0x90];
	_ =	sdelay $0x4  }
0x96: {  	v32 =	vshll.u32 v16, $0x2  }
0x97: {  	v16 =	vand.u32 $0x7, v16;
	v17 =	vand.u32 $0xFFFFFFE0, v32  }
0x98: {  	v16 =	vor.u32 v16, v17  }
0x99: {  	v17 =	vperm.xlane v16, v0;
	_ =	sdelay $0x1  }
0x9a: {  	v17 =	vadd.s32 v1, v17;
	_ =	sdelay $0x1  }
0x9b: {  	v16 =	vperm.xlane v16, v2;
	_ =	sdelay $0x1  }
0x9c: {  	s2 =	simm.s32 $0x8200;
	v16 =	vadd.s32 v1, v16  }
0x9d: {  	[tilespmem:s2], [sflag:$0x2] =	stream.indirect_vreg.gather [hbm4b:s1+s26], $0x80, v17, vm0, $0xb8;
	[tilespmem:$0x18400] =	vst v63  }
0x9e: {  	s2 =	simm.s32 $0x8A00  }
0x9f: {  	[tilespmem:s2], [sflag:$0x2] =	stream.indirect_vreg.gather [hbm4b:s12+s26], $0x80, v17, vm0, $0xb8;
	[tilespmem:$0x18400] =	vst v63  }
0xa0: {  	s2 =	simm.s32 $0x9200  }
0xa1: {  	[tilespmem:s2], [sflag:$0x2] =	stream.indirect_vreg.gather [hbm4b:s1+s26], $0x80, v16, vm0, $0xb8;
	[tilespmem:$0x18400] =	vst v63  }
0xa2: {  	s2 =	simm.s32 $0x9A00  }
0xa3: {  	[tilespmem:s2], [sflag:$0x2] =	stream.indirect_vreg.gather [hbm4b:s12+s26], $0x80, v16, vm0, $0xb8;
	[tilespmem:$0x18400] =	vst v63  }
0xa4: {  	v16 =	vld [tilespmem:$0xA0];
	_ =	sdelay $0x4  }
0xa5: {  	v33 =	vshll.u32 v16, $0x2  }
0xa6: {  	v16 =	vand.u32 $0x7, v16;
	v17 =	vand.u32 $0xFFFFFFE0, v33  }
0xa7: {  	v16 =	vor.u32 v16, v17  }
0xa8: {  	v17 =	vperm.xlane v16, v0;
	_ =	sdelay $0x1  }
0xa9: {  	v17 =	vadd.s32 v1, v17;
	_ =	sdelay $0x1  }
0xaa: {  	v16 =	vperm.xlane v16, v2;
	_ =	sdelay $0x1  }
0xab: {  	s2 =	simm.s32 $0xA200;
	v16 =	vadd.s32 v1, v16  }
0xac: {  	[tilespmem:s2], [sflag:$0x2] =	stream.indirect_vreg.gather [hbm4b:s1+s26], $0x80, v17, vm0, $0xb8;
	[tilespmem:$0x18400] =	vst v63  }
0xad: {  	s2 =	simm.s32 $0xAA00  }
0xae: {  	[tilespmem:s2], [sflag:$0x2] =	stream.indirect_vreg.gather [hbm4b:s12+s26], $0x80, v17, vm0, $0xb8;
	[tilespmem:$0x18400] =	vst v63  }
0xaf: {  	s2 =	simm.s32 $0xB200  }
0xb0: {  	[tilespmem:s2], [sflag:$0x2] =	stream.indirect_vreg.gather [hbm4b:s1+s26], $0x80, v16, vm0, $0xb8;
	[tilespmem:$0x18400] =	vst v63  }
0xb1: {  	s2 =	simm.s32 $0xBA00  }
0xb2: {  	[tilespmem:s2], [sflag:$0x2] =	stream.indirect_vreg.gather [hbm4b:s12+s26], $0x80, v16, vm0, $0xb8;
	[tilespmem:$0x18400] =	vst v63  }
0xb3: {  	v16 =	vld [tilespmem:$0x180];
	_ =	sdelay $0x4  }
0xb4: {  	v34 =	vshll.u32 v16, $0x2  }
0xb5: {  	v16 =	vand.u32 $0x7, v16;
	v17 =	vand.u32 $0xFFFFFFE0, v34  }
0xb6: {  	v16 =	vor.u32 v16, v17  }
0xb7: {  	v17 =	vperm.xlane v16, v0;
	_ =	sdelay $0x1  }
0xb8: {  	v17 =	vadd.s32 v1, v17;
	_ =	sdelay $0x1  }
0xb9: {  	v16 =	vperm.xlane v16, v2;
	_ =	sdelay $0x1  }
0xba: {  	v16 =	vadd.s32 v1, v16  }
0xbb: {  	[tilespmem:s23], [sflag:$0x4] =	stream.indirect_vreg.gather [hbm4b:s5+s26], $0x80, v17, vm0, $0xb8;
	[tilespmem:$0x18400] =	vst v63  }
0xbc: {  	s2 =	simm.s32 $0x12A00  }
0xbd: {  	[tilespmem:s2], [sflag:$0x4] =	stream.indirect_vreg.gather [hbm4b:s13+s26], $0x80, v17, vm0, $0xb8;
	[tilespmem:$0x18400] =	vst v63  }
0xbe: {  	s2 =	simm.s32 $0x13200  }
0xbf: {  	[tilespmem:s2], [sflag:$0x4] =	stream.indirect_vreg.gather [hbm4b:s5+s26], $0x80, v16, vm0, $0xb8;
	[tilespmem:$0x18400] =	vst v63  }
0xc0: {  	s2 =	simm.s32 $0x13A00  }
0xc1: {  	[tilespmem:s2], [sflag:$0x4] =	stream.indirect_vreg.gather [hbm4b:s13+s26], $0x80, v16, vm0, $0xb8;
	[tilespmem:$0x18400] =	vst v63  }
0xc2: {  	v16 =	vld [tilespmem:$0x190];
	_ =	sdelay $0x4  }
0xc3: {  	v35 =	vshll.u32 v16, $0x2  }
0xc4: {  	v16 =	vand.u32 $0x7, v16;
	v17 =	vand.u32 $0xFFFFFFE0, v35  }
0xc5: {  	v16 =	vor.u32 v16, v17  }
0xc6: {  	v17 =	vperm.xlane v16, v0;
	_ =	sdelay $0x1  }
0xc7: {  	v17 =	vadd.s32 v1, v17;
	_ =	sdelay $0x1  }
0xc8: {  	v16 =	vperm.xlane v16, v2;
	_ =	sdelay $0x1  }
0xc9: {  	s2 =	simm.s32 $0x14200;
	v16 =	vadd.s32 v1, v16  }
0xca: {  	[tilespmem:s2], [sflag:$0x4] =	stream.indirect_vreg.gather [hbm4b:s5+s26], $0x80, v17, vm0, $0xb8;
	[tilespmem:$0x18400] =	vst v63  }
0xcb: {  	s2 =	simm.s32 $0x14A00  }
0xcc: {  	[tilespmem:s2], [sflag:$0x4] =	stream.indirect_vreg.gather [hbm4b:s13+s26], $0x80, v17, vm0, $0xb8;
	[tilespmem:$0x18400] =	vst v63  }
0xcd: {  	s2 =	simm.s32 $0x15200  }
0xce: {  	[tilespmem:s2], [sflag:$0x4] =	stream.indirect_vreg.gather [hbm4b:s5+s26], $0x80, v16, vm0, $0xb8;
	[tilespmem:$0x18400] =	vst v63  }
0xcf: {  	s2 =	simm.s32 $0x15A00  }
0xd0: {  	[tilespmem:s2], [sflag:$0x4] =	stream.indirect_vreg.gather [hbm4b:s13+s26], $0x80, v16, vm0, $0xb8;
	[tilespmem:$0x18400] =	vst v63  }
0xd1: {  	v16 =	vld [tilespmem:$0x1A0];
	_ =	sdelay $0x4  }
0xd2: {  	v36 =	vshll.u32 v16, $0x2  }
0xd3: {  	v16 =	vand.u32 $0x7, v16;
	v17 =	vand.u32 $0xFFFFFFE0, v36  }
0xd4: {  	v16 =	vor.u32 v16, v17  }
0xd5: {  	v17 =	vperm.xlane v16, v0;
	_ =	sdelay $0x1  }
0xd6: {  	v17 =	vadd.s32 v1, v17;
	_ =	sdelay $0x1  }
0xd7: {  	v16 =	vperm.xlane v16, v2;
	_ =	sdelay $0x1  }
0xd8: {  	s2 =	simm.s32 $0x16200;
	v16 =	vadd.s32 v1, v16  }
0xd9: {  	[tilespmem:s2], [sflag:$0x4] =	stream.indirect_vreg.gather [hbm4b:s5+s26], $0x80, v17, vm0, $0xb8;
	[tilespmem:$0x18400] =	vst v63  }
0xda: {  	s2 =	simm.s32 $0x16A00  }
0xdb: {  	[tilespmem:s2], [sflag:$0x4] =	stream.indirect_vreg.gather [hbm4b:s13+s26], $0x80, v17, vm0, $0xb8;
	[tilespmem:$0x18400] =	vst v63  }
0xdc: {  	_ = 	snop  }
0xdd: {  	v37 =	vmov s26;
	[tilespmem:s17], [sflag:$0x4] =	stream.indirect_vreg.gather [hbm4b:s5+s26], $0x80, v16, vm0, $0xb8;
	[tilespmem:$0x18400] =	vst v63  }
0xde: {  	v18 =	vshll.u32 v37, $0x9;
	v17 =	vshll.u32 v37, $0x7  }
0xdf: {  	v38 =	vand.u32 $0x7000, v18;
	v17 =	vand.u32 $0x380, v17;
	[tilespmem:s10], [sflag:$0x4] =	stream.indirect_vreg.gather [hbm4b:s13+s26], $0x80, v16, vm0, $0xb8;
	[tilespmem:$0x18400] =	vst v63  }
0xe0: {  	v35 =	vor.u32 v17, v38;
	_ =	swait.ge [sflag:s11], $0x6000  }
0xe1: {  	v16 =	vor.u32 v49, v35;
	[sflag:s11] =	ssyncset.done $0x0  }
0xe2: {  	[sflag:s11] =	ssyncadd.s32 $0xFFFFA000  }
0xe3: {  	v17 =	vor.u32 v50, v35;
	_ =	swait.ge [sflag:s16], $0x6000  }
0xe4: {  	[sflag:s16] =	ssyncset.done $0x0  }
0xe5: {  	v39 =	vor.u32 v51, v35;
	[sflag:s16] =	ssyncadd.s32 $0xFFFFA000  }
0xe6: {  	v19 =	vld.idx.msk [tilespmem:v16+s20+$0x0], $0xffff  }
0xe7: {  	v20 =	vor.u32 v52, v35;
	v16 =	vld.idx.msk [tilespmem:v16+s3+$0x0], $0xffff  }
0xe8: {  	v21 =	vld.idx.msk [tilespmem:v17+s3+$0x0], $0xffff  }
0xe9: {  	v22 =	vor.u32 v53, v35;
	v17 =	vld.idx.msk [tilespmem:v17+s20+$0x0], $0xffff  }
0xea: {  	v23 =	vld.idx.msk [tilespmem:v39+s3+$0x0], $0xffff  }
0xeb: {  	v7 =	vor.u32 $0x840, v49;
	v24 =	vor.u32 v54, v35;
	v18 =	vld.idx.msk [tilespmem:v39+s20+$0x0], $0xffff  }
0xec: {  	v8 =	vor.u32 v7, v35;
	v25 =	vld.idx.msk [tilespmem:v20+s3+$0x0], $0xffff  }
0xed: {  	v20 =	vld.idx.msk [tilespmem:v20+s20+$0x0], $0xffff;
	v16 =	vmul.f32 v16, v19  }
0xee: {  	v40 =	vor.u32 v55, v35;
	v26 =	vld.idx.msk [tilespmem:v22+s3+$0x0], $0xffff  }
0xef: {  	v22 =	vld.idx.msk [tilespmem:v22+s20+$0x0], $0xffff;
	v17 =	vmul.f32 v21, v17;
	v16 =	vadd.f32 $0.0e+00, v16  }
0xf0: {  	v27 =	vld.idx.msk [tilespmem:v24+s3+$0x0], $0xffff;
	v21 =	vor.u32 v56, v35  }
0xf1: {  	v39 =	vld.idx.msk [tilespmem:v8+s3+$0x0], $0xffff;
	v41 =	vmul.f32 v23, v18;
	v16 =	vadd.f32 v17, v16  }
0xf2: {  	v42 =	vor.u32 v57, v35;
	v23 =	vld.idx.msk [tilespmem:v24+s20+$0x0], $0xffff  }
0xf3: {  	v24 =	vld.idx.msk [tilespmem:v40+s3+$0x0], $0xffff;
	v43 =	vmul.f32 v25, v20;
	v16 =	vadd.f32 v41, v16  }
0xf4: {  	v20 =	vor.u32 v58, v35;
	v19 =	vld.idx.msk [tilespmem:v40+s20+$0x0], $0xffff  }
0xf5: {  	v44 =	vmul.f32 v26, v22;
	v25 =	vld.idx.msk [tilespmem:v21+s3+$0x0], $0xffff;
	v16 =	vadd.f32 v43, v16  }
0xf6: {  	v22 =	vor.u32 v59, v35;
	v21 =	vld.idx.msk [tilespmem:v21+s20+$0x0], $0xffff  }
0xf7: {  	v26 =	vld.idx.msk [tilespmem:v42+s3+$0x0], $0xffff;
	v45 =	vmul.f32 v27, v23;
	v16 =	vadd.f32 v44, v16  }
0xf8: {  	v18 =	vld.idx.msk [tilespmem:v42+s20+$0x0], $0xffff;
	v23 =	vor.u32 v60, v35  }
0xf9: {  	v27 =	vld.idx.msk [tilespmem:v20+s3+$0x0], $0xffff;
	v19 =	vmul.f32 v24, v19;
	v17 =	vadd.f32 v45, v16  }
0xfa: {  	v24 =	vor.u32 v61, v35;
	v20 =	vld.idx.msk [tilespmem:v20+s20+$0x0], $0xffff  }
0xfb: {  	v62 =	vor.u32 $0x450, v49;
	v28 =	vld.idx.msk [tilespmem:v22+s3+$0x0], $0xffff;
	v21 =	vmul.f32 v25, v21;
	v19 =	vadd.f32 v19, v17  }
0xfc: {  	v22 =	vld.idx.msk [tilespmem:v22+s20+$0x0], $0xffff;
	v25 =	vor.u32 v62, v35  }
0xfd: {  	v63 =	vor.u32 $0x460, v49;
	v29 =	vld.idx.msk [tilespmem:v23+s3+$0x0], $0xffff;
	v19 =	vadd.f32 v21, v19;
	v21 =	vmul.f32 v26, v18  }
0xfe: {  	v23 =	vld.idx.msk [tilespmem:v23+s20+$0x0], $0xffff;
	v26 =	vor.u32 v63, v35  }
0xff: {  	v46 =	vor.u32 $0x470, v49;
	v30 =	vld.idx.msk [tilespmem:v24+s3+$0x0], $0xffff;
	v20 =	vmul.f32 v27, v20;
	v21 =	vadd.f32 v21, v19  }
0x100: {  	v27 =	vor.u32 v46, v35;
	v24 =	vld.idx.msk [tilespmem:v24+s20+$0x0], $0xffff  }
0x101: {  	v47 =	vor.u32 $0x800, v49;
	v22 =	vmul.f32 v28, v22;
	v31 =	vld.idx.msk [tilespmem:v25+s3+$0x0], $0xffff;
	v21 =	vadd.f32 v20, v21  }
0x102: {  	v28 =	vor.u32 v47, v35;
	v25 =	vld.idx.msk [tilespmem:v25+s20+$0x0], $0xffff  }
0x103: {  	v48 =	vor.u32 $0x810, v49;
	v23 =	vmul.f32 v29, v23;
	v32 =	vld.idx.msk [tilespmem:v26+s3+$0x0], $0xffff;
	v22 =	vadd.f32 v22, v21  }
0x104: {  	v29 =	vor.u32 v48, v35;
	v26 =	vld.idx.msk [tilespmem:v26+s20+$0x0], $0xffff  }
0x105: {  	v4 =	vor.u32 $0x820, v49;
	v5 =	vld.idx.msk [tilespmem:v27+s3+$0x0], $0xffff;
	v24 =	vmul.f32 v30, v24;
	v23 =	vadd.f32 v23, v22  }
0x106: {  	v30 =	vor.u32 v4, v35;
	v27 =	vld.idx.msk [tilespmem:v27+s20+$0x0], $0xffff  }
0x107: {  	v6 =	vor.u32 $0x830, v49;
	v34 =	vld.idx.msk [tilespmem:v28+s3+$0x0], $0xffff;
	v25 =	vmul.f32 v31, v25;
	v24 =	vadd.f32 v24, v23  }
0x108: {  	v28 =	vld.idx.msk [tilespmem:v28+s20+$0x0], $0xffff;
	v31 =	vor.u32 v6, v35  }
0x109: {  	v36 =	vld.idx.msk [tilespmem:v29+s3+$0x0], $0xffff;
	v26 =	vmul.f32 v32, v26;
	v25 =	vadd.f32 v25, v24  }
0x10a: {  	v9 =	vor.u32 $0x850, v49;
	v29 =	vld.idx.msk [tilespmem:v29+s20+$0x0], $0xffff  }
0x10b: {  	v3 =	vor.u32 v9, v35;
	v37 =	vld.idx.msk [tilespmem:v30+s3+$0x0], $0xffff;
	v27 =	vmul.f32 v5, v27;
	v26 =	vadd.f32 v26, v25  }
0x10c: {  	v10 =	vor.u32 $0x860, v49;
	v12 =	vor.u32 $0x870, v49;
	v30 =	vld.idx.msk [tilespmem:v30+s20+$0x0], $0xffff  }
0x10d: {  	v13 =	vor.u32 v12, v35;
	v28 =	vmul.f32 v34, v28;
	v38 =	vld.idx.msk [tilespmem:v31+s3+$0x0], $0xffff;
	v27 =	vadd.f32 v27, v26  }
0x10e: {  	v11 =	vor.u32 v10, v35;
	v31 =	vld.idx.msk [tilespmem:v31+s20+$0x0], $0xffff  }
0x10f: {  	v15 =	vor.u32 $0xC00, v49;
	v14 =	vld.idx.msk [tilespmem:v8+s20+$0x0], $0xffff;
	v29 =	vmul.f32 v36, v29;
	v28 =	vadd.f32 v28, v27  }
0x110: {  	v40 =	vld.idx.msk [tilespmem:v3+s3+$0x0], $0xffff;
	v16 =	vor.u32 v15, v35  }
0x111: {  	v3 =	vld.idx.msk [tilespmem:v3+s20+$0x0], $0xffff;
	v30 =	vmul.f32 v37, v30;
	v29 =	vadd.f32 v29, v28  }
0x112: {  	v42 =	vld.idx.msk [tilespmem:v13+s3+$0x0], $0xffff  }
0x113: {  	v41 =	vld.idx.msk [tilespmem:v11+s3+$0x0], $0xffff;
	v17 =	vor.u32 $0xC10, v49;
	v31 =	vmul.f32 v38, v31;
	v30 =	vadd.f32 v30, v29  }
0x114: {  	v18 =	vor.u32 v17, v35;
	v23 =	vmov v4;
	v4 =	vld.idx.msk [tilespmem:v11+s20+$0x0], $0xffff  }
0x115: {  	v2 =	vmul.f32 v39, v14;
	v43 =	vld.idx.msk [tilespmem:v16+s3+$0x0], $0xffff;
	v32 =	vor.u32 $0xC20, v49;
	v31 =	vadd.f32 v31, v30  }
0x116: {  	v36 =	vld.idx.msk [tilespmem:v13+s20+$0x0], $0xffff;
	v19 =	vor.u32 v32, v35  }
0x117: {  	v3 =	vmul.f32 v40, v3;
	v37 =	vld.idx.msk [tilespmem:v16+s20+$0x0], $0xffff;
	v30 =	vor.u32 $0xC30, v49;
	v2 =	vadd.f32 v2, v31  }
0x118: {  	v22 =	vmov v48;
	v48 =	vor.u32 v30, v35  }
0x119: {  	v44 =	vld.idx.msk [tilespmem:v18+s3+$0x0], $0xffff;
	v24 =	vmovc v6;
	v6 =	vmul.f32 v41, v4;
	v31 =	vor.u32 $0xC40, v49;
	v2 =	vadd.f32 v3, v2  }
0x11a: {  	v38 =	vld.idx.msk [tilespmem:v18+s20+$0x0], $0xffff;
	v25 =	vmov v7;
	v7 =	vor.u32 v31, v35  }
0x11b: {  	v33 =	vor.u32 $0xC50, v49;
	v36 =	vmul.f32 v42, v36;
	v45 =	vld.idx.msk [tilespmem:v19+s3+$0x0], $0xffff;
	v2 =	vadd.f32 v6, v2  }
0x11c: {  	v8 =	vor.u32 v33, v35;
	v37 =	vmul.f32 v43, v37;
	v39 =	vld.idx.msk [tilespmem:v19+s20+$0x0], $0xffff  }
0x11d: {  	v26 =	vmovc v9;
	v9 =	vor.u32 $0xC60, v49;
	v27 =	vmov v10;
	v11 =	vld.idx.msk [tilespmem:v48+s3+$0x0], $0xffff;
	v10 =	vadd.f32 v36, v2  }
0x11e: {  	v28 =	vmov v12;
	v12 =	vor.u32 v9, v35;
	v40 =	vld.idx.msk [tilespmem:v48+s20+$0x0], $0xffff  }
0x11f: {  	v13 =	vor.u32 $0xC70, v49;
	v38 =	vmul.f32 v44, v38;
	v14 =	vld.idx.msk [tilespmem:v7+s3+$0x0], $0xffff;
	v37 =	vadd.f32 v37, v10  }
0x120: {  	v35 =	vor.u32 v13, v35;
	v41 =	vld.idx.msk [tilespmem:v7+s20+$0x0], $0xffff  }
0x121: {  	v16 =	vld.idx.msk [tilespmem:v8+s3+$0x0], $0xffff;
	v29 =	vmov v15;
	v15 =	vmul.f32 v45, v39;
	v37 =	vadd.f32 v38, v37  }
0x122: {  	v42 =	vld.idx.msk [tilespmem:v8+s20+$0x0], $0xffff  }
0x123: {  	[tilespmem:$0x1FFB0] =	vst v17;
	v17 =	vld.idx.msk [tilespmem:v12+s3+$0x0], $0xffff;
	v36 =	vmul.f32 v11, v40;
	v37 =	vadd.f32 v15, v37  }
0x124: {  	v18 =	vld.idx.msk [tilespmem:v12+s20+$0x0], $0xffff  }
0x125: {  	v44 =	vld.idx.msk [tilespmem:v35+s3+$0x0], $0xffff;
	v19 =	vmul.f32 v14, v41;
	v36 =	vadd.f32 v36, v37  }
0x126: {  	v35 =	vld.idx.msk [tilespmem:v35+s20+$0x0], $0xffff  }
0x127: {  	s2 =	sand.u32 $0xF, s26;
	v45 =	vmul.f32 v16, v42;
	v36 =	vadd.f32 v19, v36  }
0x128: {  	p1 =	sne.s32 s2, $0xF  }
0x129: {  	[tilespmem:$0x1FFA0] =	vst v46;
	v46 =	vmul.f32 v17, v18;
	v38 =	vlaneseq.u32 @!p1;
	v36 =	vadd.f32 v45, v36  }
0x12a: {  	v38 =	vmul.u32 @!p1 $0x10, v38  }
0x12b: {  	v35 =	vmul.f32 v44, v35;
	v36 =	vadd.f32 v46, v36;
	_ =	sdelay $0x1  }
0x12c: {  	v35 =	vadd.f32 v35, v36  }
0x12d: {  	s2 =	sand.u32 $0xF0, s26;
	v36 =	vor.u32 @!p1 $0x1, v38  }
0x12e: {  	s0 =	simm.s32 @!p1 $0x18280;
	[tilespmem:s2+$0x18280] =	vst v35  }
0x12f: {  	v35 =	vor.u32 @!p1 $0x2, v38;
	v37 =	vld.idx.msk @!p1 [tilespmem:v38+s0+$0x0], $0xffff  }
0x130: {  	v39 =	vld @!p1 [tilespmem:$0x18380]  }
0x131: {  	v40 =	vor.u32 @!p1 $0x3, v38  }
0x132: {  	v36 =	vld.idx.msk @!p1 [tilespmem:v36+s0+$0x0], $0xffff  }
0x133: {  	v41 =	vor.u32 @!p1 $0x4, v38  }
0x134: {  	v35 =	vld.idx.msk @!p1 [tilespmem:v35+s0+$0x0], $0xffff  }
0x135: {  	v42 =	vor.u32 @!p1 $0x5, v38;
	v37 =	vadd.f32 @!p1 v37, v39  }
0x136: {  	v39 =	vld.idx.msk @!p1 [tilespmem:v40+s0+$0x0], $0xffff  }
0x137: {  	v40 =	vor.u32 @!p1 $0x6, v38;
	v36 =	vadd.f32 @!p1 v36, v37  }
0x138: {  	v37 =	vld.idx.msk @!p1 [tilespmem:v41+s0+$0x0], $0xffff  }
0x139: {  	v41 =	vor.u32 @!p1 $0x7, v38;
	v35 =	vadd.f32 @!p1 v35, v36  }
0x13a: {  	v36 =	vld.idx.msk @!p1 [tilespmem:v42+s0+$0x0], $0xffff  }
0x13b: {  	v42 =	vor.u32 @!p1 $0x8, v38;
	v35 =	vadd.f32 @!p1 v39, v35  }
0x13c: {  	v39 =	vld.idx.msk @!p1 [tilespmem:v40+s0+$0x0], $0xffff  }
0x13d: {  	v40 =	vor.u32 @!p1 $0x9, v38;
	v35 =	vadd.f32 @!p1 v37, v35  }
0x13e: {  	v37 =	vld.idx.msk @!p1 [tilespmem:v41+s0+$0x0], $0xffff  }
0x13f: {  	v41 =	vor.u32 @!p1 $0xA, v38;
	v35 =	vadd.f32 @!p1 v36, v35  }
0x140: {  	v36 =	vld.idx.msk @!p1 [tilespmem:v42+s0+$0x0], $0xffff  }
0x141: {  	v42 =	vor.u32 @!p1 $0xB, v38;
	v35 =	vadd.f32 @!p1 v39, v35  }
0x142: {  	v39 =	vld.idx.msk @!p1 [tilespmem:v40+s0+$0x0], $0xffff  }
0x143: {  	v40 =	vor.u32 @!p1 $0xC, v38;
	v35 =	vadd.f32 @!p1 v37, v35  }
0x144: {  	v37 =	vld.idx.msk @!p1 [tilespmem:v41+s0+$0x0], $0xffff  }
0x145: {  	v41 =	vor.u32 @!p1 $0xD, v38;
	v35 =	vadd.f32 @!p1 v36, v35  }
0x146: {  	v36 =	vld.idx.msk @!p1 [tilespmem:v42+s0+$0x0], $0xffff  }
0x147: {  	v42 =	vor.u32 @!p1 $0xE, v38;
	v35 =	vadd.f32 @!p1 v39, v35  }
0x148: {  	v39 =	vld.idx.msk @!p1 [tilespmem:v40+s0+$0x0], $0xffff  }
0x149: {  	v38 =	vor.u32 @!p1 $0xF, v38;
	v35 =	vadd.f32 @!p1 v37, v35  }
0x14a: {  	v37 =	vld.idx.msk @!p1 [tilespmem:v41+s0+$0x0], $0xffff  }
0x14b: {  	s30 =	simm.s32 $0x1;
	v35 =	vadd.f32 @!p1 v36, v35  }
0x14c: {  	v21 =	vmov v47;
	v47 =	vmov s30;
	v40 =	vld.idx.msk @!p1 [tilespmem:v42+s0+$0x0], $0xffff  }
0x14d: {  	v48 =	vshll.u32 v47, $0x9;
	v36 =	vshll.u32 v47, $0x7;
	v35 =	vadd.f32 @!p1 v39, v35  }
0x14e: {  	v38 =	vld.idx.msk @!p1 [tilespmem:v38+s0+$0x0], $0xffff;
	v36 =	vand.u32 $0x380, v36;
	v39 =	vand.u32 $0x7000, v48  }
0x14f: {  	v41 =	vadd.f32 @!p1 v37, v35;
	v35 =	vor.u32 v36, v39  }
0x150: {  	v34 =	vmovc v13;
	s2 =	sand.u32 @!p1 $0xC0, s26;
	v37 =	vor.u32 v49, v35;
	v36 =	vor.u32 v50, v35;
	v48 =	vor.u32 v51, v35  }
0x151: {  	s31 =	simm.s32 $0x2;
	s28 =	simm.s32 $0x0;
	[tilespmem:$0x1FFC0] =	vst v9;
	s2 =	sshrl.u32 @!p1 s2, $0x2;
	v47 =	vor.u32 v52, v35;
	v46 =	vor.u32 v53, v35;
	v39 =	vadd.f32 @!p1 v40, v41  }
.LBB2_3:
0x152: {  	_ = 	snop  }
0x153: {  	v0 =	vld [tilespmem:$0x1FFA0];
	v38 =	vadd.f32 @!p1 v38, v39  }
0x154: {  	v5 =	vld [tilespmem:$0x1FFB0]  }
0x155: {  	v8 =	vmov v51;
	v6 =	vld [tilespmem:$0x1FFC0];
	[tilespmem:s2+$0x18200] =	vst @!p1 v38  }
0x156: {  	v51 =	vor.u32 v56, v35;
	v13 =	vmovc v56;
	v56 =	vor.u32 v61, v35;
	v18 =	vmov v61;
	v61 =	vld.idx.msk [tilespmem:v37+s20+$0x0], $0xffff  }
0x157: {  	v3 =	vld.idx.msk [tilespmem:v37+s3+$0x0], $0xffff  }
0x158: {  	v9 =	vmov v52;
	v52 =	vor.u32 v57, v35;
	v14 =	vmov v57;
	v57 =	vld.idx.msk [tilespmem:v36+s3+$0x0], $0xffff  }
0x159: {  	v4 =	vld.idx.msk [tilespmem:v36+s20+$0x0], $0xffff  }
0x15a: {  	v41 =	vor.u32 v5, v35;
	v5 =	vld.idx.msk [tilespmem:v48+s3+$0x0], $0xffff  }
0x15b: {  	v49 =	vor.u32 v54, v35;
	v48 =	vld.idx.msk [tilespmem:v48+s20+$0x0], $0xffff  }
0x15c: {  	v36 =	vor.u32 v6, v35;
	v6 =	vld.idx.msk [tilespmem:v47+s3+$0x0], $0xffff;
	v3 =	vmul.f32 v3, v61  }
0x15d: {  	v7 =	vmov v50;
	v50 =	vor.u32 v55, v35;
	v47 =	vld.idx.msk [tilespmem:v47+s20+$0x0], $0xffff  }
0x15e: {  	v61 =	vld.idx.msk [tilespmem:v46+s3+$0x0], $0xffff;
	v4 =	vmul.f32 v57, v4;
	v3 =	vadd.f32 $0.0e+00, v3  }
0x15f: {  	v46 =	vld.idx.msk [tilespmem:v46+s20+$0x0], $0xffff  }
0x160: {  	v57 =	vld.idx.msk [tilespmem:v49+s3+$0x0], $0xffff;
	v3 =	vadd.f32 v4, v3;
	v4 =	vmul.f32 v5, v48  }
0x161: {  	v5 =	vld.idx.msk [tilespmem:v49+s20+$0x0], $0xffff  }
0x162: {  	v48 =	vld.idx.msk [tilespmem:v50+s3+$0x0], $0xffff;
	v3 =	vadd.f32 v4, v3;
	v4 =	vmul.f32 v6, v47  }
0x163: {  	v10 =	vmov v53;
	v53 =	vor.u32 v58, v35;
	v6 =	vld.idx.msk [tilespmem:v50+s20+$0x0], $0xffff  }
0x164: {  	v47 =	vld.idx.msk [tilespmem:v51+s3+$0x0], $0xffff;
	v3 =	vadd.f32 v4, v3;
	v4 =	vmul.f32 v61, v46  }
0x165: {  	v11 =	vmov v54;
	v54 =	vor.u32 v59, v35;
	v46 =	vld.idx.msk [tilespmem:v51+s20+$0x0], $0xffff  }
0x166: {  	v49 =	vld.idx.msk [tilespmem:v52+s3+$0x0], $0xffff;
	v3 =	vadd.f32 v4, v3;
	v4 =	vmul.f32 v57, v5  }
0x167: {  	v12 =	vmov v55;
	v55 =	vor.u32 v60, v35;
	v5 =	vld.idx.msk [tilespmem:v52+s20+$0x0], $0xffff  }
0x168: {  	v50 =	vld.idx.msk [tilespmem:v53+s3+$0x0], $0xffff;
	v3 =	vadd.f32 v4, v3;
	v4 =	vmul.f32 v48, v6  }
0x169: {  	v6 =	vld.idx.msk [tilespmem:v53+s20+$0x0], $0xffff  }
0x16a: {  	v48 =	vld.idx.msk [tilespmem:v54+s3+$0x0], $0xffff;
	v3 =	vadd.f32 v4, v3;
	v4 =	vmul.f32 v47, v46  }
0x16b: {  	v15 =	vmov v58;
	v58 =	vor.u32 v62, v35;
	v46 =	vld.idx.msk [tilespmem:v54+s20+$0x0], $0xffff  }
0x16c: {  	v47 =	vld.idx.msk [tilespmem:v55+s3+$0x0], $0xffff;
	v3 =	vadd.f32 v4, v3;
	v4 =	vmul.f32 v49, v5  }
0x16d: {  	v16 =	vmov v59;
	v59 =	vor.u32 v63, v35;
	v5 =	vld.idx.msk [tilespmem:v55+s20+$0x0], $0xffff  }
0x16e: {  	v49 =	vld.idx.msk [tilespmem:v56+s3+$0x0], $0xffff;
	v3 =	vadd.f32 v4, v3;
	v4 =	vmul.f32 v50, v6  }
0x16f: {  	v17 =	vmov v60;
	v60 =	vor.u32 v0, v35;
	v6 =	vld.idx.msk [tilespmem:v56+s20+$0x0], $0xffff  }
0x170: {  	v50 =	vld.idx.msk [tilespmem:v58+s3+$0x0], $0xffff;
	v3 =	vadd.f32 v4, v3;
	v4 =	vmul.f32 v48, v46  }
0x171: {  	v19 =	vmov v62;
	v62 =	vor.u32 v21, v35;
	v46 =	vld.idx.msk [tilespmem:v58+s20+$0x0], $0xffff  }
0x172: {  	v48 =	vld.idx.msk [tilespmem:v59+s3+$0x0], $0xffff;
	v3 =	vadd.f32 v4, v3;
	v4 =	vmul.f32 v47, v5  }
0x173: {  	v20 =	vmov v63;
	v63 =	vor.u32 v22, v35;
	v5 =	vld.idx.msk [tilespmem:v59+s20+$0x0], $0xffff  }
0x174: {  	v47 =	vld.idx.msk [tilespmem:v60+s3+$0x0], $0xffff;
	v3 =	vadd.f32 v4, v3;
	v4 =	vmul.f32 v49, v6  }
0x175: {  	v1 =	vor.u32 v23, v35;
	v6 =	vld.idx.msk [tilespmem:v60+s20+$0x0], $0xffff  }
0x176: {  	v49 =	vld.idx.msk [tilespmem:v62+s3+$0x0], $0xffff;
	v3 =	vadd.f32 v4, v3;
	v4 =	vmul.f32 v50, v46  }
0x177: {  	v2 =	vor.u32 v24, v35;
	v46 =	vld.idx.msk [tilespmem:v62+s20+$0x0], $0xffff  }
0x178: {  	v50 =	vld.idx.msk [tilespmem:v63+s3+$0x0], $0xffff;
	v3 =	vadd.f32 v4, v3;
	v4 =	vmul.f32 v48, v5  }
0x179: {  	v0 =	vor.u32 v25, v35;
	v5 =	vld.idx.msk [tilespmem:v63+s20+$0x0], $0xffff  }
0x17a: {  	v48 =	vld.idx.msk [tilespmem:v1+s3+$0x0], $0xffff;
	v3 =	vadd.f32 v4, v3;
	v4 =	vmul.f32 v47, v6  }
0x17b: {  	v45 =	vor.u32 v26, v35;
	v1 =	vld.idx.msk [tilespmem:v1+s20+$0x0], $0xffff  }
0x17c: {  	v6 =	vld.idx.msk [tilespmem:v2+s3+$0x0], $0xffff;
	v3 =	vadd.f32 v4, v3;
	v4 =	vmul.f32 v49, v46  }
0x17d: {  	v44 =	vor.u32 v27, v35;
	v2 =	vld.idx.msk [tilespmem:v2+s20+$0x0], $0xffff  }
0x17e: {  	v46 =	vld.idx.msk [tilespmem:v0+s3+$0x0], $0xffff;
	v3 =	vadd.f32 v4, v3;
	v4 =	vmul.f32 v50, v5  }
0x17f: {  	v43 =	vor.u32 v28, v35;
	v0 =	vld.idx.msk [tilespmem:v0+s20+$0x0], $0xffff  }
0x180: {  	v1 =	vmul.f32 v48, v1;
	v5 =	vld.idx.msk [tilespmem:v45+s3+$0x0], $0xffff;
	v3 =	vadd.f32 v4, v3  }
0x181: {  	v42 =	vor.u32 v29, v35;
	v4 =	vld.idx.msk [tilespmem:v45+s20+$0x0], $0xffff  }
0x182: {  	v47 =	vld.idx.msk [tilespmem:v44+s20+$0x0], $0xffff;
	v2 =	vmul.f32 v6, v2;
	v1 =	vadd.f32 v1, v3  }
0x183: {  	v45 =	vld.idx.msk [tilespmem:v44+s3+$0x0], $0xffff  }
0x184: {  	v48 =	vld.idx.msk [tilespmem:v43+s20+$0x0], $0xffff;
	v0 =	vmul.f32 v46, v0;
	v1 =	vadd.f32 v2, v1  }
0x185: {  	v40 =	vor.u32 v32, v35;
	v6 =	vld.idx.msk [tilespmem:v43+s3+$0x0], $0xffff  }
0x186: {  	v43 =	vld.idx.msk [tilespmem:v42+s3+$0x0], $0xffff;
	v44 =	vmul.f32 v5, v4;
	v0 =	vadd.f32 v0, v1  }
0x187: {  	v39 =	vor.u32 v30, v35;
	v4 =	vld.idx.msk [tilespmem:v42+s20+$0x0], $0xffff  }
0x188: {  	v46 =	vld.idx.msk [tilespmem:v41+s20+$0x0], $0xffff;
	v45 =	vmul.f32 v45, v47;
	v0 =	vadd.f32 v44, v0  }
0x189: {  	v38 =	vor.u32 v31, v35;
	v5 =	vld.idx.msk [tilespmem:v41+s3+$0x0], $0xffff  }
0x18a: {  	v48 =	vmul.f32 v6, v48;
	v47 =	vld.idx.msk [tilespmem:v40+s3+$0x0], $0xffff;
	v0 =	vadd.f32 v45, v0  }
0x18b: {  	v37 =	vor.u32 v33, v35;
	v42 =	vld.idx.msk [tilespmem:v40+s20+$0x0], $0xffff  }
0x18c: {  	v6 =	vld.idx.msk [tilespmem:v39+s3+$0x0], $0xffff;
	v43 =	vmul.f32 v43, v4;
	v0 =	vadd.f32 v48, v0  }
0x18d: {  	v4 =	vld.idx.msk [tilespmem:v39+s20+$0x0], $0xffff  }
0x18e: {  	v44 =	vld.idx.msk [tilespmem:v38+s3+$0x0], $0xffff;
	v45 =	vmul.f32 v5, v46;
	v0 =	vadd.f32 v43, v0  }
0x18f: {  	v35 =	vor.u32 v34, v35;
	v46 =	vld.idx.msk [tilespmem:v38+s20+$0x0], $0xffff  }
0x190: {  	v5 =	vld.idx.msk [tilespmem:v37+s3+$0x0], $0xffff;
	v47 =	vmul.f32 v47, v42;
	v0 =	vadd.f32 v45, v0  }
0x191: {  	v48 =	vld.idx.msk [tilespmem:v37+s20+$0x0], $0xffff  }
0x192: {  	v40 =	vld.idx.msk [tilespmem:v36+s3+$0x0], $0xffff;
	v41 =	vmul.f32 v6, v4;
	v0 =	vadd.f32 v47, v0  }
0x193: {  	v4 =	vld.idx.msk [tilespmem:v36+s20+$0x0], $0xffff  }
0x194: {  	v43 =	vld.idx.msk [tilespmem:v35+s20+$0x0], $0xffff;
	v42 =	vmul.f32 v44, v46;
	v0 =	vadd.f32 v41, v0  }
0x195: {  	v6 =	vld.idx.msk [tilespmem:v35+s3+$0x0], $0xffff  }
0x196: {  	s2 =	sand.u32 $0xF, s30;
	v44 =	vmul.f32 v5, v48;
	v0 =	vadd.f32 v42, v0  }
0x197: {  	p1 =	sne.s32 s2, $0xF  }
0x198: {  	v2 =	vlaneseq.u32 @!p1;
	v45 =	vmul.f32 v40, v4;
	v0 =	vadd.f32 v44, v0  }
0x199: {  	v2 =	vmul.u32 @!p1 $0x10, v2  }
0x19a: {  	v46 =	vmul.f32 v6, v43;
	v0 =	vadd.f32 v45, v0  }
0x19b: {  	s28 =	sadd.s32 $0x4, s28;
	s0 =	smov.u32 s31  }
0x19c: {  	s26 =	sadd.s32 $0x10, s26;
	s30 =	smov.u32 s0;
	s0 =	sand.u32 @!p1 $0xC0, s28;
	v0 =	vadd.f32 v46, v0  }
0x19d: {  	s2 =	sshrl.u32 @!p1 s0, $0x2;
	s0 =	sand.u32 $0xF0, s26;
	v3 =	vor.u32 @!p1 $0x1, v2  }
0x19e: {  	[tilespmem:s0+$0x18280] =	vst v0;
	s0 =	simm.s32 @!p1 $0x18280  }
0x19f: {  	v4 =	vor.u32 @!p1 $0x2, v2;
	v40 =	vld.idx.msk @!p1 [tilespmem:v2+s0+$0x0], $0xffff  }
0x1a0: {  	v44 =	vld @!p1 [tilespmem:$0x18380]  }
0x1a1: {  	v5 =	vor.u32 @!p1 $0x3, v2  }
0x1a2: {  	v3 =	vld.idx.msk @!p1 [tilespmem:v3+s0+$0x0], $0xffff  }
0x1a3: {  	v1 =	vor.u32 @!p1 $0x4, v2  }
0x1a4: {  	v4 =	vld.idx.msk @!p1 [tilespmem:v4+s0+$0x0], $0xffff  }
0x1a5: {  	v6 =	vor.u32 @!p1 $0x5, v2;
	v40 =	vadd.f32 @!p1 v40, v44  }
0x1a6: {  	v5 =	vld.idx.msk @!p1 [tilespmem:v5+s0+$0x0], $0xffff  }
0x1a7: {  	v35 =	vor.u32 @!p1 $0x6, v2;
	v3 =	vadd.f32 @!p1 v3, v40  }
0x1a8: {  	v1 =	vld.idx.msk @!p1 [tilespmem:v1+s0+$0x0], $0xffff  }
0x1a9: {  	v36 =	vor.u32 @!p1 $0x7, v2;
	v3 =	vadd.f32 @!p1 v4, v3  }
0x1aa: {  	v4 =	vld.idx.msk @!p1 [tilespmem:v6+s0+$0x0], $0xffff  }
0x1ab: {  	v37 =	vor.u32 @!p1 $0x8, v2;
	v3 =	vadd.f32 @!p1 v5, v3  }
0x1ac: {  	v5 =	vld.idx.msk @!p1 [tilespmem:v35+s0+$0x0], $0xffff  }
0x1ad: {  	v0 =	vor.u32 @!p1 $0x9, v2;
	v1 =	vadd.f32 @!p1 v1, v3  }
0x1ae: {  	v3 =	vld.idx.msk @!p1 [tilespmem:v36+s0+$0x0], $0xffff  }
0x1af: {  	v38 =	vor.u32 @!p1 $0xA, v2;
	v1 =	vadd.f32 @!p1 v4, v1  }
0x1b0: {  	v4 =	vld.idx.msk @!p1 [tilespmem:v37+s0+$0x0], $0xffff  }
0x1b1: {  	v39 =	vor.u32 @!p1 $0xB, v2;
	v1 =	vadd.f32 @!p1 v5, v1  }
0x1b2: {  	v0 =	vld.idx.msk @!p1 [tilespmem:v0+s0+$0x0], $0xffff  }
0x1b3: {  	v41 =	vor.u32 @!p1 $0xC, v2;
	v1 =	vadd.f32 @!p1 v3, v1  }
0x1b4: {  	v3 =	vld.idx.msk @!p1 [tilespmem:v38+s0+$0x0], $0xffff  }
0x1b5: {  	v42 =	vor.u32 @!p1 $0xD, v2;
	v1 =	vadd.f32 @!p1 v4, v1  }
0x1b6: {  	v4 =	vld.idx.msk @!p1 [tilespmem:v39+s0+$0x0], $0xffff  }
0x1b7: {  	v43 =	vor.u32 @!p1 $0xE, v2;
	v0 =	vadd.f32 @!p1 v0, v1  }
0x1b8: {  	v1 =	vld.idx.msk @!p1 [tilespmem:v41+s0+$0x0], $0xffff  }
0x1b9: {  	v2 =	vor.u32 @!p1 $0xF, v2;
	v0 =	vadd.f32 @!p1 v3, v0  }
0x1ba: {  	v3 =	vld.idx.msk @!p1 [tilespmem:v42+s0+$0x0], $0xffff  }
0x1bb: {  	s31 =	sadd.s32 $0x1, s31;
	v61 =	vmov v18;
	v0 =	vadd.f32 @!p1 v4, v0  }
0x1bc: {  	p0 =	sne.s32 s31, $0x30;
	v51 =	vmovc v8;
	v57 =	vmovc v14;
	v52 =	vmov v9;
	v53 =	vmov v10;
	v5 =	vmov s30;
	v4 =	vld.idx.msk @!p1 [tilespmem:v43+s0+$0x0], $0xffff  }
.Ltmp0:
0x1bd: {  	v54 =	vmovc v11;
	v55 =	vmovc v12;
	v47 =	vshll.u32 v5, $0x9;
	v48 =	vshll.u32 v5, $0x7;
	v0 =	vadd.f32 @!p1 v1, v0;
	(pc) =	sbr.rel @p0 .LBB2_3-.Ltmp0, $4  }
0x1be: {  	v56 =	vmovc v13;
	v58 =	vmovc v15;
	v59 =	vmov v16;
	v38 =	vld.idx.msk @!p1 [tilespmem:v2+s0+$0x0], $0xffff;
	v2 =	vand.u32 $0x380, v48;
	v1 =	vand.u32 $0x7000, v47  }
0x1bf: {  	v60 =	vmovc v17;
	v62 =	vmovc v19;
	v49 =	vlaneseq.u32;
	v35 =	vor.u32 v2, v1;
	v0 =	vadd.f32 @!p1 v3, v0  }
0x1c0: {  	v63 =	vmovc v20;
	v37 =	vor.u32 v49, v35;
	v36 =	vor.u32 v7, v35;
	v48 =	vor.u32 v8, v35  }
0x1c1: {  	v50 =	vmovc v7;
	v47 =	vor.u32 v9, v35;
	v46 =	vor.u32 v10, v35;
	v39 =	vadd.f32 @!p1 v4, v0  }
0x1c2: {  	_ = 	snop  }
0x1c3: {  	v0 =	vadd.f32 @!p1 v38, v39;
	_ =	sdelay $0x1  }
0x1c4: {  	[tilespmem:s2+$0x18200] =	vst @!p1 v0  }
0x1c5: {  	v0 =	vld.idx.msk [tilespmem:v37+s20+$0x0], $0xffff  }
0x1c6: {  	v1 =	vld.idx.msk [tilespmem:v37+s3+$0x0], $0xffff  }
0x1c7: {  	v2 =	vld.idx.msk [tilespmem:v36+s3+$0x0], $0xffff  }
0x1c8: {  	v3 =	vld.idx.msk [tilespmem:v36+s20+$0x0], $0xffff  }
0x1c9: {  	v4 =	vld.idx.msk [tilespmem:v48+s3+$0x0], $0xffff  }
0x1ca: {  	v5 =	vor.u32 v54, v35;
	v6 =	vld.idx.msk [tilespmem:v48+s20+$0x0], $0xffff  }
0x1cb: {  	v36 =	vld.idx.msk [tilespmem:v47+s3+$0x0], $0xffff  }
0x1cc: {  	v44 =	vld.idx.msk [tilespmem:v47+s20+$0x0], $0xffff;
	v47 =	vor.u32 v56, v35  }
0x1cd: {  	v45 =	vld.idx.msk [tilespmem:v46+s3+$0x0], $0xffff  }
0x1ce: {  	v48 =	vld.idx.msk [tilespmem:v46+s20+$0x0], $0xffff;
	v0 =	vmul.f32 v1, v0;
	v1 =	vor.u32 v55, v35  }
0x1cf: {  	v40 =	vld.idx.msk [tilespmem:v5+s3+$0x0], $0xffff  }
0x1d0: {  	v5 =	vld.idx.msk [tilespmem:v5+s20+$0x0], $0xffff;
	v41 =	vmul.f32 v4, v6;
	v4 =	vor.u32 v57, v35  }
0x1d1: {  	v2 =	vmul.f32 v2, v3;
	v37 =	vld.idx.msk [tilespmem:v47+s3+$0x0], $0xffff  }
0x1d2: {  	v42 =	vmul.f32 v36, v44;
	v36 =	vor.u32 v58, v35;
	v3 =	vld.idx.msk [tilespmem:v47+s20+$0x0], $0xffff;
	v0 =	vadd.f32 $0.0e+00, v0  }
0x1d3: {  	v6 =	vld.idx.msk [tilespmem:v1+s3+$0x0], $0xffff  }
0x1d4: {  	v0 =	vadd.f32 v2, v0;
	v1 =	vld.idx.msk [tilespmem:v1+s20+$0x0], $0xffff  }
0x1d5: {  	v43 =	vmul.f32 v45, v48;
	v44 =	vor.u32 v59, v35;
	v45 =	vld.idx.msk [tilespmem:v4+s3+$0x0], $0xffff  }
0x1d6: {  	v4 =	vld.idx.msk [tilespmem:v4+s20+$0x0], $0xffff;
	v0 =	vadd.f32 v41, v0  }
0x1d7: {  	v46 =	vmul.f32 v40, v5;
	v5 =	vor.u32 v60, v35;
	v47 =	vld.idx.msk [tilespmem:v36+s3+$0x0], $0xffff  }
0x1d8: {  	v41 =	vld [tilespmem:$0x1FFA0];
	v0 =	vadd.f32 v42, v0  }
0x1d9: {  	v1 =	vmul.f32 v6, v1;
	v6 =	vld.idx.msk [tilespmem:v36+s20+$0x0], $0xffff  }
0x1da: {  	v48 =	vor.u32 v61, v35;
	v0 =	vadd.f32 v43, v0;
	v36 =	vld.idx.msk [tilespmem:v44+s3+$0x0], $0xffff  }
0x1db: {  	v43 =	vmul.f32 v37, v3;
	v37 =	vld.idx.msk [tilespmem:v44+s20+$0x0], $0xffff  }
0x1dc: {  	v3 =	vor.u32 v62, v35;
	v44 =	vld.idx.msk [tilespmem:v5+s3+$0x0], $0xffff;
	v0 =	vadd.f32 v46, v0  }
0x1dd: {  	v5 =	vld.idx.msk [tilespmem:v5+s20+$0x0], $0xffff  }
0x1de: {  	v0 =	vadd.f32 v1, v0  }
0x1df: {  	v2 =	vld.idx.msk [tilespmem:v48+s20+$0x0], $0xffff;
	v45 =	vmul.f32 v45, v4;
	v4 =	vor.u32 v63, v35  }
0x1e0: {  	v46 =	vld.idx.msk [tilespmem:v48+s3+$0x0], $0xffff;
	v0 =	vadd.f32 v43, v0  }
0x1e1: {  	v47 =	vmul.f32 v47, v6;
	v6 =	vor.u32 v41, v35;
	v48 =	vld.idx.msk [tilespmem:v3+s3+$0x0], $0xffff  }
0x1e2: {  	v3 =	vld.idx.msk [tilespmem:v3+s20+$0x0], $0xffff;
	v44 =	vmul.f32 v44, v5;
	v5 =	vor.u32 v22, v35;
	v0 =	vadd.f32 v45, v0;
	_ =	sdelay $0x1  }
0x1e3: {  	v42 =	vmul.f32 v36, v37;
	v37 =	vld.idx.msk [tilespmem:v4+s3+$0x0], $0xffff;
	v0 =	vadd.f32 v47, v0  }
0x1e4: {  	v4 =	vld.idx.msk [tilespmem:v4+s20+$0x0], $0xffff;
	v43 =	vor.u32 v21, v35  }
0x1e5: {  	v38 =	vld.idx.msk [tilespmem:v6+s3+$0x0], $0xffff;
	v0 =	vadd.f32 v42, v0  }
0x1e6: {  	v45 =	vmul.f32 v46, v2;
	v46 =	vor.u32 v23, v35;
	v47 =	vmul.f32 v48, v3;
	v48 =	vld.idx.msk [tilespmem:v5+s3+$0x0], $0xffff  }
0x1e7: {  	v5 =	vld.idx.msk [tilespmem:v5+s20+$0x0], $0xffff;
	v0 =	vadd.f32 v44, v0  }
0x1e8: {  	v6 =	vld.idx.msk [tilespmem:v6+s20+$0x0], $0xffff;
	v3 =	vor.u32 v24, v35  }
0x1e9: {  	v39 =	vld.idx.msk [tilespmem:v43+s3+$0x0], $0xffff;
	v0 =	vadd.f32 v45, v0  }
0x1ea: {  	v36 =	vld.idx.msk [tilespmem:v43+s20+$0x0], $0xffff;
	v43 =	vmul.f32 v37, v4;
	v4 =	vor.u32 v25, v35  }
0x1eb: {  	v2 =	vld.idx.msk [tilespmem:v46+s20+$0x0], $0xffff;
	v0 =	vadd.f32 v47, v0  }
0x1ec: {  	v44 =	vld.idx.msk [tilespmem:v46+s3+$0x0], $0xffff;
	v48 =	vmul.f32 v48, v5  }
0x1ed: {  	v46 =	vld.idx.msk [tilespmem:v3+s3+$0x0], $0xffff;
	v5 =	vor.u32 v28, v35;
	v45 =	vmul.f32 v38, v6;
	v0 =	vadd.f32 v43, v0  }
0x1ee: {  	v3 =	vld.idx.msk [tilespmem:v3+s20+$0x0], $0xffff;
	v6 =	vor.u32 v26, v35  }
0x1ef: {  	v47 =	vmul.f32 v39, v36;
	v39 =	vld.idx.msk [tilespmem:v4+s3+$0x0], $0xffff;
	v0 =	vadd.f32 v45, v0  }
0x1f0: {  	v36 =	vor.u32 v27, v35;
	v4 =	vld.idx.msk [tilespmem:v4+s20+$0x0], $0xffff  }
0x1f1: {  	v45 =	vld [tilespmem:$0x1FFB0];
	v0 =	vadd.f32 v47, v0  }
0x1f2: {  	v38 =	vld.idx.msk [tilespmem:v5+s3+$0x0], $0xffff  }
0x1f3: {  	v42 =	vmul.f32 v44, v2;
	v2 =	vor.u32 v29, v35;
	v40 =	vld.idx.msk [tilespmem:v6+s3+$0x0], $0xffff;
	v0 =	vadd.f32 v48, v0  }
0x1f4: {  	v6 =	vld.idx.msk [tilespmem:v6+s20+$0x0], $0xffff  }
0x1f5: {  	v43 =	vmul.f32 v46, v3;
	v37 =	vld.idx.msk [tilespmem:v36+s3+$0x0], $0xffff;
	v0 =	vadd.f32 v42, v0  }
0x1f6: {  	v36 =	vld.idx.msk [tilespmem:v36+s20+$0x0], $0xffff;
	v3 =	vor.u32 v45, v35  }
0x1f7: {  	v5 =	vld.idx.msk [tilespmem:v5+s20+$0x0], $0xffff;
	v48 =	vmul.f32 v39, v4;
	v0 =	vadd.f32 v43, v0  }
0x1f8: {  	v4 =	vor.u32 v32, v35;
	v39 =	vld.idx.msk [tilespmem:v2+s3+$0x0], $0xffff  }
0x1f9: {  	v46 =	vmul.f32 v40, v6;
	v2 =	vld.idx.msk [tilespmem:v2+s20+$0x0], $0xffff;
	v0 =	vadd.f32 v48, v0  }
0x1fa: {  	v6 =	vor.u32 v30, v35;
	v43 =	vld [tilespmem:$0x1FFC0]  }
0x1fb: {  	v47 =	vmul.f32 v37, v36;
	v40 =	vld.idx.msk [tilespmem:v3+s3+$0x0], $0xffff;
	v0 =	vadd.f32 v46, v0  }
0x1fc: {  	v36 =	vor.u32 v31, v35;
	v3 =	vld.idx.msk [tilespmem:v3+s20+$0x0], $0xffff  }
0x1fd: {  	v37 =	vld.idx.msk [tilespmem:v4+s3+$0x0], $0xffff;
	v48 =	vmul.f32 v38, v5;
	v0 =	vadd.f32 v47, v0  }
0x1fe: {  	v4 =	vld.idx.msk [tilespmem:v4+s20+$0x0], $0xffff;
	v5 =	vor.u32 v33, v35  }
0x1ff: {  	v44 =	vmov v33;
	v38 =	vld.idx.msk [tilespmem:v6+s3+$0x0], $0xffff;
	v33 =	vmul.f32 v39, v2;
	v0 =	vadd.f32 v48, v0  }
0x200: {  	v6 =	vld.idx.msk [tilespmem:v6+s20+$0x0], $0xffff;
	v2 =	vor.u32 v43, v35  }
0x201: {  	v39 =	vld.idx.msk [tilespmem:v36+s3+$0x0], $0xffff;
	v46 =	vmul.f32 v40, v3;
	v0 =	vadd.f32 v33, v0  }
0x202: {  	v47 =	vor.u32 v34, v35;
	v48 =	vld.idx.msk [tilespmem:v36+s20+$0x0], $0xffff  }
0x203: {  	v37 =	vmul.f32 v37, v4;
	v4 =	vld.idx.msk [tilespmem:v5+s20+$0x0], $0xffff;
	v0 =	vadd.f32 v46, v0  }
0x204: {  	v33 =	vld.idx.msk [tilespmem:v5+s3+$0x0], $0xffff  }
0x205: {  	v38 =	vmul.f32 v38, v6;
	v5 =	vld.idx.msk [tilespmem:v2+s3+$0x0], $0xffff;
	v0 =	vadd.f32 v37, v0  }
0x206: {  	v2 =	vld.idx.msk [tilespmem:v2+s20+$0x0], $0xffff  }
0x207: {  	v6 =	vld.idx.msk [tilespmem:v47+s3+$0x0], $0xffff;
	v40 =	vmul.f32 v39, v48;
	v0 =	vadd.f32 v38, v0  }
0x208: {  	v3 =	vld.idx.msk [tilespmem:v47+s20+$0x0], $0xffff  }
0x209: {  	s0 =	sand.u32 $0xF, s30;
	v46 =	vmul.f32 v33, v4;
	v0 =	vadd.f32 v40, v0  }
0x20a: {  	p0 =	sne.s32 s0, $0xF  }
0x20b: {  	v47 =	vmul.f32 v5, v2;
	v2 =	vlaneseq.u32 @!p0;
	v0 =	vadd.f32 v46, v0  }
0x20c: {  	v2 =	vmul.u32 @!p0 $0x10, v2  }
0x20d: {  	v48 =	vmul.f32 v6, v3;
	v0 =	vadd.f32 v47, v0;
	_ =	sdelay $0x1  }
0x20e: {  	s26 =	sadd.s32 $0x10, s26;
	v0 =	vadd.f32 v48, v0  }
0x20f: {  	s0 =	sand.u32 $0xF0, s26;
	v1 =	vor.u32 @!p0 $0x1, v2  }
0x210: {  	[tilespmem:s0+$0x18280] =	vst v0;
	s0 =	simm.s32 @!p0 $0x18280  }
0x211: {  	v0 =	vor.u32 @!p0 $0x2, v2;
	v3 =	vld.idx.msk @!p0 [tilespmem:v2+s0+$0x0], $0xffff  }
0x212: {  	v4 =	vld @!p0 [tilespmem:$0x18380]  }
0x213: {  	v5 =	vor.u32 @!p0 $0x3, v2  }
0x214: {  	v1 =	vld.idx.msk @!p0 [tilespmem:v1+s0+$0x0], $0xffff  }
0x215: {  	v6 =	vor.u32 @!p0 $0x4, v2  }
0x216: {  	v0 =	vld.idx.msk @!p0 [tilespmem:v0+s0+$0x0], $0xffff  }
0x217: {  	v35 =	vor.u32 @!p0 $0x5, v2;
	v3 =	vadd.f32 @!p0 v3, v4  }
0x218: {  	v4 =	vld.idx.msk @!p0 [tilespmem:v5+s0+$0x0], $0xffff  }
0x219: {  	v5 =	vor.u32 @!p0 $0x6, v2;
	v1 =	vadd.f32 @!p0 v1, v3  }
0x21a: {  	v3 =	vld.idx.msk @!p0 [tilespmem:v6+s0+$0x0], $0xffff  }
0x21b: {  	v6 =	vor.u32 @!p0 $0x7, v2;
	v0 =	vadd.f32 @!p0 v0, v1  }
0x21c: {  	v1 =	vld.idx.msk @!p0 [tilespmem:v35+s0+$0x0], $0xffff  }
0x21d: {  	v35 =	vor.u32 @!p0 $0x8, v2;
	v0 =	vadd.f32 @!p0 v4, v0  }
0x21e: {  	v4 =	vld.idx.msk @!p0 [tilespmem:v5+s0+$0x0], $0xffff  }
0x21f: {  	v5 =	vor.u32 @!p0 $0x9, v2;
	v0 =	vadd.f32 @!p0 v3, v0  }
0x220: {  	v3 =	vld.idx.msk @!p0 [tilespmem:v6+s0+$0x0], $0xffff  }
0x221: {  	v6 =	vor.u32 @!p0 $0xA, v2;
	v0 =	vadd.f32 @!p0 v1, v0  }
0x222: {  	v1 =	vld.idx.msk @!p0 [tilespmem:v35+s0+$0x0], $0xffff  }
0x223: {  	v35 =	vor.u32 @!p0 $0xB, v2;
	v0 =	vadd.f32 @!p0 v4, v0  }
0x224: {  	v4 =	vld.idx.msk @!p0 [tilespmem:v5+s0+$0x0], $0xffff  }
0x225: {  	v5 =	vor.u32 @!p0 $0xC, v2;
	v0 =	vadd.f32 @!p0 v3, v0  }
0x226: {  	v3 =	vld.idx.msk @!p0 [tilespmem:v6+s0+$0x0], $0xffff  }
0x227: {  	v6 =	vor.u32 @!p0 $0xD, v2;
	v0 =	vadd.f32 @!p0 v1, v0  }
0x228: {  	v1 =	vld.idx.msk @!p0 [tilespmem:v35+s0+$0x0], $0xffff  }
0x229: {  	v35 =	vor.u32 @!p0 $0xE, v2;
	v0 =	vadd.f32 @!p0 v4, v0  }
0x22a: {  	v4 =	vld.idx.msk @!p0 [tilespmem:v5+s0+$0x0], $0xffff  }
0x22b: {  	v2 =	vor.u32 @!p0 $0xF, v2;
	v0 =	vadd.f32 @!p0 v3, v0  }
0x22c: {  	v3 =	vld.idx.msk @!p0 [tilespmem:v6+s0+$0x0], $0xffff  }
0x22d: {  	v0 =	vadd.f32 @!p0 v1, v0  }
0x22e: {  	v1 =	vld.idx.msk @!p0 [tilespmem:v35+s0+$0x0], $0xffff  }
0x22f: {  	v0 =	vadd.f32 @!p0 v4, v0  }
0x230: {  	v2 =	vld.idx.msk @!p0 [tilespmem:v2+s0+$0x0], $0xffff  }
0x231: {  	v0 =	vadd.f32 @!p0 v3, v0;
	_ =	sdelay $0x1  }
0x232: {  	v0 =	vadd.f32 @!p0 v1, v0  }
0x233: {  	s0 =	sadd.s32 $0x4, s28  }
0x234: {  	s30 =	sor.u32 s6, s15;
	s0 =	sand.u32 @!p0 $0xC0, s0;
	v0 =	vadd.f32 @!p0 v2, v0  }
0x235: {  	s2 =	smul.u32 $0x6, s30;
	s0 =	sshrl.u32 @!p0 s0, $0x2  }
0x236: {  	[tilespmem:s0+$0x18200] =	vst @!p0 v0;
	p0 =	seq.s32 s24, $0x20  }
.Ltmp1:
0x237: {  	s31 =	sadd.s32 s9, s2;
	(pc) =	sbr.rel @p0 .LBB2_6-.Ltmp1, $4  }
0x238: {  	v42 =	vmov v32;
	v32 =	vmov v30;
	[hbm4b:s31+s4] =	stream.linear.scatter [tilespmem:s19], [sflag:$0x5], $0x30, $0x38;
	[tilespmem:$0x18400] =	vst v63  }
0x239: {  	_ =	swait.ge [sflag:s18], $0x30  }
0x23a: {  	v30 =	vmov v31;
	[sflag:s18] =	ssyncset.done $0x0  }
0x23b: {  	v31 =	vmovc v45;
	v33 =	vmovc v32;
	v32 =	vmov v44;
	v40 =	vmov v34;
	v34 =	vmov v30;
	[sflag:s18] =	ssyncadd.s32 $0xFFFFFFD0  }
0x23c: {  	s0 =	rddreg [dreg:$0x6]  }
0x23d: {  	s0 =	sadd.s32 s0, s15  }
0x23e: {  	s0 =	smul.u32 $0x6, s0;
	_ =	sdelay $0x1  }
0x23f: {  	s2 =	sadd.s32 s7, s0  }
0x240: {  	[tilespmem:s4], [sflag:$0x5] =	stream.linear.gather [hbm4b:s2+s4], $0x30, $0x38;
	[tilespmem:$0x18400] =	vst v63  }
0x241: {  	_ =	swait.ge [sflag:s18], $0x30  }
0x242: {  	[sflag:s18] =	ssyncset.done $0x0  }
0x243: {  	s15 =	simm.s32 $0x100;
	s0 =	sadd.s32 s8, s0;
	[sflag:s18] =	ssyncadd.s32 $0xFFFFFFD0  }
0x244: {  	[tilespmem:s15], [sflag:$0x5] =	stream.linear.gather [hbm4b:s0+s4], $0x30, $0x38;
	[tilespmem:$0x18400] =	vst v63  }
0x245: {  	_ =	swait.ge [sflag:s18], $0x30  }
0x246: {  	[sflag:s18] =	ssyncset.done $0x0  }
0x247: {  	[sflag:s18] =	ssyncadd.s32 $0xFFFFFFD0  }
0x248: {  	v0 =	vld [tilespmem:$0x0];
	_ =	sdelay $0x2  }
0x249: {  	v2 =	vld [tilespmem:$0x1FFD0];
	_ =	sdelay $0x1  }
0x24a: {  	v3 =	vld [tilespmem:$0x1FFE0];
	v1 =	vshll.u32 v0, $0x2  }
0x24b: {  	v0 =	vand.u32 $0x7, v0;
	v1 =	vand.u32 $0xFFFFFFE0, v1  }
0x24c: {  	v4 =	vld [tilespmem:$0x1FFF0];
	v0 =	vor.u32 v0, v1  }
0x24d: {  	v1 =	vperm.xlane v0, v2;
	_ =	sdelay $0x1  }
0x24e: {  	v1 =	vadd.s32 v3, v1;
	_ =	sdelay $0x1  }
0x24f: {  	v0 =	vperm.xlane v0, v4;
	_ =	sdelay $0x1  }
0x250: {  	v0 =	vadd.s32 v3, v0  }
0x251: {  	[tilespmem:s20], [sflag:$0x1] =	stream.indirect_vreg.gather [hbm4b:s1+s4], $0x80, v1, vm0, $0xb8;
	[tilespmem:$0x18400] =	vst v63  }
0x252: {  	s26 =	simm.s32 $0xA00  }
0x253: {  	[tilespmem:s26], [sflag:$0x1] =	stream.indirect_vreg.gather [hbm4b:s12+s4], $0x80, v1, vm0, $0xb8;
	[tilespmem:$0x18400] =	vst v63  }
0x254: {  	s28 =	simm.s32 $0x1200  }
0x255: {  	[tilespmem:s28], [sflag:$0x1] =	stream.indirect_vreg.gather [hbm4b:s1+s4], $0x80, v0, vm0, $0xb8;
	[tilespmem:$0x18400] =	vst v63  }
0x256: {  	s30 =	simm.s32 $0x1A00  }
0x257: {  	[tilespmem:s30], [sflag:$0x1] =	stream.indirect_vreg.gather [hbm4b:s12+s4], $0x80, v0, vm0, $0xb8;
	[tilespmem:$0x18400] =	vst v63  }
0x258: {  	v0 =	vld [tilespmem:$0x10];
	_ =	sdelay $0x4  }
0x259: {  	v44 =	vshll.u32 v0, $0x2  }
0x25a: {  	v0 =	vand.u32 $0x7, v0;
	v1 =	vand.u32 $0xFFFFFFE0, v44  }
0x25b: {  	v0 =	vor.u32 v0, v1  }
0x25c: {  	v1 =	vperm.xlane v0, v2;
	_ =	sdelay $0x1  }
0x25d: {  	v1 =	vadd.s32 v3, v1;
	_ =	sdelay $0x1  }
0x25e: {  	v0 =	vperm.xlane v0, v4;
	_ =	sdelay $0x1  }
0x25f: {  	s31 =	simm.s32 $0x2200;
	v0 =	vadd.s32 v3, v0  }
0x260: {  	[tilespmem:s31], [sflag:$0x1] =	stream.indirect_vreg.gather [hbm4b:s1+s4], $0x80, v1, vm0, $0xb8;
	[tilespmem:$0x18400] =	vst v63  }
0x261: {  	s2 =	simm.s32 $0x2A00  }
0x262: {  	[tilespmem:s2], [sflag:$0x1] =	stream.indirect_vreg.gather [hbm4b:s12+s4], $0x80, v1, vm0, $0xb8;
	[tilespmem:$0x18400] =	vst v63  }
0x263: {  	s15 =	simm.s32 $0x3200  }
0x264: {  	[tilespmem:s15], [sflag:$0x1] =	stream.indirect_vreg.gather [hbm4b:s1+s4], $0x80, v0, vm0, $0xb8;
	[tilespmem:$0x18400] =	vst v63  }
0x265: {  	s26 =	simm.s32 $0x3A00  }
0x266: {  	[tilespmem:s26], [sflag:$0x1] =	stream.indirect_vreg.gather [hbm4b:s12+s4], $0x80, v0, vm0, $0xb8;
	[tilespmem:$0x18400] =	vst v63  }
0x267: {  	v0 =	vld [tilespmem:$0x20];
	_ =	sdelay $0x4  }
0x268: {  	v45 =	vshll.u32 v0, $0x2  }
0x269: {  	v0 =	vand.u32 $0x7, v0;
	v1 =	vand.u32 $0xFFFFFFE0, v45  }
0x26a: {  	v0 =	vor.u32 v0, v1  }
0x26b: {  	v1 =	vperm.xlane v0, v2;
	_ =	sdelay $0x1  }
0x26c: {  	v1 =	vadd.s32 v3, v1;
	_ =	sdelay $0x1  }
0x26d: {  	v0 =	vperm.xlane v0, v4;
	_ =	sdelay $0x1  }
0x26e: {  	s28 =	simm.s32 $0x4200;
	v0 =	vadd.s32 v3, v0  }
0x26f: {  	[tilespmem:s28], [sflag:$0x1] =	stream.indirect_vreg.gather [hbm4b:s1+s4], $0x80, v1, vm0, $0xb8;
	[tilespmem:$0x18400] =	vst v63  }
0x270: {  	s30 =	simm.s32 $0x4A00  }
0x271: {  	[tilespmem:s30], [sflag:$0x1] =	stream.indirect_vreg.gather [hbm4b:s12+s4], $0x80, v1, vm0, $0xb8;
	[tilespmem:$0x18400] =	vst v63  }
0x272: {  	s31 =	simm.s32 $0x5200  }
0x273: {  	[tilespmem:s31], [sflag:$0x1] =	stream.indirect_vreg.gather [hbm4b:s1+s4], $0x80, v0, vm0, $0xb8;
	[tilespmem:$0x18400] =	vst v63  }
0x274: {  	s2 =	simm.s32 $0x5A00  }
0x275: {  	[tilespmem:s2], [sflag:$0x1] =	stream.indirect_vreg.gather [hbm4b:s12+s4], $0x80, v0, vm0, $0xb8;
	[tilespmem:$0x18400] =	vst v63  }
0x276: {  	v0 =	vld [tilespmem:$0x100];
	_ =	sdelay $0x4  }
0x277: {  	v46 =	vshll.u32 v0, $0x2  }
0x278: {  	v0 =	vand.u32 $0x7, v0;
	v1 =	vand.u32 $0xFFFFFFE0, v46  }
0x279: {  	v0 =	vor.u32 v0, v1  }
0x27a: {  	v1 =	vperm.xlane v0, v2;
	_ =	sdelay $0x1  }
0x27b: {  	v1 =	vadd.s32 v3, v1;
	_ =	sdelay $0x1  }
0x27c: {  	v0 =	vperm.xlane v0, v4;
	_ =	sdelay $0x1  }
0x27d: {  	v0 =	vadd.s32 v3, v0  }
0x27e: {  	[tilespmem:s3], [sflag:$0x3] =	stream.indirect_vreg.gather [hbm4b:s5+s4], $0x80, v1, vm0, $0xb8;
	[tilespmem:$0x18400] =	vst v63  }
0x27f: {  	s15 =	simm.s32 $0xCA00  }
0x280: {  	[tilespmem:s15], [sflag:$0x3] =	stream.indirect_vreg.gather [hbm4b:s13+s4], $0x80, v1, vm0, $0xb8;
	[tilespmem:$0x18400] =	vst v63  }
0x281: {  	s26 =	simm.s32 $0xD200  }
0x282: {  	[tilespmem:s26], [sflag:$0x3] =	stream.indirect_vreg.gather [hbm4b:s5+s4], $0x80, v0, vm0, $0xb8;
	[tilespmem:$0x18400] =	vst v63  }
0x283: {  	s28 =	simm.s32 $0xDA00  }
0x284: {  	[tilespmem:s28], [sflag:$0x3] =	stream.indirect_vreg.gather [hbm4b:s13+s4], $0x80, v0, vm0, $0xb8;
	[tilespmem:$0x18400] =	vst v63  }
0x285: {  	v0 =	vld [tilespmem:$0x110];
	_ =	sdelay $0x4  }
0x286: {  	v47 =	vshll.u32 v0, $0x2  }
0x287: {  	v0 =	vand.u32 $0x7, v0;
	v1 =	vand.u32 $0xFFFFFFE0, v47  }
0x288: {  	v0 =	vor.u32 v0, v1  }
0x289: {  	v1 =	vperm.xlane v0, v2;
	_ =	sdelay $0x1  }
0x28a: {  	v1 =	vadd.s32 v3, v1;
	_ =	sdelay $0x1  }
0x28b: {  	v0 =	vperm.xlane v0, v4;
	_ =	sdelay $0x1  }
0x28c: {  	s30 =	simm.s32 $0xE200;
	v0 =	vadd.s32 v3, v0  }
0x28d: {  	[tilespmem:s30], [sflag:$0x3] =	stream.indirect_vreg.gather [hbm4b:s5+s4], $0x80, v1, vm0, $0xb8;
	[tilespmem:$0x18400] =	vst v63  }
0x28e: {  	s31 =	simm.s32 $0xEA00  }
0x28f: {  	[tilespmem:s31], [sflag:$0x3] =	stream.indirect_vreg.gather [hbm4b:s13+s4], $0x80, v1, vm0, $0xb8;
	[tilespmem:$0x18400] =	vst v63  }
0x290: {  	s2 =	simm.s32 $0xF200  }
0x291: {  	[tilespmem:s2], [sflag:$0x3] =	stream.indirect_vreg.gather [hbm4b:s5+s4], $0x80, v0, vm0, $0xb8;
	[tilespmem:$0x18400] =	vst v63  }
0x292: {  	s15 =	simm.s32 $0xFA00  }
0x293: {  	[tilespmem:s15], [sflag:$0x3] =	stream.indirect_vreg.gather [hbm4b:s13+s4], $0x80, v0, vm0, $0xb8;
	[tilespmem:$0x18400] =	vst v63  }
0x294: {  	v0 =	vld [tilespmem:$0x120];
	_ =	sdelay $0x4  }
0x295: {  	v48 =	vshll.u32 v0, $0x2  }
0x296: {  	v0 =	vand.u32 $0x7, v0;
	v1 =	vand.u32 $0xFFFFFFE0, v48  }
0x297: {  	v0 =	vor.u32 v0, v1  }
0x298: {  	v1 =	vperm.xlane v0, v2;
	_ =	sdelay $0x1  }
0x299: {  	v1 =	vadd.s32 v3, v1;
	_ =	sdelay $0x1  }
0x29a: {  	v0 =	vperm.xlane v0, v4;
	_ =	sdelay $0x1  }
0x29b: {  	s26 =	simm.s32 $0x10200;
	v0 =	vadd.s32 v3, v0  }
0x29c: {  	[tilespmem:s26], [sflag:$0x3] =	stream.indirect_vreg.gather [hbm4b:s5+s4], $0x80, v1, vm0, $0xb8;
	[tilespmem:$0x18400] =	vst v63  }
0x29d: {  	s28 =	simm.s32 $0x10A00  }
0x29e: {  	[tilespmem:s28], [sflag:$0x3] =	stream.indirect_vreg.gather [hbm4b:s13+s4], $0x80, v1, vm0, $0xb8;
	[tilespmem:$0x18400] =	vst v63  }
0x29f: {  	s30 =	simm.s32 $0x11200  }
0x2a0: {  	[tilespmem:s30], [sflag:$0x3] =	stream.indirect_vreg.gather [hbm4b:s5+s4], $0x80, v0, vm0, $0xb8;
	[tilespmem:$0x18400] =	vst v63  }
0x2a1: {  	s31 =	simm.s32 $0x11A00  }
0x2a2: {  	[tilespmem:s31], [sflag:$0x3] =	stream.indirect_vreg.gather [hbm4b:s13+s4], $0x80, v0, vm0, $0xb8;
	[tilespmem:$0x18400] =	vst v63  }
.LBB2_6:
0x2a3: {  	s15 =	simm.s32 $0x0  }
0x2a4: {  	v0 =	vmov s15  }
0x2a5: {  	v1 =	vshll.u32 v0, $0x9;
	v0 =	vshll.u32 v0, $0x7  }
0x2a6: {  	v1 =	vand.u32 $0x7000, v1;
	v0 =	vand.u32 $0x380, v0  }
0x2a7: {  	_ =	swait.ge [sflag:s21], $0x6000;
	v35 =	vor.u32 v0, v1  }
0x2a8: {  	[sflag:s21] =	ssyncset.done $0x0;
	v0 =	vor.u32 v49, v35  }
0x2a9: {  	[sflag:s21] =	ssyncadd.s32 $0xFFFFA000  }
0x2aa: {  	_ =	swait.ge [sflag:s22], $0x6000;
	v1 =	vor.u32 v50, v35  }
0x2ab: {  	[sflag:s22] =	ssyncset.done $0x0  }
0x2ac: {  	[sflag:s22] =	ssyncadd.s32 $0xFFFFA000;
	v2 =	vor.u32 v51, v35  }
0x2ad: {  	v3 =	vld.idx.msk [tilespmem:v0+s29+$0x0], $0xffff  }
0x2ae: {  	v4 =	vor.u32 v52, v35;
	v0 =	vld.idx.msk [tilespmem:v0+s23+$0x0], $0xffff  }
0x2af: {  	v5 =	vld.idx.msk [tilespmem:v1+s23+$0x0], $0xffff  }
0x2b0: {  	v6 =	vor.u32 v53, v35;
	v1 =	vld.idx.msk [tilespmem:v1+s29+$0x0], $0xffff  }
0x2b1: {  	v36 =	vld.idx.msk [tilespmem:v2+s23+$0x0], $0xffff  }
0x2b2: {  	v37 =	vor.u32 v54, v35;
	v2 =	vld.idx.msk [tilespmem:v2+s29+$0x0], $0xffff  }
0x2b3: {  	v38 =	vld.idx.msk [tilespmem:v4+s23+$0x0], $0xffff;
	v0 =	vmul.f32 v0, v3  }
0x2b4: {  	v45 =	vor.u32 v55, v35;
	v4 =	vld.idx.msk [tilespmem:v4+s29+$0x0], $0xffff  }
0x2b5: {  	v39 =	vld.idx.msk [tilespmem:v6+s23+$0x0], $0xffff;
	v1 =	vmul.f32 v5, v1;
	v0 =	vadd.f32 $0.0e+00, v0  }
0x2b6: {  	v6 =	vld.idx.msk [tilespmem:v6+s29+$0x0], $0xffff;
	v5 =	vor.u32 v56, v35  }
0x2b7: {  	v46 =	vld.idx.msk [tilespmem:v37+s23+$0x0], $0xffff;
	v2 =	vmul.f32 v36, v2;
	v0 =	vadd.f32 v1, v0  }
0x2b8: {  	v47 =	vor.u32 v57, v35;
	v37 =	vld.idx.msk [tilespmem:v37+s29+$0x0], $0xffff  }
0x2b9: {  	v48 =	vld.idx.msk [tilespmem:v45+s23+$0x0], $0xffff;
	v4 =	vmul.f32 v38, v4;
	v0 =	vadd.f32 v2, v0  }
0x2ba: {  	v44 =	vor.u32 v58, v35;
	v3 =	vld.idx.msk [tilespmem:v45+s29+$0x0], $0xffff  }
0x2bb: {  	v6 =	vmul.f32 v39, v6;
	v0 =	vadd.f32 v4, v0;
	v4 =	vld.idx.msk [tilespmem:v5+s23+$0x0], $0xffff  }
0x2bc: {  	v45 =	vor.u32 v59, v35;
	v5 =	vld.idx.msk [tilespmem:v5+s29+$0x0], $0xffff  }
0x2bd: {  	v36 =	vld.idx.msk [tilespmem:v47+s29+$0x0], $0xffff;
	v1 =	vmul.f32 v46, v37;
	v0 =	vadd.f32 v6, v0  }
0x2be: {  	v46 =	vor.u32 v60, v35;
	v6 =	vld.idx.msk [tilespmem:v47+s23+$0x0], $0xffff  }
0x2bf: {  	v38 =	vld.idx.msk [tilespmem:v44+s29+$0x0], $0xffff;
	v2 =	vmul.f32 v48, v3;
	v0 =	vadd.f32 v1, v0  }
0x2c0: {  	v48 =	vor.u32 v61, v35;
	v47 =	vld.idx.msk [tilespmem:v44+s23+$0x0], $0xffff  }
0x2c1: {  	v39 =	vld.idx.msk [tilespmem:v45+s29+$0x0], $0xffff;
	v4 =	vmul.f32 v4, v5;
	v0 =	vadd.f32 v2, v0  }
0x2c2: {  	v44 =	vld.idx.msk [tilespmem:v45+s23+$0x0], $0xffff;
	v5 =	vor.u32 v62, v35  }
0x2c3: {  	v37 =	vld.idx.msk [tilespmem:v46+s29+$0x0], $0xffff;
	v6 =	vmul.f32 v6, v36;
	v0 =	vadd.f32 v4, v0  }
0x2c4: {  	v36 =	vor.u32 v63, v35;
	v4 =	vld.idx.msk [tilespmem:v46+s23+$0x0], $0xffff  }
0x2c5: {  	v3 =	vld.idx.msk [tilespmem:v48+s29+$0x0], $0xffff;
	v1 =	vmul.f32 v47, v38;
	v0 =	vadd.f32 v6, v0  }
0x2c6: {  	v45 =	vor.u32 v41, v35;
	v6 =	vld.idx.msk [tilespmem:v48+s23+$0x0], $0xffff  }
0x2c7: {  	v2 =	vmul.f32 v44, v39;
	v46 =	vld.idx.msk [tilespmem:v5+s23+$0x0], $0xffff;
	v0 =	vadd.f32 v1, v0  }
0x2c8: {  	v47 =	vor.u32 v21, v35;
	v5 =	vld.idx.msk [tilespmem:v5+s29+$0x0], $0xffff  }
0x2c9: {  	v48 =	vld.idx.msk [tilespmem:v36+s23+$0x0], $0xffff;
	v4 =	vmul.f32 v4, v37;
	v0 =	vadd.f32 v2, v0  }
0x2ca: {  	v44 =	vor.u32 v22, v35;
	v36 =	vld.idx.msk [tilespmem:v36+s29+$0x0], $0xffff  }
0x2cb: {  	v38 =	vld.idx.msk [tilespmem:v45+s29+$0x0], $0xffff;
	v3 =	vmul.f32 v6, v3;
	v0 =	vadd.f32 v4, v0  }
0x2cc: {  	v6 =	vor.u32 v23, v35;
	v4 =	vld.idx.msk [tilespmem:v45+s23+$0x0], $0xffff  }
0x2cd: {  	v39 =	vld.idx.msk [tilespmem:v47+s29+$0x0], $0xffff;
	v1 =	vmul.f32 v46, v5;
	v0 =	vadd.f32 v3, v0  }
0x2ce: {  	v5 =	vor.u32 v24, v35;
	v45 =	vld.idx.msk [tilespmem:v47+s23+$0x0], $0xffff  }
0x2cf: {  	v37 =	vld.idx.msk [tilespmem:v44+s29+$0x0], $0xffff;
	v2 =	vmul.f32 v48, v36;
	v0 =	vadd.f32 v1, v0  }
0x2d0: {  	v46 =	vld.idx.msk [tilespmem:v44+s23+$0x0], $0xffff;
	v47 =	vor.u32 v25, v35  }
0x2d1: {  	v4 =	vmul.f32 v4, v38;
	v0 =	vadd.f32 v2, v0;
	v2 =	vld.idx.msk [tilespmem:v6+s23+$0x0], $0xffff  }
0x2d2: {  	v48 =	vor.u32 v26, v35;
	v6 =	vld.idx.msk [tilespmem:v6+s29+$0x0], $0xffff  }
0x2d3: {  	v3 =	vmul.f32 v45, v39;
	v0 =	vadd.f32 v4, v0;
	v4 =	vld.idx.msk [tilespmem:v5+s23+$0x0], $0xffff  }
0x2d4: {  	v44 =	vor.u32 v27, v35;
	v5 =	vld.idx.msk [tilespmem:v5+s29+$0x0], $0xffff  }
0x2d5: {  	v1 =	vmul.f32 v46, v37;
	v45 =	vld.idx.msk [tilespmem:v47+s23+$0x0], $0xffff;
	v0 =	vadd.f32 v3, v0  }
0x2d6: {  	v46 =	vor.u32 v28, v35;
	v36 =	vld.idx.msk [tilespmem:v47+s29+$0x0], $0xffff  }
0x2d7: {  	v47 =	vld.idx.msk [tilespmem:v48+s23+$0x0], $0xffff;
	v2 =	vmul.f32 v2, v6;
	v0 =	vadd.f32 v1, v0  }
0x2d8: {  	v38 =	vld.idx.msk [tilespmem:v48+s29+$0x0], $0xffff;
	v6 =	vor.u32 v29, v35  }
0x2d9: {  	v39 =	vld.idx.msk [tilespmem:v44+s29+$0x0], $0xffff;
	v4 =	vmul.f32 v4, v5;
	v0 =	vadd.f32 v2, v0  }
0x2da: {  	v48 =	vld.idx.msk [tilespmem:v44+s23+$0x0], $0xffff;
	v5 =	vor.u32 v31, v35  }
0x2db: {  	v37 =	vld.idx.msk [tilespmem:v46+s29+$0x0], $0xffff;
	v3 =	vmul.f32 v45, v36;
	v0 =	vadd.f32 v4, v0  }
0x2dc: {  	v36 =	vor.u32 v42, v35;
	v4 =	vld.idx.msk [tilespmem:v46+s23+$0x0], $0xffff  }
0x2dd: {  	v1 =	vmul.f32 v47, v38;
	v0 =	vadd.f32 v3, v0;
	v3 =	vld.idx.msk [tilespmem:v6+s23+$0x0], $0xffff  }
0x2de: {  	v44 =	vor.u32 v33, v35;
	v6 =	vld.idx.msk [tilespmem:v6+s29+$0x0], $0xffff  }
0x2df: {  	v2 =	vmul.f32 v48, v39;
	v45 =	vld.idx.msk [tilespmem:v5+s23+$0x0], $0xffff;
	v0 =	vadd.f32 v1, v0  }
0x2e0: {  	v46 =	vor.u32 v34, v35;
	v5 =	vld.idx.msk [tilespmem:v5+s29+$0x0], $0xffff  }
0x2e1: {  	v47 =	vld.idx.msk [tilespmem:v36+s23+$0x0], $0xffff;
	v4 =	vmul.f32 v4, v37;
	v0 =	vadd.f32 v2, v0  }
0x2e2: {  	v48 =	vor.u32 v32, v35;
	v36 =	vld.idx.msk [tilespmem:v36+s29+$0x0], $0xffff  }
0x2e3: {  	v38 =	vld.idx.msk [tilespmem:v44+s29+$0x0], $0xffff;
	v3 =	vmul.f32 v3, v6;
	v0 =	vadd.f32 v4, v0  }
0x2e4: {  	v6 =	vor.u32 v43, v35;
	v4 =	vld.idx.msk [tilespmem:v44+s23+$0x0], $0xffff  }
0x2e5: {  	v1 =	vmul.f32 v45, v5;
	v45 =	vld.idx.msk [tilespmem:v46+s29+$0x0], $0xffff;
	v0 =	vadd.f32 v3, v0  }
0x2e6: {  	v5 =	vor.u32 v40, v35;
	v44 =	vld.idx.msk [tilespmem:v46+s23+$0x0], $0xffff  }
0x2e7: {  	v46 =	vmul.f32 v47, v36;
	v47 =	vld.idx.msk [tilespmem:v48+s23+$0x0], $0xffff;
	v0 =	vadd.f32 v1, v0  }
0x2e8: {  	v48 =	vld.idx.msk [tilespmem:v48+s29+$0x0], $0xffff  }
0x2e9: {  	v43 =	vmul.f32 v4, v38;
	v4 =	vld.idx.msk [tilespmem:v6+s23+$0x0], $0xffff;
	v0 =	vadd.f32 v46, v0  }
0x2ea: {  	v6 =	vld.idx.msk [tilespmem:v6+s29+$0x0], $0xffff  }
0x2eb: {  	v44 =	vmul.f32 v44, v45;
	v45 =	vld.idx.msk [tilespmem:v5+s23+$0x0], $0xffff;
	v0 =	vadd.f32 v43, v0  }
0x2ec: {  	v5 =	vld.idx.msk [tilespmem:v5+s29+$0x0], $0xffff  }
0x2ed: {  	s0 =	sand.u32 $0xF, s15;
	v46 =	vmul.f32 v47, v48;
	v0 =	vadd.f32 v44, v0  }
0x2ee: {  	p1 =	sne.s32 s0, $0xF  }
0x2ef: {  	v2 =	vlaneseq.u32 @!p1;
	v47 =	vmul.f32 v4, v6;
	v0 =	vadd.f32 v46, v0  }
0x2f0: {  	v2 =	vmul.u32 @!p1 $0x10, v2  }
0x2f1: {  	v48 =	vmul.f32 v45, v5;
	v0 =	vadd.f32 v47, v0;
	_ =	sdelay $0x1  }
0x2f2: {  	v0 =	vadd.f32 v48, v0  }
0x2f3: {  	s31 =	sand.u32 $0xF0, s15;
	v1 =	vor.u32 @!p1 $0x1, v2  }
0x2f4: {  	s0 =	simm.s32 @!p1 $0x18280;
	[tilespmem:s31+$0x18280] =	vst v0  }
0x2f5: {  	v0 =	vor.u32 @!p1 $0x2, v2;
	v3 =	vld.idx.msk @!p1 [tilespmem:v2+s0+$0x0], $0xffff  }
0x2f6: {  	v4 =	vld @!p1 [tilespmem:$0x18380]  }
0x2f7: {  	v5 =	vor.u32 @!p1 $0x3, v2  }
0x2f8: {  	v1 =	vld.idx.msk @!p1 [tilespmem:v1+s0+$0x0], $0xffff  }
0x2f9: {  	v6 =	vor.u32 @!p1 $0x4, v2  }
0x2fa: {  	v0 =	vld.idx.msk @!p1 [tilespmem:v0+s0+$0x0], $0xffff  }
0x2fb: {  	v35 =	vor.u32 @!p1 $0x5, v2;
	v3 =	vadd.f32 @!p1 v3, v4  }
0x2fc: {  	v4 =	vld.idx.msk @!p1 [tilespmem:v5+s0+$0x0], $0xffff  }
0x2fd: {  	v5 =	vor.u32 @!p1 $0x6, v2;
	v1 =	vadd.f32 @!p1 v1, v3  }
0x2fe: {  	v3 =	vld.idx.msk @!p1 [tilespmem:v6+s0+$0x0], $0xffff  }
0x2ff: {  	v6 =	vor.u32 @!p1 $0x7, v2;
	v0 =	vadd.f32 @!p1 v0, v1  }
0x300: {  	v1 =	vld.idx.msk @!p1 [tilespmem:v35+s0+$0x0], $0xffff  }
0x301: {  	v35 =	vor.u32 @!p1 $0x8, v2;
	v0 =	vadd.f32 @!p1 v4, v0  }
0x302: {  	v4 =	vld.idx.msk @!p1 [tilespmem:v5+s0+$0x0], $0xffff  }
0x303: {  	v5 =	vor.u32 @!p1 $0x9, v2;
	v0 =	vadd.f32 @!p1 v3, v0  }
0x304: {  	v3 =	vld.idx.msk @!p1 [tilespmem:v6+s0+$0x0], $0xffff  }
0x305: {  	v6 =	vor.u32 @!p1 $0xA, v2;
	v0 =	vadd.f32 @!p1 v1, v0  }
0x306: {  	v1 =	vld.idx.msk @!p1 [tilespmem:v35+s0+$0x0], $0xffff  }
0x307: {  	v35 =	vor.u32 @!p1 $0xB, v2;
	v0 =	vadd.f32 @!p1 v4, v0  }
0x308: {  	v4 =	vld.idx.msk @!p1 [tilespmem:v5+s0+$0x0], $0xffff  }
0x309: {  	v5 =	vor.u32 @!p1 $0xC, v2;
	v0 =	vadd.f32 @!p1 v3, v0  }
0x30a: {  	v3 =	vld.idx.msk @!p1 [tilespmem:v6+s0+$0x0], $0xffff  }
0x30b: {  	v6 =	vor.u32 @!p1 $0xD, v2;
	v0 =	vadd.f32 @!p1 v1, v0  }
0x30c: {  	v1 =	vld.idx.msk @!p1 [tilespmem:v35+s0+$0x0], $0xffff  }
0x30d: {  	v35 =	vor.u32 @!p1 $0xE, v2;
	v0 =	vadd.f32 @!p1 v4, v0  }
0x30e: {  	v4 =	vld.idx.msk @!p1 [tilespmem:v5+s0+$0x0], $0xffff  }
0x30f: {  	v0 =	vadd.f32 @!p1 v3, v0  }
0x310: {  	v3 =	vld.idx.msk @!p1 [tilespmem:v6+s0+$0x0], $0xffff  }
0x311: {  	s28 =	simm.s32 $0x1;
	v0 =	vadd.f32 @!p1 v1, v0  }
0x312: {  	v2 =	vor.u32 @!p1 $0xF, v2;
	v5 =	vmov s28;
	v1 =	vld.idx.msk @!p1 [tilespmem:v35+s0+$0x0], $0xffff  }
0x313: {  	v0 =	vadd.f32 @!p1 v4, v0;
	v4 =	vshll.u32 v5, $0x9;
	v5 =	vshll.u32 v5, $0x7  }
0x314: {  	[tilespmem:$0x1FF80] =	vst v32;
	v4 =	vand.u32 $0x7000, v4;
	v5 =	vand.u32 $0x380, v5  }
0x315: {  	[tilespmem:$0x1FF90] =	vst v40;
	v0 =	vadd.f32 @!p1 v3, v0;
	v35 =	vor.u32 v5, v4  }
0x316: {  	s2 =	sand.u32 @!p1 $0xC0, s15;
	v32 =	vmovc v42;
	v37 =	vor.u32 v49, v35;
	v36 =	vor.u32 v50, v35;
	v48 =	vor.u32 v51, v35  }
0x317: {  	s30 =	simm.s32 $0x2;
	s26 =	simm.s32 $0x0;
	s2 =	sshrl.u32 @!p1 s2, $0x2;
	v38 =	vld.idx.msk @!p1 [tilespmem:v2+s0+$0x0], $0xffff;
	v47 =	vor.u32 v52, v35;
	v46 =	vor.u32 v53, v35;
	v39 =	vadd.f32 @!p1 v1, v0  }
.LBB2_7:
0x318: {  	_ =	sdelay $0x3  }
0x319: {  	v52 =	vor.u32 v63, v35;
	v63 =	vld [tilespmem:$0x1FF80];
	v2 =	vadd.f32 @!p1 v38, v39;
	_ =	sdelay $0x1  }
0x31a: {  	[tilespmem:s2+$0x18200] =	vst @!p1 v2  }
0x31b: {  	v0 =	vor.u32 v54, v35;
	v54 =	vld.idx.msk [tilespmem:v37+s29+$0x0], $0xffff  }
0x31c: {  	v5 =	vor.u32 v58, v35;
	v58 =	vld.idx.msk [tilespmem:v37+s23+$0x0], $0xffff  }
0x31d: {  	v37 =	vor.u32 v63, v35;
	v63 =	vld [tilespmem:$0x1FFC0]  }
0x31e: {  	v1 =	vor.u32 v55, v35;
	v3 =	vor.u32 v56, v35;
	v4 =	vor.u32 v57, v35  }
0x31f: {  	v6 =	vor.u32 v59, v35;
	v49 =	vor.u32 v60, v35;
	v50 =	vor.u32 v61, v35  }
0x320: {  	v51 =	vor.u32 v62, v35;
	v53 =	vor.u32 v41, v35;
	v55 =	vor.u32 v21, v35;
	v2 =	vld.idx.msk [tilespmem:v36+s23+$0x0], $0xffff  }
0x321: {  	v56 =	vor.u32 v22, v35;
	v57 =	vor.u32 v23, v35;
	v59 =	vor.u32 v24, v35;
	v61 =	vld.idx.msk [tilespmem:v36+s29+$0x0], $0xffff  }
0x322: {  	v60 =	vor.u32 v25, v35;
	v45 =	vor.u32 v26, v35;
	v36 =	vor.u32 v63, v35;
	v63 =	vld [tilespmem:$0x1FF90]  }
0x323: {  	v44 =	vor.u32 v27, v35;
	v43 =	vor.u32 v28, v35;
	v42 =	vor.u32 v29, v35  }
0x324: {  	v30 =	vmovc v29;
	v29 =	vmovc v28;
	v28 =	vmov v27;
	v27 =	vmov v26;
	v26 =	vmov v25  }
0x325: {  	v25 =	vmovc v24;
	v24 =	vmovc v23;
	v23 =	vmov v22;
	v22 =	vmov v21;
	v21 =	vmov v41;
	v62 =	vld.idx.msk [tilespmem:v48+s23+$0x0], $0xffff  }
0x326: {  	v41 =	vor.u32 v31, v35;
	v40 =	vor.u32 v32, v35;
	v39 =	vor.u32 v33, v35;
	v48 =	vld.idx.msk [tilespmem:v48+s29+$0x0], $0xffff  }
0x327: {  	v38 =	vor.u32 v34, v35;
	v54 =	vmul.f32 v58, v54;
	v35 =	vor.u32 v63, v35;
	v63 =	vld.idx.msk [tilespmem:v47+s23+$0x0], $0xffff  }
0x328: {  	v47 =	vld.idx.msk [tilespmem:v47+s29+$0x0], $0xffff  }
0x329: {  	v58 =	vld.idx.msk [tilespmem:v46+s23+$0x0], $0xffff;
	v2 =	vmul.f32 v2, v61;
	v54 =	vadd.f32 $0.0e+00, v54  }
0x32a: {  	v46 =	vld.idx.msk [tilespmem:v46+s29+$0x0], $0xffff  }
0x32b: {  	v61 =	vld.idx.msk [tilespmem:v0+s23+$0x0], $0xffff;
	v48 =	vmul.f32 v62, v48;
	v2 =	vadd.f32 v2, v54  }
0x32c: {  	v0 =	vld.idx.msk [tilespmem:v0+s29+$0x0], $0xffff  }
0x32d: {  	v54 =	vld.idx.msk [tilespmem:v1+s23+$0x0], $0xffff;
	v2 =	vadd.f32 v48, v2;
	v47 =	vmul.f32 v63, v47  }
0x32e: {  	v1 =	vld.idx.msk [tilespmem:v1+s29+$0x0], $0xffff  }
0x32f: {  	v46 =	vmul.f32 v58, v46;
	v48 =	vld.idx.msk [tilespmem:v3+s23+$0x0], $0xffff;
	v2 =	vadd.f32 v47, v2  }
0x330: {  	v3 =	vld.idx.msk [tilespmem:v3+s29+$0x0], $0xffff  }
0x331: {  	v0 =	vmul.f32 v61, v0;
	v47 =	vld.idx.msk [tilespmem:v4+s23+$0x0], $0xffff;
	v2 =	vadd.f32 v46, v2  }
0x332: {  	v4 =	vld.idx.msk [tilespmem:v4+s29+$0x0], $0xffff  }
0x333: {  	v1 =	vmul.f32 v54, v1;
	v46 =	vld.idx.msk [tilespmem:v5+s23+$0x0], $0xffff;
	v0 =	vadd.f32 v0, v2  }
0x334: {  	v2 =	vld.idx.msk [tilespmem:v5+s29+$0x0], $0xffff  }
0x335: {  	v48 =	vmul.f32 v48, v3;
	v3 =	vld.idx.msk [tilespmem:v6+s29+$0x0], $0xffff;
	v0 =	vadd.f32 v1, v0  }
0x336: {  	v5 =	vld.idx.msk [tilespmem:v6+s23+$0x0], $0xffff  }
0x337: {  	v6 =	vld.idx.msk [tilespmem:v49+s23+$0x0], $0xffff;
	v1 =	vmul.f32 v47, v4;
	v0 =	vadd.f32 v48, v0  }
0x338: {  	v4 =	vld.idx.msk [tilespmem:v49+s29+$0x0], $0xffff  }
0x339: {  	v47 =	vld.idx.msk [tilespmem:v50+s23+$0x0], $0xffff;
	v48 =	vmul.f32 v46, v2;
	v0 =	vadd.f32 v1, v0  }
0x33a: {  	v2 =	vld.idx.msk [tilespmem:v50+s29+$0x0], $0xffff  }
0x33b: {  	v46 =	vld.idx.msk [tilespmem:v51+s23+$0x0], $0xffff;
	v0 =	vadd.f32 v48, v0;
	v48 =	vmul.f32 v5, v3  }
0x33c: {  	v50 =	vld.idx.msk [tilespmem:v51+s29+$0x0], $0xffff  }
0x33d: {  	v51 =	vmul.f32 v6, v4;
	v4 =	vld.idx.msk [tilespmem:v52+s29+$0x0], $0xffff;
	v0 =	vadd.f32 v48, v0  }
0x33e: {  	v5 =	vld.idx.msk [tilespmem:v52+s23+$0x0], $0xffff  }
0x33f: {  	v6 =	vld.idx.msk [tilespmem:v53+s23+$0x0], $0xffff;
	v52 =	vmul.f32 v47, v2;
	v0 =	vadd.f32 v51, v0  }
0x340: {  	v2 =	vld.idx.msk [tilespmem:v53+s29+$0x0], $0xffff  }
0x341: {  	v47 =	vld.idx.msk [tilespmem:v55+s23+$0x0], $0xffff;
	v48 =	vmul.f32 v46, v50;
	v0 =	vadd.f32 v52, v0  }
0x342: {  	v50 =	vld.idx.msk [tilespmem:v55+s29+$0x0], $0xffff  }
0x343: {  	v46 =	vld.idx.msk [tilespmem:v56+s23+$0x0], $0xffff;
	v51 =	vmul.f32 v5, v4;
	v0 =	vadd.f32 v48, v0  }
0x344: {  	v4 =	vld.idx.msk [tilespmem:v56+s29+$0x0], $0xffff  }
0x345: {  	v53 =	vld.idx.msk [tilespmem:v57+s29+$0x0], $0xffff;
	v52 =	vmul.f32 v6, v2;
	v0 =	vadd.f32 v51, v0  }
0x346: {  	v5 =	vld.idx.msk [tilespmem:v57+s23+$0x0], $0xffff  }
0x347: {  	v6 =	vld.idx.msk [tilespmem:v59+s23+$0x0], $0xffff;
	v48 =	vmul.f32 v47, v50;
	v0 =	vadd.f32 v52, v0  }
0x348: {  	v50 =	vld.idx.msk [tilespmem:v59+s29+$0x0], $0xffff  }
0x349: {  	v51 =	vld.idx.msk [tilespmem:v60+s23+$0x0], $0xffff;
	v52 =	vmul.f32 v46, v4;
	v0 =	vadd.f32 v48, v0  }
0x34a: {  	v4 =	vld.idx.msk [tilespmem:v60+s29+$0x0], $0xffff  }
0x34b: {  	v53 =	vmul.f32 v5, v53;
	v46 =	vld.idx.msk [tilespmem:v45+s23+$0x0], $0xffff;
	v0 =	vadd.f32 v52, v0  }
0x34c: {  	v45 =	vld.idx.msk [tilespmem:v45+s29+$0x0], $0xffff  }
0x34d: {  	v5 =	vld.idx.msk [tilespmem:v44+s23+$0x0], $0xffff;
	v48 =	vmul.f32 v6, v50;
	v0 =	vadd.f32 v53, v0  }
0x34e: {  	v50 =	vld.idx.msk [tilespmem:v44+s29+$0x0], $0xffff  }
0x34f: {  	v6 =	vld.idx.msk [tilespmem:v43+s23+$0x0], $0xffff;
	v51 =	vmul.f32 v51, v4;
	v0 =	vadd.f32 v48, v0  }
0x350: {  	v4 =	vld.idx.msk [tilespmem:v43+s29+$0x0], $0xffff  }
0x351: {  	v52 =	vld.idx.msk [tilespmem:v42+s23+$0x0], $0xffff;
	v53 =	vmul.f32 v46, v45;
	v0 =	vadd.f32 v51, v0  }
0x352: {  	v45 =	vld.idx.msk [tilespmem:v42+s29+$0x0], $0xffff  }
0x353: {  	v46 =	vld.idx.msk [tilespmem:v41+s23+$0x0], $0xffff;
	v47 =	vmul.f32 v5, v50;
	v0 =	vadd.f32 v53, v0  }
0x354: {  	v48 =	vld.idx.msk [tilespmem:v41+s29+$0x0], $0xffff  }
0x355: {  	v5 =	vld.idx.msk [tilespmem:v40+s23+$0x0], $0xffff;
	v50 =	vmul.f32 v6, v4;
	v0 =	vadd.f32 v47, v0  }
0x356: {  	v4 =	vld.idx.msk [tilespmem:v40+s29+$0x0], $0xffff  }
0x357: {  	v6 =	vld.idx.msk [tilespmem:v39+s23+$0x0], $0xffff;
	v51 =	vmul.f32 v52, v45;
	v0 =	vadd.f32 v50, v0  }
0x358: {  	v52 =	vld.idx.msk [tilespmem:v39+s29+$0x0], $0xffff  }
0x359: {  	v42 =	vld.idx.msk [tilespmem:v38+s29+$0x0], $0xffff;
	v41 =	vmul.f32 v46, v48;
	v0 =	vadd.f32 v51, v0  }
0x35a: {  	v53 =	vld.idx.msk [tilespmem:v38+s23+$0x0], $0xffff  }
0x35b: {  	v43 =	vld.idx.msk [tilespmem:v37+s23+$0x0], $0xffff;
	v44 =	vmul.f32 v5, v4;
	v0 =	vadd.f32 v41, v0  }
0x35c: {  	v4 =	vld.idx.msk [tilespmem:v37+s29+$0x0], $0xffff  }
0x35d: {  	v46 =	vld.idx.msk [tilespmem:v36+s29+$0x0], $0xffff;
	v45 =	vmul.f32 v6, v52;
	v0 =	vadd.f32 v44, v0  }
0x35e: {  	v5 =	vld.idx.msk [tilespmem:v36+s23+$0x0], $0xffff  }
0x35f: {  	v48 =	vld.idx.msk [tilespmem:v35+s29+$0x0], $0xffff;
	v47 =	vmul.f32 v53, v42;
	v0 =	vadd.f32 v45, v0  }
0x360: {  	v6 =	vld.idx.msk [tilespmem:v35+s23+$0x0], $0xffff  }
0x361: {  	s31 =	sand.u32 $0xF, s28;
	v50 =	vmul.f32 v43, v4;
	v0 =	vadd.f32 v47, v0  }
0x362: {  	p1 =	sne.s32 s31, $0xF  }
0x363: {  	v2 =	vlaneseq.u32 @!p1;
	v51 =	vmul.f32 v5, v46;
	v0 =	vadd.f32 v50, v0  }
0x364: {  	v2 =	vmul.u32 @!p1 $0x10, v2  }
0x365: {  	v52 =	vmul.f32 v6, v48;
	v0 =	vadd.f32 v51, v0;
	_ =	sdelay $0x1  }
0x366: {  	s15 =	sadd.s32 $0x10, s15;
	s26 =	sadd.s32 $0x4, s26;
	s0 =	smov.u32 s30;
	v0 =	vadd.f32 v52, v0  }
0x367: {  	s28 =	smov.u32 s0;
	s31 =	sand.u32 $0xF0, s15;
	s0 =	sand.u32 @!p1 $0xC0, s26;
	v3 =	vor.u32 @!p1 $0x1, v2  }
0x368: {  	s2 =	sshrl.u32 @!p1 s0, $0x2;
	s0 =	simm.s32 @!p1 $0x18280;
	[tilespmem:s31+$0x18280] =	vst v0  }
0x369: {  	v4 =	vor.u32 @!p1 $0x2, v2;
	v40 =	vld.idx.msk @!p1 [tilespmem:v2+s0+$0x0], $0xffff  }
0x36a: {  	v44 =	vld @!p1 [tilespmem:$0x18380]  }
0x36b: {  	v5 =	vor.u32 @!p1 $0x3, v2  }
0x36c: {  	v3 =	vld.idx.msk @!p1 [tilespmem:v3+s0+$0x0], $0xffff  }
0x36d: {  	v1 =	vor.u32 @!p1 $0x5, v2;
	v41 =	vor.u32 @!p1 $0x4, v2  }
0x36e: {  	v39 =	vor.u32 @!p1 $0xD, v2;
	v38 =	vor.u32 @!p1 $0xC, v2;
	v36 =	vor.u32 @!p1 $0x9, v2;
	v4 =	vld.idx.msk @!p1 [tilespmem:v4+s0+$0x0], $0xffff  }
0x36f: {  	v37 =	vor.u32 @!p1 $0xA, v2;
	v35 =	vor.u32 @!p1 $0x7, v2;
	v40 =	vadd.f32 @!p1 v40, v44  }
0x370: {  	v42 =	vor.u32 @!p1 $0xE, v2;
	v43 =	vor.u32 @!p1 $0xF, v2;
	v6 =	vor.u32 @!p1 $0x8, v2;
	v5 =	vld.idx.msk @!p1 [tilespmem:v5+s0+$0x0], $0xffff  }
0x371: {  	v0 =	vor.u32 @!p1 $0xB, v2;
	v2 =	vor.u32 @!p1 $0x6, v2;
	v3 =	vadd.f32 @!p1 v3, v40  }
0x372: {  	v40 =	vld.idx.msk @!p1 [tilespmem:v41+s0+$0x0], $0xffff  }
0x373: {  	v3 =	vadd.f32 @!p1 v4, v3  }
0x374: {  	v1 =	vld.idx.msk @!p1 [tilespmem:v1+s0+$0x0], $0xffff  }
0x375: {  	v3 =	vadd.f32 @!p1 v5, v3  }
0x376: {  	v2 =	vld.idx.msk @!p1 [tilespmem:v2+s0+$0x0], $0xffff  }
0x377: {  	v3 =	vadd.f32 @!p1 v40, v3  }
0x378: {  	v4 =	vld.idx.msk @!p1 [tilespmem:v35+s0+$0x0], $0xffff  }
0x379: {  	v1 =	vadd.f32 @!p1 v1, v3  }
0x37a: {  	v3 =	vld.idx.msk @!p1 [tilespmem:v6+s0+$0x0], $0xffff  }
0x37b: {  	v1 =	vadd.f32 @!p1 v2, v1  }
0x37c: {  	v2 =	vld.idx.msk @!p1 [tilespmem:v36+s0+$0x0], $0xffff  }
0x37d: {  	v1 =	vadd.f32 @!p1 v4, v1  }
0x37e: {  	v4 =	vld.idx.msk @!p1 [tilespmem:v37+s0+$0x0], $0xffff  }
0x37f: {  	v1 =	vadd.f32 @!p1 v3, v1  }
0x380: {  	v0 =	vld.idx.msk @!p1 [tilespmem:v0+s0+$0x0], $0xffff  }
0x381: {  	v1 =	vadd.f32 @!p1 v2, v1  }
0x382: {  	v2 =	vld.idx.msk @!p1 [tilespmem:v38+s0+$0x0], $0xffff  }
0x383: {  	v1 =	vadd.f32 @!p1 v4, v1  }
0x384: {  	v62 =	vmovc v19;
	v58 =	vmov v15;
	v61 =	vmov v18;
	v54 =	vmov v11;
	v3 =	vld.idx.msk @!p1 [tilespmem:v39+s0+$0x0], $0xffff  }
0x385: {  	s30 =	sadd.s32 $0x1, s30;
	v63 =	vmovc v20;
	v49 =	vlaneseq.u32;
	v55 =	vmovc v12;
	v56 =	vmov v13;
	v0 =	vadd.f32 @!p1 v0, v1  }
0x386: {  	p0 =	sne.s32 s30, $0x30;
	v57 =	vmovc v14;
	v59 =	vmovc v16;
	v60 =	vmov v17;
	v41 =	vmov v21;
	v4 =	vmov s28;
	v1 =	vld.idx.msk @!p1 [tilespmem:v42+s0+$0x0], $0xffff  }
.Ltmp2:
0x387: {  	v21 =	vmovc v22;
	v22 =	vmovc v23;
	v53 =	vshll.u32 v4, $0x9;
	v4 =	vshll.u32 v4, $0x7;
	v0 =	vadd.f32 @!p1 v2, v0;
	(pc) =	sbr.rel @p0 .LBB2_7-.Ltmp2, $4  }
0x388: {  	v23 =	vmovc v24;
	v24 =	vmovc v25;
	v25 =	vmov v26;
	v4 =	vand.u32 $0x380, v4;
	v2 =	vand.u32 $0x7000, v53  }
0x389: {  	v26 =	vmovc v27;
	v27 =	vmovc v28;
	v28 =	vmov v29;
	v35 =	vor.u32 v4, v2;
	v0 =	vadd.f32 @!p1 v3, v0  }
0x38a: {  	v29 =	vmovc v30;
	v37 =	vor.u32 v49, v35;
	v36 =	vor.u32 v7, v35;
	v48 =	vor.u32 v8, v35  }
0x38b: {  	v38 =	vld.idx.msk @!p1 [tilespmem:v43+s0+$0x0], $0xffff;
	v47 =	vor.u32 v9, v35;
	v46 =	vor.u32 v10, v35;
	v39 =	vadd.f32 @!p1 v1, v0  }
0x38c: {  	_ =	sdelay $0x3  }
0x38d: {  	v0 =	vadd.f32 @!p1 v38, v39;
	_ =	sdelay $0x1  }
0x38e: {  	[tilespmem:s2+$0x18200] =	vst @!p1 v0  }
0x38f: {  	v0 =	vld.idx.msk [tilespmem:v37+s29+$0x0], $0xffff  }
0x390: {  	v1 =	vld.idx.msk [tilespmem:v37+s23+$0x0], $0xffff  }
0x391: {  	v2 =	vld.idx.msk [tilespmem:v36+s23+$0x0], $0xffff  }
0x392: {  	v3 =	vld.idx.msk [tilespmem:v36+s29+$0x0], $0xffff  }
0x393: {  	v4 =	vld.idx.msk [tilespmem:v48+s23+$0x0], $0xffff  }
0x394: {  	v5 =	vor.u32 v54, v35;
	v6 =	vld.idx.msk [tilespmem:v48+s29+$0x0], $0xffff  }
0x395: {  	v18 =	vld.idx.msk [tilespmem:v47+s23+$0x0], $0xffff  }
0x396: {  	v19 =	vor.u32 v55, v35;
	v20 =	vld.idx.msk [tilespmem:v47+s29+$0x0], $0xffff  }
0x397: {  	v44 =	vor.u32 v56, v35;
	v30 =	vld.idx.msk [tilespmem:v46+s23+$0x0], $0xffff  }
0x398: {  	v13 =	vor.u32 v59, v35;
	v45 =	vld.idx.msk [tilespmem:v46+s29+$0x0], $0xffff;
	v0 =	vmul.f32 v1, v0  }
0x399: {  	v43 =	vor.u32 v61, v35;
	v40 =	vld.idx.msk [tilespmem:v5+s23+$0x0], $0xffff  }
0x39a: {  	v5 =	vld.idx.msk [tilespmem:v5+s29+$0x0], $0xffff;
	v2 =	vmul.f32 v2, v3;
	v0 =	vadd.f32 $0.0e+00, v0  }
0x39b: {  	v48 =	vld.idx.msk [tilespmem:v19+s23+$0x0], $0xffff  }
0x39c: {  	v47 =	vor.u32 v57, v35;
	v11 =	vld.idx.msk [tilespmem:v44+s23+$0x0], $0xffff;
	v46 =	vmul.f32 v4, v6;
	v0 =	vadd.f32 v2, v0  }
0x39d: {  	v52 =	vmov v9;
	v53 =	vmov v10;
	v16 =	vld.idx.msk [tilespmem:v13+s29+$0x0], $0xffff  }
0x39e: {  	v10 =	vor.u32 v58, v35;
	v17 =	vld.idx.msk [tilespmem:v43+s23+$0x0], $0xffff;
	v9 =	vmul.f32 v18, v20;
	v0 =	vadd.f32 v46, v0  }
0x39f: {  	v1 =	vld.idx.msk [tilespmem:v19+s29+$0x0], $0xffff  }
0x3a0: {  	v12 =	vmul.f32 v30, v45;
	v3 =	vld.idx.msk [tilespmem:v44+s29+$0x0], $0xffff;
	v0 =	vadd.f32 v9, v0  }
0x3a1: {  	v23 =	vor.u32 v23, v35;
	v14 =	vld.idx.msk [tilespmem:v47+s23+$0x0], $0xffff  }
0x3a2: {  	v19 =	vmul.f32 v40, v5;
	v4 =	vld.idx.msk [tilespmem:v47+s29+$0x0], $0xffff;
	v0 =	vadd.f32 v12, v0  }
0x3a3: {  	v20 =	vor.u32 v60, v35;
	v30 =	vld.idx.msk [tilespmem:v10+s23+$0x0], $0xffff  }
0x3a4: {  	v44 =	vld.idx.msk [tilespmem:v10+s29+$0x0], $0xffff;
	v1 =	vmul.f32 v48, v1;
	v0 =	vadd.f32 v19, v0  }
0x3a5: {  	v63 =	vor.u32 v63, v35;
	v45 =	vld.idx.msk [tilespmem:v13+s23+$0x0], $0xffff;
	v47 =	vor.u32 v62, v35  }
0x3a6: {  	v10 =	vor.u32 v41, v35;
	v41 =	vld.idx.msk [tilespmem:v23+s23+$0x0], $0xffff;
	v46 =	vmul.f32 v11, v3;
	v0 =	vadd.f32 v1, v0  }
0x3a7: {  	v2 =	vld.idx.msk [tilespmem:v43+s29+$0x0], $0xffff  }
0x3a8: {  	v48 =	vld.idx.msk [tilespmem:v20+s23+$0x0], $0xffff;
	v62 =	vmul.f32 v14, v4;
	v0 =	vadd.f32 v46, v0  }
0x3a9: {  	v5 =	vld.idx.msk [tilespmem:v20+s29+$0x0], $0xffff  }
0x3aa: {  	v18 =	vld.idx.msk [tilespmem:v47+s23+$0x0], $0xffff;
	v9 =	vmul.f32 v30, v44;
	v0 =	vadd.f32 v62, v0  }
0x3ab: {  	v40 =	vor.u32 v25, v35;
	v4 =	vld.idx.msk [tilespmem:v63+s29+$0x0], $0xffff  }
0x3ac: {  	v37 =	vor.u32 v24, v35;
	v20 =	vld.idx.msk [tilespmem:v10+s23+$0x0], $0xffff;
	v11 =	vmul.f32 v45, v16;
	v0 =	vadd.f32 v9, v0  }
0x3ad: {  	v3 =	vld.idx.msk [tilespmem:v47+s29+$0x0], $0xffff;
	v12 =	vor.u32 v21, v35  }
0x3ae: {  	v6 =	vld.idx.msk [tilespmem:v10+s29+$0x0], $0xffff;
	v13 =	vmul.f32 v48, v5;
	v0 =	vadd.f32 v11, v0  }
0x3af: {  	v14 =	vor.u32 v22, v35;
	v19 =	vld.idx.msk [tilespmem:v63+s23+$0x0], $0xffff  }
0x3b0: {  	v47 =	vld.idx.msk [tilespmem:v40+s23+$0x0], $0xffff;
	v22 =	vmul.f32 v17, v2;
	v0 =	vadd.f32 v13, v0  }
0x3b1: {  	v44 =	vld.idx.msk [tilespmem:v37+s23+$0x0], $0xffff  }
0x3b2: {  	v43 =	vor.u32 v26, v35;
	v36 =	vmul.f32 v18, v3;
	v30 =	vld.idx.msk [tilespmem:v12+s23+$0x0], $0xffff;
	v0 =	vadd.f32 v22, v0  }
0x3b3: {  	v10 =	vor.u32 v29, v35;
	v16 =	vld.idx.msk [tilespmem:v12+s29+$0x0], $0xffff  }
0x3b4: {  	v38 =	vld.idx.msk [tilespmem:v14+s23+$0x0], $0xffff;
	v39 =	vmul.f32 v19, v4;
	v0 =	vadd.f32 v36, v0  }
0x3b5: {  	v5 =	vld.idx.msk [tilespmem:v14+s29+$0x0], $0xffff  }
0x3b6: {  	v2 =	vld.idx.msk [tilespmem:v23+s29+$0x0], $0xffff;
	v42 =	vmul.f32 v20, v6;
	v0 =	vadd.f32 v39, v0  }
0x3b7: {  	v6 =	vld.idx.msk [tilespmem:v43+s29+$0x0], $0xffff  }
0x3b8: {  	v25 =	vld.idx.msk [tilespmem:v10+s23+$0x0], $0xffff;
	v45 =	vmul.f32 v30, v16;
	v0 =	vadd.f32 v42, v0  }
0x3b9: {  	v3 =	vld.idx.msk [tilespmem:v37+s29+$0x0], $0xffff;
	v46 =	vor.u32 v27, v35  }
0x3ba: {  	v37 =	vld [tilespmem:$0x1FFC0];
	v48 =	vmul.f32 v38, v5;
	v0 =	vadd.f32 v45, v0  }
0x3bb: {  	v4 =	vld.idx.msk [tilespmem:v40+s29+$0x0], $0xffff;
	v62 =	vor.u32 v28, v35  }
0x3bc: {  	v63 =	vld.idx.msk [tilespmem:v43+s23+$0x0], $0xffff;
	v9 =	vmul.f32 v41, v2;
	v0 =	vadd.f32 v48, v0  }
0x3bd: {  	v27 =	vor.u32 v33, v35;
	v33 =	vld [tilespmem:$0x1FF80]  }
0x3be: {  	v12 =	vmul.f32 v44, v3;
	v16 =	vld.idx.msk [tilespmem:v46+s29+$0x0], $0xffff;
	v0 =	vadd.f32 v9, v0  }
0x3bf: {  	v11 =	vld.idx.msk [tilespmem:v46+s23+$0x0], $0xffff;
	v13 =	vor.u32 v31, v35  }
0x3c0: {  	v23 =	vmul.f32 v47, v4;
	v14 =	vld.idx.msk [tilespmem:v62+s23+$0x0], $0xffff;
	v0 =	vadd.f32 v12, v0  }
0x3c1: {  	v24 =	vor.u32 v32, v35;
	v5 =	vld.idx.msk [tilespmem:v62+s29+$0x0], $0xffff  }
0x3c2: {  	v26 =	vmul.f32 v63, v6;
	v40 =	vld [tilespmem:$0x1FF90];
	v0 =	vadd.f32 v23, v0  }
0x3c3: {  	v2 =	vld.idx.msk [tilespmem:v10+s29+$0x0], $0xffff  }
0x3c4: {  	v29 =	vmul.f32 v11, v16;
	v28 =	vld.idx.msk [tilespmem:v13+s23+$0x0], $0xffff;
	v0 =	vadd.f32 v26, v0  }
0x3c5: {  	v30 =	vor.u32 v34, v35;
	v3 =	vld.idx.msk [tilespmem:v13+s29+$0x0], $0xffff  }
0x3c6: {  	v4 =	vld.idx.msk [tilespmem:v24+s29+$0x0], $0xffff;
	v32 =	vmul.f32 v14, v5;
	v0 =	vadd.f32 v29, v0  }
0x3c7: {  	v31 =	vld.idx.msk [tilespmem:v24+s23+$0x0], $0xffff;
	v5 =	vor.u32 v33, v35  }
0x3c8: {  	v34 =	vld.idx.msk [tilespmem:v27+s23+$0x0], $0xffff;
	v36 =	vmul.f32 v25, v2;
	v0 =	vadd.f32 v32, v0  }
0x3c9: {  	v6 =	vld.idx.msk [tilespmem:v27+s29+$0x0], $0xffff;
	v2 =	vor.u32 v37, v35  }
0x3ca: {  	v38 =	vld.idx.msk [tilespmem:v30+s23+$0x0], $0xffff;
	v39 =	vmul.f32 v28, v3;
	v0 =	vadd.f32 v36, v0  }
0x3cb: {  	v16 =	vld.idx.msk [tilespmem:v30+s29+$0x0], $0xffff;
	v3 =	vor.u32 v40, v35  }
0x3cc: {  	v42 =	vmul.f32 v31, v4;
	v41 =	vld.idx.msk [tilespmem:v5+s23+$0x0], $0xffff;
	v0 =	vadd.f32 v39, v0  }
0x3cd: {  	v43 =	vld.idx.msk [tilespmem:v5+s29+$0x0], $0xffff  }
0x3ce: {  	v44 =	vld.idx.msk [tilespmem:v2+s23+$0x0], $0xffff;
	v45 =	vmul.f32 v34, v6;
	v0 =	vadd.f32 v42, v0  }
0x3cf: {  	v2 =	vld.idx.msk [tilespmem:v2+s29+$0x0], $0xffff  }
0x3d0: {  	v47 =	vmul.f32 v38, v16;
	v46 =	vld.idx.msk [tilespmem:v3+s23+$0x0], $0xffff;
	v0 =	vadd.f32 v45, v0  }
0x3d1: {  	v3 =	vld.idx.msk [tilespmem:v3+s29+$0x0], $0xffff  }
0x3d2: {  	s0 =	sand.u32 $0xF, s28;
	v48 =	vmul.f32 v41, v43;
	v0 =	vadd.f32 v47, v0  }
0x3d3: {  	p0 =	sne.s32 s0, $0xF  }
0x3d4: {  	v62 =	vmul.f32 v44, v2;
	v2 =	vlaneseq.u32 @!p0;
	v0 =	vadd.f32 v48, v0  }
0x3d5: {  	v2 =	vmul.u32 @!p0 $0x10, v2  }
0x3d6: {  	v63 =	vmul.f32 v46, v3;
	v0 =	vadd.f32 v62, v0;
	_ =	sdelay $0x1  }
0x3d7: {  	s30 =	sadd.s32 $0x10, s15;
	v0 =	vadd.f32 v63, v0  }
0x3d8: {  	s0 =	sand.u32 $0xF0, s30;
	v1 =	vor.u32 @!p0 $0x1, v2  }
0x3d9: {  	[tilespmem:s0+$0x18280] =	vst v0;
	s0 =	simm.s32 @!p0 $0x18280  }
0x3da: {  	v0 =	vor.u32 @!p0 $0x2, v2;
	v3 =	vld.idx.msk @!p0 [tilespmem:v2+s0+$0x0], $0xffff  }
0x3db: {  	v4 =	vld @!p0 [tilespmem:$0x18380]  }
0x3dc: {  	v5 =	vor.u32 @!p0 $0x3, v2  }
0x3dd: {  	v1 =	vld.idx.msk @!p0 [tilespmem:v1+s0+$0x0], $0xffff  }
0x3de: {  	v6 =	vor.u32 @!p0 $0x4, v2  }
0x3df: {  	v0 =	vld.idx.msk @!p0 [tilespmem:v0+s0+$0x0], $0xffff  }
0x3e0: {  	v16 =	vor.u32 @!p0 $0x5, v2;
	v3 =	vadd.f32 @!p0 v3, v4  }
0x3e1: {  	v4 =	vld.idx.msk @!p0 [tilespmem:v5+s0+$0x0], $0xffff  }
0x3e2: {  	v5 =	vor.u32 @!p0 $0x6, v2;
	v1 =	vadd.f32 @!p0 v1, v3  }
0x3e3: {  	v3 =	vld.idx.msk @!p0 [tilespmem:v6+s0+$0x0], $0xffff  }
0x3e4: {  	v6 =	vor.u32 @!p0 $0x7, v2;
	v0 =	vadd.f32 @!p0 v0, v1  }
0x3e5: {  	v1 =	vld.idx.msk @!p0 [tilespmem:v16+s0+$0x0], $0xffff  }
0x3e6: {  	v16 =	vor.u32 @!p0 $0x8, v2;
	v0 =	vadd.f32 @!p0 v4, v0  }
0x3e7: {  	v4 =	vld.idx.msk @!p0 [tilespmem:v5+s0+$0x0], $0xffff  }
0x3e8: {  	v5 =	vor.u32 @!p0 $0x9, v2;
	v0 =	vadd.f32 @!p0 v3, v0  }
0x3e9: {  	v3 =	vld.idx.msk @!p0 [tilespmem:v6+s0+$0x0], $0xffff  }
0x3ea: {  	v6 =	vor.u32 @!p0 $0xA, v2;
	v0 =	vadd.f32 @!p0 v1, v0  }
0x3eb: {  	v1 =	vld.idx.msk @!p0 [tilespmem:v16+s0+$0x0], $0xffff  }
0x3ec: {  	v16 =	vor.u32 @!p0 $0xB, v2;
	v0 =	vadd.f32 @!p0 v4, v0  }
0x3ed: {  	v4 =	vld.idx.msk @!p0 [tilespmem:v5+s0+$0x0], $0xffff  }
0x3ee: {  	v5 =	vor.u32 @!p0 $0xC, v2;
	v0 =	vadd.f32 @!p0 v3, v0  }
0x3ef: {  	v3 =	vld.idx.msk @!p0 [tilespmem:v6+s0+$0x0], $0xffff  }
0x3f0: {  	v6 =	vor.u32 @!p0 $0xD, v2;
	v0 =	vadd.f32 @!p0 v1, v0  }
0x3f1: {  	v1 =	vld.idx.msk @!p0 [tilespmem:v16+s0+$0x0], $0xffff  }
0x3f2: {  	v16 =	vor.u32 @!p0 $0xE, v2;
	v0 =	vadd.f32 @!p0 v4, v0  }
0x3f3: {  	v4 =	vld.idx.msk @!p0 [tilespmem:v5+s0+$0x0], $0xffff  }
0x3f4: {  	v2 =	vor.u32 @!p0 $0xF, v2;
	v0 =	vadd.f32 @!p0 v3, v0  }
0x3f5: {  	v3 =	vld.idx.msk @!p0 [tilespmem:v6+s0+$0x0], $0xffff  }
0x3f6: {  	v0 =	vadd.f32 @!p0 v1, v0  }
0x3f7: {  	v1 =	vld.idx.msk @!p0 [tilespmem:v16+s0+$0x0], $0xffff  }
0x3f8: {  	v0 =	vadd.f32 @!p0 v4, v0  }
0x3f9: {  	v2 =	vld.idx.msk @!p0 [tilespmem:v2+s0+$0x0], $0xffff  }
0x3fa: {  	v0 =	vadd.f32 @!p0 v3, v0;
	_ =	sdelay $0x1  }
0x3fb: {  	v0 =	vadd.f32 @!p0 v1, v0  }
0x3fc: {  	s0 =	sadd.s32 $0x4, s26  }
0x3fd: {  	s0 =	sand.u32 @!p0 $0xC0, s0;
	v0 =	vadd.f32 @!p0 v2, v0  }
0x3fe: {  	s24 =	sadd.s32 $0x1, s24;
	s0 =	sshrl.u32 @!p0 s0, $0x2  }
0x3ff: {  	[tilespmem:s0+$0x18200] =	vst @!p0 v0;
	p0 =	sne.s32 s24, $0x21  }
.Ltmp3:
0x400: {  	s31 =	sadd.s32 s9, s25;
	(pc) =	sbr.rel @p0 .LBB2_2-.Ltmp3, $4  }
0x401: {  	[hbm4b:s31+s4] =	stream.linear.scatter [tilespmem:s19], [sflag:$0x5], $0x30, $0x38;
	[tilespmem:$0x18400] =	vst v63  }
0x402: {  	_ =	swait.ge [sflag:s18], $0x30  }
0x403: {  	[sflag:s18] =	ssyncset.done $0x0  }
0x404: {  	v50 =	vmov v7;
	v51 =	vmov v8;
	[sflag:s18] =	ssyncadd.s32 $0xFFFFFFD0  }
0x405: {  	s2 =	rddreg [dreg:$0x8]  }
0x406: {  	s0 =	rddreg [dreg:$0x7];
	s2 =	sadd.s32 $0x1, s2  }
0x407: {  	p0 =	sne.s32 s2, s0  }
.Ltmp4:
0x408: {  	_ = 	snop;
	(pc) =	sbr.rel @p0 .LBB2_1-.Ltmp4, $1  }
0x409: {  	_ =	sdelay $0x3  }
0x40a: {  	_ =	sfence.sel $0x180000  }
0x40b: {  	[bflag:$0x0] =	sbarrier.arrive $0xFFFF  }
0x40c: {  	_ =	strace $0x90000053  }
0x40d: {  	s0 =	stileid.u32;
	[bflag:$0x2] =	sbarrier.arrive $0xFFFF  }
0x40e: {  	p0 =	sne.s32 s0, $0x0;
	s0 =	rddreg [dreg:$0x3]  }
0x40f: {  	s0 =	sadd.s32 @!p0 $0x100000, s0  }
0x410: {  	[sflag:s0] =	ssyncadd.tile.s32 @!p0 $0x1;
	_ =	shalt  }
.Lfunc_end2:
_tile_overlayer_lowered:
.L_overlay_start_2:
0x411: {  	(tag) =	ssettag $0x2  }
0x412: {  	s0 =	rddreg [dreg:$0x0];
	s2 =	stileid.u32  }
0x413: {  	s1 =	rddreg [dreg:$0x1];
	p0 =	sne.s32 s2, $0x0  }
0x414: {  	s3 =	rddreg [dreg:$0x2];
	[bflag:$0x3] =	sbarrier.arrive $0xFFFF;
	s2 =	simm.s32 @!p0 $0x1C05  }
0x415: {  	[timem:s3], [sflag:s2] =	dma.local @!p0 [hbm:s0], s1  }
0x416: {  	s0 =	simm.s32 @!p0 $0x5  }
0x417: {  	_ =	swait.ge @!p0 [sflag:s0], s1  }
0x418: {  	s1 =	ssub.s32 @!p0 $0x0, s1;
	[sflag:s0] =	ssyncset.done @!p0 $0x0  }
0x419: {  	[sflag:s0] =	ssyncadd.s32 @!p0 s1  }
0x41a: {  	[bflag:$0x3] =	sbarrier.arrive $0xFFFF  }
0x41b: {  	_ =	shalt  }

</sc_bundles>
